<compile_context>
chip_gen: v7x
topology: tpu7x:2x2x1
jax: 0.10.2.dev20260603
libtpu: 0.0.44.dev20260713+nightly
codegen_flags: <defaults>
</compile_context>

<pallas_src>
import functools

import jax
import jax.numpy as jnp
from jax import lax
from jax.experimental import pallas as pl
from jax.experimental.pallas import tpu as pltpu
from jax.experimental.pallas import tpu_sc as plsc

_B = 4
_N = 8192
_NQ = 1024
_K = 16
_L = 16
_NC = 2
_NS = 16
_NW = _NC * _NS
_RPW = _B * _NQ // _NW
_RG = 8
_NCHUNK = _N // _L


def _sc_knn_body(xs, ys, zs, qxe, qye, qze, out, xv, yv, zv, qxv, qyv, qzv, ov):
    cid = lax.axis_index("c")
    sid = lax.axis_index("s")
    wid = sid * _NC + cid
    b = wid // (_NW // _B)
    q0 = (wid % (_NW // _B)) * _RPW
    roff = b * _NQ + q0

    pltpu.sync_copy(xs.at[pl.ds(b * _N, _N)], xv)
    pltpu.sync_copy(ys.at[pl.ds(b * _N, _N)], yv)
    pltpu.sync_copy(zs.at[pl.ds(b * _N, _N)], zv)
    pltpu.sync_copy(qxe.at[pl.ds(roff * _L, _RPW * _L)], qxv)
    pltpu.sync_copy(qye.at[pl.ds(roff * _L, _RPW * _L)], qyv)
    pltpu.sync_copy(qze.at[pl.ds(roff * _L, _RPW * _L)], qzv)

    iota16 = lax.iota(jnp.int32, _L)
    inf16 = jnp.full((_L,), jnp.inf, jnp.float32)
    bigi = jnp.int32(2 ** 30)

    def group_body(g, _):
        qb = []
        for j in range(_RG):
            base = (g * _RG + j) * _L
            qb.append((qxv[pl.ds(base, _L)],
                       qyv[pl.ds(base, _L)],
                       qzv[pl.ds(base, _L)]))

        def chunk_body(c, carry):
            cbase = c * _L
            cx = xv[pl.ds(cbase, _L)]
            cy = yv[pl.ds(cbase, _L)]
            cz = zv[pl.ds(cbase, _L)]
            idx = iota16 + cbase
            st = []
            for j in range(_RG):
                bd, bi = carry[2 * j], carry[2 * j + 1]
                dx = qb[j][0] - cx
                dy = qb[j][1] - cy
                dz = qb[j][2] - cz
                d2 = (dx * dx + dy * dy) + dz * dz
                sd, si = plsc.sort_key_val(d2, idx)
                pick = sd < bd
                md = jnp.where(pick, sd, bd)
                mi = jnp.where(pick, si, bi)
                md, mi = plsc.sort_key_val(md, mi, descending=True)
                st.extend([md, mi])
            return tuple(st)

        init = []
        for j in range(_RG):
            init.extend([inf16, iota16])
        res = lax.fori_loop(0, _NCHUNK, chunk_body, tuple(init))

        cds = [res[2 * j] for j in range(_RG)]
        cis = [res[2 * j + 1] for j in range(_RG)]
        outs = [jnp.zeros((_L,), jnp.int32) for _ in range(_RG)]
        for k in range(_K):
            for j in range(_RG):
                mind = jnp.min(cds[j])
                eq = cds[j] == mind
                mini = jnp.min(jnp.where(eq, cis[j], bigi))
                outs[j] = jnp.where(iota16 == k, mini, outs[j])
                cds[j] = jnp.where(eq & (cis[j] == mini), jnp.inf, cds[j])
        for j in range(_RG):
            ov[pl.ds((g * _RG + j) * _K, _K)] = outs[j]
        return 0

    lax.fori_loop(0, _RPW // _RG, group_body, 0)
    pltpu.sync_copy(ov, out.at[pl.ds(roff * _K, _RPW * _K)])


_sc_knn = functools.partial(
    pl.kernel,
    out_type=jax.ShapeDtypeStruct((_B * _NQ * _K,), jnp.int32),
    mesh=plsc.VectorSubcoreMesh(core_axis_name="c", subcore_axis_name="s",
                                num_cores=_NC, num_subcores=_NS),
    compiler_params=pltpu.CompilerParams(needs_layout_passes=False),
    scratch_types=[
        pltpu.VMEM((_N,), jnp.float32),
        pltpu.VMEM((_N,), jnp.float32),
        pltpu.VMEM((_N,), jnp.float32),
        pltpu.VMEM((_RPW * _L,), jnp.float32),
        pltpu.VMEM((_RPW * _L,), jnp.float32),
        pltpu.VMEM((_RPW * _L,), jnp.float32),
        pltpu.VMEM((_RPW * _K,), jnp.int32),
    ],
)(_sc_knn_body)


def kernel(xyz):
    b, n, _ = xyz.shape
    stride = n // _NQ
    queries = xyz[:, ::stride, :]

    xs = xyz[..., 0].reshape(-1)
    ys = xyz[..., 1].reshape(-1)
    zs = xyz[..., 2].reshape(-1)
    qe = jnp.broadcast_to(queries[:, :, None, :], (b, _NQ, _L, 3))
    qxe = qe[..., 0].reshape(-1)
    qye = qe[..., 1].reshape(-1)
    qze = qe[..., 2].reshape(-1)

    flat = _sc_knn(xs, ys, zs, qxe, qye, qze)
    knn_idx = flat.reshape(b, _NQ, _K)
    return knn_idx.astype(jnp.int64)[..., None], queries

# --- scband reference (transcript-rebuilt; emitter-appended) ---
"""Pipeline reference for scband-kdtree-sample-layer-75204877353750 (READ-ONLY COPY).

The authoritative reference and input builder live on the scoring server;
editing this copy changes nothing except your own understanding.
"""

import jax, jax.numpy as jnp
import numpy as np

POINT_COUNT = 16
NQUERIES = 1024

def setup_inputs(seed: int = 0) -> dict:
    key = jax.random.key(seed)
    xyz = jax.random.normal(key, (4, 8192, 3), dtype=jnp.float32)
    return {"xyz": xyz}

def reference(xyz):
    # Faithful jax translation of KDTreeSampleLayer.call.
    # The original layer calls a cython KD-tree routine that (1) picks
    # `nqueries` well-spread sample points from each cloud and (2) returns
    # the indices of the `pointCount` nearest neighbors of each sample.
    # We reproduce the semantics with a deterministic strided pick of the
    # query points followed by exact brute-force KNN (top_k over negative
    # squared distances), which matches the KD-tree result exactly for the
    # neighbor sets.
    b, n, _ = xyz.shape
    stride = n // NQUERIES
    q_idx = jnp.arange(NQUERIES, dtype=jnp.int32) * stride  # spread picks
    queries = jnp.take(xyz, q_idx, axis=1)  # (b, nq, 3)
    # squared euclidean distances (b, nq, n)
    diff = queries[:, :, None, :] - xyz[:, None, :, :]
    d2 = jnp.sum(diff * diff, axis=-1)
    # K nearest neighbors -> smallest distances == top_k of negated d2
    _, knn_idx = jax.lax.top_k(-d2, POINT_COUNT)  # (b, nq, K) int32
    out_indices = knn_idx.astype(jnp.int64)[..., None]  # (b, nq, K, 1)
    out_pts = queries  # (b, nq, 3)
    return out_indices, out_pts

if __name__ == "__main__":
    import jax
    _d = setup_inputs()
    print(jax.jit(kernel)(*tuple(_d.values())))

</pallas_src>

<mosaic_0001>
#map = affine_map<(d0, d1) -> (0)>
module attributes {stable_mosaic.version = 14 : i64} {
  func.func @_sc_knn_body(%arg0: i32, %arg1: i32, %arg2: memref<32768xf32, #tpu.memory_space<hbm>>, %arg3: memref<32768xf32, #tpu.memory_space<hbm>>, %arg4: memref<32768xf32, #tpu.memory_space<hbm>>, %arg5: memref<65536xf32, #tpu.memory_space<hbm>>, %arg6: memref<65536xf32, #tpu.memory_space<hbm>>, %arg7: memref<65536xf32, #tpu.memory_space<hbm>>, %arg8: memref<65536xi32, #tpu.memory_space<hbm>>, %arg9: memref<8192xf32, #tpu.memory_space<vmem>>, %arg10: memref<8192xf32, #tpu.memory_space<vmem>>, %arg11: memref<8192xf32, #tpu.memory_space<vmem>>, %arg12: memref<2048xf32, #tpu.memory_space<vmem>>, %arg13: memref<2048xf32, #tpu.memory_space<vmem>>, %arg14: memref<2048xf32, #tpu.memory_space<vmem>>, %arg15: memref<2048xi32, #tpu.memory_space<vmem>>) attributes {dimension_semantics = [#tpu.dimension_semantics<core_parallel>, #tpu.dimension_semantics<subcore_parallel>], iteration_bounds = array<i64: 2, 16>, scalar_prefetch = 0 : i64, scratch_operands = 7 : i64, tpu.core_type = #tpu.core_type<sc_vector_subcore>, window_params = [{transform_indices = #map}, {transform_indices = #map}, {transform_indices = #map}, {transform_indices = #map}, {transform_indices = #map}, {transform_indices = #map}, {transform_indices = #map}]} {
    %mul3A = arith.constant 2 : i32
    %mul3A_0 = arith.muli %arg1, %mul3A : i32
    %add3A = arith.addi %mul3A_0, %arg0 : i32
    %jit3A = arith.constant 8 : i32
    %div3A = arith.divsi %add3A, %jit3A : i32
    %sign3A = arith.constant 0 : i32
    %sign3A_1 = arith.cmpi sgt, %add3A, %sign3A : i32
    %sign3A_2 = arith.extui %sign3A_1 : i1 to i32
    %sign3A_3 = arith.constant 0 : i32
    %sign3A_4 = arith.cmpi slt, %add3A, %sign3A_3 : i32
    %sign3A_5 = arith.extui %sign3A_4 : i1 to i32
    %sign3A_6 = arith.subi %sign3A_2, %sign3A_5 : i32
    %sign3A_7 = arith.constant 0 : i32
    %sign3A_8 = arith.cmpi sgt, %jit3A, %sign3A_7 : i32
    %sign3A_9 = arith.extui %sign3A_8 : i1 to i32
    %sign3A_10 = arith.constant 0 : i32
    %sign3A_11 = arith.cmpi slt, %jit3A, %sign3A_10 : i32
    %sign3A_12 = arith.extui %sign3A_11 : i1 to i32
    %sign3A_13 = arith.subi %sign3A_9, %sign3A_12 : i32
    %ne3A = arith.cmpi ne, %sign3A_6, %sign3A_13 : i32
    %rem3A = arith.remsi %add3A, %jit3A : i32
    %ne3A_14 = arith.constant 0 : i32
    %ne3A_15 = arith.cmpi ne, %rem3A, %ne3A_14 : i32
    %and3A = arith.andi %ne3A, %ne3A_15 : i1
    %sub3A = arith.constant 1 : i32
    %sub3A_16 = arith.subi %div3A, %sub3A : i32
    %select_n3A = arith.select %and3A, %sub3A_16, %div3A : i32
    %jit3A_17 = arith.constant 8 : i32
    %eq3A = arith.constant 0 : i32
    %eq3A_18 = arith.cmpi eq, %jit3A_17, %eq3A : i32
    %jit3A_19 = arith.constant 1 : i32
    %select_n3A_20 = arith.select %eq3A_18, %jit3A_19, %jit3A_17 : i32
    %rem3A_21 = arith.remsi %add3A, %select_n3A_20 : i32
    %ne3A_22 = arith.constant 0 : i32
    %ne3A_23 = arith.cmpi ne, %rem3A_21, %ne3A_22 : i32
    %lt3A = arith.constant 0 : i32
    %lt3A_24 = arith.cmpi slt, %rem3A_21, %lt3A : i32
    %lt3A_25 = arith.constant 0 : i32
    %lt3A_26 = arith.cmpi slt, %select_n3A_20, %lt3A_25 : i32
    %ne3A_27 = arith.xori %lt3A_24, %lt3A_26 : i1
    %and3A_28 = arith.andi %ne3A_27, %ne3A_23 : i1
    %add3A_29 = arith.addi %rem3A_21, %select_n3A_20 : i32
    %select_n3A_30 = arith.select %and3A_28, %add3A_29, %rem3A_21 : i32
    %mul3A_31 = arith.constant 128 : i32
    %mul3A_32 = arith.muli %select_n3A_30, %mul3A_31 : i32
    %mul3A_33 = arith.constant 1024 : i32
    %mul3A_34 = arith.muli %select_n3A, %mul3A_33 : i32
    %add3A_35 = arith.addi %mul3A_34, %mul3A_32 : i32
    %mul3A_36 = arith.constant 8192 : i32
    %mul3A_37 = arith.muli %select_n3A, %mul3A_36 : i32
    "tpu.region"() ({
      %run_scoped3A = tpu.sem_alloc : memref<!tpu.dma_semaphore, #tpu.memory_space<semaphore_mem>>
      %dma_start3A = tpu.memref_slice %arg2[%mul3A_37] : memref<32768xf32, #tpu.memory_space<hbm>> -> memref<8192xf32, #tpu.memory_space<hbm>>
      %dma_start3A_58 = tpu.memref_slice %arg2[%mul3A_37] : memref<32768xf32, #tpu.memory_space<hbm>> -> memref<8192xf32, #tpu.memory_space<hbm>>
      tpu.enqueue_dma source(%dma_start3A_58 : memref<8192xf32, #tpu.memory_space<hbm>>) target(%arg9 : memref<8192xf32, #tpu.memory_space<vmem>>) target_semaphore(%run_scoped3A : memref<!tpu.dma_semaphore, #tpu.memory_space<semaphore_mem>>)
      %dma_wait3A = tpu.memref_slice %arg2[%mul3A_37] : memref<32768xf32, #tpu.memory_space<hbm>> -> memref<8192xf32, #tpu.memory_space<hbm>>
      %dma_wait3A_59 = tpu.memref_slice %arg2[%mul3A_37] : memref<32768xf32, #tpu.memory_space<hbm>> -> memref<8192xf32, #tpu.memory_space<hbm>>
      tpu.wait_dma2 semaphore(%run_scoped3A : memref<!tpu.dma_semaphore, #tpu.memory_space<semaphore_mem>>) src(%dma_wait3A_59 : memref<8192xf32, #tpu.memory_space<hbm>>) dst(%arg9 : memref<8192xf32, #tpu.memory_space<vmem>>)
      tpu.yield
    }) : () -> ()
    %mul3A_38 = arith.constant 8192 : i32
    %mul3A_39 = arith.muli %select_n3A, %mul3A_38 : i32
    "tpu.region"() ({
      %run_scoped3A = tpu.sem_alloc : memref<!tpu.dma_semaphore, #tpu.memory_space<semaphore_mem>>
      %dma_start3A = tpu.memref_slice %arg3[%mul3A_39] : memref<32768xf32, #tpu.memory_space<hbm>> -> memref<8192xf32, #tpu.memory_space<hbm>>
      %dma_start3A_58 = tpu.memref_slice %arg3[%mul3A_39] : memref<32768xf32, #tpu.memory_space<hbm>> -> memref<8192xf32, #tpu.memory_space<hbm>>
      tpu.enqueue_dma source(%dma_start3A_58 : memref<8192xf32, #tpu.memory_space<hbm>>) target(%arg10 : memref<8192xf32, #tpu.memory_space<vmem>>) target_semaphore(%run_scoped3A : memref<!tpu.dma_semaphore, #tpu.memory_space<semaphore_mem>>)
      %dma_wait3A = tpu.memref_slice %arg3[%mul3A_39] : memref<32768xf32, #tpu.memory_space<hbm>> -> memref<8192xf32, #tpu.memory_space<hbm>>
      %dma_wait3A_59 = tpu.memref_slice %arg3[%mul3A_39] : memref<32768xf32, #tpu.memory_space<hbm>> -> memref<8192xf32, #tpu.memory_space<hbm>>
      tpu.wait_dma2 semaphore(%run_scoped3A : memref<!tpu.dma_semaphore, #tpu.memory_space<semaphore_mem>>) src(%dma_wait3A_59 : memref<8192xf32, #tpu.memory_space<hbm>>) dst(%arg10 : memref<8192xf32, #tpu.memory_space<vmem>>)
      tpu.yield
    }) : () -> ()
    %mul3A_40 = arith.constant 8192 : i32
    %mul3A_41 = arith.muli %select_n3A, %mul3A_40 : i32
    "tpu.region"() ({
      %run_scoped3A = tpu.sem_alloc : memref<!tpu.dma_semaphore, #tpu.memory_space<semaphore_mem>>
      %dma_start3A = tpu.memref_slice %arg4[%mul3A_41] : memref<32768xf32, #tpu.memory_space<hbm>> -> memref<8192xf32, #tpu.memory_space<hbm>>
      %dma_start3A_58 = tpu.memref_slice %arg4[%mul3A_41] : memref<32768xf32, #tpu.memory_space<hbm>> -> memref<8192xf32, #tpu.memory_space<hbm>>
      tpu.enqueue_dma source(%dma_start3A_58 : memref<8192xf32, #tpu.memory_space<hbm>>) target(%arg11 : memref<8192xf32, #tpu.memory_space<vmem>>) target_semaphore(%run_scoped3A : memref<!tpu.dma_semaphore, #tpu.memory_space<semaphore_mem>>)
      %dma_wait3A = tpu.memref_slice %arg4[%mul3A_41] : memref<32768xf32, #tpu.memory_space<hbm>> -> memref<8192xf32, #tpu.memory_space<hbm>>
      %dma_wait3A_59 = tpu.memref_slice %arg4[%mul3A_41] : memref<32768xf32, #tpu.memory_space<hbm>> -> memref<8192xf32, #tpu.memory_space<hbm>>
      tpu.wait_dma2 semaphore(%run_scoped3A : memref<!tpu.dma_semaphore, #tpu.memory_space<semaphore_mem>>) src(%dma_wait3A_59 : memref<8192xf32, #tpu.memory_space<hbm>>) dst(%arg11 : memref<8192xf32, #tpu.memory_space<vmem>>)
      tpu.yield
    }) : () -> ()
    %mul3A_42 = arith.constant 16 : i32
    %mul3A_43 = arith.muli %add3A_35, %mul3A_42 : i32
    "tpu.region"() ({
      %run_scoped3A = tpu.sem_alloc : memref<!tpu.dma_semaphore, #tpu.memory_space<semaphore_mem>>
      %dma_start3A = tpu.memref_slice %arg5[%mul3A_43] : memref<65536xf32, #tpu.memory_space<hbm>> -> memref<2048xf32, #tpu.memory_space<hbm>>
      %dma_start3A_58 = tpu.memref_slice %arg5[%mul3A_43] : memref<65536xf32, #tpu.memory_space<hbm>> -> memref<2048xf32, #tpu.memory_space<hbm>>
      tpu.enqueue_dma source(%dma_start3A_58 : memref<2048xf32, #tpu.memory_space<hbm>>) target(%arg12 : memref<2048xf32, #tpu.memory_space<vmem>>) target_semaphore(%run_scoped3A : memref<!tpu.dma_semaphore, #tpu.memory_space<semaphore_mem>>)
      %dma_wait3A = tpu.memref_slice %arg5[%mul3A_43] : memref<65536xf32, #tpu.memory_space<hbm>> -> memref<2048xf32, #tpu.memory_space<hbm>>
      %dma_wait3A_59 = tpu.memref_slice %arg5[%mul3A_43] : memref<65536xf32, #tpu.memory_space<hbm>> -> memref<2048xf32, #tpu.memory_space<hbm>>
      tpu.wait_dma2 semaphore(%run_scoped3A : memref<!tpu.dma_semaphore, #tpu.memory_space<semaphore_mem>>) src(%dma_wait3A_59 : memref<2048xf32, #tpu.memory_space<hbm>>) dst(%arg12 : memref<2048xf32, #tpu.memory_space<vmem>>)
      tpu.yield
    }) : () -> ()
    %mul3A_44 = arith.constant 16 : i32
    %mul3A_45 = arith.muli %add3A_35, %mul3A_44 : i32
    "tpu.region"() ({
      %run_scoped3A = tpu.sem_alloc : memref<!tpu.dma_semaphore, #tpu.memory_space<semaphore_mem>>
      %dma_start3A = tpu.memref_slice %arg6[%mul3A_45] : memref<65536xf32, #tpu.memory_space<hbm>> -> memref<2048xf32, #tpu.memory_space<hbm>>
      %dma_start3A_58 = tpu.memref_slice %arg6[%mul3A_45] : memref<65536xf32, #tpu.memory_space<hbm>> -> memref<2048xf32, #tpu.memory_space<hbm>>
      tpu.enqueue_dma source(%dma_start3A_58 : memref<2048xf32, #tpu.memory_space<hbm>>) target(%arg13 : memref<2048xf32, #tpu.memory_space<vmem>>) target_semaphore(%run_scoped3A : memref<!tpu.dma_semaphore, #tpu.memory_space<semaphore_mem>>)
      %dma_wait3A = tpu.memref_slice %arg6[%mul3A_45] : memref<65536xf32, #tpu.memory_space<hbm>> -> memref<2048xf32, #tpu.memory_space<hbm>>
      %dma_wait3A_59 = tpu.memref_slice %arg6[%mul3A_45] : memref<65536xf32, #tpu.memory_space<hbm>> -> memref<2048xf32, #tpu.memory_space<hbm>>
      tpu.wait_dma2 semaphore(%run_scoped3A : memref<!tpu.dma_semaphore, #tpu.memory_space<semaphore_mem>>) src(%dma_wait3A_59 : memref<2048xf32, #tpu.memory_space<hbm>>) dst(%arg13 : memref<2048xf32, #tpu.memory_space<vmem>>)
      tpu.yield
    }) : () -> ()
    %mul3A_46 = arith.constant 16 : i32
    %mul3A_47 = arith.muli %add3A_35, %mul3A_46 : i32
    "tpu.region"() ({
      %run_scoped3A = tpu.sem_alloc : memref<!tpu.dma_semaphore, #tpu.memory_space<semaphore_mem>>
      %dma_start3A = tpu.memref_slice %arg7[%mul3A_47] : memref<65536xf32, #tpu.memory_space<hbm>> -> memref<2048xf32, #tpu.memory_space<hbm>>
      %dma_start3A_58 = tpu.memref_slice %arg7[%mul3A_47] : memref<65536xf32, #tpu.memory_space<hbm>> -> memref<2048xf32, #tpu.memory_space<hbm>>
      tpu.enqueue_dma source(%dma_start3A_58 : memref<2048xf32, #tpu.memory_space<hbm>>) target(%arg14 : memref<2048xf32, #tpu.memory_space<vmem>>) target_semaphore(%run_scoped3A : memref<!tpu.dma_semaphore, #tpu.memory_space<semaphore_mem>>)
      %dma_wait3A = tpu.memref_slice %arg7[%mul3A_47] : memref<65536xf32, #tpu.memory_space<hbm>> -> memref<2048xf32, #tpu.memory_space<hbm>>
      %dma_wait3A_59 = tpu.memref_slice %arg7[%mul3A_47] : memref<65536xf32, #tpu.memory_space<hbm>> -> memref<2048xf32, #tpu.memory_space<hbm>>
      tpu.wait_dma2 semaphore(%run_scoped3A : memref<!tpu.dma_semaphore, #tpu.memory_space<semaphore_mem>>) src(%dma_wait3A_59 : memref<2048xf32, #tpu.memory_space<hbm>>) dst(%arg14 : memref<2048xf32, #tpu.memory_space<vmem>>)
      tpu.yield
    }) : () -> ()
    %iota3A = tpu.iota {dimensions = array<i32: 0>} : vector<16xi32>
    %broadcast_in_dim3A = arith.constant 0x7F800000 : f32
    %broadcast_in_dim3A_48 = vector.broadcast %broadcast_in_dim3A : f32 to vector<16xf32>
    %scan3A = arith.constant 1073741824 : i32
    %scan3A_49 = arith.constant 0 : i32
    %scan3A_50 = arith.constant 0 : i32
    %scan3A_51 = arith.constant 16 : i32
    %scan3A_52 = arith.addi %scan3A_50, %scan3A_51 : i32
    %scan3A_53 = arith.constant 1 : i32
    %scan3A_54 = scf.for %scan3A_58 = %scan3A_50 to %scan3A_52 step %scan3A_53 iter_args(%scan3A_59 = %scan3A_49) -> (i32)  : i32 {
      %mul3A_60 = arith.constant 8 : i32
      %mul3A_61 = arith.muli %scan3A_58, %mul3A_60 : i32
      %add3A_62 = arith.constant 0 : i32
      %add3A_63 = arith.addi %mul3A_61, %add3A_62 : i32
      %mul3A_64 = arith.constant 16 : i32
      %mul3A_65 = arith.muli %add3A_63, %mul3A_64 : i32
      %get3A = arith.index_cast %mul3A_65 : i32 to index
      %get3A_66 = tpu.vector_load %arg12[%get3A] {strides = array<i32>} : memref<2048xf32, #tpu.memory_space<vmem>>, vector<16xf32>,
      %get3A_67 = arith.index_cast %mul3A_65 : i32 to index
      %get3A_68 = tpu.vector_load %arg13[%get3A_67] {strides = array<i32>} : memref<2048xf32, #tpu.memory_space<vmem>>, vector<16xf32>,
      %get3A_69 = arith.index_cast %mul3A_65 : i32 to index
      %get3A_70 = tpu.vector_load %arg14[%get3A_69] {strides = array<i32>} : memref<2048xf32, #tpu.memory_space<vmem>>, vector<16xf32>,
      %mul3A_71 = arith.constant 8 : i32
      %mul3A_72 = arith.muli %scan3A_58, %mul3A_71 : i32
      %add3A_73 = arith.constant 1 : i32
      %add3A_74 = arith.addi %mul3A_72, %add3A_73 : i32
      %mul3A_75 = arith.constant 16 : i32
      %mul3A_76 = arith.muli %add3A_74, %mul3A_75 : i32
      %get3A_77 = arith.index_cast %mul3A_76 : i32 to index
      %get3A_78 = tpu.vector_load %arg12[%get3A_77] {strides = array<i32>} : memref<2048xf32, #tpu.memory_space<vmem>>, vector<16xf32>,
      %get3A_79 = arith.index_cast %mul3A_76 : i32 to index
      %get3A_80 = tpu.vector_load %arg13[%get3A_79] {strides = array<i32>} : memref<2048xf32, #tpu.memory_space<vmem>>, vector<16xf32>,
      %get3A_81 = arith.index_cast %mul3A_76 : i32 to index
      %get3A_82 = tpu.vector_load %arg14[%get3A_81] {strides = array<i32>} : memref<2048xf32, #tpu.memory_space<vmem>>, vector<16xf32>,
      %mul3A_83 = arith.constant 8 : i32
      %mul3A_84 = arith.muli %scan3A_58, %mul3A_83 : i32
      %add3A_85 = arith.constant 2 : i32
      %add3A_86 = arith.addi %mul3A_84, %add3A_85 : i32
      %mul3A_87 = arith.constant 16 : i32
      %mul3A_88 = arith.muli %add3A_86, %mul3A_87 : i32
      %get3A_89 = arith.index_cast %mul3A_88 : i32 to index
      %get3A_90 = tpu.vector_load %arg12[%get3A_89] {strides = array<i32>} : memref<2048xf32, #tpu.memory_space<vmem>>, vector<16xf32>,
      %get3A_91 = arith.index_cast %mul3A_88 : i32 to index
      %get3A_92 = tpu.vector_load %arg13[%get3A_91] {strides = array<i32>} : memref<2048xf32, #tpu.memory_space<vmem>>, vector<16xf32>,
      %get3A_93 = arith.index_cast %mul3A_88 : i32 to index
      %get3A_94 = tpu.vector_load %arg14[%get3A_93] {strides = array<i32>} : memref<2048xf32, #tpu.memory_space<vmem>>, vector<16xf32>,
      %mul3A_95 = arith.constant 8 : i32
      %mul3A_96 = arith.muli %scan3A_58, %mul3A_95 : i32
      %add3A_97 = arith.constant 3 : i32
      %add3A_98 = arith.addi %mul3A_96, %add3A_97 : i32
      %mul3A_99 = arith.constant 16 : i32
      %mul3A_100 = arith.muli %add3A_98, %mul3A_99 : i32
      %get3A_101 = arith.index_cast %mul3A_100 : i32 to index
      %get3A_102 = tpu.vector_load %arg12[%get3A_101] {strides = array<i32>} : memref<2048xf32, #tpu.memory_space<vmem>>, vector<16xf32>,
      %get3A_103 = arith.index_cast %mul3A_100 : i32 to index
      %get3A_104 = tpu.vector_load %arg13[%get3A_103] {strides = array<i32>} : memref<2048xf32, #tpu.memory_space<vmem>>, vector<16xf32>,
      %get3A_105 = arith.index_cast %mul3A_100 : i32 to index
      %get3A_106 = tpu.vector_load %arg14[%get3A_105] {strides = array<i32>} : memref<2048xf32, #tpu.memory_space<vmem>>, vector<16xf32>,
      %mul3A_107 = arith.constant 8 : i32
      %mul3A_108 = arith.muli %scan3A_58, %mul3A_107 : i32
      %add3A_109 = arith.constant 4 : i32
      %add3A_110 = arith.addi %mul3A_108, %add3A_109 : i32
      %mul3A_111 = arith.constant 16 : i32
      %mul3A_112 = arith.muli %add3A_110, %mul3A_111 : i32
      %get3A_113 = arith.index_cast %mul3A_112 : i32 to index
      %get3A_114 = tpu.vector_load %arg12[%get3A_113] {strides = array<i32>} : memref<2048xf32, #tpu.memory_space<vmem>>, vector<16xf32>,
      %get3A_115 = arith.index_cast %mul3A_112 : i32 to index
      %get3A_116 = tpu.vector_load %arg13[%get3A_115] {strides = array<i32>} : memref<2048xf32, #tpu.memory_space<vmem>>, vector<16xf32>,
      %get3A_117 = arith.index_cast %mul3A_112 : i32 to index
      %get3A_118 = tpu.vector_load %arg14[%get3A_117] {strides = array<i32>} : memref<2048xf32, #tpu.memory_space<vmem>>, vector<16xf32>,
      %mul3A_119 = arith.constant 8 : i32
      %mul3A_120 = arith.muli %scan3A_58, %mul3A_119 : i32
      %add3A_121 = arith.constant 5 : i32
      %add3A_122 = arith.addi %mul3A_120, %add3A_121 : i32
      %mul3A_123 = arith.constant 16 : i32
      %mul3A_124 = arith.muli %add3A_122, %mul3A_123 : i32
      %get3A_125 = arith.index_cast %mul3A_124 : i32 to index
      %get3A_126 = tpu.vector_load %arg12[%get3A_125] {strides = array<i32>} : memref<2048xf32, #tpu.memory_space<vmem>>, vector<16xf32>,
      %get3A_127 = arith.index_cast %mul3A_124 : i32 to index
      %get3A_128 = tpu.vector_load %arg13[%get3A_127] {strides = array<i32>} : memref<2048xf32, #tpu.memory_space<vmem>>, vector<16xf32>,
      %get3A_129 = arith.index_cast %mul3A_124 : i32 to index
      %get3A_130 = tpu.vector_load %arg14[%get3A_129] {strides = array<i32>} : memref<2048xf32, #tpu.memory_space<vmem>>, vector<16xf32>,
      %mul3A_131 = arith.constant 8 : i32
      %mul3A_132 = arith.muli %scan3A_58, %mul3A_131 : i32
      %add3A_133 = arith.constant 6 : i32
      %add3A_134 = arith.addi %mul3A_132, %add3A_133 : i32
      %mul3A_135 = arith.constant 16 : i32
      %mul3A_136 = arith.muli %add3A_134, %mul3A_135 : i32
      %get3A_137 = arith.index_cast %mul3A_136 : i32 to index
      %get3A_138 = tpu.vector_load %arg12[%get3A_137] {strides = array<i32>} : memref<2048xf32, #tpu.memory_space<vmem>>, vector<16xf32>,
      %get3A_139 = arith.index_cast %mul3A_136 : i32 to index
      %get3A_140 = tpu.vector_load %arg13[%get3A_139] {strides = array<i32>} : memref<2048xf32, #tpu.memory_space<vmem>>, vector<16xf32>,
      %get3A_141 = arith.index_cast %mul3A_136 : i32 to index
      %get3A_142 = tpu.vector_load %arg14[%get3A_141] {strides = array<i32>} : memref<2048xf32, #tpu.memory_space<vmem>>, vector<16xf32>,
      %mul3A_143 = arith.constant 8 : i32
      %mul3A_144 = arith.muli %scan3A_58, %mul3A_143 : i32
      %add3A_145 = arith.constant 7 : i32
      %add3A_146 = arith.addi %mul3A_144, %add3A_145 : i32
      %mul3A_147 = arith.constant 16 : i32
      %mul3A_148 = arith.muli %add3A_146, %mul3A_147 : i32
      %get3A_149 = arith.index_cast %mul3A_148 : i32 to index
      %get3A_150 = tpu.vector_load %arg12[%get3A_149] {strides = array<i32>} : memref<2048xf32, #tpu.memory_space<vmem>>, vector<16xf32>,
      %get3A_151 = arith.index_cast %mul3A_148 : i32 to index
      %get3A_152 = tpu.vector_load %arg13[%get3A_151] {strides = array<i32>} : memref<2048xf32, #tpu.memory_space<vmem>>, vector<16xf32>,
      %get3A_153 = arith.index_cast %mul3A_148 : i32 to index
      %get3A_154 = tpu.vector_load %arg14[%get3A_153] {strides = array<i32>} : memref<2048xf32, #tpu.memory_space<vmem>>, vector<16xf32>,
      %scan3A_155 = arith.constant 0 : i32
      %scan3A_156 = arith.constant 512 : i32
      %scan3A_157 = arith.addi %scan3A_155, %scan3A_156 : i32
      %scan3A_158 = arith.constant 1 : i32
      %scan3A_159:16 = scf.for %scan3A_3696 = %scan3A_155 to %scan3A_157 step %scan3A_158 iter_args(%scan3A_3697 = %broadcast_in_dim3A_48, %scan3A_3698 = %iota3A, %scan3A_3699 = %broadcast_in_dim3A_48, %scan3A_3700 = %iota3A, %scan3A_3701 = %broadcast_in_dim3A_48, %scan3A_3702 = %iota3A, %scan3A_3703 = %broadcast_in_dim3A_48, %scan3A_3704 = %iota3A, %scan3A_3705 = %broadcast_in_dim3A_48, %scan3A_3706 = %iota3A, %scan3A_3707 = %broadcast_in_dim3A_48, %scan3A_3708 = %iota3A, %scan3A_3709 = %broadcast_in_dim3A_48, %scan3A_3710 = %iota3A, %scan3A_3711 = %broadcast_in_dim3A_48, %scan3A_3712 = %iota3A) -> (vector<16xf32>, vector<16xi32>, vector<16xf32>, vector<16xi32>, vector<16xf32>, vector<16xi32>, vector<16xf32>, vector<16xi32>, vector<16xf32>, vector<16xi32>, vector<16xf32>, vector<16xi32>, vector<16xf32>, vector<16xi32>, vector<16xf32>, vector<16xi32>)  : i32 {
        %mul3A_3713 = arith.constant 16 : i32
        %mul3A_3714 = arith.muli %scan3A_3696, %mul3A_3713 : i32
        %get3A_3715 = arith.index_cast %mul3A_3714 : i32 to index
        %get3A_3716 = tpu.vector_load %arg9[%get3A_3715] {strides = array<i32>} : memref<8192xf32, #tpu.memory_space<vmem>>, vector<16xf32>,
        %get3A_3717 = arith.index_cast %mul3A_3714 : i32 to index
        %get3A_3718 = tpu.vector_load %arg10[%get3A_3717] {strides = array<i32>} : memref<8192xf32, #tpu.memory_space<vmem>>, vector<16xf32>,
        %get3A_3719 = arith.index_cast %mul3A_3714 : i32 to index
        %get3A_3720 = tpu.vector_load %arg11[%get3A_3719] {strides = array<i32>} : memref<8192xf32, #tpu.memory_space<vmem>>, vector<16xf32>,
        %add3A_3721 = vector.broadcast %mul3A_3714 : i32 to vector<16xi32>
        %add3A_3722 = arith.addi %iota3A, %add3A_3721 : vector<16xi32>
        %sub3A_3723 = arith.subf %get3A_66, %get3A_3716 : vector<16xf32>
        %sub3A_3724 = arith.subf %get3A_68, %get3A_3718 : vector<16xf32>
        %sub3A_3725 = arith.subf %get3A_70, %get3A_3720 : vector<16xf32>
        %mul3A_3726 = arith.mulf %sub3A_3723, %sub3A_3723 : vector<16xf32>
        %mul3A_3727 = arith.mulf %sub3A_3724, %sub3A_3724 : vector<16xf32>
        %add3A_3728 = arith.addf %mul3A_3726, %mul3A_3727 : vector<16xf32>
        %mul3A_3729 = arith.mulf %sub3A_3725, %sub3A_3725 : vector<16xf32>
        %add3A_3730 = arith.addf %add3A_3728, %mul3A_3729 : vector<16xf32>
        %masked_sort3A = arith.constant dense<true> : vector<16xi1>
        %masked_sort3A_3731, %masked_sort3A_3732, %masked_sort3A_3733 = tpu.sort %add3A_3730, %add3A_3722 masked %masked_sort3A : (vector<16xf32>, vector<16xi32>, vector<16xi1>) -> (vector<16xi1>, vector<16xf32>, vector<16xi32>)
        %lt3A_3734 = arith.cmpf olt, %masked_sort3A_3732, %scan3A_3697 : vector<16xf32>
        %select_n3A_3735 = arith.select %lt3A_3734, %masked_sort3A_3732, %scan3A_3697 : vector<16xi1>, vector<16xf32>
        %select_n3A_3736 = arith.select %lt3A_3734, %masked_sort3A_3733, %scan3A_3698 : vector<16xi1>, vector<16xi32>
        %masked_sort3A_3737 = arith.constant dense<true> : vector<16xi1>
        %masked_sort3A_3738, %masked_sort3A_3739, %masked_sort3A_3740 = tpu.sort %select_n3A_3735, %select_n3A_3736 masked %masked_sort3A_3737 {descending = true} : (vector<16xf32>, vector<16xi32>, vector<16xi1>) -> (vector<16xi1>, vector<16xf32>, vector<16xi32>)
        %sub3A_3741 = arith.subf %get3A_78, %get3A_3716 : vector<16xf32>
        %sub3A_3742 = arith.subf %get3A_80, %get3A_3718 : vector<16xf32>
        %sub3A_3743 = arith.subf %get3A_82, %get3A_3720 : vector<16xf32>
        %mul3A_3744 = arith.mulf %sub3A_3741, %sub3A_3741 : vector<16xf32>
        %mul3A_3745 = arith.mulf %sub3A_3742, %sub3A_3742 : vector<16xf32>
        %add3A_3746 = arith.addf %mul3A_3744, %mul3A_3745 : vector<16xf32>
        %mul3A_3747 = arith.mulf %sub3A_3743, %sub3A_3743 : vector<16xf32>
        %add3A_3748 = arith.addf %add3A_3746, %mul3A_3747 : vector<16xf32>
        %masked_sort3A_3749 = arith.constant dense<true> : vector<16xi1>
        %masked_sort3A_3750, %masked_sort3A_3751, %masked_sort3A_3752 = tpu.sort %add3A_3748, %add3A_3722 masked %masked_sort3A_3749 : (vector<16xf32>, vector<16xi32>, vector<16xi1>) -> (vector<16xi1>, vector<16xf32>, vector<16xi32>)
        %lt3A_3753 = arith.cmpf olt, %masked_sort3A_3751, %scan3A_3699 : vector<16xf32>
        %select_n3A_3754 = arith.select %lt3A_3753, %masked_sort3A_3751, %scan3A_3699 : vector<16xi1>, vector<16xf32>
        %select_n3A_3755 = arith.select %lt3A_3753, %masked_sort3A_3752, %scan3A_3700 : vector<16xi1>, vector<16xi32>
        %masked_sort3A_3756 = arith.constant dense<true> : vector<16xi1>
        %masked_sort3A_3757, %masked_sort3A_3758, %masked_sort3A_3759 = tpu.sort %select_n3A_3754, %select_n3A_3755 masked %masked_sort3A_3756 {descending = true} : (vector<16xf32>, vector<16xi32>, vector<16xi1>) -> (vector<16xi1>, vector<16xf32>, vector<16xi32>)
        %sub3A_3760 = arith.subf %get3A_90, %get3A_3716 : vector<16xf32>
        %sub3A_3761 = arith.subf %get3A_92, %get3A_3718 : vector<16xf32>
        %sub3A_3762 = arith.subf %get3A_94, %get3A_3720 : vector<16xf32>
        %mul3A_3763 = arith.mulf %sub3A_3760, %sub3A_3760 : vector<16xf32>
        %mul3A_3764 = arith.mulf %sub3A_3761, %sub3A_3761 : vector<16xf32>
        %add3A_3765 = arith.addf %mul3A_3763, %mul3A_3764 : vector<16xf32>
        %mul3A_3766 = arith.mulf %sub3A_3762, %sub3A_3762 : vector<16xf32>
        %add3A_3767 = arith.addf %add3A_3765, %mul3A_3766 : vector<16xf32>
        %masked_sort3A_3768 = arith.constant dense<true> : vector<16xi1>
        %masked_sort3A_3769, %masked_sort3A_3770, %masked_sort3A_3771 = tpu.sort %add3A_3767, %add3A_3722 masked %masked_sort3A_3768 : (vector<16xf32>, vector<16xi32>, vector<16xi1>) -> (vector<16xi1>, vector<16xf32>, vector<16xi32>)
        %lt3A_3772 = arith.cmpf olt, %masked_sort3A_3770, %scan3A_3701 : vector<16xf32>
        %select_n3A_3773 = arith.select %lt3A_3772, %masked_sort3A_3770, %scan3A_3701 : vector<16xi1>, vector<16xf32>
        %select_n3A_3774 = arith.select %lt3A_3772, %masked_sort3A_3771, %scan3A_3702 : vector<16xi1>, vector<16xi32>
        %masked_sort3A_3775 = arith.constant dense<true> : vector<16xi1>
        %masked_sort3A_3776, %masked_sort3A_3777, %masked_sort3A_3778 = tpu.sort %select_n3A_3773, %select_n3A_3774 masked %masked_sort3A_3775 {descending = true} : (vector<16xf32>, vector<16xi32>, vector<16xi1>) -> (vector<16xi1>, vector<16xf32>, vector<16xi32>)
        %sub3A_3779 = arith.subf %get3A_102, %get3A_3716 : vector<16xf32>
        %sub3A_3780 = arith.subf %get3A_104, %get3A_3718 : vector<16xf32>
        %sub3A_3781 = arith.subf %get3A_106, %get3A_3720 : vector<16xf32>
        %mul3A_3782 = arith.mulf %sub3A_3779, %sub3A_3779 : vector<16xf32>
        %mul3A_3783 = arith.mulf %sub3A_3780, %sub3A_3780 : vector<16xf32>
        %add3A_3784 = arith.addf %mul3A_3782, %mul3A_3783 : vector<16xf32>
        %mul3A_3785 = arith.mulf %sub3A_3781, %sub3A_3781 : vector<16xf32>
        %add3A_3786 = arith.addf %add3A_3784, %mul3A_3785 : vector<16xf32>
        %masked_sort3A_3787 = arith.constant dense<true> : vector<16xi1>
        %masked_sort3A_3788, %masked_sort3A_3789, %masked_sort3A_3790 = tpu.sort %add3A_3786, %add3A_3722 masked %masked_sort3A_3787 : (vector<16xf32>, vector<16xi32>, vector<16xi1>) -> (vector<16xi1>, vector<16xf32>, vector<16xi32>)
        %lt3A_3791 = arith.cmpf olt, %masked_sort3A_3789, %scan3A_3703 : vector<16xf32>
        %select_n3A_3792 = arith.select %lt3A_3791, %masked_sort3A_3789, %scan3A_3703 : vector<16xi1>, vector<16xf32>
        %select_n3A_3793 = arith.select %lt3A_3791, %masked_sort3A_3790, %scan3A_3704 : vector<16xi1>, vector<16xi32>
        %masked_sort3A_3794 = arith.constant dense<true> : vector<16xi1>
        %masked_sort3A_3795, %masked_sort3A_3796, %masked_sort3A_3797 = tpu.sort %select_n3A_3792, %select_n3A_3793 masked %masked_sort3A_3794 {descending = true} : (vector<16xf32>, vector<16xi32>, vector<16xi1>) -> (vector<16xi1>, vector<16xf32>, vector<16xi32>)
        %sub3A_3798 = arith.subf %get3A_114, %get3A_3716 : vector<16xf32>
        %sub3A_3799 = arith.subf %get3A_116, %get3A_3718 : vector<16xf32>
        %sub3A_3800 = arith.subf %get3A_118, %get3A_3720 : vector<16xf32>
        %mul3A_3801 = arith.mulf %sub3A_3798, %sub3A_3798 : vector<16xf32>
        %mul3A_3802 = arith.mulf %sub3A_3799, %sub3A_3799 : vector<16xf32>
        %add3A_3803 = arith.addf %mul3A_3801, %mul3A_3802 : vector<16xf32>
        %mul3A_3804 = arith.mulf %sub3A_3800, %sub3A_3800 : vector<16xf32>
        %add3A_3805 = arith.addf %add3A_3803, %mul3A_3804 : vector<16xf32>
        %masked_sort3A_3806 = arith.constant dense<true> : vector<16xi1>
        %masked_sort3A_3807, %masked_sort3A_3808, %masked_sort3A_3809 = tpu.sort %add3A_3805, %add3A_3722 masked %masked_sort3A_3806 : (vector<16xf32>, vector<16xi32>, vector<16xi1>) -> (vector<16xi1>, vector<16xf32>, vector<16xi32>)
        %lt3A_3810 = arith.cmpf olt, %masked_sort3A_3808, %scan3A_3705 : vector<16xf32>
        %select_n3A_3811 = arith.select %lt3A_3810, %masked_sort3A_3808, %scan3A_3705 : vector<16xi1>, vector<16xf32>
        %select_n3A_3812 = arith.select %lt3A_3810, %masked_sort3A_3809, %scan3A_3706 : vector<16xi1>, vector<16xi32>
        %masked_sort3A_3813 = arith.constant dense<true> : vector<16xi1>
        %masked_sort3A_3814, %masked_sort3A_3815, %masked_sort3A_3816 = tpu.sort %select_n3A_3811, %select_n3A_3812 masked %masked_sort3A_3813 {descending = true} : (vector<16xf32>, vector<16xi32>, vector<16xi1>) -> (vector<16xi1>, vector<16xf32>, vector<16xi32>)
        %sub3A_3817 = arith.subf %get3A_126, %get3A_3716 : vector<16xf32>
        %sub3A_3818 = arith.subf %get3A_128, %get3A_3718 : vector<16xf32>
        %sub3A_3819 = arith.subf %get3A_130, %get3A_3720 : vector<16xf32>
        %mul3A_3820 = arith.mulf %sub3A_3817, %sub3A_3817 : vector<16xf32>
        %mul3A_3821 = arith.mulf %sub3A_3818, %sub3A_3818 : vector<16xf32>
        %add3A_3822 = arith.addf %mul3A_3820, %mul3A_3821 : vector<16xf32>
        %mul3A_3823 = arith.mulf %sub3A_3819, %sub3A_3819 : vector<16xf32>
        %add3A_3824 = arith.addf %add3A_3822, %mul3A_3823 : vector<16xf32>
        %masked_sort3A_3825 = arith.constant dense<true> : vector<16xi1>
        %masked_sort3A_3826, %masked_sort3A_3827, %masked_sort3A_3828 = tpu.sort %add3A_3824, %add3A_3722 masked %masked_sort3A_3825 : (vector<16xf32>, vector<16xi32>, vector<16xi1>) -> (vector<16xi1>, vector<16xf32>, vector<16xi32>)
        %lt3A_3829 = arith.cmpf olt, %masked_sort3A_3827, %scan3A_3707 : vector<16xf32>
        %select_n3A_3830 = arith.select %lt3A_3829, %masked_sort3A_3827, %scan3A_3707 : vector<16xi1>, vector<16xf32>
        %select_n3A_3831 = arith.select %lt3A_3829, %masked_sort3A_3828, %scan3A_3708 : vector<16xi1>, vector<16xi32>
        %masked_sort3A_3832 = arith.constant dense<true> : vector<16xi1>
        %masked_sort3A_3833, %masked_sort3A_3834, %masked_sort3A_3835 = tpu.sort %select_n3A_3830, %select_n3A_3831 masked %masked_sort3A_3832 {descending = true} : (vector<16xf32>, vector<16xi32>, vector<16xi1>) -> (vector<16xi1>, vector<16xf32>, vector<16xi32>)
        %sub3A_3836 = arith.subf %get3A_138, %get3A_3716 : vector<16xf32>
        %sub3A_3837 = arith.subf %get3A_140, %get3A_3718 : vector<16xf32>
        %sub3A_3838 = arith.subf %get3A_142, %get3A_3720 : vector<16xf32>
        %mul3A_3839 = arith.mulf %sub3A_3836, %sub3A_3836 : vector<16xf32>
        %mul3A_3840 = arith.mulf %sub3A_3837, %sub3A_3837 : vector<16xf32>
        %add3A_3841 = arith.addf %mul3A_3839, %mul3A_3840 : vector<16xf32>
        %mul3A_3842 = arith.mulf %sub3A_3838, %sub3A_3838 : vector<16xf32>
        %add3A_3843 = arith.addf %add3A_3841, %mul3A_3842 : vector<16xf32>
        %masked_sort3A_3844 = arith.constant dense<true> : vector<16xi1>
        %masked_sort3A_3845, %masked_sort3A_3846, %masked_sort3A_3847 = tpu.sort %add3A_3843, %add3A_3722 masked %masked_sort3A_3844 : (vector<16xf32>, vector<16xi32>, vector<16xi1>) -> (vector<16xi1>, vector<16xf32>, vector<16xi32>)
        %lt3A_3848 = arith.cmpf olt, %masked_sort3A_3846, %scan3A_3709 : vector<16xf32>
        %select_n3A_3849 = arith.select %lt3A_3848, %masked_sort3A_3846, %scan3A_3709 : vector<16xi1>, vector<16xf32>
        %select_n3A_3850 = arith.select %lt3A_3848, %masked_sort3A_3847, %scan3A_3710 : vector<16xi1>, vector<16xi32>
        %masked_sort3A_3851 = arith.constant dense<true> : vector<16xi1>
        %masked_sort3A_3852, %masked_sort3A_3853, %masked_sort3A_3854 = tpu.sort %select_n3A_3849, %select_n3A_3850 masked %masked_sort3A_3851 {descending = true} : (vector<16xf32>, vector<16xi32>, vector<16xi1>) -> (vector<16xi1>, vector<16xf32>, vector<16xi32>)
        %sub3A_3855 = arith.subf %get3A_150, %get3A_3716 : vector<16xf32>
        %sub3A_3856 = arith.subf %get3A_152, %get3A_3718 : vector<16xf32>
        %sub3A_3857 = arith.subf %get3A_154, %get3A_3720 : vector<16xf32>
        %mul3A_3858 = arith.mulf %sub3A_3855, %sub3A_3855 : vector<16xf32>
        %mul3A_3859 = arith.mulf %sub3A_3856, %sub3A_3856 : vector<16xf32>
        %add3A_3860 = arith.addf %mul3A_3858, %mul3A_3859 : vector<16xf32>
        %mul3A_3861 = arith.mulf %sub3A_3857, %sub3A_3857 : vector<16xf32>
        %add3A_3862 = arith.addf %add3A_3860, %mul3A_3861 : vector<16xf32>
        %masked_sort3A_3863 = arith.constant dense<true> : vector<16xi1>
        %masked_sort3A_3864, %masked_sort3A_3865, %masked_sort3A_3866 = tpu.sort %add3A_3862, %add3A_3722 masked %masked_sort3A_3863 : (vector<16xf32>, vector<16xi32>, vector<16xi1>) -> (vector<16xi1>, vector<16xf32>, vector<16xi32>)
        %lt3A_3867 = arith.cmpf olt, %masked_sort3A_3865, %scan3A_3711 : vector<16xf32>
        %select_n3A_3868 = arith.select %lt3A_3867, %masked_sort3A_3865, %scan3A_3711 : vector<16xi1>, vector<16xf32>
        %select_n3A_3869 = arith.select %lt3A_3867, %masked_sort3A_3866, %scan3A_3712 : vector<16xi1>, vector<16xi32>
        %masked_sort3A_3870 = arith.constant dense<true> : vector<16xi1>
        %masked_sort3A_3871, %masked_sort3A_3872, %masked_sort3A_3873 = tpu.sort %select_n3A_3868, %select_n3A_3869 masked %masked_sort3A_3870 {descending = true} : (vector<16xf32>, vector<16xi32>, vector<16xi1>) -> (vector<16xi1>, vector<16xf32>, vector<16xi32>)
        scf.yield %masked_sort3A_3739, %masked_sort3A_3740, %masked_sort3A_3758, %masked_sort3A_3759, %masked_sort3A_3777, %masked_sort3A_3778, %masked_sort3A_3796, %masked_sort3A_3797, %masked_sort3A_3815, %masked_sort3A_3816, %masked_sort3A_3834, %masked_sort3A_3835, %masked_sort3A_3853, %masked_sort3A_3854, %masked_sort3A_3872, %masked_sort3A_3873 : vector<16xf32>, vector<16xi32>, vector<16xf32>, vector<16xi32>, vector<16xf32>, vector<16xi32>, vector<16xf32>, vector<16xi32>, vector<16xf32>, vector<16xi32>, vector<16xf32>, vector<16xi32>, vector<16xf32>, vector<16xi32>, vector<16xf32>, vector<16xi32>
      }
      %scan3A_160 = arith.constant 512 : i32
      %broadcast_in_dim3A_161 = arith.constant 0 : i32
      %broadcast_in_dim3A_162 = vector.broadcast %broadcast_in_dim3A_161 : i32 to vector<16xi32>
      %broadcast_in_dim3A_163 = arith.constant 0 : i32
      %broadcast_in_dim3A_164 = vector.broadcast %broadcast_in_dim3A_163 : i32 to vector<16xi32>
      %broadcast_in_dim3A_165 = arith.constant 0 : i32
      %broadcast_in_dim3A_166 = vector.broadcast %broadcast_in_dim3A_165 : i32 to vector<16xi32>
      %broadcast_in_dim3A_167 = arith.constant 0 : i32
      %broadcast_in_dim3A_168 = vector.broadcast %broadcast_in_dim3A_167 : i32 to vector<16xi32>
      %broadcast_in_dim3A_169 = arith.constant 0 : i32
      %broadcast_in_dim3A_170 = vector.broadcast %broadcast_in_dim3A_169 : i32 to vector<16xi32>
      %broadcast_in_dim3A_171 = arith.constant 0 : i32
      %broadcast_in_dim3A_172 = vector.broadcast %broadcast_in_dim3A_171 : i32 to vector<16xi32>
      %broadcast_in_dim3A_173 = arith.constant 0 : i32
      %broadcast_in_dim3A_174 = vector.broadcast %broadcast_in_dim3A_173 : i32 to vector<16xi32>
      %broadcast_in_dim3A_175 = arith.constant 0 : i32
      %broadcast_in_dim3A_176 = vector.broadcast %broadcast_in_dim3A_175 : i32 to vector<16xi32>
      %reduce_min3A = arith.constant true
      %reduce_min3A_177 = vector.broadcast %reduce_min3A : i1 to vector<16xi1>
      %reduce_min3A_178 = tpu.scan <min>, %scan3A_159#0 masked %reduce_min3A_177 : vector<16xf32>, vector<16xi1> -> vector<16xf32>
      %reduce_min3A_179 = vector.extract %reduce_min3A_178[15] : f32 from vector<16xf32>
      %eq3A_180 = vector.broadcast %reduce_min3A_179 : f32 to vector<16xf32>
      %eq3A_181 = arith.cmpf oeq, %scan3A_159#0, %eq3A_180 : vector<16xf32>
      %broadcast_in_dim3A_182 = vector.broadcast %scan3A : i32 to vector<16xi32>
      %select_n3A_183 = arith.select %eq3A_181, %scan3A_159#1, %broadcast_in_dim3A_182 : vector<16xi1>, vector<16xi32>
      %reduce_min3A_184 = arith.constant true
      %reduce_min3A_185 = vector.broadcast %reduce_min3A_184 : i1 to vector<16xi1>
      %reduce_min3A_186 = arith.constant -2147483648 : i32
      %reduce_min3A_187 = vector.broadcast %reduce_min3A_186 : i32 to vector<16xi32>
      %reduce_min3A_188 = arith.xori %select_n3A_183, %reduce_min3A_187 : vector<16xi32>
      %reduce_min3A_189 = tpu.scan <min>, %reduce_min3A_188 masked %reduce_min3A_185 : vector<16xi32>, vector<16xi1> -> vector<16xi32>
      %reduce_min3A_190 = arith.xori %reduce_min3A_189, %reduce_min3A_187 : vector<16xi32>
      %reduce_min3A_191 = vector.extract %reduce_min3A_190[15] : i32 from vector<16xi32>
      %eq3A_192 = arith.constant 0 : i32
      %eq3A_193 = vector.broadcast %eq3A_192 : i32 to vector<16xi32>
      %eq3A_194 = arith.cmpi eq, %iota3A, %eq3A_193 : vector<16xi32>
      %broadcast_in_dim3A_195 = vector.broadcast %reduce_min3A_191 : i32 to vector<16xi32>
      %select_n3A_196 = arith.select %eq3A_194, %broadcast_in_dim3A_195, %broadcast_in_dim3A_162 : vector<16xi1>, vector<16xi32>
      %eq3A_197 = vector.broadcast %reduce_min3A_191 : i32 to vector<16xi32>
      %eq3A_198 = arith.cmpi eq, %scan3A_159#1, %eq3A_197 : vector<16xi32>
      %and3A_199 = arith.andi %eq3A_181, %eq3A_198 : vector<16xi1>
      %jit3A_200 = arith.constant 0x7F800000 : f32
      %broadcast_in_dim3A_201 = vector.broadcast %jit3A_200 : f32 to vector<16xf32>
      %select_n3A_202 = arith.select %and3A_199, %broadcast_in_dim3A_201, %scan3A_159#0 : vector<16xi1>, vector<16xf32>
      %reduce_min3A_203 = arith.constant true
      %reduce_min3A_204 = vector.broadcast %reduce_min3A_203 : i1 to vector<16xi1>
      %reduce_min3A_205 = tpu.scan <min>, %scan3A_159#2 masked %reduce_min3A_204 : vector<16xf32>, vector<16xi1> -> vector<16xf32>
      %reduce_min3A_206 = vector.extract %reduce_min3A_205[15] : f32 from vector<16xf32>
      %eq3A_207 = vector.broadcast %reduce_min3A_206 : f32 to vector<16xf32>
      %eq3A_208 = arith.cmpf oeq, %scan3A_159#2, %eq3A_207 : vector<16xf32>
      %broadcast_in_dim3A_209 = vector.broadcast %scan3A : i32 to vector<16xi32>
      %select_n3A_210 = arith.select %eq3A_208, %scan3A_159#3, %broadcast_in_dim3A_209 : vector<16xi1>, vector<16xi32>
      %reduce_min3A_211 = arith.constant true
      %reduce_min3A_212 = vector.broadcast %reduce_min3A_211 : i1 to vector<16xi1>
      %reduce_min3A_213 = arith.constant -2147483648 : i32
      %reduce_min3A_214 = vector.broadcast %reduce_min3A_213 : i32 to vector<16xi32>
      %reduce_min3A_215 = arith.xori %select_n3A_210, %reduce_min3A_214 : vector<16xi32>
      %reduce_min3A_216 = tpu.scan <min>, %reduce_min3A_215 masked %reduce_min3A_212 : vector<16xi32>, vector<16xi1> -> vector<16xi32>
      %reduce_min3A_217 = arith.xori %reduce_min3A_216, %reduce_min3A_214 : vector<16xi32>
      %reduce_min3A_218 = vector.extract %reduce_min3A_217[15] : i32 from vector<16xi32>
      %eq3A_219 = arith.constant 0 : i32
      %eq3A_220 = vector.broadcast %eq3A_219 : i32 to vector<16xi32>
      %eq3A_221 = arith.cmpi eq, %iota3A, %eq3A_220 : vector<16xi32>
      %broadcast_in_dim3A_222 = vector.broadcast %reduce_min3A_218 : i32 to vector<16xi32>
      %select_n3A_223 = arith.select %eq3A_221, %broadcast_in_dim3A_222, %broadcast_in_dim3A_164 : vector<16xi1>, vector<16xi32>
      %eq3A_224 = vector.broadcast %reduce_min3A_218 : i32 to vector<16xi32>
      %eq3A_225 = arith.cmpi eq, %scan3A_159#3, %eq3A_224 : vector<16xi32>
      %and3A_226 = arith.andi %eq3A_208, %eq3A_225 : vector<16xi1>
      %jit3A_227 = arith.constant 0x7F800000 : f32
      %broadcast_in_dim3A_228 = vector.broadcast %jit3A_227 : f32 to vector<16xf32>
      %select_n3A_229 = arith.select %and3A_226, %broadcast_in_dim3A_228, %scan3A_159#2 : vector<16xi1>, vector<16xf32>
      %reduce_min3A_230 = arith.constant true
      %reduce_min3A_231 = vector.broadcast %reduce_min3A_230 : i1 to vector<16xi1>
      %reduce_min3A_232 = tpu.scan <min>, %scan3A_159#4 masked %reduce_min3A_231 : vector<16xf32>, vector<16xi1> -> vector<16xf32>
      %reduce_min3A_233 = vector.extract %reduce_min3A_232[15] : f32 from vector<16xf32>
      %eq3A_234 = vector.broadcast %reduce_min3A_233 : f32 to vector<16xf32>
      %eq3A_235 = arith.cmpf oeq, %scan3A_159#4, %eq3A_234 : vector<16xf32>
      %broadcast_in_dim3A_236 = vector.broadcast %scan3A : i32 to vector<16xi32>
      %select_n3A_237 = arith.select %eq3A_235, %scan3A_159#5, %broadcast_in_dim3A_236 : vector<16xi1>, vector<16xi32>
      %reduce_min3A_238 = arith.constant true
      %reduce_min3A_239 = vector.broadcast %reduce_min3A_238 : i1 to vector<16xi1>
      %reduce_min3A_240 = arith.constant -2147483648 : i32
      %reduce_min3A_241 = vector.broadcast %reduce_min3A_240 : i32 to vector<16xi32>
      %reduce_min3A_242 = arith.xori %select_n3A_237, %reduce_min3A_241 : vector<16xi32>
      %reduce_min3A_243 = tpu.scan <min>, %reduce_min3A_242 masked %reduce_min3A_239 : vector<16xi32>, vector<16xi1> -> vector<16xi32>
      %reduce_min3A_244 = arith.xori %reduce_min3A_243, %reduce_min3A_241 : vector<16xi32>
      %reduce_min3A_245 = vector.extract %reduce_min3A_244[15] : i32 from vector<16xi32>
      %eq3A_246 = arith.constant 0 : i32
      %eq3A_247 = vector.broadcast %eq3A_246 : i32 to vector<16xi32>
      %eq3A_248 = arith.cmpi eq, %iota3A, %eq3A_247 : vector<16xi32>
      %broadcast_in_dim3A_249 = vector.broadcast %reduce_min3A_245 : i32 to vector<16xi32>
      %select_n3A_250 = arith.select %eq3A_248, %broadcast_in_dim3A_249, %broadcast_in_dim3A_166 : vector<16xi1>, vector<16xi32>
      %eq3A_251 = vector.broadcast %reduce_min3A_245 : i32 to vector<16xi32>
      %eq3A_252 = arith.cmpi eq, %scan3A_159#5, %eq3A_251 : vector<16xi32>
      %and3A_253 = arith.andi %eq3A_235, %eq3A_252 : vector<16xi1>
      %jit3A_254 = arith.constant 0x7F800000 : f32
      %broadcast_in_dim3A_255 = vector.broadcast %jit3A_254 : f32 to vector<16xf32>
      %select_n3A_256 = arith.select %and3A_253, %broadcast_in_dim3A_255, %scan3A_159#4 : vector<16xi1>, vector<16xf32>
      %reduce_min3A_257 = arith.constant true
      %reduce_min3A_258 = vector.broadcast %reduce_min3A_257 : i1 to vector<16xi1>
      %reduce_min3A_259 = tpu.scan <min>, %scan3A_159#6 masked %reduce_min3A_258 : vector<16xf32>, vector<16xi1> -> vector<16xf32>
      %reduce_min3A_260 = vector.extract %reduce_min3A_259[15] : f32 from vector<16xf32>
      %eq3A_261 = vector.broadcast %reduce_min3A_260 : f32 to vector<16xf32>
      %eq3A_262 = arith.cmpf oeq, %scan3A_159#6, %eq3A_261 : vector<16xf32>
      %broadcast_in_dim3A_263 = vector.broadcast %scan3A : i32 to vector<16xi32>
      %select_n3A_264 = arith.select %eq3A_262, %scan3A_159#7, %broadcast_in_dim3A_263 : vector<16xi1>, vector<16xi32>
      %reduce_min3A_265 = arith.constant true
      %reduce_min3A_266 = vector.broadcast %reduce_min3A_265 : i1 to vector<16xi1>
      %reduce_min3A_267 = arith.constant -2147483648 : i32
      %reduce_min3A_268 = vector.broadcast %reduce_min3A_267 : i32 to vector<16xi32>
      %reduce_min3A_269 = arith.xori %select_n3A_264, %reduce_min3A_268 : vector<16xi32>
      %reduce_min3A_270 = tpu.scan <min>, %reduce_min3A_269 masked %reduce_min3A_266 : vector<16xi32>, vector<16xi1> -> vector<16xi32>
      %reduce_min3A_271 = arith.xori %reduce_min3A_270, %reduce_min3A_268 : vector<16xi32>
      %reduce_min3A_272 = vector.extract %reduce_min3A_271[15] : i32 from vector<16xi32>
      %eq3A_273 = arith.constant 0 : i32
      %eq3A_274 = vector.broadcast %eq3A_273 : i32 to vector<16xi32>
      %eq3A_275 = arith.cmpi eq, %iota3A, %eq3A_274 : vector<16xi32>
      %broadcast_in_dim3A_276 = vector.broadcast %reduce_min3A_272 : i32 to vector<16xi32>
      %select_n3A_277 = arith.select %eq3A_275, %broadcast_in_dim3A_276, %broadcast_in_dim3A_168 : vector<16xi1>, vector<16xi32>
      %eq3A_278 = vector.broadcast %reduce_min3A_272 : i32 to vector<16xi32>
      %eq3A_279 = arith.cmpi eq, %scan3A_159#7, %eq3A_278 : vector<16xi32>
      %and3A_280 = arith.andi %eq3A_262, %eq3A_279 : vector<16xi1>
      %jit3A_281 = arith.constant 0x7F800000 : f32
      %broadcast_in_dim3A_282 = vector.broadcast %jit3A_281 : f32 to vector<16xf32>
      %select_n3A_283 = arith.select %and3A_280, %broadcast_in_dim3A_282, %scan3A_159#6 : vector<16xi1>, vector<16xf32>
      %reduce_min3A_284 = arith.constant true
      %reduce_min3A_285 = vector.broadcast %reduce_min3A_284 : i1 to vector<16xi1>
      %reduce_min3A_286 = tpu.scan <min>, %scan3A_159#8 masked %reduce_min3A_285 : vector<16xf32>, vector<16xi1> -> vector<16xf32>
      %reduce_min3A_287 = vector.extract %reduce_min3A_286[15] : f32 from vector<16xf32>
      %eq3A_288 = vector.broadcast %reduce_min3A_287 : f32 to vector<16xf32>
      %eq3A_289 = arith.cmpf oeq, %scan3A_159#8, %eq3A_288 : vector<16xf32>
      %broadcast_in_dim3A_290 = vector.broadcast %scan3A : i32 to vector<16xi32>
      %select_n3A_291 = arith.select %eq3A_289, %scan3A_159#9, %broadcast_in_dim3A_290 : vector<16xi1>, vector<16xi32>
      %reduce_min3A_292 = arith.constant true
      %reduce_min3A_293 = vector.broadcast %reduce_min3A_292 : i1 to vector<16xi1>
      %reduce_min3A_294 = arith.constant -2147483648 : i32
      %reduce_min3A_295 = vector.broadcast %reduce_min3A_294 : i32 to vector<16xi32>
      %reduce_min3A_296 = arith.xori %select_n3A_291, %reduce_min3A_295 : vector<16xi32>
      %reduce_min3A_297 = tpu.scan <min>, %reduce_min3A_296 masked %reduce_min3A_293 : vector<16xi32>, vector<16xi1> -> vector<16xi32>
      %reduce_min3A_298 = arith.xori %reduce_min3A_297, %reduce_min3A_295 : vector<16xi32>
      %reduce_min3A_299 = vector.extract %reduce_min3A_298[15] : i32 from vector<16xi32>
      %eq3A_300 = arith.constant 0 : i32
      %eq3A_301 = vector.broadcast %eq3A_300 : i32 to vector<16xi32>
      %eq3A_302 = arith.cmpi eq, %iota3A, %eq3A_301 : vector<16xi32>
      %broadcast_in_dim3A_303 = vector.broadcast %reduce_min3A_299 : i32 to vector<16xi32>
      %select_n3A_304 = arith.select %eq3A_302, %broadcast_in_dim3A_303, %broadcast_in_dim3A_170 : vector<16xi1>, vector<16xi32>
      %eq3A_305 = vector.broadcast %reduce_min3A_299 : i32 to vector<16xi32>
      %eq3A_306 = arith.cmpi eq, %scan3A_159#9, %eq3A_305 : vector<16xi32>
      %and3A_307 = arith.andi %eq3A_289, %eq3A_306 : vector<16xi1>
      %jit3A_308 = arith.constant 0x7F800000 : f32
      %broadcast_in_dim3A_309 = vector.broadcast %jit3A_308 : f32 to vector<16xf32>
      %select_n3A_310 = arith.select %and3A_307, %broadcast_in_dim3A_309, %scan3A_159#8 : vector<16xi1>, vector<16xf32>
      %reduce_min3A_311 = arith.constant true
      %reduce_min3A_312 = vector.broadcast %reduce_min3A_311 : i1 to vector<16xi1>
      %reduce_min3A_313 = tpu.scan <min>, %scan3A_159#10 masked %reduce_min3A_312 : vector<16xf32>, vector<16xi1> -> vector<16xf32>
      %reduce_min3A_314 = vector.extract %reduce_min3A_313[15] : f32 from vector<16xf32>
      %eq3A_315 = vector.broadcast %reduce_min3A_314 : f32 to vector<16xf32>
      %eq3A_316 = arith.cmpf oeq, %scan3A_159#10, %eq3A_315 : vector<16xf32>
      %broadcast_in_dim3A_317 = vector.broadcast %scan3A : i32 to vector<16xi32>
      %select_n3A_318 = arith.select %eq3A_316, %scan3A_159#11, %broadcast_in_dim3A_317 : vector<16xi1>, vector<16xi32>
      %reduce_min3A_319 = arith.constant true
      %reduce_min3A_320 = vector.broadcast %reduce_min3A_319 : i1 to vector<16xi1>
      %reduce_min3A_321 = arith.constant -2147483648 : i32
      %reduce_min3A_322 = vector.broadcast %reduce_min3A_321 : i32 to vector<16xi32>
      %reduce_min3A_323 = arith.xori %select_n3A_318, %reduce_min3A_322 : vector<16xi32>
      %reduce_min3A_324 = tpu.scan <min>, %reduce_min3A_323 masked %reduce_min3A_320 : vector<16xi32>, vector<16xi1> -> vector<16xi32>
      %reduce_min3A_325 = arith.xori %reduce_min3A_324, %reduce_min3A_322 : vector<16xi32>
      %reduce_min3A_326 = vector.extract %reduce_min3A_325[15] : i32 from vector<16xi32>
      %eq3A_327 = arith.constant 0 : i32
      %eq3A_328 = vector.broadcast %eq3A_327 : i32 to vector<16xi32>
      %eq3A_329 = arith.cmpi eq, %iota3A, %eq3A_328 : vector<16xi32>
      %broadcast_in_dim3A_330 = vector.broadcast %reduce_min3A_326 : i32 to vector<16xi32>
      %select_n3A_331 = arith.select %eq3A_329, %broadcast_in_dim3A_330, %broadcast_in_dim3A_172 : vector<16xi1>, vector<16xi32>
      %eq3A_332 = vector.broadcast %reduce_min3A_326 : i32 to vector<16xi32>
      %eq3A_333 = arith.cmpi eq, %scan3A_159#11, %eq3A_332 : vector<16xi32>
      %and3A_334 = arith.andi %eq3A_316, %eq3A_333 : vector<16xi1>
      %jit3A_335 = arith.constant 0x7F800000 : f32
      %broadcast_in_dim3A_336 = vector.broadcast %jit3A_335 : f32 to vector<16xf32>
      %select_n3A_337 = arith.select %and3A_334, %broadcast_in_dim3A_336, %scan3A_159#10 : vector<16xi1>, vector<16xf32>
      %reduce_min3A_338 = arith.constant true
      %reduce_min3A_339 = vector.broadcast %reduce_min3A_338 : i1 to vector<16xi1>
      %reduce_min3A_340 = tpu.scan <min>, %scan3A_159#12 masked %reduce_min3A_339 : vector<16xf32>, vector<16xi1> -> vector<16xf32>
      %reduce_min3A_341 = vector.extract %reduce_min3A_340[15] : f32 from vector<16xf32>
      %eq3A_342 = vector.broadcast %reduce_min3A_341 : f32 to vector<16xf32>
      %eq3A_343 = arith.cmpf oeq, %scan3A_159#12, %eq3A_342 : vector<16xf32>
      %broadcast_in_dim3A_344 = vector.broadcast %scan3A : i32 to vector<16xi32>
      %select_n3A_345 = arith.select %eq3A_343, %scan3A_159#13, %broadcast_in_dim3A_344 : vector<16xi1>, vector<16xi32>
      %reduce_min3A_346 = arith.constant true
      %reduce_min3A_347 = vector.broadcast %reduce_min3A_346 : i1 to vector<16xi1>
      %reduce_min3A_348 = arith.constant -2147483648 : i32
      %reduce_min3A_349 = vector.broadcast %reduce_min3A_348 : i32 to vector<16xi32>
      %reduce_min3A_350 = arith.xori %select_n3A_345, %reduce_min3A_349 : vector<16xi32>
      %reduce_min3A_351 = tpu.scan <min>, %reduce_min3A_350 masked %reduce_min3A_347 : vector<16xi32>, vector<16xi1> -> vector<16xi32>
      %reduce_min3A_352 = arith.xori %reduce_min3A_351, %reduce_min3A_349 : vector<16xi32>
      %reduce_min3A_353 = vector.extract %reduce_min3A_352[15] : i32 from vector<16xi32>
      %eq3A_354 = arith.constant 0 : i32
      %eq3A_355 = vector.broadcast %eq3A_354 : i32 to vector<16xi32>
      %eq3A_356 = arith.cmpi eq, %iota3A, %eq3A_355 : vector<16xi32>
      %broadcast_in_dim3A_357 = vector.broadcast %reduce_min3A_353 : i32 to vector<16xi32>
      %select_n3A_358 = arith.select %eq3A_356, %broadcast_in_dim3A_357, %broadcast_in_dim3A_174 : vector<16xi1>, vector<16xi32>
      %eq3A_359 = vector.broadcast %reduce_min3A_353 : i32 to vector<16xi32>
      %eq3A_360 = arith.cmpi eq, %scan3A_159#13, %eq3A_359 : vector<16xi32>
      %and3A_361 = arith.andi %eq3A_343, %eq3A_360 : vector<16xi1>
      %jit3A_362 = arith.constant 0x7F800000 : f32
      %broadcast_in_dim3A_363 = vector.broadcast %jit3A_362 : f32 to vector<16xf32>
      %select_n3A_364 = arith.select %and3A_361, %broadcast_in_dim3A_363, %scan3A_159#12 : vector<16xi1>, vector<16xf32>
      %reduce_min3A_365 = arith.constant true
      %reduce_min3A_366 = vector.broadcast %reduce_min3A_365 : i1 to vector<16xi1>
      %reduce_min3A_367 = tpu.scan <min>, %scan3A_159#14 masked %reduce_min3A_366 : vector<16xf32>, vector<16xi1> -> vector<16xf32>
      %reduce_min3A_368 = vector.extract %reduce_min3A_367[15] : f32 from vector<16xf32>
      %eq3A_369 = vector.broadcast %reduce_min3A_368 : f32 to vector<16xf32>
      %eq3A_370 = arith.cmpf oeq, %scan3A_159#14, %eq3A_369 : vector<16xf32>
      %broadcast_in_dim3A_371 = vector.broadcast %scan3A : i32 to vector<16xi32>
      %select_n3A_372 = arith.select %eq3A_370, %scan3A_159#15, %broadcast_in_dim3A_371 : vector<16xi1>, vector<16xi32>
      %reduce_min3A_373 = arith.constant true
      %reduce_min3A_374 = vector.broadcast %reduce_min3A_373 : i1 to vector<16xi1>
      %reduce_min3A_375 = arith.constant -2147483648 : i32
      %reduce_min3A_376 = vector.broadcast %reduce_min3A_375 : i32 to vector<16xi32>
      %reduce_min3A_377 = arith.xori %select_n3A_372, %reduce_min3A_376 : vector<16xi32>
      %reduce_min3A_378 = tpu.scan <min>, %reduce_min3A_377 masked %reduce_min3A_374 : vector<16xi32>, vector<16xi1> -> vector<16xi32>
      %reduce_min3A_379 = arith.xori %reduce_min3A_378, %reduce_min3A_376 : vector<16xi32>
      %reduce_min3A_380 = vector.extract %reduce_min3A_379[15] : i32 from vector<16xi32>
      %eq3A_381 = arith.constant 0 : i32
      %eq3A_382 = vector.broadcast %eq3A_381 : i32 to vector<16xi32>
      %eq3A_383 = arith.cmpi eq, %iota3A, %eq3A_382 : vector<16xi32>
      %broadcast_in_dim3A_384 = vector.broadcast %reduce_min3A_380 : i32 to vector<16xi32>
      %select_n3A_385 = arith.select %eq3A_383, %broadcast_in_dim3A_384, %broadcast_in_dim3A_176 : vector<16xi1>, vector<16xi32>
      %eq3A_386 = vector.broadcast %reduce_min3A_380 : i32 to vector<16xi32>
      %eq3A_387 = arith.cmpi eq, %scan3A_159#15, %eq3A_386 : vector<16xi32>
      %and3A_388 = arith.andi %eq3A_370, %eq3A_387 : vector<16xi1>
      %jit3A_389 = arith.constant 0x7F800000 : f32
      %broadcast_in_dim3A_390 = vector.broadcast %jit3A_389 : f32 to vector<16xf32>
      %select_n3A_391 = arith.select %and3A_388, %broadcast_in_dim3A_390, %scan3A_159#14 : vector<16xi1>, vector<16xf32>
      %reduce_min3A_392 = arith.constant true
      %reduce_min3A_393 = vector.broadcast %reduce_min3A_392 : i1 to vector<16xi1>
      %reduce_min3A_394 = tpu.scan <min>, %select_n3A_202 masked %reduce_min3A_393 : vector<16xf32>, vector<16xi1> -> vector<16xf32>
      %reduce_min3A_395 = vector.extract %reduce_min3A_394[15] : f32 from vector<16xf32>
      %eq3A_396 = vector.broadcast %reduce_min3A_395 : f32 to vector<16xf32>
      %eq3A_397 = arith.cmpf oeq, %select_n3A_202, %eq3A_396 : vector<16xf32>
      %broadcast_in_dim3A_398 = vector.broadcast %scan3A : i32 to vector<16xi32>
      %select_n3A_399 = arith.select %eq3A_397, %scan3A_159#1, %broadcast_in_dim3A_398 : vector<16xi1>, vector<16xi32>
      %reduce_min3A_400 = arith.constant true
      %reduce_min3A_401 = vector.broadcast %reduce_min3A_400 : i1 to vector<16xi1>
      %reduce_min3A_402 = arith.constant -2147483648 : i32
      %reduce_min3A_403 = vector.broadcast %reduce_min3A_402 : i32 to vector<16xi32>
      %reduce_min3A_404 = arith.xori %select_n3A_399, %reduce_min3A_403 : vector<16xi32>
      %reduce_min3A_405 = tpu.scan <min>, %reduce_min3A_404 masked %reduce_min3A_401 : vector<16xi32>, vector<16xi1> -> vector<16xi32>
      %reduce_min3A_406 = arith.xori %reduce_min3A_405, %reduce_min3A_403 : vector<16xi32>
      %reduce_min3A_407 = vector.extract %reduce_min3A_406[15] : i32 from vector<16xi32>
      %eq3A_408 = arith.constant 1 : i32
      %eq3A_409 = vector.broadcast %eq3A_408 : i32 to vector<16xi32>
      %eq3A_410 = arith.cmpi eq, %iota3A, %eq3A_409 : vector<16xi32>
      %broadcast_in_dim3A_411 = vector.broadcast %reduce_min3A_407 : i32 to vector<16xi32>
      %select_n3A_412 = arith.select %eq3A_410, %broadcast_in_dim3A_411, %select_n3A_196 : vector<16xi1>, vector<16xi32>
      %eq3A_413 = vector.broadcast %reduce_min3A_407 : i32 to vector<16xi32>
      %eq3A_414 = arith.cmpi eq, %scan3A_159#1, %eq3A_413 : vector<16xi32>
      %and3A_415 = arith.andi %eq3A_397, %eq3A_414 : vector<16xi1>
      %jit3A_416 = arith.constant 0x7F800000 : f32
      %broadcast_in_dim3A_417 = vector.broadcast %jit3A_416 : f32 to vector<16xf32>
      %select_n3A_418 = arith.select %and3A_415, %broadcast_in_dim3A_417, %select_n3A_202 : vector<16xi1>, vector<16xf32>
      %reduce_min3A_419 = arith.constant true
      %reduce_min3A_420 = vector.broadcast %reduce_min3A_419 : i1 to vector<16xi1>
      %reduce_min3A_421 = tpu.scan <min>, %select_n3A_229 masked %reduce_min3A_420 : vector<16xf32>, vector<16xi1> -> vector<16xf32>
      %reduce_min3A_422 = vector.extract %reduce_min3A_421[15] : f32 from vector<16xf32>
      %eq3A_423 = vector.broadcast %reduce_min3A_422 : f32 to vector<16xf32>
      %eq3A_424 = arith.cmpf oeq, %select_n3A_229, %eq3A_423 : vector<16xf32>
      %broadcast_in_dim3A_425 = vector.broadcast %scan3A : i32 to vector<16xi32>
      %select_n3A_426 = arith.select %eq3A_424, %scan3A_159#3, %broadcast_in_dim3A_425 : vector<16xi1>, vector<16xi32>
      %reduce_min3A_427 = arith.constant true
      %reduce_min3A_428 = vector.broadcast %reduce_min3A_427 : i1 to vector<16xi1>
      %reduce_min3A_429 = arith.constant -2147483648 : i32
      %reduce_min3A_430 = vector.broadcast %reduce_min3A_429 : i32 to vector<16xi32>
      %reduce_min3A_431 = arith.xori %select_n3A_426, %reduce_min3A_430 : vector<16xi32>
      %reduce_min3A_432 = tpu.scan <min>, %reduce_min3A_431 masked %reduce_min3A_428 : vector<16xi32>, vector<16xi1> -> vector<16xi32>
      %reduce_min3A_433 = arith.xori %reduce_min3A_432, %reduce_min3A_430 : vector<16xi32>
      %reduce_min3A_434 = vector.extract %reduce_min3A_433[15] : i32 from vector<16xi32>
      %eq3A_435 = arith.constant 1 : i32
      %eq3A_436 = vector.broadcast %eq3A_435 : i32 to vector<16xi32>
      %eq3A_437 = arith.cmpi eq, %iota3A, %eq3A_436 : vector<16xi32>
      %broadcast_in_dim3A_438 = vector.broadcast %reduce_min3A_434 : i32 to vector<16xi32>
      %select_n3A_439 = arith.select %eq3A_437, %broadcast_in_dim3A_438, %select_n3A_223 : vector<16xi1>, vector<16xi32>
      %eq3A_440 = vector.broadcast %reduce_min3A_434 : i32 to vector<16xi32>
      %eq3A_441 = arith.cmpi eq, %scan3A_159#3, %eq3A_440 : vector<16xi32>
      %and3A_442 = arith.andi %eq3A_424, %eq3A_441 : vector<16xi1>
      %jit3A_443 = arith.constant 0x7F800000 : f32
      %broadcast_in_dim3A_444 = vector.broadcast %jit3A_443 : f32 to vector<16xf32>
      %select_n3A_445 = arith.select %and3A_442, %broadcast_in_dim3A_444, %select_n3A_229 : vector<16xi1>, vector<16xf32>
      %reduce_min3A_446 = arith.constant true
      %reduce_min3A_447 = vector.broadcast %reduce_min3A_446 : i1 to vector<16xi1>
      %reduce_min3A_448 = tpu.scan <min>, %select_n3A_256 masked %reduce_min3A_447 : vector<16xf32>, vector<16xi1> -> vector<16xf32>
      %reduce_min3A_449 = vector.extract %reduce_min3A_448[15] : f32 from vector<16xf32>
      %eq3A_450 = vector.broadcast %reduce_min3A_449 : f32 to vector<16xf32>
      %eq3A_451 = arith.cmpf oeq, %select_n3A_256, %eq3A_450 : vector<16xf32>
      %broadcast_in_dim3A_452 = vector.broadcast %scan3A : i32 to vector<16xi32>
      %select_n3A_453 = arith.select %eq3A_451, %scan3A_159#5, %broadcast_in_dim3A_452 : vector<16xi1>, vector<16xi32>
      %reduce_min3A_454 = arith.constant true
      %reduce_min3A_455 = vector.broadcast %reduce_min3A_454 : i1 to vector<16xi1>
      %reduce_min3A_456 = arith.constant -2147483648 : i32
      %reduce_min3A_457 = vector.broadcast %reduce_min3A_456 : i32 to vector<16xi32>
      %reduce_min3A_458 = arith.xori %select_n3A_453, %reduce_min3A_457 : vector<16xi32>
      %reduce_min3A_459 = tpu.scan <min>, %reduce_min3A_458 masked %reduce_min3A_455 : vector<16xi32>, vector<16xi1> -> vector<16xi32>
      %reduce_min3A_460 = arith.xori %reduce_min3A_459, %reduce_min3A_457 : vector<16xi32>
      %reduce_min3A_461 = vector.extract %reduce_min3A_460[15] : i32 from vector<16xi32>
      %eq3A_462 = arith.constant 1 : i32
      %eq3A_463 = vector.broadcast %eq3A_462 : i32 to vector<16xi32>
      %eq3A_464 = arith.cmpi eq, %iota3A, %eq3A_463 : vector<16xi32>
      %broadcast_in_dim3A_465 = vector.broadcast %reduce_min3A_461 : i32 to vector<16xi32>
      %select_n3A_466 = arith.select %eq3A_464, %broadcast_in_dim3A_465, %select_n3A_250 : vector<16xi1>, vector<16xi32>
      %eq3A_467 = vector.broadcast %reduce_min3A_461 : i32 to vector<16xi32>
      %eq3A_468 = arith.cmpi eq, %scan3A_159#5, %eq3A_467 : vector<16xi32>
      %and3A_469 = arith.andi %eq3A_451, %eq3A_468 : vector<16xi1>
      %jit3A_470 = arith.constant 0x7F800000 : f32
      %broadcast_in_dim3A_471 = vector.broadcast %jit3A_470 : f32 to vector<16xf32>
      %select_n3A_472 = arith.select %and3A_469, %broadcast_in_dim3A_471, %select_n3A_256 : vector<16xi1>, vector<16xf32>
      %reduce_min3A_473 = arith.constant true
      %reduce_min3A_474 = vector.broadcast %reduce_min3A_473 : i1 to vector<16xi1>
      %reduce_min3A_475 = tpu.scan <min>, %select_n3A_283 masked %reduce_min3A_474 : vector<16xf32>, vector<16xi1> -> vector<16xf32>
      %reduce_min3A_476 = vector.extract %reduce_min3A_475[15] : f32 from vector<16xf32>
      %eq3A_477 = vector.broadcast %reduce_min3A_476 : f32 to vector<16xf32>
      %eq3A_478 = arith.cmpf oeq, %select_n3A_283, %eq3A_477 : vector<16xf32>
      %broadcast_in_dim3A_479 = vector.broadcast %scan3A : i32 to vector<16xi32>
      %select_n3A_480 = arith.select %eq3A_478, %scan3A_159#7, %broadcast_in_dim3A_479 : vector<16xi1>, vector<16xi32>
      %reduce_min3A_481 = arith.constant true
      %reduce_min3A_482 = vector.broadcast %reduce_min3A_481 : i1 to vector<16xi1>
      %reduce_min3A_483 = arith.constant -2147483648 : i32
      %reduce_min3A_484 = vector.broadcast %reduce_min3A_483 : i32 to vector<16xi32>
      %reduce_min3A_485 = arith.xori %select_n3A_480, %reduce_min3A_484 : vector<16xi32>
      %reduce_min3A_486 = tpu.scan <min>, %reduce_min3A_485 masked %reduce_min3A_482 : vector<16xi32>, vector<16xi1> -> vector<16xi32>
      %reduce_min3A_487 = arith.xori %reduce_min3A_486, %reduce_min3A_484 : vector<16xi32>
      %reduce_min3A_488 = vector.extract %reduce_min3A_487[15] : i32 from vector<16xi32>
      %eq3A_489 = arith.constant 1 : i32
      %eq3A_490 = vector.broadcast %eq3A_489 : i32 to vector<16xi32>
      %eq3A_491 = arith.cmpi eq, %iota3A, %eq3A_490 : vector<16xi32>
      %broadcast_in_dim3A_492 = vector.broadcast %reduce_min3A_488 : i32 to vector<16xi32>
      %select_n3A_493 = arith.select %eq3A_491, %broadcast_in_dim3A_492, %select_n3A_277 : vector<16xi1>, vector<16xi32>
      %eq3A_494 = vector.broadcast %reduce_min3A_488 : i32 to vector<16xi32>
      %eq3A_495 = arith.cmpi eq, %scan3A_159#7, %eq3A_494 : vector<16xi32>
      %and3A_496 = arith.andi %eq3A_478, %eq3A_495 : vector<16xi1>
      %jit3A_497 = arith.constant 0x7F800000 : f32
      %broadcast_in_dim3A_498 = vector.broadcast %jit3A_497 : f32 to vector<16xf32>
      %select_n3A_499 = arith.select %and3A_496, %broadcast_in_dim3A_498, %select_n3A_283 : vector<16xi1>, vector<16xf32>
      %reduce_min3A_500 = arith.constant true
      %reduce_min3A_501 = vector.broadcast %reduce_min3A_500 : i1 to vector<16xi1>
      %reduce_min3A_502 = tpu.scan <min>, %select_n3A_310 masked %reduce_min3A_501 : vector<16xf32>, vector<16xi1> -> vector<16xf32>
      %reduce_min3A_503 = vector.extract %reduce_min3A_502[15] : f32 from vector<16xf32>
      %eq3A_504 = vector.broadcast %reduce_min3A_503 : f32 to vector<16xf32>
      %eq3A_505 = arith.cmpf oeq, %select_n3A_310, %eq3A_504 : vector<16xf32>
      %broadcast_in_dim3A_506 = vector.broadcast %scan3A : i32 to vector<16xi32>
      %select_n3A_507 = arith.select %eq3A_505, %scan3A_159#9, %broadcast_in_dim3A_506 : vector<16xi1>, vector<16xi32>
      %reduce_min3A_508 = arith.constant true
      %reduce_min3A_509 = vector.broadcast %reduce_min3A_508 : i1 to vector<16xi1>
      %reduce_min3A_510 = arith.constant -2147483648 : i32
      %reduce_min3A_511 = vector.broadcast %reduce_min3A_510 : i32 to vector<16xi32>
      %reduce_min3A_512 = arith.xori %select_n3A_507, %reduce_min3A_511 : vector<16xi32>
      %reduce_min3A_513 = tpu.scan <min>, %reduce_min3A_512 masked %reduce_min3A_509 : vector<16xi32>, vector<16xi1> -> vector<16xi32>
      %reduce_min3A_514 = arith.xori %reduce_min3A_513, %reduce_min3A_511 : vector<16xi32>
      %reduce_min3A_515 = vector.extract %reduce_min3A_514[15] : i32 from vector<16xi32>
      %eq3A_516 = arith.constant 1 : i32
      %eq3A_517 = vector.broadcast %eq3A_516 : i32 to vector<16xi32>
      %eq3A_518 = arith.cmpi eq, %iota3A, %eq3A_517 : vector<16xi32>
      %broadcast_in_dim3A_519 = vector.broadcast %reduce_min3A_515 : i32 to vector<16xi32>
      %select_n3A_520 = arith.select %eq3A_518, %broadcast_in_dim3A_519, %select_n3A_304 : vector<16xi1>, vector<16xi32>
      %eq3A_521 = vector.broadcast %reduce_min3A_515 : i32 to vector<16xi32>
      %eq3A_522 = arith.cmpi eq, %scan3A_159#9, %eq3A_521 : vector<16xi32>
      %and3A_523 = arith.andi %eq3A_505, %eq3A_522 : vector<16xi1>
      %jit3A_524 = arith.constant 0x7F800000 : f32
      %broadcast_in_dim3A_525 = vector.broadcast %jit3A_524 : f32 to vector<16xf32>
      %select_n3A_526 = arith.select %and3A_523, %broadcast_in_dim3A_525, %select_n3A_310 : vector<16xi1>, vector<16xf32>
      %reduce_min3A_527 = arith.constant true
      %reduce_min3A_528 = vector.broadcast %reduce_min3A_527 : i1 to vector<16xi1>
      %reduce_min3A_529 = tpu.scan <min>, %select_n3A_337 masked %reduce_min3A_528 : vector<16xf32>, vector<16xi1> -> vector<16xf32>
      %reduce_min3A_530 = vector.extract %reduce_min3A_529[15] : f32 from vector<16xf32>
      %eq3A_531 = vector.broadcast %reduce_min3A_530 : f32 to vector<16xf32>
      %eq3A_532 = arith.cmpf oeq, %select_n3A_337, %eq3A_531 : vector<16xf32>
      %broadcast_in_dim3A_533 = vector.broadcast %scan3A : i32 to vector<16xi32>
      %select_n3A_534 = arith.select %eq3A_532, %scan3A_159#11, %broadcast_in_dim3A_533 : vector<16xi1>, vector<16xi32>
      %reduce_min3A_535 = arith.constant true
      %reduce_min3A_536 = vector.broadcast %reduce_min3A_535 : i1 to vector<16xi1>
      %reduce_min3A_537 = arith.constant -2147483648 : i32
      %reduce_min3A_538 = vector.broadcast %reduce_min3A_537 : i32 to vector<16xi32>
      %reduce_min3A_539 = arith.xori %select_n3A_534, %reduce_min3A_538 : vector<16xi32>
      %reduce_min3A_540 = tpu.scan <min>, %reduce_min3A_539 masked %reduce_min3A_536 : vector<16xi32>, vector<16xi1> -> vector<16xi32>
      %reduce_min3A_541 = arith.xori %reduce_min3A_540, %reduce_min3A_538 : vector<16xi32>
      %reduce_min3A_542 = vector.extract %reduce_min3A_541[15] : i32 from vector<16xi32>
      %eq3A_543 = arith.constant 1 : i32
      %eq3A_544 = vector.broadcast %eq3A_543 : i32 to vector<16xi32>
      %eq3A_545 = arith.cmpi eq, %iota3A, %eq3A_544 : vector<16xi32>
      %broadcast_in_dim3A_546 = vector.broadcast %reduce_min3A_542 : i32 to vector<16xi32>
      %select_n3A_547 = arith.select %eq3A_545, %broadcast_in_dim3A_546, %select_n3A_331 : vector<16xi1>, vector<16xi32>
      %eq3A_548 = vector.broadcast %reduce_min3A_542 : i32 to vector<16xi32>
      %eq3A_549 = arith.cmpi eq, %scan3A_159#11, %eq3A_548 : vector<16xi32>
      %and3A_550 = arith.andi %eq3A_532, %eq3A_549 : vector<16xi1>
      %jit3A_551 = arith.constant 0x7F800000 : f32
      %broadcast_in_dim3A_552 = vector.broadcast %jit3A_551 : f32 to vector<16xf32>
      %select_n3A_553 = arith.select %and3A_550, %broadcast_in_dim3A_552, %select_n3A_337 : vector<16xi1>, vector<16xf32>
      %reduce_min3A_554 = arith.constant true
      %reduce_min3A_555 = vector.broadcast %reduce_min3A_554 : i1 to vector<16xi1>
      %reduce_min3A_556 = tpu.scan <min>, %select_n3A_364 masked %reduce_min3A_555 : vector<16xf32>, vector<16xi1> -> vector<16xf32>
      %reduce_min3A_557 = vector.extract %reduce_min3A_556[15] : f32 from vector<16xf32>
      %eq3A_558 = vector.broadcast %reduce_min3A_557 : f32 to vector<16xf32>
      %eq3A_559 = arith.cmpf oeq, %select_n3A_364, %eq3A_558 : vector<16xf32>
      %broadcast_in_dim3A_560 = vector.broadcast %scan3A : i32 to vector<16xi32>
      %select_n3A_561 = arith.select %eq3A_559, %scan3A_159#13, %broadcast_in_dim3A_560 : vector<16xi1>, vector<16xi32>
      %reduce_min3A_562 = arith.constant true
      %reduce_min3A_563 = vector.broadcast %reduce_min3A_562 : i1 to vector<16xi1>
      %reduce_min3A_564 = arith.constant -2147483648 : i32
      %reduce_min3A_565 = vector.broadcast %reduce_min3A_564 : i32 to vector<16xi32>
      %reduce_min3A_566 = arith.xori %select_n3A_561, %reduce_min3A_565 : vector<16xi32>
      %reduce_min3A_567 = tpu.scan <min>, %reduce_min3A_566 masked %reduce_min3A_563 : vector<16xi32>, vector<16xi1> -> vector<16xi32>
      %reduce_min3A_568 = arith.xori %reduce_min3A_567, %reduce_min3A_565 : vector<16xi32>
      %reduce_min3A_569 = vector.extract %reduce_min3A_568[15] : i32 from vector<16xi32>
      %eq3A_570 = arith.constant 1 : i32
      %eq3A_571 = vector.broadcast %eq3A_570 : i32 to vector<16xi32>
      %eq3A_572 = arith.cmpi eq, %iota3A, %eq3A_571 : vector<16xi32>
      %broadcast_in_dim3A_573 = vector.broadcast %reduce_min3A_569 : i32 to vector<16xi32>
      %select_n3A_574 = arith.select %eq3A_572, %broadcast_in_dim3A_573, %select_n3A_358 : vector<16xi1>, vector<16xi32>
      %eq3A_575 = vector.broadcast %reduce_min3A_569 : i32 to vector<16xi32>
      %eq3A_576 = arith.cmpi eq, %scan3A_159#13, %eq3A_575 : vector<16xi32>
      %and3A_577 = arith.andi %eq3A_559, %eq3A_576 : vector<16xi1>
      %jit3A_578 = arith.constant 0x7F800000 : f32
      %broadcast_in_dim3A_579 = vector.broadcast %jit3A_578 : f32 to vector<16xf32>
      %select_n3A_580 = arith.select %and3A_577, %broadcast_in_dim3A_579, %select_n3A_364 : vector<16xi1>, vector<16xf32>
      %reduce_min3A_581 = arith.constant true
      %reduce_min3A_582 = vector.broadcast %reduce_min3A_581 : i1 to vector<16xi1>
      %reduce_min3A_583 = tpu.scan <min>, %select_n3A_391 masked %reduce_min3A_582 : vector<16xf32>, vector<16xi1> -> vector<16xf32>
      %reduce_min3A_584 = vector.extract %reduce_min3A_583[15] : f32 from vector<16xf32>
      %eq3A_585 = vector.broadcast %reduce_min3A_584 : f32 to vector<16xf32>
      %eq3A_586 = arith.cmpf oeq, %select_n3A_391, %eq3A_585 : vector<16xf32>
      %broadcast_in_dim3A_587 = vector.broadcast %scan3A : i32 to vector<16xi32>
      %select_n3A_588 = arith.select %eq3A_586, %scan3A_159#15, %broadcast_in_dim3A_587 : vector<16xi1>, vector<16xi32>
      %reduce_min3A_589 = arith.constant true
      %reduce_min3A_590 = vector.broadcast %reduce_min3A_589 : i1 to vector<16xi1>
      %reduce_min3A_591 = arith.constant -2147483648 : i32
      %reduce_min3A_592 = vector.broadcast %reduce_min3A_591 : i32 to vector<16xi32>
      %reduce_min3A_593 = arith.xori %select_n3A_588, %reduce_min3A_592 : vector<16xi32>
      %reduce_min3A_594 = tpu.scan <min>, %reduce_min3A_593 masked %reduce_min3A_590 : vector<16xi32>, vector<16xi1> -> vector<16xi32>
      %reduce_min3A_595 = arith.xori %reduce_min3A_594, %reduce_min3A_592 : vector<16xi32>
      %reduce_min3A_596 = vector.extract %reduce_min3A_595[15] : i32 from vector<16xi32>
      %eq3A_597 = arith.constant 1 : i32
      %eq3A_598 = vector.broadcast %eq3A_597 : i32 to vector<16xi32>
      %eq3A_599 = arith.cmpi eq, %iota3A, %eq3A_598 : vector<16xi32>
      %broadcast_in_dim3A_600 = vector.broadcast %reduce_min3A_596 : i32 to vector<16xi32>
      %select_n3A_601 = arith.select %eq3A_599, %broadcast_in_dim3A_600, %select_n3A_385 : vector<16xi1>, vector<16xi32>
      %eq3A_602 = vector.broadcast %reduce_min3A_596 : i32 to vector<16xi32>
      %eq3A_603 = arith.cmpi eq, %scan3A_159#15, %eq3A_602 : vector<16xi32>
      %and3A_604 = arith.andi %eq3A_586, %eq3A_603 : vector<16xi1>
      %jit3A_605 = arith.constant 0x7F800000 : f32
      %broadcast_in_dim3A_606 = vector.broadcast %jit3A_605 : f32 to vector<16xf32>
      %select_n3A_607 = arith.select %and3A_604, %broadcast_in_dim3A_606, %select_n3A_391 : vector<16xi1>, vector<16xf32>
      %reduce_min3A_608 = arith.constant true
      %reduce_min3A_609 = vector.broadcast %reduce_min3A_608 : i1 to vector<16xi1>
      %reduce_min3A_610 = tpu.scan <min>, %select_n3A_418 masked %reduce_min3A_609 : vector<16xf32>, vector<16xi1> -> vector<16xf32>
      %reduce_min3A_611 = vector.extract %reduce_min3A_610[15] : f32 from vector<16xf32>
      %eq3A_612 = vector.broadcast %reduce_min3A_611 : f32 to vector<16xf32>
      %eq3A_613 = arith.cmpf oeq, %select_n3A_418, %eq3A_612 : vector<16xf32>
      %broadcast_in_dim3A_614 = vector.broadcast %scan3A : i32 to vector<16xi32>
      %select_n3A_615 = arith.select %eq3A_613, %scan3A_159#1, %broadcast_in_dim3A_614 : vector<16xi1>, vector<16xi32>
      %reduce_min3A_616 = arith.constant true
      %reduce_min3A_617 = vector.broadcast %reduce_min3A_616 : i1 to vector<16xi1>
      %reduce_min3A_618 = arith.constant -2147483648 : i32
      %reduce_min3A_619 = vector.broadcast %reduce_min3A_618 : i32 to vector<16xi32>
      %reduce_min3A_620 = arith.xori %select_n3A_615, %reduce_min3A_619 : vector<16xi32>
      %reduce_min3A_621 = tpu.scan <min>, %reduce_min3A_620 masked %reduce_min3A_617 : vector<16xi32>, vector<16xi1> -> vector<16xi32>
      %reduce_min3A_622 = arith.xori %reduce_min3A_621, %reduce_min3A_619 : vector<16xi32>
      %reduce_min3A_623 = vector.extract %reduce_min3A_622[15] : i32 from vector<16xi32>
      %eq3A_624 = arith.constant 2 : i32
      %eq3A_625 = vector.broadcast %eq3A_624 : i32 to vector<16xi32>
      %eq3A_626 = arith.cmpi eq, %iota3A, %eq3A_625 : vector<16xi32>
      %broadcast_in_dim3A_627 = vector.broadcast %reduce_min3A_623 : i32 to vector<16xi32>
      %select_n3A_628 = arith.select %eq3A_626, %broadcast_in_dim3A_627, %select_n3A_412 : vector<16xi1>, vector<16xi32>
      %eq3A_629 = vector.broadcast %reduce_min3A_623 : i32 to vector<16xi32>
      %eq3A_630 = arith.cmpi eq, %scan3A_159#1, %eq3A_629 : vector<16xi32>
      %and3A_631 = arith.andi %eq3A_613, %eq3A_630 : vector<16xi1>
      %jit3A_632 = arith.constant 0x7F800000 : f32
      %broadcast_in_dim3A_633 = vector.broadcast %jit3A_632 : f32 to vector<16xf32>
      %select_n3A_634 = arith.select %and3A_631, %broadcast_in_dim3A_633, %select_n3A_418 : vector<16xi1>, vector<16xf32>
      %reduce_min3A_635 = arith.constant true
      %reduce_min3A_636 = vector.broadcast %reduce_min3A_635 : i1 to vector<16xi1>
      %reduce_min3A_637 = tpu.scan <min>, %select_n3A_445 masked %reduce_min3A_636 : vector<16xf32>, vector<16xi1> -> vector<16xf32>
      %reduce_min3A_638 = vector.extract %reduce_min3A_637[15] : f32 from vector<16xf32>
      %eq3A_639 = vector.broadcast %reduce_min3A_638 : f32 to vector<16xf32>
      %eq3A_640 = arith.cmpf oeq, %select_n3A_445, %eq3A_639 : vector<16xf32>
      %broadcast_in_dim3A_641 = vector.broadcast %scan3A : i32 to vector<16xi32>
      %select_n3A_642 = arith.select %eq3A_640, %scan3A_159#3, %broadcast_in_dim3A_641 : vector<16xi1>, vector<16xi32>
      %reduce_min3A_643 = arith.constant true
      %reduce_min3A_644 = vector.broadcast %reduce_min3A_643 : i1 to vector<16xi1>
      %reduce_min3A_645 = arith.constant -2147483648 : i32
      %reduce_min3A_646 = vector.broadcast %reduce_min3A_645 : i32 to vector<16xi32>
      %reduce_min3A_647 = arith.xori %select_n3A_642, %reduce_min3A_646 : vector<16xi32>
      %reduce_min3A_648 = tpu.scan <min>, %reduce_min3A_647 masked %reduce_min3A_644 : vector<16xi32>, vector<16xi1> -> vector<16xi32>
      %reduce_min3A_649 = arith.xori %reduce_min3A_648, %reduce_min3A_646 : vector<16xi32>
      %reduce_min3A_650 = vector.extract %reduce_min3A_649[15] : i32 from vector<16xi32>
      %eq3A_651 = arith.constant 2 : i32
      %eq3A_652 = vector.broadcast %eq3A_651 : i32 to vector<16xi32>
      %eq3A_653 = arith.cmpi eq, %iota3A, %eq3A_652 : vector<16xi32>
      %broadcast_in_dim3A_654 = vector.broadcast %reduce_min3A_650 : i32 to vector<16xi32>
      %select_n3A_655 = arith.select %eq3A_653, %broadcast_in_dim3A_654, %select_n3A_439 : vector<16xi1>, vector<16xi32>
      %eq3A_656 = vector.broadcast %reduce_min3A_650 : i32 to vector<16xi32>
      %eq3A_657 = arith.cmpi eq, %scan3A_159#3, %eq3A_656 : vector<16xi32>
      %and3A_658 = arith.andi %eq3A_640, %eq3A_657 : vector<16xi1>
      %jit3A_659 = arith.constant 0x7F800000 : f32
      %broadcast_in_dim3A_660 = vector.broadcast %jit3A_659 : f32 to vector<16xf32>
      %select_n3A_661 = arith.select %and3A_658, %broadcast_in_dim3A_660, %select_n3A_445 : vector<16xi1>, vector<16xf32>
      %reduce_min3A_662 = arith.constant true
      %reduce_min3A_663 = vector.broadcast %reduce_min3A_662 : i1 to vector<16xi1>
      %reduce_min3A_664 = tpu.scan <min>, %select_n3A_472 masked %reduce_min3A_663 : vector<16xf32>, vector<16xi1> -> vector<16xf32>
      %reduce_min3A_665 = vector.extract %reduce_min3A_664[15] : f32 from vector<16xf32>
      %eq3A_666 = vector.broadcast %reduce_min3A_665 : f32 to vector<16xf32>
      %eq3A_667 = arith.cmpf oeq, %select_n3A_472, %eq3A_666 : vector<16xf32>
      %broadcast_in_dim3A_668 = vector.broadcast %scan3A : i32 to vector<16xi32>
      %select_n3A_669 = arith.select %eq3A_667, %scan3A_159#5, %broadcast_in_dim3A_668 : vector<16xi1>, vector<16xi32>
      %reduce_min3A_670 = arith.constant true
      %reduce_min3A_671 = vector.broadcast %reduce_min3A_670 : i1 to vector<16xi1>
      %reduce_min3A_672 = arith.constant -2147483648 : i32
      %reduce_min3A_673 = vector.broadcast %reduce_min3A_672 : i32 to vector<16xi32>
      %reduce_min3A_674 = arith.xori %select_n3A_669, %reduce_min3A_673 : vector<16xi32>
      %reduce_min3A_675 = tpu.scan <min>, %reduce_min3A_674 masked %reduce_min3A_671 : vector<16xi32>, vector<16xi1> -> vector<16xi32>
      %reduce_min3A_676 = arith.xori %reduce_min3A_675, %reduce_min3A_673 : vector<16xi32>
      %reduce_min3A_677 = vector.extract %reduce_min3A_676[15] : i32 from vector<16xi32>
      %eq3A_678 = arith.constant 2 : i32
      %eq3A_679 = vector.broadcast %eq3A_678 : i32 to vector<16xi32>
      %eq3A_680 = arith.cmpi eq, %iota3A, %eq3A_679 : vector<16xi32>
      %broadcast_in_dim3A_681 = vector.broadcast %reduce_min3A_677 : i32 to vector<16xi32>
      %select_n3A_682 = arith.select %eq3A_680, %broadcast_in_dim3A_681, %select_n3A_466 : vector<16xi1>, vector<16xi32>
      %eq3A_683 = vector.broadcast %reduce_min3A_677 : i32 to vector<16xi32>
      %eq3A_684 = arith.cmpi eq, %scan3A_159#5, %eq3A_683 : vector<16xi32>
      %and3A_685 = arith.andi %eq3A_667, %eq3A_684 : vector<16xi1>
      %jit3A_686 = arith.constant 0x7F800000 : f32
      %broadcast_in_dim3A_687 = vector.broadcast %jit3A_686 : f32 to vector<16xf32>
      %select_n3A_688 = arith.select %and3A_685, %broadcast_in_dim3A_687, %select_n3A_472 : vector<16xi1>, vector<16xf32>
      %reduce_min3A_689 = arith.constant true
      %reduce_min3A_690 = vector.broadcast %reduce_min3A_689 : i1 to vector<16xi1>
      %reduce_min3A_691 = tpu.scan <min>, %select_n3A_499 masked %reduce_min3A_690 : vector<16xf32>, vector<16xi1> -> vector<16xf32>
      %reduce_min3A_692 = vector.extract %reduce_min3A_691[15] : f32 from vector<16xf32>
      %eq3A_693 = vector.broadcast %reduce_min3A_692 : f32 to vector<16xf32>
      %eq3A_694 = arith.cmpf oeq, %select_n3A_499, %eq3A_693 : vector<16xf32>
      %broadcast_in_dim3A_695 = vector.broadcast %scan3A : i32 to vector<16xi32>
      %select_n3A_696 = arith.select %eq3A_694, %scan3A_159#7, %broadcast_in_dim3A_695 : vector<16xi1>, vector<16xi32>
      %reduce_min3A_697 = arith.constant true
      %reduce_min3A_698 = vector.broadcast %reduce_min3A_697 : i1 to vector<16xi1>
      %reduce_min3A_699 = arith.constant -2147483648 : i32
      %reduce_min3A_700 = vector.broadcast %reduce_min3A_699 : i32 to vector<16xi32>
      %reduce_min3A_701 = arith.xori %select_n3A_696, %reduce_min3A_700 : vector<16xi32>
      %reduce_min3A_702 = tpu.scan <min>, %reduce_min3A_701 masked %reduce_min3A_698 : vector<16xi32>, vector<16xi1> -> vector<16xi32>
      %reduce_min3A_703 = arith.xori %reduce_min3A_702, %reduce_min3A_700 : vector<16xi32>
      %reduce_min3A_704 = vector.extract %reduce_min3A_703[15] : i32 from vector<16xi32>
      %eq3A_705 = arith.constant 2 : i32
      %eq3A_706 = vector.broadcast %eq3A_705 : i32 to vector<16xi32>
      %eq3A_707 = arith.cmpi eq, %iota3A, %eq3A_706 : vector<16xi32>
      %broadcast_in_dim3A_708 = vector.broadcast %reduce_min3A_704 : i32 to vector<16xi32>
      %select_n3A_709 = arith.select %eq3A_707, %broadcast_in_dim3A_708, %select_n3A_493 : vector<16xi1>, vector<16xi32>
      %eq3A_710 = vector.broadcast %reduce_min3A_704 : i32 to vector<16xi32>
      %eq3A_711 = arith.cmpi eq, %scan3A_159#7, %eq3A_710 : vector<16xi32>
      %and3A_712 = arith.andi %eq3A_694, %eq3A_711 : vector<16xi1>
      %jit3A_713 = arith.constant 0x7F800000 : f32
      %broadcast_in_dim3A_714 = vector.broadcast %jit3A_713 : f32 to vector<16xf32>
      %select_n3A_715 = arith.select %and3A_712, %broadcast_in_dim3A_714, %select_n3A_499 : vector<16xi1>, vector<16xf32>
      %reduce_min3A_716 = arith.constant true
      %reduce_min3A_717 = vector.broadcast %reduce_min3A_716 : i1 to vector<16xi1>
      %reduce_min3A_718 = tpu.scan <min>, %select_n3A_526 masked %reduce_min3A_717 : vector<16xf32>, vector<16xi1> -> vector<16xf32>
      %reduce_min3A_719 = vector.extract %reduce_min3A_718[15] : f32 from vector<16xf32>
      %eq3A_720 = vector.broadcast %reduce_min3A_719 : f32 to vector<16xf32>
      %eq3A_721 = arith.cmpf oeq, %select_n3A_526, %eq3A_720 : vector<16xf32>
      %broadcast_in_dim3A_722 = vector.broadcast %scan3A : i32 to vector<16xi32>
      %select_n3A_723 = arith.select %eq3A_721, %scan3A_159#9, %broadcast_in_dim3A_722 : vector<16xi1>, vector<16xi32>
      %reduce_min3A_724 = arith.constant true
      %reduce_min3A_725 = vector.broadcast %reduce_min3A_724 : i1 to vector<16xi1>
      %reduce_min3A_726 = arith.constant -2147483648 : i32
      %reduce_min3A_727 = vector.broadcast %reduce_min3A_726 : i32 to vector<16xi32>
      %reduce_min3A_728 = arith.xori %select_n3A_723, %reduce_min3A_727 : vector<16xi32>
      %reduce_min3A_729 = tpu.scan <min>, %reduce_min3A_728 masked %reduce_min3A_725 : vector<16xi32>, vector<16xi1> -> vector<16xi32>
      %reduce_min3A_730 = arith.xori %reduce_min3A_729, %reduce_min3A_727 : vector<16xi32>
      %reduce_min3A_731 = vector.extract %reduce_min3A_730[15] : i32 from vector<16xi32>
      %eq3A_732 = arith.constant 2 : i32
      %eq3A_733 = vector.broadcast %eq3A_732 : i32 to vector<16xi32>
      %eq3A_734 = arith.cmpi eq, %iota3A, %eq3A_733 : vector<16xi32>
      %broadcast_in_dim3A_735 = vector.broadcast %reduce_min3A_731 : i32 to vector<16xi32>
      %select_n3A_736 = arith.select %eq3A_734, %broadcast_in_dim3A_735, %select_n3A_520 : vector<16xi1>, vector<16xi32>
      %eq3A_737 = vector.broadcast %reduce_min3A_731 : i32 to vector<16xi32>
      %eq3A_738 = arith.cmpi eq, %scan3A_159#9, %eq3A_737 : vector<16xi32>
      %and3A_739 = arith.andi %eq3A_721, %eq3A_738 : vector<16xi1>
      %jit3A_740 = arith.constant 0x7F800000 : f32
      %broadcast_in_dim3A_741 = vector.broadcast %jit3A_740 : f32 to vector<16xf32>
      %select_n3A_742 = arith.select %and3A_739, %broadcast_in_dim3A_741, %select_n3A_526 : vector<16xi1>, vector<16xf32>
      %reduce_min3A_743 = arith.constant true
      %reduce_min3A_744 = vector.broadcast %reduce_min3A_743 : i1 to vector<16xi1>
      %reduce_min3A_745 = tpu.scan <min>, %select_n3A_553 masked %reduce_min3A_744 : vector<16xf32>, vector<16xi1> -> vector<16xf32>
      %reduce_min3A_746 = vector.extract %reduce_min3A_745[15] : f32 from vector<16xf32>
      %eq3A_747 = vector.broadcast %reduce_min3A_746 : f32 to vector<16xf32>
      %eq3A_748 = arith.cmpf oeq, %select_n3A_553, %eq3A_747 : vector<16xf32>
      %broadcast_in_dim3A_749 = vector.broadcast %scan3A : i32 to vector<16xi32>
      %select_n3A_750 = arith.select %eq3A_748, %scan3A_159#11, %broadcast_in_dim3A_749 : vector<16xi1>, vector<16xi32>
      %reduce_min3A_751 = arith.constant true
      %reduce_min3A_752 = vector.broadcast %reduce_min3A_751 : i1 to vector<16xi1>
      %reduce_min3A_753 = arith.constant -2147483648 : i32
      %reduce_min3A_754 = vector.broadcast %reduce_min3A_753 : i32 to vector<16xi32>
      %reduce_min3A_755 = arith.xori %select_n3A_750, %reduce_min3A_754 : vector<16xi32>
      %reduce_min3A_756 = tpu.scan <min>, %reduce_min3A_755 masked %reduce_min3A_752 : vector<16xi32>, vector<16xi1> -> vector<16xi32>
      %reduce_min3A_757 = arith.xori %reduce_min3A_756, %reduce_min3A_754 : vector<16xi32>
      %reduce_min3A_758 = vector.extract %reduce_min3A_757[15] : i32 from vector<16xi32>
      %eq3A_759 = arith.constant 2 : i32
      %eq3A_760 = vector.broadcast %eq3A_759 : i32 to vector<16xi32>
      %eq3A_761 = arith.cmpi eq, %iota3A, %eq3A_760 : vector<16xi32>
      %broadcast_in_dim3A_762 = vector.broadcast %reduce_min3A_758 : i32 to vector<16xi32>
      %select_n3A_763 = arith.select %eq3A_761, %broadcast_in_dim3A_762, %select_n3A_547 : vector<16xi1>, vector<16xi32>
      %eq3A_764 = vector.broadcast %reduce_min3A_758 : i32 to vector<16xi32>
      %eq3A_765 = arith.cmpi eq, %scan3A_159#11, %eq3A_764 : vector<16xi32>
      %and3A_766 = arith.andi %eq3A_748, %eq3A_765 : vector<16xi1>
      %jit3A_767 = arith.constant 0x7F800000 : f32
      %broadcast_in_dim3A_768 = vector.broadcast %jit3A_767 : f32 to vector<16xf32>
      %select_n3A_769 = arith.select %and3A_766, %broadcast_in_dim3A_768, %select_n3A_553 : vector<16xi1>, vector<16xf32>
      %reduce_min3A_770 = arith.constant true
      %reduce_min3A_771 = vector.broadcast %reduce_min3A_770 : i1 to vector<16xi1>
      %reduce_min3A_772 = tpu.scan <min>, %select_n3A_580 masked %reduce_min3A_771 : vector<16xf32>, vector<16xi1> -> vector<16xf32>
      %reduce_min3A_773 = vector.extract %reduce_min3A_772[15] : f32 from vector<16xf32>
      %eq3A_774 = vector.broadcast %reduce_min3A_773 : f32 to vector<16xf32>
      %eq3A_775 = arith.cmpf oeq, %select_n3A_580, %eq3A_774 : vector<16xf32>
      %broadcast_in_dim3A_776 = vector.broadcast %scan3A : i32 to vector<16xi32>
      %select_n3A_777 = arith.select %eq3A_775, %scan3A_159#13, %broadcast_in_dim3A_776 : vector<16xi1>, vector<16xi32>
      %reduce_min3A_778 = arith.constant true
      %reduce_min3A_779 = vector.broadcast %reduce_min3A_778 : i1 to vector<16xi1>
      %reduce_min3A_780 = arith.constant -2147483648 : i32
      %reduce_min3A_781 = vector.broadcast %reduce_min3A_780 : i32 to vector<16xi32>
      %reduce_min3A_782 = arith.xori %select_n3A_777, %reduce_min3A_781 : vector<16xi32>
      %reduce_min3A_783 = tpu.scan <min>, %reduce_min3A_782 masked %reduce_min3A_779 : vector<16xi32>, vector<16xi1> -> vector<16xi32>
      %reduce_min3A_784 = arith.xori %reduce_min3A_783, %reduce_min3A_781 : vector<16xi32>
      %reduce_min3A_785 = vector.extract %reduce_min3A_784[15] : i32 from vector<16xi32>
      %eq3A_786 = arith.constant 2 : i32
      %eq3A_787 = vector.broadcast %eq3A_786 : i32 to vector<16xi32>
      %eq3A_788 = arith.cmpi eq, %iota3A, %eq3A_787 : vector<16xi32>
      %broadcast_in_dim3A_789 = vector.broadcast %reduce_min3A_785 : i32 to vector<16xi32>
      %select_n3A_790 = arith.select %eq3A_788, %broadcast_in_dim3A_789, %select_n3A_574 : vector<16xi1>, vector<16xi32>
      %eq3A_791 = vector.broadcast %reduce_min3A_785 : i32 to vector<16xi32>
      %eq3A_792 = arith.cmpi eq, %scan3A_159#13, %eq3A_791 : vector<16xi32>
      %and3A_793 = arith.andi %eq3A_775, %eq3A_792 : vector<16xi1>
      %jit3A_794 = arith.constant 0x7F800000 : f32
      %broadcast_in_dim3A_795 = vector.broadcast %jit3A_794 : f32 to vector<16xf32>
      %select_n3A_796 = arith.select %and3A_793, %broadcast_in_dim3A_795, %select_n3A_580 : vector<16xi1>, vector<16xf32>
      %reduce_min3A_797 = arith.constant true
      %reduce_min3A_798 = vector.broadcast %reduce_min3A_797 : i1 to vector<16xi1>
      %reduce_min3A_799 = tpu.scan <min>, %select_n3A_607 masked %reduce_min3A_798 : vector<16xf32>, vector<16xi1> -> vector<16xf32>
      %reduce_min3A_800 = vector.extract %reduce_min3A_799[15] : f32 from vector<16xf32>
      %eq3A_801 = vector.broadcast %reduce_min3A_800 : f32 to vector<16xf32>
      %eq3A_802 = arith.cmpf oeq, %select_n3A_607, %eq3A_801 : vector<16xf32>
      %broadcast_in_dim3A_803 = vector.broadcast %scan3A : i32 to vector<16xi32>
      %select_n3A_804 = arith.select %eq3A_802, %scan3A_159#15, %broadcast_in_dim3A_803 : vector<16xi1>, vector<16xi32>
      %reduce_min3A_805 = arith.constant true
      %reduce_min3A_806 = vector.broadcast %reduce_min3A_805 : i1 to vector<16xi1>
      %reduce_min3A_807 = arith.constant -2147483648 : i32
      %reduce_min3A_808 = vector.broadcast %reduce_min3A_807 : i32 to vector<16xi32>
      %reduce_min3A_809 = arith.xori %select_n3A_804, %reduce_min3A_808 : vector<16xi32>
      %reduce_min3A_810 = tpu.scan <min>, %reduce_min3A_809 masked %reduce_min3A_806 : vector<16xi32>, vector<16xi1> -> vector<16xi32>
      %reduce_min3A_811 = arith.xori %reduce_min3A_810, %reduce_min3A_808 : vector<16xi32>
      %reduce_min3A_812 = vector.extract %reduce_min3A_811[15] : i32 from vector<16xi32>
      %eq3A_813 = arith.constant 2 : i32
      %eq3A_814 = vector.broadcast %eq3A_813 : i32 to vector<16xi32>
      %eq3A_815 = arith.cmpi eq, %iota3A, %eq3A_814 : vector<16xi32>
      %broadcast_in_dim3A_816 = vector.broadcast %reduce_min3A_812 : i32 to vector<16xi32>
      %select_n3A_817 = arith.select %eq3A_815, %broadcast_in_dim3A_816, %select_n3A_601 : vector<16xi1>, vector<16xi32>
      %eq3A_818 = vector.broadcast %reduce_min3A_812 : i32 to vector<16xi32>
      %eq3A_819 = arith.cmpi eq, %scan3A_159#15, %eq3A_818 : vector<16xi32>
      %and3A_820 = arith.andi %eq3A_802, %eq3A_819 : vector<16xi1>
      %jit3A_821 = arith.constant 0x7F800000 : f32
      %broadcast_in_dim3A_822 = vector.broadcast %jit3A_821 : f32 to vector<16xf32>
      %select_n3A_823 = arith.select %and3A_820, %broadcast_in_dim3A_822, %select_n3A_607 : vector<16xi1>, vector<16xf32>
      %reduce_min3A_824 = arith.constant true
      %reduce_min3A_825 = vector.broadcast %reduce_min3A_824 : i1 to vector<16xi1>
      %reduce_min3A_826 = tpu.scan <min>, %select_n3A_634 masked %reduce_min3A_825 : vector<16xf32>, vector<16xi1> -> vector<16xf32>
      %reduce_min3A_827 = vector.extract %reduce_min3A_826[15] : f32 from vector<16xf32>
      %eq3A_828 = vector.broadcast %reduce_min3A_827 : f32 to vector<16xf32>
      %eq3A_829 = arith.cmpf oeq, %select_n3A_634, %eq3A_828 : vector<16xf32>
      %broadcast_in_dim3A_830 = vector.broadcast %scan3A : i32 to vector<16xi32>
      %select_n3A_831 = arith.select %eq3A_829, %scan3A_159#1, %broadcast_in_dim3A_830 : vector<16xi1>, vector<16xi32>
      %reduce_min3A_832 = arith.constant true
      %reduce_min3A_833 = vector.broadcast %reduce_min3A_832 : i1 to vector<16xi1>
      %reduce_min3A_834 = arith.constant -2147483648 : i32
      %reduce_min3A_835 = vector.broadcast %reduce_min3A_834 : i32 to vector<16xi32>
      %reduce_min3A_836 = arith.xori %select_n3A_831, %reduce_min3A_835 : vector<16xi32>
      %reduce_min3A_837 = tpu.scan <min>, %reduce_min3A_836 masked %reduce_min3A_833 : vector<16xi32>, vector<16xi1> -> vector<16xi32>
      %reduce_min3A_838 = arith.xori %reduce_min3A_837, %reduce_min3A_835 : vector<16xi32>
      %reduce_min3A_839 = vector.extract %reduce_min3A_838[15] : i32 from vector<16xi32>
      %eq3A_840 = arith.constant 3 : i32
      %eq3A_841 = vector.broadcast %eq3A_840 : i32 to vector<16xi32>
      %eq3A_842 = arith.cmpi eq, %iota3A, %eq3A_841 : vector<16xi32>
      %broadcast_in_dim3A_843 = vector.broadcast %reduce_min3A_839 : i32 to vector<16xi32>
      %select_n3A_844 = arith.select %eq3A_842, %broadcast_in_dim3A_843, %select_n3A_628 : vector<16xi1>, vector<16xi32>
      %eq3A_845 = vector.broadcast %reduce_min3A_839 : i32 to vector<16xi32>
      %eq3A_846 = arith.cmpi eq, %scan3A_159#1, %eq3A_845 : vector<16xi32>
      %and3A_847 = arith.andi %eq3A_829, %eq3A_846 : vector<16xi1>
      %jit3A_848 = arith.constant 0x7F800000 : f32
      %broadcast_in_dim3A_849 = vector.broadcast %jit3A_848 : f32 to vector<16xf32>
      %select_n3A_850 = arith.select %and3A_847, %broadcast_in_dim3A_849, %select_n3A_634 : vector<16xi1>, vector<16xf32>
      %reduce_min3A_851 = arith.constant true
      %reduce_min3A_852 = vector.broadcast %reduce_min3A_851 : i1 to vector<16xi1>
      %reduce_min3A_853 = tpu.scan <min>, %select_n3A_661 masked %reduce_min3A_852 : vector<16xf32>, vector<16xi1> -> vector<16xf32>
      %reduce_min3A_854 = vector.extract %reduce_min3A_853[15] : f32 from vector<16xf32>
      %eq3A_855 = vector.broadcast %reduce_min3A_854 : f32 to vector<16xf32>
      %eq3A_856 = arith.cmpf oeq, %select_n3A_661, %eq3A_855 : vector<16xf32>
      %broadcast_in_dim3A_857 = vector.broadcast %scan3A : i32 to vector<16xi32>
      %select_n3A_858 = arith.select %eq3A_856, %scan3A_159#3, %broadcast_in_dim3A_857 : vector<16xi1>, vector<16xi32>
      %reduce_min3A_859 = arith.constant true
      %reduce_min3A_860 = vector.broadcast %reduce_min3A_859 : i1 to vector<16xi1>
      %reduce_min3A_861 = arith.constant -2147483648 : i32
      %reduce_min3A_862 = vector.broadcast %reduce_min3A_861 : i32 to vector<16xi32>
      %reduce_min3A_863 = arith.xori %select_n3A_858, %reduce_min3A_862 : vector<16xi32>
      %reduce_min3A_864 = tpu.scan <min>, %reduce_min3A_863 masked %reduce_min3A_860 : vector<16xi32>, vector<16xi1> -> vector<16xi32>
      %reduce_min3A_865 = arith.xori %reduce_min3A_864, %reduce_min3A_862 : vector<16xi32>
      %reduce_min3A_866 = vector.extract %reduce_min3A_865[15] : i32 from vector<16xi32>
      %eq3A_867 = arith.constant 3 : i32
      %eq3A_868 = vector.broadcast %eq3A_867 : i32 to vector<16xi32>
      %eq3A_869 = arith.cmpi eq, %iota3A, %eq3A_868 : vector<16xi32>
      %broadcast_in_dim3A_870 = vector.broadcast %reduce_min3A_866 : i32 to vector<16xi32>
      %select_n3A_871 = arith.select %eq3A_869, %broadcast_in_dim3A_870, %select_n3A_655 : vector<16xi1>, vector<16xi32>
      %eq3A_872 = vector.broadcast %reduce_min3A_866 : i32 to vector<16xi32>
      %eq3A_873 = arith.cmpi eq, %scan3A_159#3, %eq3A_872 : vector<16xi32>
      %and3A_874 = arith.andi %eq3A_856, %eq3A_873 : vector<16xi1>
      %jit3A_875 = arith.constant 0x7F800000 : f32
      %broadcast_in_dim3A_876 = vector.broadcast %jit3A_875 : f32 to vector<16xf32>
      %select_n3A_877 = arith.select %and3A_874, %broadcast_in_dim3A_876, %select_n3A_661 : vector<16xi1>, vector<16xf32>
      %reduce_min3A_878 = arith.constant true
      %reduce_min3A_879 = vector.broadcast %reduce_min3A_878 : i1 to vector<16xi1>
      %reduce_min3A_880 = tpu.scan <min>, %select_n3A_688 masked %reduce_min3A_879 : vector<16xf32>, vector<16xi1> -> vector<16xf32>
      %reduce_min3A_881 = vector.extract %reduce_min3A_880[15] : f32 from vector<16xf32>
      %eq3A_882 = vector.broadcast %reduce_min3A_881 : f32 to vector<16xf32>
      %eq3A_883 = arith.cmpf oeq, %select_n3A_688, %eq3A_882 : vector<16xf32>
      %broadcast_in_dim3A_884 = vector.broadcast %scan3A : i32 to vector<16xi32>
      %select_n3A_885 = arith.select %eq3A_883, %scan3A_159#5, %broadcast_in_dim3A_884 : vector<16xi1>, vector<16xi32>
      %reduce_min3A_886 = arith.constant true
      %reduce_min3A_887 = vector.broadcast %reduce_min3A_886 : i1 to vector<16xi1>
      %reduce_min3A_888 = arith.constant -2147483648 : i32
      %reduce_min3A_889 = vector.broadcast %reduce_min3A_888 : i32 to vector<16xi32>
      %reduce_min3A_890 = arith.xori %select_n3A_885, %reduce_min3A_889 : vector<16xi32>
      %reduce_min3A_891 = tpu.scan <min>, %reduce_min3A_890 masked %reduce_min3A_887 : vector<16xi32>, vector<16xi1> -> vector<16xi32>
      %reduce_min3A_892 = arith.xori %reduce_min3A_891, %reduce_min3A_889 : vector<16xi32>
      %reduce_min3A_893 = vector.extract %reduce_min3A_892[15] : i32 from vector<16xi32>
      %eq3A_894 = arith.constant 3 : i32
      %eq3A_895 = vector.broadcast %eq3A_894 : i32 to vector<16xi32>
      %eq3A_896 = arith.cmpi eq, %iota3A, %eq3A_895 : vector<16xi32>
      %broadcast_in_dim3A_897 = vector.broadcast %reduce_min3A_893 : i32 to vector<16xi32>
      %select_n3A_898 = arith.select %eq3A_896, %broadcast_in_dim3A_897, %select_n3A_682 : vector<16xi1>, vector<16xi32>
      %eq3A_899 = vector.broadcast %reduce_min3A_893 : i32 to vector<16xi32>
      %eq3A_900 = arith.cmpi eq, %scan3A_159#5, %eq3A_899 : vector<16xi32>
      %and3A_901 = arith.andi %eq3A_883, %eq3A_900 : vector<16xi1>
      %jit3A_902 = arith.constant 0x7F800000 : f32
      %broadcast_in_dim3A_903 = vector.broadcast %jit3A_902 : f32 to vector<16xf32>
      %select_n3A_904 = arith.select %and3A_901, %broadcast_in_dim3A_903, %select_n3A_688 : vector<16xi1>, vector<16xf32>
      %reduce_min3A_905 = arith.constant true
      %reduce_min3A_906 = vector.broadcast %reduce_min3A_905 : i1 to vector<16xi1>
      %reduce_min3A_907 = tpu.scan <min>, %select_n3A_715 masked %reduce_min3A_906 : vector<16xf32>, vector<16xi1> -> vector<16xf32>
      %reduce_min3A_908 = vector.extract %reduce_min3A_907[15] : f32 from vector<16xf32>
      %eq3A_909 = vector.broadcast %reduce_min3A_908 : f32 to vector<16xf32>
      %eq3A_910 = arith.cmpf oeq, %select_n3A_715, %eq3A_909 : vector<16xf32>
      %broadcast_in_dim3A_911 = vector.broadcast %scan3A : i32 to vector<16xi32>
      %select_n3A_912 = arith.select %eq3A_910, %scan3A_159#7, %broadcast_in_dim3A_911 : vector<16xi1>, vector<16xi32>
      %reduce_min3A_913 = arith.constant true
      %reduce_min3A_914 = vector.broadcast %reduce_min3A_913 : i1 to vector<16xi1>
      %reduce_min3A_915 = arith.constant -2147483648 : i32
      %reduce_min3A_916 = vector.broadcast %reduce_min3A_915 : i32 to vector<16xi32>
      %reduce_min3A_917 = arith.xori %select_n3A_912, %reduce_min3A_916 : vector<16xi32>
      %reduce_min3A_918 = tpu.scan <min>, %reduce_min3A_917 masked %reduce_min3A_914 : vector<16xi32>, vector<16xi1> -> vector<16xi32>
      %reduce_min3A_919 = arith.xori %reduce_min3A_918, %reduce_min3A_916 : vector<16xi32>
      %reduce_min3A_920 = vector.extract %reduce_min3A_919[15] : i32 from vector<16xi32>
      %eq3A_921 = arith.constant 3 : i32
      %eq3A_922 = vector.broadcast %eq3A_921 : i32 to vector<16xi32>
      %eq3A_923 = arith.cmpi eq, %iota3A, %eq3A_922 : vector<16xi32>
      %broadcast_in_dim3A_924 = vector.broadcast %reduce_min3A_920 : i32 to vector<16xi32>
      %select_n3A_925 = arith.select %eq3A_923, %broadcast_in_dim3A_924, %select_n3A_709 : vector<16xi1>, vector<16xi32>
      %eq3A_926 = vector.broadcast %reduce_min3A_920 : i32 to vector<16xi32>
      %eq3A_927 = arith.cmpi eq, %scan3A_159#7, %eq3A_926 : vector<16xi32>
      %and3A_928 = arith.andi %eq3A_910, %eq3A_927 : vector<16xi1>
      %jit3A_929 = arith.constant 0x7F800000 : f32
      %broadcast_in_dim3A_930 = vector.broadcast %jit3A_929 : f32 to vector<16xf32>
      %select_n3A_931 = arith.select %and3A_928, %broadcast_in_dim3A_930, %select_n3A_715 : vector<16xi1>, vector<16xf32>
      %reduce_min3A_932 = arith.constant true
      %reduce_min3A_933 = vector.broadcast %reduce_min3A_932 : i1 to vector<16xi1>
      %reduce_min3A_934 = tpu.scan <min>, %select_n3A_742 masked %reduce_min3A_933 : vector<16xf32>, vector<16xi1> -> vector<16xf32>
      %reduce_min3A_935 = vector.extract %reduce_min3A_934[15] : f32 from vector<16xf32>
      %eq3A_936 = vector.broadcast %reduce_min3A_935 : f32 to vector<16xf32>
      %eq3A_937 = arith.cmpf oeq, %select_n3A_742, %eq3A_936 : vector<16xf32>
      %broadcast_in_dim3A_938 = vector.broadcast %scan3A : i32 to vector<16xi32>
      %select_n3A_939 = arith.select %eq3A_937, %scan3A_159#9, %broadcast_in_dim3A_938 : vector<16xi1>, vector<16xi32>
      %reduce_min3A_940 = arith.constant true
      %reduce_min3A_941 = vector.broadcast %reduce_min3A_940 : i1 to vector<16xi1>
      %reduce_min3A_942 = arith.constant -2147483648 : i32
      %reduce_min3A_943 = vector.broadcast %reduce_min3A_942 : i32 to vector<16xi32>
      %reduce_min3A_944 = arith.xori %select_n3A_939, %reduce_min3A_943 : vector<16xi32>
      %reduce_min3A_945 = tpu.scan <min>, %reduce_min3A_944 masked %reduce_min3A_941 : vector<16xi32>, vector<16xi1> -> vector<16xi32>
      %reduce_min3A_946 = arith.xori %reduce_min3A_945, %reduce_min3A_943 : vector<16xi32>
      %reduce_min3A_947 = vector.extract %reduce_min3A_946[15] : i32 from vector<16xi32>
      %eq3A_948 = arith.constant 3 : i32
      %eq3A_949 = vector.broadcast %eq3A_948 : i32 to vector<16xi32>
      %eq3A_950 = arith.cmpi eq, %iota3A, %eq3A_949 : vector<16xi32>
      %broadcast_in_dim3A_951 = vector.broadcast %reduce_min3A_947 : i32 to vector<16xi32>
      %select_n3A_952 = arith.select %eq3A_950, %broadcast_in_dim3A_951, %select_n3A_736 : vector<16xi1>, vector<16xi32>
      %eq3A_953 = vector.broadcast %reduce_min3A_947 : i32 to vector<16xi32>
      %eq3A_954 = arith.cmpi eq, %scan3A_159#9, %eq3A_953 : vector<16xi32>
      %and3A_955 = arith.andi %eq3A_937, %eq3A_954 : vector<16xi1>
      %jit3A_956 = arith.constant 0x7F800000 : f32
      %broadcast_in_dim3A_957 = vector.broadcast %jit3A_956 : f32 to vector<16xf32>
      %select_n3A_958 = arith.select %and3A_955, %broadcast_in_dim3A_957, %select_n3A_742 : vector<16xi1>, vector<16xf32>
      %reduce_min3A_959 = arith.constant true
      %reduce_min3A_960 = vector.broadcast %reduce_min3A_959 : i1 to vector<16xi1>
      %reduce_min3A_961 = tpu.scan <min>, %select_n3A_769 masked %reduce_min3A_960 : vector<16xf32>, vector<16xi1> -> vector<16xf32>
      %reduce_min3A_962 = vector.extract %reduce_min3A_961[15] : f32 from vector<16xf32>
      %eq3A_963 = vector.broadcast %reduce_min3A_962 : f32 to vector<16xf32>
      %eq3A_964 = arith.cmpf oeq, %select_n3A_769, %eq3A_963 : vector<16xf32>
      %broadcast_in_dim3A_965 = vector.broadcast %scan3A : i32 to vector<16xi32>
      %select_n3A_966 = arith.select %eq3A_964, %scan3A_159#11, %broadcast_in_dim3A_965 : vector<16xi1>, vector<16xi32>
      %reduce_min3A_967 = arith.constant true
      %reduce_min3A_968 = vector.broadcast %reduce_min3A_967 : i1 to vector<16xi1>
      %reduce_min3A_969 = arith.constant -2147483648 : i32
      %reduce_min3A_970 = vector.broadcast %reduce_min3A_969 : i32 to vector<16xi32>
      %reduce_min3A_971 = arith.xori %select_n3A_966, %reduce_min3A_970 : vector<16xi32>
      %reduce_min3A_972 = tpu.scan <min>, %reduce_min3A_971 masked %reduce_min3A_968 : vector<16xi32>, vector<16xi1> -> vector<16xi32>
      %reduce_min3A_973 = arith.xori %reduce_min3A_972, %reduce_min3A_970 : vector<16xi32>
      %reduce_min3A_974 = vector.extract %reduce_min3A_973[15] : i32 from vector<16xi32>
      %eq3A_975 = arith.constant 3 : i32
      %eq3A_976 = vector.broadcast %eq3A_975 : i32 to vector<16xi32>
      %eq3A_977 = arith.cmpi eq, %iota3A, %eq3A_976 : vector<16xi32>
      %broadcast_in_dim3A_978 = vector.broadcast %reduce_min3A_974 : i32 to vector<16xi32>
      %select_n3A_979 = arith.select %eq3A_977, %broadcast_in_dim3A_978, %select_n3A_763 : vector<16xi1>, vector<16xi32>
      %eq3A_980 = vector.broadcast %reduce_min3A_974 : i32 to vector<16xi32>
      %eq3A_981 = arith.cmpi eq, %scan3A_159#11, %eq3A_980 : vector<16xi32>
      %and3A_982 = arith.andi %eq3A_964, %eq3A_981 : vector<16xi1>
      %jit3A_983 = arith.constant 0x7F800000 : f32
      %broadcast_in_dim3A_984 = vector.broadcast %jit3A_983 : f32 to vector<16xf32>
      %select_n3A_985 = arith.select %and3A_982, %broadcast_in_dim3A_984, %select_n3A_769 : vector<16xi1>, vector<16xf32>
      %reduce_min3A_986 = arith.constant true
      %reduce_min3A_987 = vector.broadcast %reduce_min3A_986 : i1 to vector<16xi1>
      %reduce_min3A_988 = tpu.scan <min>, %select_n3A_796 masked %reduce_min3A_987 : vector<16xf32>, vector<16xi1> -> vector<16xf32>
      %reduce_min3A_989 = vector.extract %reduce_min3A_988[15] : f32 from vector<16xf32>
      %eq3A_990 = vector.broadcast %reduce_min3A_989 : f32 to vector<16xf32>
      %eq3A_991 = arith.cmpf oeq, %select_n3A_796, %eq3A_990 : vector<16xf32>
      %broadcast_in_dim3A_992 = vector.broadcast %scan3A : i32 to vector<16xi32>
      %select_n3A_993 = arith.select %eq3A_991, %scan3A_159#13, %broadcast_in_dim3A_992 : vector<16xi1>, vector<16xi32>
      %reduce_min3A_994 = arith.constant true
      %reduce_min3A_995 = vector.broadcast %reduce_min3A_994 : i1 to vector<16xi1>
      %reduce_min3A_996 = arith.constant -2147483648 : i32
      %reduce_min3A_997 = vector.broadcast %reduce_min3A_996 : i32 to vector<16xi32>
      %reduce_min3A_998 = arith.xori %select_n3A_993, %reduce_min3A_997 : vector<16xi32>
      %reduce_min3A_999 = tpu.scan <min>, %reduce_min3A_998 masked %reduce_min3A_995 : vector<16xi32>, vector<16xi1> -> vector<16xi32>
      %reduce_min3A_1000 = arith.xori %reduce_min3A_999, %reduce_min3A_997 : vector<16xi32>
      %reduce_min3A_1001 = vector.extract %reduce_min3A_1000[15] : i32 from vector<16xi32>
      %eq3A_1002 = arith.constant 3 : i32
      %eq3A_1003 = vector.broadcast %eq3A_1002 : i32 to vector<16xi32>
      %eq3A_1004 = arith.cmpi eq, %iota3A, %eq3A_1003 : vector<16xi32>
      %broadcast_in_dim3A_1005 = vector.broadcast %reduce_min3A_1001 : i32 to vector<16xi32>
      %select_n3A_1006 = arith.select %eq3A_1004, %broadcast_in_dim3A_1005, %select_n3A_790 : vector<16xi1>, vector<16xi32>
      %eq3A_1007 = vector.broadcast %reduce_min3A_1001 : i32 to vector<16xi32>
      %eq3A_1008 = arith.cmpi eq, %scan3A_159#13, %eq3A_1007 : vector<16xi32>
      %and3A_1009 = arith.andi %eq3A_991, %eq3A_1008 : vector<16xi1>
      %jit3A_1010 = arith.constant 0x7F800000 : f32
      %broadcast_in_dim3A_1011 = vector.broadcast %jit3A_1010 : f32 to vector<16xf32>
      %select_n3A_1012 = arith.select %and3A_1009, %broadcast_in_dim3A_1011, %select_n3A_796 : vector<16xi1>, vector<16xf32>
      %reduce_min3A_1013 = arith.constant true
      %reduce_min3A_1014 = vector.broadcast %reduce_min3A_1013 : i1 to vector<16xi1>
      %reduce_min3A_1015 = tpu.scan <min>, %select_n3A_823 masked %reduce_min3A_1014 : vector<16xf32>, vector<16xi1> -> vector<16xf32>
      %reduce_min3A_1016 = vector.extract %reduce_min3A_1015[15] : f32 from vector<16xf32>
      %eq3A_1017 = vector.broadcast %reduce_min3A_1016 : f32 to vector<16xf32>
      %eq3A_1018 = arith.cmpf oeq, %select_n3A_823, %eq3A_1017 : vector<16xf32>
      %broadcast_in_dim3A_1019 = vector.broadcast %scan3A : i32 to vector<16xi32>
      %select_n3A_1020 = arith.select %eq3A_1018, %scan3A_159#15, %broadcast_in_dim3A_1019 : vector<16xi1>, vector<16xi32>
      %reduce_min3A_1021 = arith.constant true
      %reduce_min3A_1022 = vector.broadcast %reduce_min3A_1021 : i1 to vector<16xi1>
      %reduce_min3A_1023 = arith.constant -2147483648 : i32
      %reduce_min3A_1024 = vector.broadcast %reduce_min3A_1023 : i32 to vector<16xi32>
      %reduce_min3A_1025 = arith.xori %select_n3A_1020, %reduce_min3A_1024 : vector<16xi32>
      %reduce_min3A_1026 = tpu.scan <min>, %reduce_min3A_1025 masked %reduce_min3A_1022 : vector<16xi32>, vector<16xi1> -> vector<16xi32>
      %reduce_min3A_1027 = arith.xori %reduce_min3A_1026, %reduce_min3A_1024 : vector<16xi32>
      %reduce_min3A_1028 = vector.extract %reduce_min3A_1027[15] : i32 from vector<16xi32>
      %eq3A_1029 = arith.constant 3 : i32
      %eq3A_1030 = vector.broadcast %eq3A_1029 : i32 to vector<16xi32>
      %eq3A_1031 = arith.cmpi eq, %iota3A, %eq3A_1030 : vector<16xi32>
      %broadcast_in_dim3A_1032 = vector.broadcast %reduce_min3A_1028 : i32 to vector<16xi32>
      %select_n3A_1033 = arith.select %eq3A_1031, %broadcast_in_dim3A_1032, %select_n3A_817 : vector<16xi1>, vector<16xi32>
      %eq3A_1034 = vector.broadcast %reduce_min3A_1028 : i32 to vector<16xi32>
      %eq3A_1035 = arith.cmpi eq, %scan3A_159#15, %eq3A_1034 : vector<16xi32>
      %and3A_1036 = arith.andi %eq3A_1018, %eq3A_1035 : vector<16xi1>
      %jit3A_1037 = arith.constant 0x7F800000 : f32
      %broadcast_in_dim3A_1038 = vector.broadcast %jit3A_1037 : f32 to vector<16xf32>
      %select_n3A_1039 = arith.select %and3A_1036, %broadcast_in_dim3A_1038, %select_n3A_823 : vector<16xi1>, vector<16xf32>
      %reduce_min3A_1040 = arith.constant true
      %reduce_min3A_1041 = vector.broadcast %reduce_min3A_1040 : i1 to vector<16xi1>
      %reduce_min3A_1042 = tpu.scan <min>, %select_n3A_850 masked %reduce_min3A_1041 : vector<16xf32>, vector<16xi1> -> vector<16xf32>
      %reduce_min3A_1043 = vector.extract %reduce_min3A_1042[15] : f32 from vector<16xf32>
      %eq3A_1044 = vector.broadcast %reduce_min3A_1043 : f32 to vector<16xf32>
      %eq3A_1045 = arith.cmpf oeq, %select_n3A_850, %eq3A_1044 : vector<16xf32>
      %broadcast_in_dim3A_1046 = vector.broadcast %scan3A : i32 to vector<16xi32>
      %select_n3A_1047 = arith.select %eq3A_1045, %scan3A_159#1, %broadcast_in_dim3A_1046 : vector<16xi1>, vector<16xi32>
      %reduce_min3A_1048 = arith.constant true
      %reduce_min3A_1049 = vector.broadcast %reduce_min3A_1048 : i1 to vector<16xi1>
      %reduce_min3A_1050 = arith.constant -2147483648 : i32
      %reduce_min3A_1051 = vector.broadcast %reduce_min3A_1050 : i32 to vector<16xi32>
      %reduce_min3A_1052 = arith.xori %select_n3A_1047, %reduce_min3A_1051 : vector<16xi32>
      %reduce_min3A_1053 = tpu.scan <min>, %reduce_min3A_1052 masked %reduce_min3A_1049 : vector<16xi32>, vector<16xi1> -> vector<16xi32>
      %reduce_min3A_1054 = arith.xori %reduce_min3A_1053, %reduce_min3A_1051 : vector<16xi32>
      %reduce_min3A_1055 = vector.extract %reduce_min3A_1054[15] : i32 from vector<16xi32>
      %eq3A_1056 = arith.constant 4 : i32
      %eq3A_1057 = vector.broadcast %eq3A_1056 : i32 to vector<16xi32>
      %eq3A_1058 = arith.cmpi eq, %iota3A, %eq3A_1057 : vector<16xi32>
      %broadcast_in_dim3A_1059 = vector.broadcast %reduce_min3A_1055 : i32 to vector<16xi32>
      %select_n3A_1060 = arith.select %eq3A_1058, %broadcast_in_dim3A_1059, %select_n3A_844 : vector<16xi1>, vector<16xi32>
      %eq3A_1061 = vector.broadcast %reduce_min3A_1055 : i32 to vector<16xi32>
      %eq3A_1062 = arith.cmpi eq, %scan3A_159#1, %eq3A_1061 : vector<16xi32>
      %and3A_1063 = arith.andi %eq3A_1045, %eq3A_1062 : vector<16xi1>
      %jit3A_1064 = arith.constant 0x7F800000 : f32
      %broadcast_in_dim3A_1065 = vector.broadcast %jit3A_1064 : f32 to vector<16xf32>
      %select_n3A_1066 = arith.select %and3A_1063, %broadcast_in_dim3A_1065, %select_n3A_850 : vector<16xi1>, vector<16xf32>
      %reduce_min3A_1067 = arith.constant true
      %reduce_min3A_1068 = vector.broadcast %reduce_min3A_1067 : i1 to vector<16xi1>
      %reduce_min3A_1069 = tpu.scan <min>, %select_n3A_877 masked %reduce_min3A_1068 : vector<16xf32>, vector<16xi1> -> vector<16xf32>
      %reduce_min3A_1070 = vector.extract %reduce_min3A_1069[15] : f32 from vector<16xf32>
      %eq3A_1071 = vector.broadcast %reduce_min3A_1070 : f32 to vector<16xf32>
      %eq3A_1072 = arith.cmpf oeq, %select_n3A_877, %eq3A_1071 : vector<16xf32>
      %broadcast_in_dim3A_1073 = vector.broadcast %scan3A : i32 to vector<16xi32>
      %select_n3A_1074 = arith.select %eq3A_1072, %scan3A_159#3, %broadcast_in_dim3A_1073 : vector<16xi1>, vector<16xi32>
      %reduce_min3A_1075 = arith.constant true
      %reduce_min3A_1076 = vector.broadcast %reduce_min3A_1075 : i1 to vector<16xi1>
      %reduce_min3A_1077 = arith.constant -2147483648 : i32
      %reduce_min3A_1078 = vector.broadcast %reduce_min3A_1077 : i32 to vector<16xi32>
      %reduce_min3A_1079 = arith.xori %select_n3A_1074, %reduce_min3A_1078 : vector<16xi32>
      %reduce_min3A_1080 = tpu.scan <min>, %reduce_min3A_1079 masked %reduce_min3A_1076 : vector<16xi32>, vector<16xi1> -> vector<16xi32>
      %reduce_min3A_1081 = arith.xori %reduce_min3A_1080, %reduce_min3A_1078 : vector<16xi32>
      %reduce_min3A_1082 = vector.extract %reduce_min3A_1081[15] : i32 from vector<16xi32>
      %eq3A_1083 = arith.constant 4 : i32
      %eq3A_1084 = vector.broadcast %eq3A_1083 : i32 to vector<16xi32>
      %eq3A_1085 = arith.cmpi eq, %iota3A, %eq3A_1084 : vector<16xi32>
      %broadcast_in_dim3A_1086 = vector.broadcast %reduce_min3A_1082 : i32 to vector<16xi32>
      %select_n3A_1087 = arith.select %eq3A_1085, %broadcast_in_dim3A_1086, %select_n3A_871 : vector<16xi1>, vector<16xi32>
      %eq3A_1088 = vector.broadcast %reduce_min3A_1082 : i32 to vector<16xi32>
      %eq3A_1089 = arith.cmpi eq, %scan3A_159#3, %eq3A_1088 : vector<16xi32>
      %and3A_1090 = arith.andi %eq3A_1072, %eq3A_1089 : vector<16xi1>
      %jit3A_1091 = arith.constant 0x7F800000 : f32
      %broadcast_in_dim3A_1092 = vector.broadcast %jit3A_1091 : f32 to vector<16xf32>
      %select_n3A_1093 = arith.select %and3A_1090, %broadcast_in_dim3A_1092, %select_n3A_877 : vector<16xi1>, vector<16xf32>
      %reduce_min3A_1094 = arith.constant true
      %reduce_min3A_1095 = vector.broadcast %reduce_min3A_1094 : i1 to vector<16xi1>
      %reduce_min3A_1096 = tpu.scan <min>, %select_n3A_904 masked %reduce_min3A_1095 : vector<16xf32>, vector<16xi1> -> vector<16xf32>
      %reduce_min3A_1097 = vector.extract %reduce_min3A_1096[15] : f32 from vector<16xf32>
      %eq3A_1098 = vector.broadcast %reduce_min3A_1097 : f32 to vector<16xf32>
      %eq3A_1099 = arith.cmpf oeq, %select_n3A_904, %eq3A_1098 : vector<16xf32>
      %broadcast_in_dim3A_1100 = vector.broadcast %scan3A : i32 to vector<16xi32>
      %select_n3A_1101 = arith.select %eq3A_1099, %scan3A_159#5, %broadcast_in_dim3A_1100 : vector<16xi1>, vector<16xi32>
      %reduce_min3A_1102 = arith.constant true
      %reduce_min3A_1103 = vector.broadcast %reduce_min3A_1102 : i1 to vector<16xi1>
      %reduce_min3A_1104 = arith.constant -2147483648 : i32
      %reduce_min3A_1105 = vector.broadcast %reduce_min3A_1104 : i32 to vector<16xi32>
      %reduce_min3A_1106 = arith.xori %select_n3A_1101, %reduce_min3A_1105 : vector<16xi32>
      %reduce_min3A_1107 = tpu.scan <min>, %reduce_min3A_1106 masked %reduce_min3A_1103 : vector<16xi32>, vector<16xi1> -> vector<16xi32>
      %reduce_min3A_1108 = arith.xori %reduce_min3A_1107, %reduce_min3A_1105 : vector<16xi32>
      %reduce_min3A_1109 = vector.extract %reduce_min3A_1108[15] : i32 from vector<16xi32>
      %eq3A_1110 = arith.constant 4 : i32
      %eq3A_1111 = vector.broadcast %eq3A_1110 : i32 to vector<16xi32>
      %eq3A_1112 = arith.cmpi eq, %iota3A, %eq3A_1111 : vector<16xi32>
      %broadcast_in_dim3A_1113 = vector.broadcast %reduce_min3A_1109 : i32 to vector<16xi32>
      %select_n3A_1114 = arith.select %eq3A_1112, %broadcast_in_dim3A_1113, %select_n3A_898 : vector<16xi1>, vector<16xi32>
      %eq3A_1115 = vector.broadcast %reduce_min3A_1109 : i32 to vector<16xi32>
      %eq3A_1116 = arith.cmpi eq, %scan3A_159#5, %eq3A_1115 : vector<16xi32>
      %and3A_1117 = arith.andi %eq3A_1099, %eq3A_1116 : vector<16xi1>
      %jit3A_1118 = arith.constant 0x7F800000 : f32
      %broadcast_in_dim3A_1119 = vector.broadcast %jit3A_1118 : f32 to vector<16xf32>
      %select_n3A_1120 = arith.select %and3A_1117, %broadcast_in_dim3A_1119, %select_n3A_904 : vector<16xi1>, vector<16xf32>
      %reduce_min3A_1121 = arith.constant true
      %reduce_min3A_1122 = vector.broadcast %reduce_min3A_1121 : i1 to vector<16xi1>
      %reduce_min3A_1123 = tpu.scan <min>, %select_n3A_931 masked %reduce_min3A_1122 : vector<16xf32>, vector<16xi1> -> vector<16xf32>
      %reduce_min3A_1124 = vector.extract %reduce_min3A_1123[15] : f32 from vector<16xf32>
      %eq3A_1125 = vector.broadcast %reduce_min3A_1124 : f32 to vector<16xf32>
      %eq3A_1126 = arith.cmpf oeq, %select_n3A_931, %eq3A_1125 : vector<16xf32>
      %broadcast_in_dim3A_1127 = vector.broadcast %scan3A : i32 to vector<16xi32>
      %select_n3A_1128 = arith.select %eq3A_1126, %scan3A_159#7, %broadcast_in_dim3A_1127 : vector<16xi1>, vector<16xi32>
      %reduce_min3A_1129 = arith.constant true
      %reduce_min3A_1130 = vector.broadcast %reduce_min3A_1129 : i1 to vector<16xi1>
      %reduce_min3A_1131 = arith.constant -2147483648 : i32
      %reduce_min3A_1132 = vector.broadcast %reduce_min3A_1131 : i32 to vector<16xi32>
      %reduce_min3A_1133 = arith.xori %select_n3A_1128, %reduce_min3A_1132 : vector<16xi32>
      %reduce_min3A_1134 = tpu.scan <min>, %reduce_min3A_1133 masked %reduce_min3A_1130 : vector<16xi32>, vector<16xi1> -> vector<16xi32>
      %reduce_min3A_1135 = arith.xori %reduce_min3A_1134, %reduce_min3A_1132 : vector<16xi32>
      %reduce_min3A_1136 = vector.extract %reduce_min3A_1135[15] : i32 from vector<16xi32>
      %eq3A_1137 = arith.constant 4 : i32
      %eq3A_1138 = vector.broadcast %eq3A_1137 : i32 to vector<16xi32>
      %eq3A_1139 = arith.cmpi eq, %iota3A, %eq3A_1138 : vector<16xi32>
      %broadcast_in_dim3A_1140 = vector.broadcast %reduce_min3A_1136 : i32 to vector<16xi32>
      %select_n3A_1141 = arith.select %eq3A_1139, %broadcast_in_dim3A_1140, %select_n3A_925 : vector<16xi1>, vector<16xi32>
      %eq3A_1142 = vector.broadcast %reduce_min3A_1136 : i32 to vector<16xi32>
      %eq3A_1143 = arith.cmpi eq, %scan3A_159#7, %eq3A_1142 : vector<16xi32>
      %and3A_1144 = arith.andi %eq3A_1126, %eq3A_1143 : vector<16xi1>
      %jit3A_1145 = arith.constant 0x7F800000 : f32
      %broadcast_in_dim3A_1146 = vector.broadcast %jit3A_1145 : f32 to vector<16xf32>
      %select_n3A_1147 = arith.select %and3A_1144, %broadcast_in_dim3A_1146, %select_n3A_931 : vector<16xi1>, vector<16xf32>
      %reduce_min3A_1148 = arith.constant true
      %reduce_min3A_1149 = vector.broadcast %reduce_min3A_1148 : i1 to vector<16xi1>
      %reduce_min3A_1150 = tpu.scan <min>, %select_n3A_958 masked %reduce_min3A_1149 : vector<16xf32>, vector<16xi1> -> vector<16xf32>
      %reduce_min3A_1151 = vector.extract %reduce_min3A_1150[15] : f32 from vector<16xf32>
      %eq3A_1152 = vector.broadcast %reduce_min3A_1151 : f32 to vector<16xf32>
      %eq3A_1153 = arith.cmpf oeq, %select_n3A_958, %eq3A_1152 : vector<16xf32>
      %broadcast_in_dim3A_1154 = vector.broadcast %scan3A : i32 to vector<16xi32>
      %select_n3A_1155 = arith.select %eq3A_1153, %scan3A_159#9, %broadcast_in_dim3A_1154 : vector<16xi1>, vector<16xi32>
      %reduce_min3A_1156 = arith.constant true
      %reduce_min3A_1157 = vector.broadcast %reduce_min3A_1156 : i1 to vector<16xi1>
      %reduce_min3A_1158 = arith.constant -2147483648 : i32
      %reduce_min3A_1159 = vector.broadcast %reduce_min3A_1158 : i32 to vector<16xi32>
      %reduce_min3A_1160 = arith.xori %select_n3A_1155, %reduce_min3A_1159 : vector<16xi32>
      %reduce_min3A_1161 = tpu.scan <min>, %reduce_min3A_1160 masked %reduce_min3A_1157 : vector<16xi32>, vector<16xi1> -> vector<16xi32>
      %reduce_min3A_1162 = arith.xori %reduce_min3A_1161, %reduce_min3A_1159 : vector<16xi32>
      %reduce_min3A_1163 = vector.extract %reduce_min3A_1162[15] : i32 from vector<16xi32>
      %eq3A_1164 = arith.constant 4 : i32
      %eq3A_1165 = vector.broadcast %eq3A_1164 : i32 to vector<16xi32>
      %eq3A_1166 = arith.cmpi eq, %iota3A, %eq3A_1165 : vector<16xi32>
      %broadcast_in_dim3A_1167 = vector.broadcast %reduce_min3A_1163 : i32 to vector<16xi32>
      %select_n3A_1168 = arith.select %eq3A_1166, %broadcast_in_dim3A_1167, %select_n3A_952 : vector<16xi1>, vector<16xi32>
      %eq3A_1169 = vector.broadcast %reduce_min3A_1163 : i32 to vector<16xi32>
      %eq3A_1170 = arith.cmpi eq, %scan3A_159#9, %eq3A_1169 : vector<16xi32>
      %and3A_1171 = arith.andi %eq3A_1153, %eq3A_1170 : vector<16xi1>
      %jit3A_1172 = arith.constant 0x7F800000 : f32
      %broadcast_in_dim3A_1173 = vector.broadcast %jit3A_1172 : f32 to vector<16xf32>
      %select_n3A_1174 = arith.select %and3A_1171, %broadcast_in_dim3A_1173, %select_n3A_958 : vector<16xi1>, vector<16xf32>
      %reduce_min3A_1175 = arith.constant true
      %reduce_min3A_1176 = vector.broadcast %reduce_min3A_1175 : i1 to vector<16xi1>
      %reduce_min3A_1177 = tpu.scan <min>, %select_n3A_985 masked %reduce_min3A_1176 : vector<16xf32>, vector<16xi1> -> vector<16xf32>
      %reduce_min3A_1178 = vector.extract %reduce_min3A_1177[15] : f32 from vector<16xf32>
      %eq3A_1179 = vector.broadcast %reduce_min3A_1178 : f32 to vector<16xf32>
      %eq3A_1180 = arith.cmpf oeq, %select_n3A_985, %eq3A_1179 : vector<16xf32>
      %broadcast_in_dim3A_1181 = vector.broadcast %scan3A : i32 to vector<16xi32>
      %select_n3A_1182 = arith.select %eq3A_1180, %scan3A_159#11, %broadcast_in_dim3A_1181 : vector<16xi1>, vector<16xi32>
      %reduce_min3A_1183 = arith.constant true
      %reduce_min3A_1184 = vector.broadcast %reduce_min3A_1183 : i1 to vector<16xi1>
      %reduce_min3A_1185 = arith.constant -2147483648 : i32
      %reduce_min3A_1186 = vector.broadcast %reduce_min3A_1185 : i32 to vector<16xi32>
      %reduce_min3A_1187 = arith.xori %select_n3A_1182, %reduce_min3A_1186 : vector<16xi32>
      %reduce_min3A_1188 = tpu.scan <min>, %reduce_min3A_1187 masked %reduce_min3A_1184 : vector<16xi32>, vector<16xi1> -> vector<16xi32>
      %reduce_min3A_1189 = arith.xori %reduce_min3A_1188, %reduce_min3A_1186 : vector<16xi32>
      %reduce_min3A_1190 = vector.extract %reduce_min3A_1189[15] : i32 from vector<16xi32>
      %eq3A_1191 = arith.constant 4 : i32
      %eq3A_1192 = vector.broadcast %eq3A_1191 : i32 to vector<16xi32>
      %eq3A_1193 = arith.cmpi eq, %iota3A, %eq3A_1192 : vector<16xi32>
      %broadcast_in_dim3A_1194 = vector.broadcast %reduce_min3A_1190 : i32 to vector<16xi32>
      %select_n3A_1195 = arith.select %eq3A_1193, %broadcast_in_dim3A_1194, %select_n3A_979 : vector<16xi1>, vector<16xi32>
      %eq3A_1196 = vector.broadcast %reduce_min3A_1190 : i32 to vector<16xi32>
      %eq3A_1197 = arith.cmpi eq, %scan3A_159#11, %eq3A_1196 : vector<16xi32>
      %and3A_1198 = arith.andi %eq3A_1180, %eq3A_1197 : vector<16xi1>
      %jit3A_1199 = arith.constant 0x7F800000 : f32
      %broadcast_in_dim3A_1200 = vector.broadcast %jit3A_1199 : f32 to vector<16xf32>
      %select_n3A_1201 = arith.select %and3A_1198, %broadcast_in_dim3A_1200, %select_n3A_985 : vector<16xi1>, vector<16xf32>
      %reduce_min3A_1202 = arith.constant true
      %reduce_min3A_1203 = vector.broadcast %reduce_min3A_1202 : i1 to vector<16xi1>
      %reduce_min3A_1204 = tpu.scan <min>, %select_n3A_1012 masked %reduce_min3A_1203 : vector<16xf32>, vector<16xi1> -> vector<16xf32>
      %reduce_min3A_1205 = vector.extract %reduce_min3A_1204[15] : f32 from vector<16xf32>
      %eq3A_1206 = vector.broadcast %reduce_min3A_1205 : f32 to vector<16xf32>
      %eq3A_1207 = arith.cmpf oeq, %select_n3A_1012, %eq3A_1206 : vector<16xf32>
      %broadcast_in_dim3A_1208 = vector.broadcast %scan3A : i32 to vector<16xi32>
      %select_n3A_1209 = arith.select %eq3A_1207, %scan3A_159#13, %broadcast_in_dim3A_1208 : vector<16xi1>, vector<16xi32>
      %reduce_min3A_1210 = arith.constant true
      %reduce_min3A_1211 = vector.broadcast %reduce_min3A_1210 : i1 to vector<16xi1>
      %reduce_min3A_1212 = arith.constant -2147483648 : i32
      %reduce_min3A_1213 = vector.broadcast %reduce_min3A_1212 : i32 to vector<16xi32>
      %reduce_min3A_1214 = arith.xori %select_n3A_1209, %reduce_min3A_1213 : vector<16xi32>
      %reduce_min3A_1215 = tpu.scan <min>, %reduce_min3A_1214 masked %reduce_min3A_1211 : vector<16xi32>, vector<16xi1> -> vector<16xi32>
      %reduce_min3A_1216 = arith.xori %reduce_min3A_1215, %reduce_min3A_1213 : vector<16xi32>
      %reduce_min3A_1217 = vector.extract %reduce_min3A_1216[15] : i32 from vector<16xi32>
      %eq3A_1218 = arith.constant 4 : i32
      %eq3A_1219 = vector.broadcast %eq3A_1218 : i32 to vector<16xi32>
      %eq3A_1220 = arith.cmpi eq, %iota3A, %eq3A_1219 : vector<16xi32>
      %broadcast_in_dim3A_1221 = vector.broadcast %reduce_min3A_1217 : i32 to vector<16xi32>
      %select_n3A_1222 = arith.select %eq3A_1220, %broadcast_in_dim3A_1221, %select_n3A_1006 : vector<16xi1>, vector<16xi32>
      %eq3A_1223 = vector.broadcast %reduce_min3A_1217 : i32 to vector<16xi32>
      %eq3A_1224 = arith.cmpi eq, %scan3A_159#13, %eq3A_1223 : vector<16xi32>
      %and3A_1225 = arith.andi %eq3A_1207, %eq3A_1224 : vector<16xi1>
      %jit3A_1226 = arith.constant 0x7F800000 : f32
      %broadcast_in_dim3A_1227 = vector.broadcast %jit3A_1226 : f32 to vector<16xf32>
      %select_n3A_1228 = arith.select %and3A_1225, %broadcast_in_dim3A_1227, %select_n3A_1012 : vector<16xi1>, vector<16xf32>
      %reduce_min3A_1229 = arith.constant true
      %reduce_min3A_1230 = vector.broadcast %reduce_min3A_1229 : i1 to vector<16xi1>
      %reduce_min3A_1231 = tpu.scan <min>, %select_n3A_1039 masked %reduce_min3A_1230 : vector<16xf32>, vector<16xi1> -> vector<16xf32>
      %reduce_min3A_1232 = vector.extract %reduce_min3A_1231[15] : f32 from vector<16xf32>
      %eq3A_1233 = vector.broadcast %reduce_min3A_1232 : f32 to vector<16xf32>
      %eq3A_1234 = arith.cmpf oeq, %select_n3A_1039, %eq3A_1233 : vector<16xf32>
      %broadcast_in_dim3A_1235 = vector.broadcast %scan3A : i32 to vector<16xi32>
      %select_n3A_1236 = arith.select %eq3A_1234, %scan3A_159#15, %broadcast_in_dim3A_1235 : vector<16xi1>, vector<16xi32>
      %reduce_min3A_1237 = arith.constant true
      %reduce_min3A_1238 = vector.broadcast %reduce_min3A_1237 : i1 to vector<16xi1>
      %reduce_min3A_1239 = arith.constant -2147483648 : i32
      %reduce_min3A_1240 = vector.broadcast %reduce_min3A_1239 : i32 to vector<16xi32>
      %reduce_min3A_1241 = arith.xori %select_n3A_1236, %reduce_min3A_1240 : vector<16xi32>
      %reduce_min3A_1242 = tpu.scan <min>, %reduce_min3A_1241 masked %reduce_min3A_1238 : vector<16xi32>, vector<16xi1> -> vector<16xi32>
      %reduce_min3A_1243 = arith.xori %reduce_min3A_1242, %reduce_min3A_1240 : vector<16xi32>
      %reduce_min3A_1244 = vector.extract %reduce_min3A_1243[15] : i32 from vector<16xi32>
      %eq3A_1245 = arith.constant 4 : i32
      %eq3A_1246 = vector.broadcast %eq3A_1245 : i32 to vector<16xi32>
      %eq3A_1247 = arith.cmpi eq, %iota3A, %eq3A_1246 : vector<16xi32>
      %broadcast_in_dim3A_1248 = vector.broadcast %reduce_min3A_1244 : i32 to vector<16xi32>
      %select_n3A_1249 = arith.select %eq3A_1247, %broadcast_in_dim3A_1248, %select_n3A_1033 : vector<16xi1>, vector<16xi32>
      %eq3A_1250 = vector.broadcast %reduce_min3A_1244 : i32 to vector<16xi32>
      %eq3A_1251 = arith.cmpi eq, %scan3A_159#15, %eq3A_1250 : vector<16xi32>
      %and3A_1252 = arith.andi %eq3A_1234, %eq3A_1251 : vector<16xi1>
      %jit3A_1253 = arith.constant 0x7F800000 : f32
      %broadcast_in_dim3A_1254 = vector.broadcast %jit3A_1253 : f32 to vector<16xf32>
      %select_n3A_1255 = arith.select %and3A_1252, %broadcast_in_dim3A_1254, %select_n3A_1039 : vector<16xi1>, vector<16xf32>
      %reduce_min3A_1256 = arith.constant true
      %reduce_min3A_1257 = vector.broadcast %reduce_min3A_1256 : i1 to vector<16xi1>
      %reduce_min3A_1258 = tpu.scan <min>, %select_n3A_1066 masked %reduce_min3A_1257 : vector<16xf32>, vector<16xi1> -> vector<16xf32>
      %reduce_min3A_1259 = vector.extract %reduce_min3A_1258[15] : f32 from vector<16xf32>
      %eq3A_1260 = vector.broadcast %reduce_min3A_1259 : f32 to vector<16xf32>
      %eq3A_1261 = arith.cmpf oeq, %select_n3A_1066, %eq3A_1260 : vector<16xf32>
      %broadcast_in_dim3A_1262 = vector.broadcast %scan3A : i32 to vector<16xi32>
      %select_n3A_1263 = arith.select %eq3A_1261, %scan3A_159#1, %broadcast_in_dim3A_1262 : vector<16xi1>, vector<16xi32>
      %reduce_min3A_1264 = arith.constant true
      %reduce_min3A_1265 = vector.broadcast %reduce_min3A_1264 : i1 to vector<16xi1>
      %reduce_min3A_1266 = arith.constant -2147483648 : i32
      %reduce_min3A_1267 = vector.broadcast %reduce_min3A_1266 : i32 to vector<16xi32>
      %reduce_min3A_1268 = arith.xori %select_n3A_1263, %reduce_min3A_1267 : vector<16xi32>
      %reduce_min3A_1269 = tpu.scan <min>, %reduce_min3A_1268 masked %reduce_min3A_1265 : vector<16xi32>, vector<16xi1> -> vector<16xi32>
      %reduce_min3A_1270 = arith.xori %reduce_min3A_1269, %reduce_min3A_1267 : vector<16xi32>
      %reduce_min3A_1271 = vector.extract %reduce_min3A_1270[15] : i32 from vector<16xi32>
      %eq3A_1272 = arith.constant 5 : i32
      %eq3A_1273 = vector.broadcast %eq3A_1272 : i32 to vector<16xi32>
      %eq3A_1274 = arith.cmpi eq, %iota3A, %eq3A_1273 : vector<16xi32>
      %broadcast_in_dim3A_1275 = vector.broadcast %reduce_min3A_1271 : i32 to vector<16xi32>
      %select_n3A_1276 = arith.select %eq3A_1274, %broadcast_in_dim3A_1275, %select_n3A_1060 : vector<16xi1>, vector<16xi32>
      %eq3A_1277 = vector.broadcast %reduce_min3A_1271 : i32 to vector<16xi32>
      %eq3A_1278 = arith.cmpi eq, %scan3A_159#1, %eq3A_1277 : vector<16xi32>
      %and3A_1279 = arith.andi %eq3A_1261, %eq3A_1278 : vector<16xi1>
      %jit3A_1280 = arith.constant 0x7F800000 : f32
      %broadcast_in_dim3A_1281 = vector.broadcast %jit3A_1280 : f32 to vector<16xf32>
      %select_n3A_1282 = arith.select %and3A_1279, %broadcast_in_dim3A_1281, %select_n3A_1066 : vector<16xi1>, vector<16xf32>
      %reduce_min3A_1283 = arith.constant true
      %reduce_min3A_1284 = vector.broadcast %reduce_min3A_1283 : i1 to vector<16xi1>
      %reduce_min3A_1285 = tpu.scan <min>, %select_n3A_1093 masked %reduce_min3A_1284 : vector<16xf32>, vector<16xi1> -> vector<16xf32>
      %reduce_min3A_1286 = vector.extract %reduce_min3A_1285[15] : f32 from vector<16xf32>
      %eq3A_1287 = vector.broadcast %reduce_min3A_1286 : f32 to vector<16xf32>
      %eq3A_1288 = arith.cmpf oeq, %select_n3A_1093, %eq3A_1287 : vector<16xf32>
      %broadcast_in_dim3A_1289 = vector.broadcast %scan3A : i32 to vector<16xi32>
      %select_n3A_1290 = arith.select %eq3A_1288, %scan3A_159#3, %broadcast_in_dim3A_1289 : vector<16xi1>, vector<16xi32>
      %reduce_min3A_1291 = arith.constant true
      %reduce_min3A_1292 = vector.broadcast %reduce_min3A_1291 : i1 to vector<16xi1>
      %reduce_min3A_1293 = arith.constant -2147483648 : i32
      %reduce_min3A_1294 = vector.broadcast %reduce_min3A_1293 : i32 to vector<16xi32>
      %reduce_min3A_1295 = arith.xori %select_n3A_1290, %reduce_min3A_1294 : vector<16xi32>
      %reduce_min3A_1296 = tpu.scan <min>, %reduce_min3A_1295 masked %reduce_min3A_1292 : vector<16xi32>, vector<16xi1> -> vector<16xi32>
      %reduce_min3A_1297 = arith.xori %reduce_min3A_1296, %reduce_min3A_1294 : vector<16xi32>
      %reduce_min3A_1298 = vector.extract %reduce_min3A_1297[15] : i32 from vector<16xi32>
      %eq3A_1299 = arith.constant 5 : i32
      %eq3A_1300 = vector.broadcast %eq3A_1299 : i32 to vector<16xi32>
      %eq3A_1301 = arith.cmpi eq, %iota3A, %eq3A_1300 : vector<16xi32>
      %broadcast_in_dim3A_1302 = vector.broadcast %reduce_min3A_1298 : i32 to vector<16xi32>
      %select_n3A_1303 = arith.select %eq3A_1301, %broadcast_in_dim3A_1302, %select_n3A_1087 : vector<16xi1>, vector<16xi32>
      %eq3A_1304 = vector.broadcast %reduce_min3A_1298 : i32 to vector<16xi32>
      %eq3A_1305 = arith.cmpi eq, %scan3A_159#3, %eq3A_1304 : vector<16xi32>
      %and3A_1306 = arith.andi %eq3A_1288, %eq3A_1305 : vector<16xi1>
      %jit3A_1307 = arith.constant 0x7F800000 : f32
      %broadcast_in_dim3A_1308 = vector.broadcast %jit3A_1307 : f32 to vector<16xf32>
      %select_n3A_1309 = arith.select %and3A_1306, %broadcast_in_dim3A_1308, %select_n3A_1093 : vector<16xi1>, vector<16xf32>
      %reduce_min3A_1310 = arith.constant true
      %reduce_min3A_1311 = vector.broadcast %reduce_min3A_1310 : i1 to vector<16xi1>
      %reduce_min3A_1312 = tpu.scan <min>, %select_n3A_1120 masked %reduce_min3A_1311 : vector<16xf32>, vector<16xi1> -> vector<16xf32>
      %reduce_min3A_1313 = vector.extract %reduce_min3A_1312[15] : f32 from vector<16xf32>
      %eq3A_1314 = vector.broadcast %reduce_min3A_1313 : f32 to vector<16xf32>
      %eq3A_1315 = arith.cmpf oeq, %select_n3A_1120, %eq3A_1314 : vector<16xf32>
      %broadcast_in_dim3A_1316 = vector.broadcast %scan3A : i32 to vector<16xi32>
      %select_n3A_1317 = arith.select %eq3A_1315, %scan3A_159#5, %broadcast_in_dim3A_1316 : vector<16xi1>, vector<16xi32>
      %reduce_min3A_1318 = arith.constant true
      %reduce_min3A_1319 = vector.broadcast %reduce_min3A_1318 : i1 to vector<16xi1>
      %reduce_min3A_1320 = arith.constant -2147483648 : i32
      %reduce_min3A_1321 = vector.broadcast %reduce_min3A_1320 : i32 to vector<16xi32>
      %reduce_min3A_1322 = arith.xori %select_n3A_1317, %reduce_min3A_1321 : vector<16xi32>
      %reduce_min3A_1323 = tpu.scan <min>, %reduce_min3A_1322 masked %reduce_min3A_1319 : vector<16xi32>, vector<16xi1> -> vector<16xi32>
      %reduce_min3A_1324 = arith.xori %reduce_min3A_1323, %reduce_min3A_1321 : vector<16xi32>
      %reduce_min3A_1325 = vector.extract %reduce_min3A_1324[15] : i32 from vector<16xi32>
      %eq3A_1326 = arith.constant 5 : i32
      %eq3A_1327 = vector.broadcast %eq3A_1326 : i32 to vector<16xi32>
      %eq3A_1328 = arith.cmpi eq, %iota3A, %eq3A_1327 : vector<16xi32>
      %broadcast_in_dim3A_1329 = vector.broadcast %reduce_min3A_1325 : i32 to vector<16xi32>
      %select_n3A_1330 = arith.select %eq3A_1328, %broadcast_in_dim3A_1329, %select_n3A_1114 : vector<16xi1>, vector<16xi32>
      %eq3A_1331 = vector.broadcast %reduce_min3A_1325 : i32 to vector<16xi32>
      %eq3A_1332 = arith.cmpi eq, %scan3A_159#5, %eq3A_1331 : vector<16xi32>
      %and3A_1333 = arith.andi %eq3A_1315, %eq3A_1332 : vector<16xi1>
      %jit3A_1334 = arith.constant 0x7F800000 : f32
      %broadcast_in_dim3A_1335 = vector.broadcast %jit3A_1334 : f32 to vector<16xf32>
      %select_n3A_1336 = arith.select %and3A_1333, %broadcast_in_dim3A_1335, %select_n3A_1120 : vector<16xi1>, vector<16xf32>
      %reduce_min3A_1337 = arith.constant true
      %reduce_min3A_1338 = vector.broadcast %reduce_min3A_1337 : i1 to vector<16xi1>
      %reduce_min3A_1339 = tpu.scan <min>, %select_n3A_1147 masked %reduce_min3A_1338 : vector<16xf32>, vector<16xi1> -> vector<16xf32>
      %reduce_min3A_1340 = vector.extract %reduce_min3A_1339[15] : f32 from vector<16xf32>
      %eq3A_1341 = vector.broadcast %reduce_min3A_1340 : f32 to vector<16xf32>
      %eq3A_1342 = arith.cmpf oeq, %select_n3A_1147, %eq3A_1341 : vector<16xf32>
      %broadcast_in_dim3A_1343 = vector.broadcast %scan3A : i32 to vector<16xi32>
      %select_n3A_1344 = arith.select %eq3A_1342, %scan3A_159#7, %broadcast_in_dim3A_1343 : vector<16xi1>, vector<16xi32>
      %reduce_min3A_1345 = arith.constant true
      %reduce_min3A_1346 = vector.broadcast %reduce_min3A_1345 : i1 to vector<16xi1>
      %reduce_min3A_1347 = arith.constant -2147483648 : i32
      %reduce_min3A_1348 = vector.broadcast %reduce_min3A_1347 : i32 to vector<16xi32>
      %reduce_min3A_1349 = arith.xori %select_n3A_1344, %reduce_min3A_1348 : vector<16xi32>
      %reduce_min3A_1350 = tpu.scan <min>, %reduce_min3A_1349 masked %reduce_min3A_1346 : vector<16xi32>, vector<16xi1> -> vector<16xi32>
      %reduce_min3A_1351 = arith.xori %reduce_min3A_1350, %reduce_min3A_1348 : vector<16xi32>
      %reduce_min3A_1352 = vector.extract %reduce_min3A_1351[15] : i32 from vector<16xi32>
      %eq3A_1353 = arith.constant 5 : i32
      %eq3A_1354 = vector.broadcast %eq3A_1353 : i32 to vector<16xi32>
      %eq3A_1355 = arith.cmpi eq, %iota3A, %eq3A_1354 : vector<16xi32>
      %broadcast_in_dim3A_1356 = vector.broadcast %reduce_min3A_1352 : i32 to vector<16xi32>
      %select_n3A_1357 = arith.select %eq3A_1355, %broadcast_in_dim3A_1356, %select_n3A_1141 : vector<16xi1>, vector<16xi32>
      %eq3A_1358 = vector.broadcast %reduce_min3A_1352 : i32 to vector<16xi32>
      %eq3A_1359 = arith.cmpi eq, %scan3A_159#7, %eq3A_1358 : vector<16xi32>
      %and3A_1360 = arith.andi %eq3A_1342, %eq3A_1359 : vector<16xi1>
      %jit3A_1361 = arith.constant 0x7F800000 : f32
      %broadcast_in_dim3A_1362 = vector.broadcast %jit3A_1361 : f32 to vector<16xf32>
      %select_n3A_1363 = arith.select %and3A_1360, %broadcast_in_dim3A_1362, %select_n3A_1147 : vector<16xi1>, vector<16xf32>
      %reduce_min3A_1364 = arith.constant true
      %reduce_min3A_1365 = vector.broadcast %reduce_min3A_1364 : i1 to vector<16xi1>
      %reduce_min3A_1366 = tpu.scan <min>, %select_n3A_1174 masked %reduce_min3A_1365 : vector<16xf32>, vector<16xi1> -> vector<16xf32>
      %reduce_min3A_1367 = vector.extract %reduce_min3A_1366[15] : f32 from vector<16xf32>
      %eq3A_1368 = vector.broadcast %reduce_min3A_1367 : f32 to vector<16xf32>
      %eq3A_1369 = arith.cmpf oeq, %select_n3A_1174, %eq3A_1368 : vector<16xf32>
      %broadcast_in_dim3A_1370 = vector.broadcast %scan3A : i32 to vector<16xi32>
      %select_n3A_1371 = arith.select %eq3A_1369, %scan3A_159#9, %broadcast_in_dim3A_1370 : vector<16xi1>, vector<16xi32>
      %reduce_min3A_1372 = arith.constant true
      %reduce_min3A_1373 = vector.broadcast %reduce_min3A_1372 : i1 to vector<16xi1>
      %reduce_min3A_1374 = arith.constant -2147483648 : i32
      %reduce_min3A_1375 = vector.broadcast %reduce_min3A_1374 : i32 to vector<16xi32>
      %reduce_min3A_1376 = arith.xori %select_n3A_1371, %reduce_min3A_1375 : vector<16xi32>
      %reduce_min3A_1377 = tpu.scan <min>, %reduce_min3A_1376 masked %reduce_min3A_1373 : vector<16xi32>, vector<16xi1> -> vector<16xi32>
      %reduce_min3A_1378 = arith.xori %reduce_min3A_1377, %reduce_min3A_1375 : vector<16xi32>
      %reduce_min3A_1379 = vector.extract %reduce_min3A_1378[15] : i32 from vector<16xi32>
      %eq3A_1380 = arith.constant 5 : i32
      %eq3A_1381 = vector.broadcast %eq3A_1380 : i32 to vector<16xi32>
      %eq3A_1382 = arith.cmpi eq, %iota3A, %eq3A_1381 : vector<16xi32>
      %broadcast_in_dim3A_1383 = vector.broadcast %reduce_min3A_1379 : i32 to vector<16xi32>
      %select_n3A_1384 = arith.select %eq3A_1382, %broadcast_in_dim3A_1383, %select_n3A_1168 : vector<16xi1>, vector<16xi32>
      %eq3A_1385 = vector.broadcast %reduce_min3A_1379 : i32 to vector<16xi32>
      %eq3A_1386 = arith.cmpi eq, %scan3A_159#9, %eq3A_1385 : vector<16xi32>
      %and3A_1387 = arith.andi %eq3A_1369, %eq3A_1386 : vector<16xi1>
      %jit3A_1388 = arith.constant 0x7F800000 : f32
      %broadcast_in_dim3A_1389 = vector.broadcast %jit3A_1388 : f32 to vector<16xf32>
      %select_n3A_1390 = arith.select %and3A_1387, %broadcast_in_dim3A_1389, %select_n3A_1174 : vector<16xi1>, vector<16xf32>
      %reduce_min3A_1391 = arith.constant true
      %reduce_min3A_1392 = vector.broadcast %reduce_min3A_1391 : i1 to vector<16xi1>
      %reduce_min3A_1393 = tpu.scan <min>, %select_n3A_1201 masked %reduce_min3A_1392 : vector<16xf32>, vector<16xi1> -> vector<16xf32>
      %reduce_min3A_1394 = vector.extract %reduce_min3A_1393[15] : f32 from vector<16xf32>
      %eq3A_1395 = vector.broadcast %reduce_min3A_1394 : f32 to vector<16xf32>
      %eq3A_1396 = arith.cmpf oeq, %select_n3A_1201, %eq3A_1395 : vector<16xf32>
      %broadcast_in_dim3A_1397 = vector.broadcast %scan3A : i32 to vector<16xi32>
      %select_n3A_1398 = arith.select %eq3A_1396, %scan3A_159#11, %broadcast_in_dim3A_1397 : vector<16xi1>, vector<16xi32>
      %reduce_min3A_1399 = arith.constant true
      %reduce_min3A_1400 = vector.broadcast %reduce_min3A_1399 : i1 to vector<16xi1>
      %reduce_min3A_1401 = arith.constant -2147483648 : i32
      %reduce_min3A_1402 = vector.broadcast %reduce_min3A_1401 : i32 to vector<16xi32>
      %reduce_min3A_1403 = arith.xori %select_n3A_1398, %reduce_min3A_1402 : vector<16xi32>
      %reduce_min3A_1404 = tpu.scan <min>, %reduce_min3A_1403 masked %reduce_min3A_1400 : vector<16xi32>, vector<16xi1> -> vector<16xi32>
      %reduce_min3A_1405 = arith.xori %reduce_min3A_1404, %reduce_min3A_1402 : vector<16xi32>
      %reduce_min3A_1406 = vector.extract %reduce_min3A_1405[15] : i32 from vector<16xi32>
      %eq3A_1407 = arith.constant 5 : i32
      %eq3A_1408 = vector.broadcast %eq3A_1407 : i32 to vector<16xi32>
      %eq3A_1409 = arith.cmpi eq, %iota3A, %eq3A_1408 : vector<16xi32>
      %broadcast_in_dim3A_1410 = vector.broadcast %reduce_min3A_1406 : i32 to vector<16xi32>
      %select_n3A_1411 = arith.select %eq3A_1409, %broadcast_in_dim3A_1410, %select_n3A_1195 : vector<16xi1>, vector<16xi32>
      %eq3A_1412 = vector.broadcast %reduce_min3A_1406 : i32 to vector<16xi32>
      %eq3A_1413 = arith.cmpi eq, %scan3A_159#11, %eq3A_1412 : vector<16xi32>
      %and3A_1414 = arith.andi %eq3A_1396, %eq3A_1413 : vector<16xi1>
      %jit3A_1415 = arith.constant 0x7F800000 : f32
      %broadcast_in_dim3A_1416 = vector.broadcast %jit3A_1415 : f32 to vector<16xf32>
      %select_n3A_1417 = arith.select %and3A_1414, %broadcast_in_dim3A_1416, %select_n3A_1201 : vector<16xi1>, vector<16xf32>
      %reduce_min3A_1418 = arith.constant true
      %reduce_min3A_1419 = vector.broadcast %reduce_min3A_1418 : i1 to vector<16xi1>
      %reduce_min3A_1420 = tpu.scan <min>, %select_n3A_1228 masked %reduce_min3A_1419 : vector<16xf32>, vector<16xi1> -> vector<16xf32>
      %reduce_min3A_1421 = vector.extract %reduce_min3A_1420[15] : f32 from vector<16xf32>
      %eq3A_1422 = vector.broadcast %reduce_min3A_1421 : f32 to vector<16xf32>
      %eq3A_1423 = arith.cmpf oeq, %select_n3A_1228, %eq3A_1422 : vector<16xf32>
      %broadcast_in_dim3A_1424 = vector.broadcast %scan3A : i32 to vector<16xi32>
      %select_n3A_1425 = arith.select %eq3A_1423, %scan3A_159#13, %broadcast_in_dim3A_1424 : vector<16xi1>, vector<16xi32>
      %reduce_min3A_1426 = arith.constant true
      %reduce_min3A_1427 = vector.broadcast %reduce_min3A_1426 : i1 to vector<16xi1>
      %reduce_min3A_1428 = arith.constant -2147483648 : i32
      %reduce_min3A_1429 = vector.broadcast %reduce_min3A_1428 : i32 to vector<16xi32>
      %reduce_min3A_1430 = arith.xori %select_n3A_1425, %reduce_min3A_1429 : vector<16xi32>
      %reduce_min3A_1431 = tpu.scan <min>, %reduce_min3A_1430 masked %reduce_min3A_1427 : vector<16xi32>, vector<16xi1> -> vector<16xi32>
      %reduce_min3A_1432 = arith.xori %reduce_min3A_1431, %reduce_min3A_1429 : vector<16xi32>
      %reduce_min3A_1433 = vector.extract %reduce_min3A_1432[15] : i32 from vector<16xi32>
      %eq3A_1434 = arith.constant 5 : i32
      %eq3A_1435 = vector.broadcast %eq3A_1434 : i32 to vector<16xi32>
      %eq3A_1436 = arith.cmpi eq, %iota3A, %eq3A_1435 : vector<16xi32>
      %broadcast_in_dim3A_1437 = vector.broadcast %reduce_min3A_1433 : i32 to vector<16xi32>
      %select_n3A_1438 = arith.select %eq3A_1436, %broadcast_in_dim3A_1437, %select_n3A_1222 : vector<16xi1>, vector<16xi32>
      %eq3A_1439 = vector.broadcast %reduce_min3A_1433 : i32 to vector<16xi32>
      %eq3A_1440 = arith.cmpi eq, %scan3A_159#13, %eq3A_1439 : vector<16xi32>
      %and3A_1441 = arith.andi %eq3A_1423, %eq3A_1440 : vector<16xi1>
      %jit3A_1442 = arith.constant 0x7F800000 : f32
      %broadcast_in_dim3A_1443 = vector.broadcast %jit3A_1442 : f32 to vector<16xf32>
      %select_n3A_1444 = arith.select %and3A_1441, %broadcast_in_dim3A_1443, %select_n3A_1228 : vector<16xi1>, vector<16xf32>
      %reduce_min3A_1445 = arith.constant true
      %reduce_min3A_1446 = vector.broadcast %reduce_min3A_1445 : i1 to vector<16xi1>
      %reduce_min3A_1447 = tpu.scan <min>, %select_n3A_1255 masked %reduce_min3A_1446 : vector<16xf32>, vector<16xi1> -> vector<16xf32>
      %reduce_min3A_1448 = vector.extract %reduce_min3A_1447[15] : f32 from vector<16xf32>
      %eq3A_1449 = vector.broadcast %reduce_min3A_1448 : f32 to vector<16xf32>
      %eq3A_1450 = arith.cmpf oeq, %select_n3A_1255, %eq3A_1449 : vector<16xf32>
      %broadcast_in_dim3A_1451 = vector.broadcast %scan3A : i32 to vector<16xi32>
      %select_n3A_1452 = arith.select %eq3A_1450, %scan3A_159#15, %broadcast_in_dim3A_1451 : vector<16xi1>, vector<16xi32>
      %reduce_min3A_1453 = arith.constant true
      %reduce_min3A_1454 = vector.broadcast %reduce_min3A_1453 : i1 to vector<16xi1>
      %reduce_min3A_1455 = arith.constant -2147483648 : i32
      %reduce_min3A_1456 = vector.broadcast %reduce_min3A_1455 : i32 to vector<16xi32>
      %reduce_min3A_1457 = arith.xori %select_n3A_1452, %reduce_min3A_1456 : vector<16xi32>
      %reduce_min3A_1458 = tpu.scan <min>, %reduce_min3A_1457 masked %reduce_min3A_1454 : vector<16xi32>, vector<16xi1> -> vector<16xi32>
      %reduce_min3A_1459 = arith.xori %reduce_min3A_1458, %reduce_min3A_1456 : vector<16xi32>
      %reduce_min3A_1460 = vector.extract %reduce_min3A_1459[15] : i32 from vector<16xi32>
      %eq3A_1461 = arith.constant 5 : i32
      %eq3A_1462 = vector.broadcast %eq3A_1461 : i32 to vector<16xi32>
      %eq3A_1463 = arith.cmpi eq, %iota3A, %eq3A_1462 : vector<16xi32>
      %broadcast_in_dim3A_1464 = vector.broadcast %reduce_min3A_1460 : i32 to vector<16xi32>
      %select_n3A_1465 = arith.select %eq3A_1463, %broadcast_in_dim3A_1464, %select_n3A_1249 : vector<16xi1>, vector<16xi32>
      %eq3A_1466 = vector.broadcast %reduce_min3A_1460 : i32 to vector<16xi32>
      %eq3A_1467 = arith.cmpi eq, %scan3A_159#15, %eq3A_1466 : vector<16xi32>
      %and3A_1468 = arith.andi %eq3A_1450, %eq3A_1467 : vector<16xi1>
      %jit3A_1469 = arith.constant 0x7F800000 : f32
      %broadcast_in_dim3A_1470 = vector.broadcast %jit3A_1469 : f32 to vector<16xf32>
      %select_n3A_1471 = arith.select %and3A_1468, %broadcast_in_dim3A_1470, %select_n3A_1255 : vector<16xi1>, vector<16xf32>
      %reduce_min3A_1472 = arith.constant true
      %reduce_min3A_1473 = vector.broadcast %reduce_min3A_1472 : i1 to vector<16xi1>
      %reduce_min3A_1474 = tpu.scan <min>, %select_n3A_1282 masked %reduce_min3A_1473 : vector<16xf32>, vector<16xi1> -> vector<16xf32>
      %reduce_min3A_1475 = vector.extract %reduce_min3A_1474[15] : f32 from vector<16xf32>
      %eq3A_1476 = vector.broadcast %reduce_min3A_1475 : f32 to vector<16xf32>
      %eq3A_1477 = arith.cmpf oeq, %select_n3A_1282, %eq3A_1476 : vector<16xf32>
      %broadcast_in_dim3A_1478 = vector.broadcast %scan3A : i32 to vector<16xi32>
      %select_n3A_1479 = arith.select %eq3A_1477, %scan3A_159#1, %broadcast_in_dim3A_1478 : vector<16xi1>, vector<16xi32>
      %reduce_min3A_1480 = arith.constant true
      %reduce_min3A_1481 = vector.broadcast %reduce_min3A_1480 : i1 to vector<16xi1>
      %reduce_min3A_1482 = arith.constant -2147483648 : i32
      %reduce_min3A_1483 = vector.broadcast %reduce_min3A_1482 : i32 to vector<16xi32>
      %reduce_min3A_1484 = arith.xori %select_n3A_1479, %reduce_min3A_1483 : vector<16xi32>
      %reduce_min3A_1485 = tpu.scan <min>, %reduce_min3A_1484 masked %reduce_min3A_1481 : vector<16xi32>, vector<16xi1> -> vector<16xi32>
      %reduce_min3A_1486 = arith.xori %reduce_min3A_1485, %reduce_min3A_1483 : vector<16xi32>
      %reduce_min3A_1487 = vector.extract %reduce_min3A_1486[15] : i32 from vector<16xi32>
      %eq3A_1488 = arith.constant 6 : i32
      %eq3A_1489 = vector.broadcast %eq3A_1488 : i32 to vector<16xi32>
      %eq3A_1490 = arith.cmpi eq, %iota3A, %eq3A_1489 : vector<16xi32>
      %broadcast_in_dim3A_1491 = vector.broadcast %reduce_min3A_1487 : i32 to vector<16xi32>
      %select_n3A_1492 = arith.select %eq3A_1490, %broadcast_in_dim3A_1491, %select_n3A_1276 : vector<16xi1>, vector<16xi32>
      %eq3A_1493 = vector.broadcast %reduce_min3A_1487 : i32 to vector<16xi32>
      %eq3A_1494 = arith.cmpi eq, %scan3A_159#1, %eq3A_1493 : vector<16xi32>
      %and3A_1495 = arith.andi %eq3A_1477, %eq3A_1494 : vector<16xi1>
      %jit3A_1496 = arith.constant 0x7F800000 : f32
      %broadcast_in_dim3A_1497 = vector.broadcast %jit3A_1496 : f32 to vector<16xf32>
      %select_n3A_1498 = arith.select %and3A_1495, %broadcast_in_dim3A_1497, %select_n3A_1282 : vector<16xi1>, vector<16xf32>
      %reduce_min3A_1499 = arith.constant true
      %reduce_min3A_1500 = vector.broadcast %reduce_min3A_1499 : i1 to vector<16xi1>
      %reduce_min3A_1501 = tpu.scan <min>, %select_n3A_1309 masked %reduce_min3A_1500 : vector<16xf32>, vector<16xi1> -> vector<16xf32>
      %reduce_min3A_1502 = vector.extract %reduce_min3A_1501[15] : f32 from vector<16xf32>
      %eq3A_1503 = vector.broadcast %reduce_min3A_1502 : f32 to vector<16xf32>
      %eq3A_1504 = arith.cmpf oeq, %select_n3A_1309, %eq3A_1503 : vector<16xf32>
      %broadcast_in_dim3A_1505 = vector.broadcast %scan3A : i32 to vector<16xi32>
      %select_n3A_1506 = arith.select %eq3A_1504, %scan3A_159#3, %broadcast_in_dim3A_1505 : vector<16xi1>, vector<16xi32>
      %reduce_min3A_1507 = arith.constant true
      %reduce_min3A_1508 = vector.broadcast %reduce_min3A_1507 : i1 to vector<16xi1>
      %reduce_min3A_1509 = arith.constant -2147483648 : i32
      %reduce_min3A_1510 = vector.broadcast %reduce_min3A_1509 : i32 to vector<16xi32>
      %reduce_min3A_1511 = arith.xori %select_n3A_1506, %reduce_min3A_1510 : vector<16xi32>
      %reduce_min3A_1512 = tpu.scan <min>, %reduce_min3A_1511 masked %reduce_min3A_1508 : vector<16xi32>, vector<16xi1> -> vector<16xi32>
      %reduce_min3A_1513 = arith.xori %reduce_min3A_1512, %reduce_min3A_1510 : vector<16xi32>
      %reduce_min3A_1514 = vector.extract %reduce_min3A_1513[15] : i32 from vector<16xi32>
      %eq3A_1515 = arith.constant 6 : i32
      %eq3A_1516 = vector.broadcast %eq3A_1515 : i32 to vector<16xi32>
      %eq3A_1517 = arith.cmpi eq, %iota3A, %eq3A_1516 : vector<16xi32>
      %broadcast_in_dim3A_1518 = vector.broadcast %reduce_min3A_1514 : i32 to vector<16xi32>
      %select_n3A_1519 = arith.select %eq3A_1517, %broadcast_in_dim3A_1518, %select_n3A_1303 : vector<16xi1>, vector<16xi32>
      %eq3A_1520 = vector.broadcast %reduce_min3A_1514 : i32 to vector<16xi32>
      %eq3A_1521 = arith.cmpi eq, %scan3A_159#3, %eq3A_1520 : vector<16xi32>
      %and3A_1522 = arith.andi %eq3A_1504, %eq3A_1521 : vector<16xi1>
      %jit3A_1523 = arith.constant 0x7F800000 : f32
      %broadcast_in_dim3A_1524 = vector.broadcast %jit3A_1523 : f32 to vector<16xf32>
      %select_n3A_1525 = arith.select %and3A_1522, %broadcast_in_dim3A_1524, %select_n3A_1309 : vector<16xi1>, vector<16xf32>
      %reduce_min3A_1526 = arith.constant true
      %reduce_min3A_1527 = vector.broadcast %reduce_min3A_1526 : i1 to vector<16xi1>
      %reduce_min3A_1528 = tpu.scan <min>, %select_n3A_1336 masked %reduce_min3A_1527 : vector<16xf32>, vector<16xi1> -> vector<16xf32>
      %reduce_min3A_1529 = vector.extract %reduce_min3A_1528[15] : f32 from vector<16xf32>
      %eq3A_1530 = vector.broadcast %reduce_min3A_1529 : f32 to vector<16xf32>
      %eq3A_1531 = arith.cmpf oeq, %select_n3A_1336, %eq3A_1530 : vector<16xf32>
      %broadcast_in_dim3A_1532 = vector.broadcast %scan3A : i32 to vector<16xi32>
      %select_n3A_1533 = arith.select %eq3A_1531, %scan3A_159#5, %broadcast_in_dim3A_1532 : vector<16xi1>, vector<16xi32>
      %reduce_min3A_1534 = arith.constant true
      %reduce_min3A_1535 = vector.broadcast %reduce_min3A_1534 : i1 to vector<16xi1>
      %reduce_min3A_1536 = arith.constant -2147483648 : i32
      %reduce_min3A_1537 = vector.broadcast %reduce_min3A_1536 : i32 to vector<16xi32>
      %reduce_min3A_1538 = arith.xori %select_n3A_1533, %reduce_min3A_1537 : vector<16xi32>
      %reduce_min3A_1539 = tpu.scan <min>, %reduce_min3A_1538 masked %reduce_min3A_1535 : vector<16xi32>, vector<16xi1> -> vector<16xi32>
      %reduce_min3A_1540 = arith.xori %reduce_min3A_1539, %reduce_min3A_1537 : vector<16xi32>
      %reduce_min3A_1541 = vector.extract %reduce_min3A_1540[15] : i32 from vector<16xi32>
      %eq3A_1542 = arith.constant 6 : i32
      %eq3A_1543 = vector.broadcast %eq3A_1542 : i32 to vector<16xi32>
      %eq3A_1544 = arith.cmpi eq, %iota3A, %eq3A_1543 : vector<16xi32>
      %broadcast_in_dim3A_1545 = vector.broadcast %reduce_min3A_1541 : i32 to vector<16xi32>
      %select_n3A_1546 = arith.select %eq3A_1544, %broadcast_in_dim3A_1545, %select_n3A_1330 : vector<16xi1>, vector<16xi32>
      %eq3A_1547 = vector.broadcast %reduce_min3A_1541 : i32 to vector<16xi32>
      %eq3A_1548 = arith.cmpi eq, %scan3A_159#5, %eq3A_1547 : vector<16xi32>
      %and3A_1549 = arith.andi %eq3A_1531, %eq3A_1548 : vector<16xi1>
      %jit3A_1550 = arith.constant 0x7F800000 : f32
      %broadcast_in_dim3A_1551 = vector.broadcast %jit3A_1550 : f32 to vector<16xf32>
      %select_n3A_1552 = arith.select %and3A_1549, %broadcast_in_dim3A_1551, %select_n3A_1336 : vector<16xi1>, vector<16xf32>
      %reduce_min3A_1553 = arith.constant true
      %reduce_min3A_1554 = vector.broadcast %reduce_min3A_1553 : i1 to vector<16xi1>
      %reduce_min3A_1555 = tpu.scan <min>, %select_n3A_1363 masked %reduce_min3A_1554 : vector<16xf32>, vector<16xi1> -> vector<16xf32>
      %reduce_min3A_1556 = vector.extract %reduce_min3A_1555[15] : f32 from vector<16xf32>
      %eq3A_1557 = vector.broadcast %reduce_min3A_1556 : f32 to vector<16xf32>
      %eq3A_1558 = arith.cmpf oeq, %select_n3A_1363, %eq3A_1557 : vector<16xf32>
      %broadcast_in_dim3A_1559 = vector.broadcast %scan3A : i32 to vector<16xi32>
      %select_n3A_1560 = arith.select %eq3A_1558, %scan3A_159#7, %broadcast_in_dim3A_1559 : vector<16xi1>, vector<16xi32>
      %reduce_min3A_1561 = arith.constant true
      %reduce_min3A_1562 = vector.broadcast %reduce_min3A_1561 : i1 to vector<16xi1>
      %reduce_min3A_1563 = arith.constant -2147483648 : i32
      %reduce_min3A_1564 = vector.broadcast %reduce_min3A_1563 : i32 to vector<16xi32>
      %reduce_min3A_1565 = arith.xori %select_n3A_1560, %reduce_min3A_1564 : vector<16xi32>
      %reduce_min3A_1566 = tpu.scan <min>, %reduce_min3A_1565 masked %reduce_min3A_1562 : vector<16xi32>, vector<16xi1> -> vector<16xi32>
      %reduce_min3A_1567 = arith.xori %reduce_min3A_1566, %reduce_min3A_1564 : vector<16xi32>
      %reduce_min3A_1568 = vector.extract %reduce_min3A_1567[15] : i32 from vector<16xi32>
      %eq3A_1569 = arith.constant 6 : i32
      %eq3A_1570 = vector.broadcast %eq3A_1569 : i32 to vector<16xi32>
      %eq3A_1571 = arith.cmpi eq, %iota3A, %eq3A_1570 : vector<16xi32>
      %broadcast_in_dim3A_1572 = vector.broadcast %reduce_min3A_1568 : i32 to vector<16xi32>
      %select_n3A_1573 = arith.select %eq3A_1571, %broadcast_in_dim3A_1572, %select_n3A_1357 : vector<16xi1>, vector<16xi32>
      %eq3A_1574 = vector.broadcast %reduce_min3A_1568 : i32 to vector<16xi32>
      %eq3A_1575 = arith.cmpi eq, %scan3A_159#7, %eq3A_1574 : vector<16xi32>
      %and3A_1576 = arith.andi %eq3A_1558, %eq3A_1575 : vector<16xi1>
      %jit3A_1577 = arith.constant 0x7F800000 : f32
      %broadcast_in_dim3A_1578 = vector.broadcast %jit3A_1577 : f32 to vector<16xf32>
      %select_n3A_1579 = arith.select %and3A_1576, %broadcast_in_dim3A_1578, %select_n3A_1363 : vector<16xi1>, vector<16xf32>
      %reduce_min3A_1580 = arith.constant true
      %reduce_min3A_1581 = vector.broadcast %reduce_min3A_1580 : i1 to vector<16xi1>
      %reduce_min3A_1582 = tpu.scan <min>, %select_n3A_1390 masked %reduce_min3A_1581 : vector<16xf32>, vector<16xi1> -> vector<16xf32>
      %reduce_min3A_1583 = vector.extract %reduce_min3A_1582[15] : f32 from vector<16xf32>
      %eq3A_1584 = vector.broadcast %reduce_min3A_1583 : f32 to vector<16xf32>
      %eq3A_1585 = arith.cmpf oeq, %select_n3A_1390, %eq3A_1584 : vector<16xf32>
      %broadcast_in_dim3A_1586 = vector.broadcast %scan3A : i32 to vector<16xi32>
      %select_n3A_1587 = arith.select %eq3A_1585, %scan3A_159#9, %broadcast_in_dim3A_1586 : vector<16xi1>, vector<16xi32>
      %reduce_min3A_1588 = arith.constant true
      %reduce_min3A_1589 = vector.broadcast %reduce_min3A_1588 : i1 to vector<16xi1>
      %reduce_min3A_1590 = arith.constant -2147483648 : i32
      %reduce_min3A_1591 = vector.broadcast %reduce_min3A_1590 : i32 to vector<16xi32>
      %reduce_min3A_1592 = arith.xori %select_n3A_1587, %reduce_min3A_1591 : vector<16xi32>
      %reduce_min3A_1593 = tpu.scan <min>, %reduce_min3A_1592 masked %reduce_min3A_1589 : vector<16xi32>, vector<16xi1> -> vector<16xi32>
      %reduce_min3A_1594 = arith.xori %reduce_min3A_1593, %reduce_min3A_1591 : vector<16xi32>
      %reduce_min3A_1595 = vector.extract %reduce_min3A_1594[15] : i32 from vector<16xi32>
      %eq3A_1596 = arith.constant 6 : i32
      %eq3A_1597 = vector.broadcast %eq3A_1596 : i32 to vector<16xi32>
      %eq3A_1598 = arith.cmpi eq, %iota3A, %eq3A_1597 : vector<16xi32>
      %broadcast_in_dim3A_1599 = vector.broadcast %reduce_min3A_1595 : i32 to vector<16xi32>
      %select_n3A_1600 = arith.select %eq3A_1598, %broadcast_in_dim3A_1599, %select_n3A_1384 : vector<16xi1>, vector<16xi32>
      %eq3A_1601 = vector.broadcast %reduce_min3A_1595 : i32 to vector<16xi32>
      %eq3A_1602 = arith.cmpi eq, %scan3A_159#9, %eq3A_1601 : vector<16xi32>
      %and3A_1603 = arith.andi %eq3A_1585, %eq3A_1602 : vector<16xi1>
      %jit3A_1604 = arith.constant 0x7F800000 : f32
      %broadcast_in_dim3A_1605 = vector.broadcast %jit3A_1604 : f32 to vector<16xf32>
      %select_n3A_1606 = arith.select %and3A_1603, %broadcast_in_dim3A_1605, %select_n3A_1390 : vector<16xi1>, vector<16xf32>
      %reduce_min3A_1607 = arith.constant true
      %reduce_min3A_1608 = vector.broadcast %reduce_min3A_1607 : i1 to vector<16xi1>
      %reduce_min3A_1609 = tpu.scan <min>, %select_n3A_1417 masked %reduce_min3A_1608 : vector<16xf32>, vector<16xi1> -> vector<16xf32>
      %reduce_min3A_1610 = vector.extract %reduce_min3A_1609[15] : f32 from vector<16xf32>
      %eq3A_1611 = vector.broadcast %reduce_min3A_1610 : f32 to vector<16xf32>
      %eq3A_1612 = arith.cmpf oeq, %select_n3A_1417, %eq3A_1611 : vector<16xf32>
      %broadcast_in_dim3A_1613 = vector.broadcast %scan3A : i32 to vector<16xi32>
      %select_n3A_1614 = arith.select %eq3A_1612, %scan3A_159#11, %broadcast_in_dim3A_1613 : vector<16xi1>, vector<16xi32>
      %reduce_min3A_1615 = arith.constant true
      %reduce_min3A_1616 = vector.broadcast %reduce_min3A_1615 : i1 to vector<16xi1>
      %reduce_min3A_1617 = arith.constant -2147483648 : i32
      %reduce_min3A_1618 = vector.broadcast %reduce_min3A_1617 : i32 to vector<16xi32>
      %reduce_min3A_1619 = arith.xori %select_n3A_1614, %reduce_min3A_1618 : vector<16xi32>
      %reduce_min3A_1620 = tpu.scan <min>, %reduce_min3A_1619 masked %reduce_min3A_1616 : vector<16xi32>, vector<16xi1> -> vector<16xi32>
      %reduce_min3A_1621 = arith.xori %reduce_min3A_1620, %reduce_min3A_1618 : vector<16xi32>
      %reduce_min3A_1622 = vector.extract %reduce_min3A_1621[15] : i32 from vector<16xi32>
      %eq3A_1623 = arith.constant 6 : i32
      %eq3A_1624 = vector.broadcast %eq3A_1623 : i32 to vector<16xi32>
      %eq3A_1625 = arith.cmpi eq, %iota3A, %eq3A_1624 : vector<16xi32>
      %broadcast_in_dim3A_1626 = vector.broadcast %reduce_min3A_1622 : i32 to vector<16xi32>
      %select_n3A_1627 = arith.select %eq3A_1625, %broadcast_in_dim3A_1626, %select_n3A_1411 : vector<16xi1>, vector<16xi32>
      %eq3A_1628 = vector.broadcast %reduce_min3A_1622 : i32 to vector<16xi32>
      %eq3A_1629 = arith.cmpi eq, %scan3A_159#11, %eq3A_1628 : vector<16xi32>
      %and3A_1630 = arith.andi %eq3A_1612, %eq3A_1629 : vector<16xi1>
      %jit3A_1631 = arith.constant 0x7F800000 : f32
      %broadcast_in_dim3A_1632 = vector.broadcast %jit3A_1631 : f32 to vector<16xf32>
      %select_n3A_1633 = arith.select %and3A_1630, %broadcast_in_dim3A_1632, %select_n3A_1417 : vector<16xi1>, vector<16xf32>
      %reduce_min3A_1634 = arith.constant true
      %reduce_min3A_1635 = vector.broadcast %reduce_min3A_1634 : i1 to vector<16xi1>
      %reduce_min3A_1636 = tpu.scan <min>, %select_n3A_1444 masked %reduce_min3A_1635 : vector<16xf32>, vector<16xi1> -> vector<16xf32>
      %reduce_min3A_1637 = vector.extract %reduce_min3A_1636[15] : f32 from vector<16xf32>
      %eq3A_1638 = vector.broadcast %reduce_min3A_1637 : f32 to vector<16xf32>
      %eq3A_1639 = arith.cmpf oeq, %select_n3A_1444, %eq3A_1638 : vector<16xf32>
      %broadcast_in_dim3A_1640 = vector.broadcast %scan3A : i32 to vector<16xi32>
      %select_n3A_1641 = arith.select %eq3A_1639, %scan3A_159#13, %broadcast_in_dim3A_1640 : vector<16xi1>, vector<16xi32>
      %reduce_min3A_1642 = arith.constant true
      %reduce_min3A_1643 = vector.broadcast %reduce_min3A_1642 : i1 to vector<16xi1>
      %reduce_min3A_1644 = arith.constant -2147483648 : i32
      %reduce_min3A_1645 = vector.broadcast %reduce_min3A_1644 : i32 to vector<16xi32>
      %reduce_min3A_1646 = arith.xori %select_n3A_1641, %reduce_min3A_1645 : vector<16xi32>
      %reduce_min3A_1647 = tpu.scan <min>, %reduce_min3A_1646 masked %reduce_min3A_1643 : vector<16xi32>, vector<16xi1> -> vector<16xi32>
      %reduce_min3A_1648 = arith.xori %reduce_min3A_1647, %reduce_min3A_1645 : vector<16xi32>
      %reduce_min3A_1649 = vector.extract %reduce_min3A_1648[15] : i32 from vector<16xi32>
      %eq3A_1650 = arith.constant 6 : i32
      %eq3A_1651 = vector.broadcast %eq3A_1650 : i32 to vector<16xi32>
      %eq3A_1652 = arith.cmpi eq, %iota3A, %eq3A_1651 : vector<16xi32>
      %broadcast_in_dim3A_1653 = vector.broadcast %reduce_min3A_1649 : i32 to vector<16xi32>
      %select_n3A_1654 = arith.select %eq3A_1652, %broadcast_in_dim3A_1653, %select_n3A_1438 : vector<16xi1>, vector<16xi32>
      %eq3A_1655 = vector.broadcast %reduce_min3A_1649 : i32 to vector<16xi32>
      %eq3A_1656 = arith.cmpi eq, %scan3A_159#13, %eq3A_1655 : vector<16xi32>
      %and3A_1657 = arith.andi %eq3A_1639, %eq3A_1656 : vector<16xi1>
      %jit3A_1658 = arith.constant 0x7F800000 : f32
      %broadcast_in_dim3A_1659 = vector.broadcast %jit3A_1658 : f32 to vector<16xf32>
      %select_n3A_1660 = arith.select %and3A_1657, %broadcast_in_dim3A_1659, %select_n3A_1444 : vector<16xi1>, vector<16xf32>
      %reduce_min3A_1661 = arith.constant true
      %reduce_min3A_1662 = vector.broadcast %reduce_min3A_1661 : i1 to vector<16xi1>
      %reduce_min3A_1663 = tpu.scan <min>, %select_n3A_1471 masked %reduce_min3A_1662 : vector<16xf32>, vector<16xi1> -> vector<16xf32>
      %reduce_min3A_1664 = vector.extract %reduce_min3A_1663[15] : f32 from vector<16xf32>
      %eq3A_1665 = vector.broadcast %reduce_min3A_1664 : f32 to vector<16xf32>
      %eq3A_1666 = arith.cmpf oeq, %select_n3A_1471, %eq3A_1665 : vector<16xf32>
      %broadcast_in_dim3A_1667 = vector.broadcast %scan3A : i32 to vector<16xi32>
      %select_n3A_1668 = arith.select %eq3A_1666, %scan3A_159#15, %broadcast_in_dim3A_1667 : vector<16xi1>, vector<16xi32>
      %reduce_min3A_1669 = arith.constant true
      %reduce_min3A_1670 = vector.broadcast %reduce_min3A_1669 : i1 to vector<16xi1>
      %reduce_min3A_1671 = arith.constant -2147483648 : i32
      %reduce_min3A_1672 = vector.broadcast %reduce_min3A_1671 : i32 to vector<16xi32>
      %reduce_min3A_1673 = arith.xori %select_n3A_1668, %reduce_min3A_1672 : vector<16xi32>
      %reduce_min3A_1674 = tpu.scan <min>, %reduce_min3A_1673 masked %reduce_min3A_1670 : vector<16xi32>, vector<16xi1> -> vector<16xi32>
      %reduce_min3A_1675 = arith.xori %reduce_min3A_1674, %reduce_min3A_1672 : vector<16xi32>
      %reduce_min3A_1676 = vector.extract %reduce_min3A_1675[15] : i32 from vector<16xi32>
      %eq3A_1677 = arith.constant 6 : i32
      %eq3A_1678 = vector.broadcast %eq3A_1677 : i32 to vector<16xi32>
      %eq3A_1679 = arith.cmpi eq, %iota3A, %eq3A_1678 : vector<16xi32>
      %broadcast_in_dim3A_1680 = vector.broadcast %reduce_min3A_1676 : i32 to vector<16xi32>
      %select_n3A_1681 = arith.select %eq3A_1679, %broadcast_in_dim3A_1680, %select_n3A_1465 : vector<16xi1>, vector<16xi32>
      %eq3A_1682 = vector.broadcast %reduce_min3A_1676 : i32 to vector<16xi32>
      %eq3A_1683 = arith.cmpi eq, %scan3A_159#15, %eq3A_1682 : vector<16xi32>
      %and3A_1684 = arith.andi %eq3A_1666, %eq3A_1683 : vector<16xi1>
      %jit3A_1685 = arith.constant 0x7F800000 : f32
      %broadcast_in_dim3A_1686 = vector.broadcast %jit3A_1685 : f32 to vector<16xf32>
      %select_n3A_1687 = arith.select %and3A_1684, %broadcast_in_dim3A_1686, %select_n3A_1471 : vector<16xi1>, vector<16xf32>
      %reduce_min3A_1688 = arith.constant true
      %reduce_min3A_1689 = vector.broadcast %reduce_min3A_1688 : i1 to vector<16xi1>
      %reduce_min3A_1690 = tpu.scan <min>, %select_n3A_1498 masked %reduce_min3A_1689 : vector<16xf32>, vector<16xi1> -> vector<16xf32>
      %reduce_min3A_1691 = vector.extract %reduce_min3A_1690[15] : f32 from vector<16xf32>
      %eq3A_1692 = vector.broadcast %reduce_min3A_1691 : f32 to vector<16xf32>
      %eq3A_1693 = arith.cmpf oeq, %select_n3A_1498, %eq3A_1692 : vector<16xf32>
      %broadcast_in_dim3A_1694 = vector.broadcast %scan3A : i32 to vector<16xi32>
      %select_n3A_1695 = arith.select %eq3A_1693, %scan3A_159#1, %broadcast_in_dim3A_1694 : vector<16xi1>, vector<16xi32>
      %reduce_min3A_1696 = arith.constant true
      %reduce_min3A_1697 = vector.broadcast %reduce_min3A_1696 : i1 to vector<16xi1>
      %reduce_min3A_1698 = arith.constant -2147483648 : i32
      %reduce_min3A_1699 = vector.broadcast %reduce_min3A_1698 : i32 to vector<16xi32>
      %reduce_min3A_1700 = arith.xori %select_n3A_1695, %reduce_min3A_1699 : vector<16xi32>
      %reduce_min3A_1701 = tpu.scan <min>, %reduce_min3A_1700 masked %reduce_min3A_1697 : vector<16xi32>, vector<16xi1> -> vector<16xi32>
      %reduce_min3A_1702 = arith.xori %reduce_min3A_1701, %reduce_min3A_1699 : vector<16xi32>
      %reduce_min3A_1703 = vector.extract %reduce_min3A_1702[15] : i32 from vector<16xi32>
      %eq3A_1704 = arith.constant 7 : i32
      %eq3A_1705 = vector.broadcast %eq3A_1704 : i32 to vector<16xi32>
      %eq3A_1706 = arith.cmpi eq, %iota3A, %eq3A_1705 : vector<16xi32>
      %broadcast_in_dim3A_1707 = vector.broadcast %reduce_min3A_1703 : i32 to vector<16xi32>
      %select_n3A_1708 = arith.select %eq3A_1706, %broadcast_in_dim3A_1707, %select_n3A_1492 : vector<16xi1>, vector<16xi32>
      %eq3A_1709 = vector.broadcast %reduce_min3A_1703 : i32 to vector<16xi32>
      %eq3A_1710 = arith.cmpi eq, %scan3A_159#1, %eq3A_1709 : vector<16xi32>
      %and3A_1711 = arith.andi %eq3A_1693, %eq3A_1710 : vector<16xi1>
      %jit3A_1712 = arith.constant 0x7F800000 : f32
      %broadcast_in_dim3A_1713 = vector.broadcast %jit3A_1712 : f32 to vector<16xf32>
      %select_n3A_1714 = arith.select %and3A_1711, %broadcast_in_dim3A_1713, %select_n3A_1498 : vector<16xi1>, vector<16xf32>
      %reduce_min3A_1715 = arith.constant true
      %reduce_min3A_1716 = vector.broadcast %reduce_min3A_1715 : i1 to vector<16xi1>
      %reduce_min3A_1717 = tpu.scan <min>, %select_n3A_1525 masked %reduce_min3A_1716 : vector<16xf32>, vector<16xi1> -> vector<16xf32>
      %reduce_min3A_1718 = vector.extract %reduce_min3A_1717[15] : f32 from vector<16xf32>
      %eq3A_1719 = vector.broadcast %reduce_min3A_1718 : f32 to vector<16xf32>
      %eq3A_1720 = arith.cmpf oeq, %select_n3A_1525, %eq3A_1719 : vector<16xf32>
      %broadcast_in_dim3A_1721 = vector.broadcast %scan3A : i32 to vector<16xi32>
      %select_n3A_1722 = arith.select %eq3A_1720, %scan3A_159#3, %broadcast_in_dim3A_1721 : vector<16xi1>, vector<16xi32>
      %reduce_min3A_1723 = arith.constant true
      %reduce_min3A_1724 = vector.broadcast %reduce_min3A_1723 : i1 to vector<16xi1>
      %reduce_min3A_1725 = arith.constant -2147483648 : i32
      %reduce_min3A_1726 = vector.broadcast %reduce_min3A_1725 : i32 to vector<16xi32>
      %reduce_min3A_1727 = arith.xori %select_n3A_1722, %reduce_min3A_1726 : vector<16xi32>
      %reduce_min3A_1728 = tpu.scan <min>, %reduce_min3A_1727 masked %reduce_min3A_1724 : vector<16xi32>, vector<16xi1> -> vector<16xi32>
      %reduce_min3A_1729 = arith.xori %reduce_min3A_1728, %reduce_min3A_1726 : vector<16xi32>
      %reduce_min3A_1730 = vector.extract %reduce_min3A_1729[15] : i32 from vector<16xi32>
      %eq3A_1731 = arith.constant 7 : i32
      %eq3A_1732 = vector.broadcast %eq3A_1731 : i32 to vector<16xi32>
      %eq3A_1733 = arith.cmpi eq, %iota3A, %eq3A_1732 : vector<16xi32>
      %broadcast_in_dim3A_1734 = vector.broadcast %reduce_min3A_1730 : i32 to vector<16xi32>
      %select_n3A_1735 = arith.select %eq3A_1733, %broadcast_in_dim3A_1734, %select_n3A_1519 : vector<16xi1>, vector<16xi32>
      %eq3A_1736 = vector.broadcast %reduce_min3A_1730 : i32 to vector<16xi32>
      %eq3A_1737 = arith.cmpi eq, %scan3A_159#3, %eq3A_1736 : vector<16xi32>
      %and3A_1738 = arith.andi %eq3A_1720, %eq3A_1737 : vector<16xi1>
      %jit3A_1739 = arith.constant 0x7F800000 : f32
      %broadcast_in_dim3A_1740 = vector.broadcast %jit3A_1739 : f32 to vector<16xf32>
      %select_n3A_1741 = arith.select %and3A_1738, %broadcast_in_dim3A_1740, %select_n3A_1525 : vector<16xi1>, vector<16xf32>
      %reduce_min3A_1742 = arith.constant true
      %reduce_min3A_1743 = vector.broadcast %reduce_min3A_1742 : i1 to vector<16xi1>
      %reduce_min3A_1744 = tpu.scan <min>, %select_n3A_1552 masked %reduce_min3A_1743 : vector<16xf32>, vector<16xi1> -> vector<16xf32>
      %reduce_min3A_1745 = vector.extract %reduce_min3A_1744[15] : f32 from vector<16xf32>
      %eq3A_1746 = vector.broadcast %reduce_min3A_1745 : f32 to vector<16xf32>
      %eq3A_1747 = arith.cmpf oeq, %select_n3A_1552, %eq3A_1746 : vector<16xf32>
      %broadcast_in_dim3A_1748 = vector.broadcast %scan3A : i32 to vector<16xi32>
      %select_n3A_1749 = arith.select %eq3A_1747, %scan3A_159#5, %broadcast_in_dim3A_1748 : vector<16xi1>, vector<16xi32>
      %reduce_min3A_1750 = arith.constant true
      %reduce_min3A_1751 = vector.broadcast %reduce_min3A_1750 : i1 to vector<16xi1>
      %reduce_min3A_1752 = arith.constant -2147483648 : i32
      %reduce_min3A_1753 = vector.broadcast %reduce_min3A_1752 : i32 to vector<16xi32>
      %reduce_min3A_1754 = arith.xori %select_n3A_1749, %reduce_min3A_1753 : vector<16xi32>
      %reduce_min3A_1755 = tpu.scan <min>, %reduce_min3A_1754 masked %reduce_min3A_1751 : vector<16xi32>, vector<16xi1> -> vector<16xi32>
      %reduce_min3A_1756 = arith.xori %reduce_min3A_1755, %reduce_min3A_1753 : vector<16xi32>
      %reduce_min3A_1757 = vector.extract %reduce_min3A_1756[15] : i32 from vector<16xi32>
      %eq3A_1758 = arith.constant 7 : i32
      %eq3A_1759 = vector.broadcast %eq3A_1758 : i32 to vector<16xi32>
      %eq3A_1760 = arith.cmpi eq, %iota3A, %eq3A_1759 : vector<16xi32>
      %broadcast_in_dim3A_1761 = vector.broadcast %reduce_min3A_1757 : i32 to vector<16xi32>
      %select_n3A_1762 = arith.select %eq3A_1760, %broadcast_in_dim3A_1761, %select_n3A_1546 : vector<16xi1>, vector<16xi32>
      %eq3A_1763 = vector.broadcast %reduce_min3A_1757 : i32 to vector<16xi32>
      %eq3A_1764 = arith.cmpi eq, %scan3A_159#5, %eq3A_1763 : vector<16xi32>
      %and3A_1765 = arith.andi %eq3A_1747, %eq3A_1764 : vector<16xi1>
      %jit3A_1766 = arith.constant 0x7F800000 : f32
      %broadcast_in_dim3A_1767 = vector.broadcast %jit3A_1766 : f32 to vector<16xf32>
      %select_n3A_1768 = arith.select %and3A_1765, %broadcast_in_dim3A_1767, %select_n3A_1552 : vector<16xi1>, vector<16xf32>
      %reduce_min3A_1769 = arith.constant true
      %reduce_min3A_1770 = vector.broadcast %reduce_min3A_1769 : i1 to vector<16xi1>
      %reduce_min3A_1771 = tpu.scan <min>, %select_n3A_1579 masked %reduce_min3A_1770 : vector<16xf32>, vector<16xi1> -> vector<16xf32>
      %reduce_min3A_1772 = vector.extract %reduce_min3A_1771[15] : f32 from vector<16xf32>
      %eq3A_1773 = vector.broadcast %reduce_min3A_1772 : f32 to vector<16xf32>
      %eq3A_1774 = arith.cmpf oeq, %select_n3A_1579, %eq3A_1773 : vector<16xf32>
      %broadcast_in_dim3A_1775 = vector.broadcast %scan3A : i32 to vector<16xi32>
      %select_n3A_1776 = arith.select %eq3A_1774, %scan3A_159#7, %broadcast_in_dim3A_1775 : vector<16xi1>, vector<16xi32>
      %reduce_min3A_1777 = arith.constant true
      %reduce_min3A_1778 = vector.broadcast %reduce_min3A_1777 : i1 to vector<16xi1>
      %reduce_min3A_1779 = arith.constant -2147483648 : i32
      %reduce_min3A_1780 = vector.broadcast %reduce_min3A_1779 : i32 to vector<16xi32>
      %reduce_min3A_1781 = arith.xori %select_n3A_1776, %reduce_min3A_1780 : vector<16xi32>
      %reduce_min3A_1782 = tpu.scan <min>, %reduce_min3A_1781 masked %reduce_min3A_1778 : vector<16xi32>, vector<16xi1> -> vector<16xi32>
      %reduce_min3A_1783 = arith.xori %reduce_min3A_1782, %reduce_min3A_1780 : vector<16xi32>
      %reduce_min3A_1784 = vector.extract %reduce_min3A_1783[15] : i32 from vector<16xi32>
      %eq3A_1785 = arith.constant 7 : i32
      %eq3A_1786 = vector.broadcast %eq3A_1785 : i32 to vector<16xi32>
      %eq3A_1787 = arith.cmpi eq, %iota3A, %eq3A_1786 : vector<16xi32>
      %broadcast_in_dim3A_1788 = vector.broadcast %reduce_min3A_1784 : i32 to vector<16xi32>
      %select_n3A_1789 = arith.select %eq3A_1787, %broadcast_in_dim3A_1788, %select_n3A_1573 : vector<16xi1>, vector<16xi32>
      %eq3A_1790 = vector.broadcast %reduce_min3A_1784 : i32 to vector<16xi32>
      %eq3A_1791 = arith.cmpi eq, %scan3A_159#7, %eq3A_1790 : vector<16xi32>
      %and3A_1792 = arith.andi %eq3A_1774, %eq3A_1791 : vector<16xi1>
      %jit3A_1793 = arith.constant 0x7F800000 : f32
      %broadcast_in_dim3A_1794 = vector.broadcast %jit3A_1793 : f32 to vector<16xf32>
      %select_n3A_1795 = arith.select %and3A_1792, %broadcast_in_dim3A_1794, %select_n3A_1579 : vector<16xi1>, vector<16xf32>
      %reduce_min3A_1796 = arith.constant true
      %reduce_min3A_1797 = vector.broadcast %reduce_min3A_1796 : i1 to vector<16xi1>
      %reduce_min3A_1798 = tpu.scan <min>, %select_n3A_1606 masked %reduce_min3A_1797 : vector<16xf32>, vector<16xi1> -> vector<16xf32>
      %reduce_min3A_1799 = vector.extract %reduce_min3A_1798[15] : f32 from vector<16xf32>
      %eq3A_1800 = vector.broadcast %reduce_min3A_1799 : f32 to vector<16xf32>
      %eq3A_1801 = arith.cmpf oeq, %select_n3A_1606, %eq3A_1800 : vector<16xf32>
      %broadcast_in_dim3A_1802 = vector.broadcast %scan3A : i32 to vector<16xi32>
      %select_n3A_1803 = arith.select %eq3A_1801, %scan3A_159#9, %broadcast_in_dim3A_1802 : vector<16xi1>, vector<16xi32>
      %reduce_min3A_1804 = arith.constant true
      %reduce_min3A_1805 = vector.broadcast %reduce_min3A_1804 : i1 to vector<16xi1>
      %reduce_min3A_1806 = arith.constant -2147483648 : i32
      %reduce_min3A_1807 = vector.broadcast %reduce_min3A_1806 : i32 to vector<16xi32>
      %reduce_min3A_1808 = arith.xori %select_n3A_1803, %reduce_min3A_1807 : vector<16xi32>
      %reduce_min3A_1809 = tpu.scan <min>, %reduce_min3A_1808 masked %reduce_min3A_1805 : vector<16xi32>, vector<16xi1> -> vector<16xi32>
      %reduce_min3A_1810 = arith.xori %reduce_min3A_1809, %reduce_min3A_1807 : vector<16xi32>
      %reduce_min3A_1811 = vector.extract %reduce_min3A_1810[15] : i32 from vector<16xi32>
      %eq3A_1812 = arith.constant 7 : i32
      %eq3A_1813 = vector.broadcast %eq3A_1812 : i32 to vector<16xi32>
      %eq3A_1814 = arith.cmpi eq, %iota3A, %eq3A_1813 : vector<16xi32>
      %broadcast_in_dim3A_1815 = vector.broadcast %reduce_min3A_1811 : i32 to vector<16xi32>
      %select_n3A_1816 = arith.select %eq3A_1814, %broadcast_in_dim3A_1815, %select_n3A_1600 : vector<16xi1>, vector<16xi32>
      %eq3A_1817 = vector.broadcast %reduce_min3A_1811 : i32 to vector<16xi32>
      %eq3A_1818 = arith.cmpi eq, %scan3A_159#9, %eq3A_1817 : vector<16xi32>
      %and3A_1819 = arith.andi %eq3A_1801, %eq3A_1818 : vector<16xi1>
      %jit3A_1820 = arith.constant 0x7F800000 : f32
      %broadcast_in_dim3A_1821 = vector.broadcast %jit3A_1820 : f32 to vector<16xf32>
      %select_n3A_1822 = arith.select %and3A_1819, %broadcast_in_dim3A_1821, %select_n3A_1606 : vector<16xi1>, vector<16xf32>
      %reduce_min3A_1823 = arith.constant true
      %reduce_min3A_1824 = vector.broadcast %reduce_min3A_1823 : i1 to vector<16xi1>
      %reduce_min3A_1825 = tpu.scan <min>, %select_n3A_1633 masked %reduce_min3A_1824 : vector<16xf32>, vector<16xi1> -> vector<16xf32>
      %reduce_min3A_1826 = vector.extract %reduce_min3A_1825[15] : f32 from vector<16xf32>
      %eq3A_1827 = vector.broadcast %reduce_min3A_1826 : f32 to vector<16xf32>
      %eq3A_1828 = arith.cmpf oeq, %select_n3A_1633, %eq3A_1827 : vector<16xf32>
      %broadcast_in_dim3A_1829 = vector.broadcast %scan3A : i32 to vector<16xi32>
      %select_n3A_1830 = arith.select %eq3A_1828, %scan3A_159#11, %broadcast_in_dim3A_1829 : vector<16xi1>, vector<16xi32>
      %reduce_min3A_1831 = arith.constant true
      %reduce_min3A_1832 = vector.broadcast %reduce_min3A_1831 : i1 to vector<16xi1>
      %reduce_min3A_1833 = arith.constant -2147483648 : i32
      %reduce_min3A_1834 = vector.broadcast %reduce_min3A_1833 : i32 to vector<16xi32>
      %reduce_min3A_1835 = arith.xori %select_n3A_1830, %reduce_min3A_1834 : vector<16xi32>
      %reduce_min3A_1836 = tpu.scan <min>, %reduce_min3A_1835 masked %reduce_min3A_1832 : vector<16xi32>, vector<16xi1> -> vector<16xi32>
      %reduce_min3A_1837 = arith.xori %reduce_min3A_1836, %reduce_min3A_1834 : vector<16xi32>
      %reduce_min3A_1838 = vector.extract %reduce_min3A_1837[15] : i32 from vector<16xi32>
      %eq3A_1839 = arith.constant 7 : i32
      %eq3A_1840 = vector.broadcast %eq3A_1839 : i32 to vector<16xi32>
      %eq3A_1841 = arith.cmpi eq, %iota3A, %eq3A_1840 : vector<16xi32>
      %broadcast_in_dim3A_1842 = vector.broadcast %reduce_min3A_1838 : i32 to vector<16xi32>
      %select_n3A_1843 = arith.select %eq3A_1841, %broadcast_in_dim3A_1842, %select_n3A_1627 : vector<16xi1>, vector<16xi32>
      %eq3A_1844 = vector.broadcast %reduce_min3A_1838 : i32 to vector<16xi32>
      %eq3A_1845 = arith.cmpi eq, %scan3A_159#11, %eq3A_1844 : vector<16xi32>
      %and3A_1846 = arith.andi %eq3A_1828, %eq3A_1845 : vector<16xi1>
      %jit3A_1847 = arith.constant 0x7F800000 : f32
      %broadcast_in_dim3A_1848 = vector.broadcast %jit3A_1847 : f32 to vector<16xf32>
      %select_n3A_1849 = arith.select %and3A_1846, %broadcast_in_dim3A_1848, %select_n3A_1633 : vector<16xi1>, vector<16xf32>
      %reduce_min3A_1850 = arith.constant true
      %reduce_min3A_1851 = vector.broadcast %reduce_min3A_1850 : i1 to vector<16xi1>
      %reduce_min3A_1852 = tpu.scan <min>, %select_n3A_1660 masked %reduce_min3A_1851 : vector<16xf32>, vector<16xi1> -> vector<16xf32>
      %reduce_min3A_1853 = vector.extract %reduce_min3A_1852[15] : f32 from vector<16xf32>
      %eq3A_1854 = vector.broadcast %reduce_min3A_1853 : f32 to vector<16xf32>
      %eq3A_1855 = arith.cmpf oeq, %select_n3A_1660, %eq3A_1854 : vector<16xf32>
      %broadcast_in_dim3A_1856 = vector.broadcast %scan3A : i32 to vector<16xi32>
      %select_n3A_1857 = arith.select %eq3A_1855, %scan3A_159#13, %broadcast_in_dim3A_1856 : vector<16xi1>, vector<16xi32>
      %reduce_min3A_1858 = arith.constant true
      %reduce_min3A_1859 = vector.broadcast %reduce_min3A_1858 : i1 to vector<16xi1>
      %reduce_min3A_1860 = arith.constant -2147483648 : i32
      %reduce_min3A_1861 = vector.broadcast %reduce_min3A_1860 : i32 to vector<16xi32>
      %reduce_min3A_1862 = arith.xori %select_n3A_1857, %reduce_min3A_1861 : vector<16xi32>
      %reduce_min3A_1863 = tpu.scan <min>, %reduce_min3A_1862 masked %reduce_min3A_1859 : vector<16xi32>, vector<16xi1> -> vector<16xi32>
      %reduce_min3A_1864 = arith.xori %reduce_min3A_1863, %reduce_min3A_1861 : vector<16xi32>
      %reduce_min3A_1865 = vector.extract %reduce_min3A_1864[15] : i32 from vector<16xi32>
      %eq3A_1866 = arith.constant 7 : i32
      %eq3A_1867 = vector.broadcast %eq3A_1866 : i32 to vector<16xi32>
      %eq3A_1868 = arith.cmpi eq, %iota3A, %eq3A_1867 : vector<16xi32>
      %broadcast_in_dim3A_1869 = vector.broadcast %reduce_min3A_1865 : i32 to vector<16xi32>
      %select_n3A_1870 = arith.select %eq3A_1868, %broadcast_in_dim3A_1869, %select_n3A_1654 : vector<16xi1>, vector<16xi32>
      %eq3A_1871 = vector.broadcast %reduce_min3A_1865 : i32 to vector<16xi32>
      %eq3A_1872 = arith.cmpi eq, %scan3A_159#13, %eq3A_1871 : vector<16xi32>
      %and3A_1873 = arith.andi %eq3A_1855, %eq3A_1872 : vector<16xi1>
      %jit3A_1874 = arith.constant 0x7F800000 : f32
      %broadcast_in_dim3A_1875 = vector.broadcast %jit3A_1874 : f32 to vector<16xf32>
      %select_n3A_1876 = arith.select %and3A_1873, %broadcast_in_dim3A_1875, %select_n3A_1660 : vector<16xi1>, vector<16xf32>
      %reduce_min3A_1877 = arith.constant true
      %reduce_min3A_1878 = vector.broadcast %reduce_min3A_1877 : i1 to vector<16xi1>
      %reduce_min3A_1879 = tpu.scan <min>, %select_n3A_1687 masked %reduce_min3A_1878 : vector<16xf32>, vector<16xi1> -> vector<16xf32>
      %reduce_min3A_1880 = vector.extract %reduce_min3A_1879[15] : f32 from vector<16xf32>
      %eq3A_1881 = vector.broadcast %reduce_min3A_1880 : f32 to vector<16xf32>
      %eq3A_1882 = arith.cmpf oeq, %select_n3A_1687, %eq3A_1881 : vector<16xf32>
      %broadcast_in_dim3A_1883 = vector.broadcast %scan3A : i32 to vector<16xi32>
      %select_n3A_1884 = arith.select %eq3A_1882, %scan3A_159#15, %broadcast_in_dim3A_1883 : vector<16xi1>, vector<16xi32>
      %reduce_min3A_1885 = arith.constant true
      %reduce_min3A_1886 = vector.broadcast %reduce_min3A_1885 : i1 to vector<16xi1>
      %reduce_min3A_1887 = arith.constant -2147483648 : i32
      %reduce_min3A_1888 = vector.broadcast %reduce_min3A_1887 : i32 to vector<16xi32>
      %reduce_min3A_1889 = arith.xori %select_n3A_1884, %reduce_min3A_1888 : vector<16xi32>
      %reduce_min3A_1890 = tpu.scan <min>, %reduce_min3A_1889 masked %reduce_min3A_1886 : vector<16xi32>, vector<16xi1> -> vector<16xi32>
      %reduce_min3A_1891 = arith.xori %reduce_min3A_1890, %reduce_min3A_1888 : vector<16xi32>
      %reduce_min3A_1892 = vector.extract %reduce_min3A_1891[15] : i32 from vector<16xi32>
      %eq3A_1893 = arith.constant 7 : i32
      %eq3A_1894 = vector.broadcast %eq3A_1893 : i32 to vector<16xi32>
      %eq3A_1895 = arith.cmpi eq, %iota3A, %eq3A_1894 : vector<16xi32>
      %broadcast_in_dim3A_1896 = vector.broadcast %reduce_min3A_1892 : i32 to vector<16xi32>
      %select_n3A_1897 = arith.select %eq3A_1895, %broadcast_in_dim3A_1896, %select_n3A_1681 : vector<16xi1>, vector<16xi32>
      %eq3A_1898 = vector.broadcast %reduce_min3A_1892 : i32 to vector<16xi32>
      %eq3A_1899 = arith.cmpi eq, %scan3A_159#15, %eq3A_1898 : vector<16xi32>
      %and3A_1900 = arith.andi %eq3A_1882, %eq3A_1899 : vector<16xi1>
      %jit3A_1901 = arith.constant 0x7F800000 : f32
      %broadcast_in_dim3A_1902 = vector.broadcast %jit3A_1901 : f32 to vector<16xf32>
      %select_n3A_1903 = arith.select %and3A_1900, %broadcast_in_dim3A_1902, %select_n3A_1687 : vector<16xi1>, vector<16xf32>
      %reduce_min3A_1904 = arith.constant true
      %reduce_min3A_1905 = vector.broadcast %reduce_min3A_1904 : i1 to vector<16xi1>
      %reduce_min3A_1906 = tpu.scan <min>, %select_n3A_1714 masked %reduce_min3A_1905 : vector<16xf32>, vector<16xi1> -> vector<16xf32>
      %reduce_min3A_1907 = vector.extract %reduce_min3A_1906[15] : f32 from vector<16xf32>
      %eq3A_1908 = vector.broadcast %reduce_min3A_1907 : f32 to vector<16xf32>
      %eq3A_1909 = arith.cmpf oeq, %select_n3A_1714, %eq3A_1908 : vector<16xf32>
      %broadcast_in_dim3A_1910 = vector.broadcast %scan3A : i32 to vector<16xi32>
      %select_n3A_1911 = arith.select %eq3A_1909, %scan3A_159#1, %broadcast_in_dim3A_1910 : vector<16xi1>, vector<16xi32>
      %reduce_min3A_1912 = arith.constant true
      %reduce_min3A_1913 = vector.broadcast %reduce_min3A_1912 : i1 to vector<16xi1>
      %reduce_min3A_1914 = arith.constant -2147483648 : i32
      %reduce_min3A_1915 = vector.broadcast %reduce_min3A_1914 : i32 to vector<16xi32>
      %reduce_min3A_1916 = arith.xori %select_n3A_1911, %reduce_min3A_1915 : vector<16xi32>
      %reduce_min3A_1917 = tpu.scan <min>, %reduce_min3A_1916 masked %reduce_min3A_1913 : vector<16xi32>, vector<16xi1> -> vector<16xi32>
      %reduce_min3A_1918 = arith.xori %reduce_min3A_1917, %reduce_min3A_1915 : vector<16xi32>
      %reduce_min3A_1919 = vector.extract %reduce_min3A_1918[15] : i32 from vector<16xi32>
      %eq3A_1920 = arith.constant 8 : i32
      %eq3A_1921 = vector.broadcast %eq3A_1920 : i32 to vector<16xi32>
      %eq3A_1922 = arith.cmpi eq, %iota3A, %eq3A_1921 : vector<16xi32>
      %broadcast_in_dim3A_1923 = vector.broadcast %reduce_min3A_1919 : i32 to vector<16xi32>
      %select_n3A_1924 = arith.select %eq3A_1922, %broadcast_in_dim3A_1923, %select_n3A_1708 : vector<16xi1>, vector<16xi32>
      %eq3A_1925 = vector.broadcast %reduce_min3A_1919 : i32 to vector<16xi32>
      %eq3A_1926 = arith.cmpi eq, %scan3A_159#1, %eq3A_1925 : vector<16xi32>
      %and3A_1927 = arith.andi %eq3A_1909, %eq3A_1926 : vector<16xi1>
      %jit3A_1928 = arith.constant 0x7F800000 : f32
      %broadcast_in_dim3A_1929 = vector.broadcast %jit3A_1928 : f32 to vector<16xf32>
      %select_n3A_1930 = arith.select %and3A_1927, %broadcast_in_dim3A_1929, %select_n3A_1714 : vector<16xi1>, vector<16xf32>
      %reduce_min3A_1931 = arith.constant true
      %reduce_min3A_1932 = vector.broadcast %reduce_min3A_1931 : i1 to vector<16xi1>
      %reduce_min3A_1933 = tpu.scan <min>, %select_n3A_1741 masked %reduce_min3A_1932 : vector<16xf32>, vector<16xi1> -> vector<16xf32>
      %reduce_min3A_1934 = vector.extract %reduce_min3A_1933[15] : f32 from vector<16xf32>
      %eq3A_1935 = vector.broadcast %reduce_min3A_1934 : f32 to vector<16xf32>
      %eq3A_1936 = arith.cmpf oeq, %select_n3A_1741, %eq3A_1935 : vector<16xf32>
      %broadcast_in_dim3A_1937 = vector.broadcast %scan3A : i32 to vector<16xi32>
      %select_n3A_1938 = arith.select %eq3A_1936, %scan3A_159#3, %broadcast_in_dim3A_1937 : vector<16xi1>, vector<16xi32>
      %reduce_min3A_1939 = arith.constant true
      %reduce_min3A_1940 = vector.broadcast %reduce_min3A_1939 : i1 to vector<16xi1>
      %reduce_min3A_1941 = arith.constant -2147483648 : i32
      %reduce_min3A_1942 = vector.broadcast %reduce_min3A_1941 : i32 to vector<16xi32>
      %reduce_min3A_1943 = arith.xori %select_n3A_1938, %reduce_min3A_1942 : vector<16xi32>
      %reduce_min3A_1944 = tpu.scan <min>, %reduce_min3A_1943 masked %reduce_min3A_1940 : vector<16xi32>, vector<16xi1> -> vector<16xi32>
      %reduce_min3A_1945 = arith.xori %reduce_min3A_1944, %reduce_min3A_1942 : vector<16xi32>
      %reduce_min3A_1946 = vector.extract %reduce_min3A_1945[15] : i32 from vector<16xi32>
      %eq3A_1947 = arith.constant 8 : i32
      %eq3A_1948 = vector.broadcast %eq3A_1947 : i32 to vector<16xi32>
      %eq3A_1949 = arith.cmpi eq, %iota3A, %eq3A_1948 : vector<16xi32>
      %broadcast_in_dim3A_1950 = vector.broadcast %reduce_min3A_1946 : i32 to vector<16xi32>
      %select_n3A_1951 = arith.select %eq3A_1949, %broadcast_in_dim3A_1950, %select_n3A_1735 : vector<16xi1>, vector<16xi32>
      %eq3A_1952 = vector.broadcast %reduce_min3A_1946 : i32 to vector<16xi32>
      %eq3A_1953 = arith.cmpi eq, %scan3A_159#3, %eq3A_1952 : vector<16xi32>
      %and3A_1954 = arith.andi %eq3A_1936, %eq3A_1953 : vector<16xi1>
      %jit3A_1955 = arith.constant 0x7F800000 : f32
      %broadcast_in_dim3A_1956 = vector.broadcast %jit3A_1955 : f32 to vector<16xf32>
      %select_n3A_1957 = arith.select %and3A_1954, %broadcast_in_dim3A_1956, %select_n3A_1741 : vector<16xi1>, vector<16xf32>
      %reduce_min3A_1958 = arith.constant true
      %reduce_min3A_1959 = vector.broadcast %reduce_min3A_1958 : i1 to vector<16xi1>
      %reduce_min3A_1960 = tpu.scan <min>, %select_n3A_1768 masked %reduce_min3A_1959 : vector<16xf32>, vector<16xi1> -> vector<16xf32>
      %reduce_min3A_1961 = vector.extract %reduce_min3A_1960[15] : f32 from vector<16xf32>
      %eq3A_1962 = vector.broadcast %reduce_min3A_1961 : f32 to vector<16xf32>
      %eq3A_1963 = arith.cmpf oeq, %select_n3A_1768, %eq3A_1962 : vector<16xf32>
      %broadcast_in_dim3A_1964 = vector.broadcast %scan3A : i32 to vector<16xi32>
      %select_n3A_1965 = arith.select %eq3A_1963, %scan3A_159#5, %broadcast_in_dim3A_1964 : vector<16xi1>, vector<16xi32>
      %reduce_min3A_1966 = arith.constant true
      %reduce_min3A_1967 = vector.broadcast %reduce_min3A_1966 : i1 to vector<16xi1>
      %reduce_min3A_1968 = arith.constant -2147483648 : i32
      %reduce_min3A_1969 = vector.broadcast %reduce_min3A_1968 : i32 to vector<16xi32>
      %reduce_min3A_1970 = arith.xori %select_n3A_1965, %reduce_min3A_1969 : vector<16xi32>
      %reduce_min3A_1971 = tpu.scan <min>, %reduce_min3A_1970 masked %reduce_min3A_1967 : vector<16xi32>, vector<16xi1> -> vector<16xi32>
      %reduce_min3A_1972 = arith.xori %reduce_min3A_1971, %reduce_min3A_1969 : vector<16xi32>
      %reduce_min3A_1973 = vector.extract %reduce_min3A_1972[15] : i32 from vector<16xi32>
      %eq3A_1974 = arith.constant 8 : i32
      %eq3A_1975 = vector.broadcast %eq3A_1974 : i32 to vector<16xi32>
      %eq3A_1976 = arith.cmpi eq, %iota3A, %eq3A_1975 : vector<16xi32>
      %broadcast_in_dim3A_1977 = vector.broadcast %reduce_min3A_1973 : i32 to vector<16xi32>
      %select_n3A_1978 = arith.select %eq3A_1976, %broadcast_in_dim3A_1977, %select_n3A_1762 : vector<16xi1>, vector<16xi32>
      %eq3A_1979 = vector.broadcast %reduce_min3A_1973 : i32 to vector<16xi32>
      %eq3A_1980 = arith.cmpi eq, %scan3A_159#5, %eq3A_1979 : vector<16xi32>
      %and3A_1981 = arith.andi %eq3A_1963, %eq3A_1980 : vector<16xi1>
      %jit3A_1982 = arith.constant 0x7F800000 : f32
      %broadcast_in_dim3A_1983 = vector.broadcast %jit3A_1982 : f32 to vector<16xf32>
      %select_n3A_1984 = arith.select %and3A_1981, %broadcast_in_dim3A_1983, %select_n3A_1768 : vector<16xi1>, vector<16xf32>
      %reduce_min3A_1985 = arith.constant true
      %reduce_min3A_1986 = vector.broadcast %reduce_min3A_1985 : i1 to vector<16xi1>
      %reduce_min3A_1987 = tpu.scan <min>, %select_n3A_1795 masked %reduce_min3A_1986 : vector<16xf32>, vector<16xi1> -> vector<16xf32>
      %reduce_min3A_1988 = vector.extract %reduce_min3A_1987[15] : f32 from vector<16xf32>
      %eq3A_1989 = vector.broadcast %reduce_min3A_1988 : f32 to vector<16xf32>
      %eq3A_1990 = arith.cmpf oeq, %select_n3A_1795, %eq3A_1989 : vector<16xf32>
      %broadcast_in_dim3A_1991 = vector.broadcast %scan3A : i32 to vector<16xi32>
      %select_n3A_1992 = arith.select %eq3A_1990, %scan3A_159#7, %broadcast_in_dim3A_1991 : vector<16xi1>, vector<16xi32>
      %reduce_min3A_1993 = arith.constant true
      %reduce_min3A_1994 = vector.broadcast %reduce_min3A_1993 : i1 to vector<16xi1>
      %reduce_min3A_1995 = arith.constant -2147483648 : i32
      %reduce_min3A_1996 = vector.broadcast %reduce_min3A_1995 : i32 to vector<16xi32>
      %reduce_min3A_1997 = arith.xori %select_n3A_1992, %reduce_min3A_1996 : vector<16xi32>
      %reduce_min3A_1998 = tpu.scan <min>, %reduce_min3A_1997 masked %reduce_min3A_1994 : vector<16xi32>, vector<16xi1> -> vector<16xi32>
      %reduce_min3A_1999 = arith.xori %reduce_min3A_1998, %reduce_min3A_1996 : vector<16xi32>
      %reduce_min3A_2000 = vector.extract %reduce_min3A_1999[15] : i32 from vector<16xi32>
      %eq3A_2001 = arith.constant 8 : i32
      %eq3A_2002 = vector.broadcast %eq3A_2001 : i32 to vector<16xi32>
      %eq3A_2003 = arith.cmpi eq, %iota3A, %eq3A_2002 : vector<16xi32>
      %broadcast_in_dim3A_2004 = vector.broadcast %reduce_min3A_2000 : i32 to vector<16xi32>
      %select_n3A_2005 = arith.select %eq3A_2003, %broadcast_in_dim3A_2004, %select_n3A_1789 : vector<16xi1>, vector<16xi32>
      %eq3A_2006 = vector.broadcast %reduce_min3A_2000 : i32 to vector<16xi32>
      %eq3A_2007 = arith.cmpi eq, %scan3A_159#7, %eq3A_2006 : vector<16xi32>
      %and3A_2008 = arith.andi %eq3A_1990, %eq3A_2007 : vector<16xi1>
      %jit3A_2009 = arith.constant 0x7F800000 : f32
      %broadcast_in_dim3A_2010 = vector.broadcast %jit3A_2009 : f32 to vector<16xf32>
      %select_n3A_2011 = arith.select %and3A_2008, %broadcast_in_dim3A_2010, %select_n3A_1795 : vector<16xi1>, vector<16xf32>
      %reduce_min3A_2012 = arith.constant true
      %reduce_min3A_2013 = vector.broadcast %reduce_min3A_2012 : i1 to vector<16xi1>
      %reduce_min3A_2014 = tpu.scan <min>, %select_n3A_1822 masked %reduce_min3A_2013 : vector<16xf32>, vector<16xi1> -> vector<16xf32>
      %reduce_min3A_2015 = vector.extract %reduce_min3A_2014[15] : f32 from vector<16xf32>
      %eq3A_2016 = vector.broadcast %reduce_min3A_2015 : f32 to vector<16xf32>
      %eq3A_2017 = arith.cmpf oeq, %select_n3A_1822, %eq3A_2016 : vector<16xf32>
      %broadcast_in_dim3A_2018 = vector.broadcast %scan3A : i32 to vector<16xi32>
      %select_n3A_2019 = arith.select %eq3A_2017, %scan3A_159#9, %broadcast_in_dim3A_2018 : vector<16xi1>, vector<16xi32>
      %reduce_min3A_2020 = arith.constant true
      %reduce_min3A_2021 = vector.broadcast %reduce_min3A_2020 : i1 to vector<16xi1>
      %reduce_min3A_2022 = arith.constant -2147483648 : i32
      %reduce_min3A_2023 = vector.broadcast %reduce_min3A_2022 : i32 to vector<16xi32>
      %reduce_min3A_2024 = arith.xori %select_n3A_2019, %reduce_min3A_2023 : vector<16xi32>
      %reduce_min3A_2025 = tpu.scan <min>, %reduce_min3A_2024 masked %reduce_min3A_2021 : vector<16xi32>, vector<16xi1> -> vector<16xi32>
      %reduce_min3A_2026 = arith.xori %reduce_min3A_2025, %reduce_min3A_2023 : vector<16xi32>
      %reduce_min3A_2027 = vector.extract %reduce_min3A_2026[15] : i32 from vector<16xi32>
      %eq3A_2028 = arith.constant 8 : i32
      %eq3A_2029 = vector.broadcast %eq3A_2028 : i32 to vector<16xi32>
      %eq3A_2030 = arith.cmpi eq, %iota3A, %eq3A_2029 : vector<16xi32>
      %broadcast_in_dim3A_2031 = vector.broadcast %reduce_min3A_2027 : i32 to vector<16xi32>
      %select_n3A_2032 = arith.select %eq3A_2030, %broadcast_in_dim3A_2031, %select_n3A_1816 : vector<16xi1>, vector<16xi32>
      %eq3A_2033 = vector.broadcast %reduce_min3A_2027 : i32 to vector<16xi32>
      %eq3A_2034 = arith.cmpi eq, %scan3A_159#9, %eq3A_2033 : vector<16xi32>
      %and3A_2035 = arith.andi %eq3A_2017, %eq3A_2034 : vector<16xi1>
      %jit3A_2036 = arith.constant 0x7F800000 : f32
      %broadcast_in_dim3A_2037 = vector.broadcast %jit3A_2036 : f32 to vector<16xf32>
      %select_n3A_2038 = arith.select %and3A_2035, %broadcast_in_dim3A_2037, %select_n3A_1822 : vector<16xi1>, vector<16xf32>
      %reduce_min3A_2039 = arith.constant true
      %reduce_min3A_2040 = vector.broadcast %reduce_min3A_2039 : i1 to vector<16xi1>
      %reduce_min3A_2041 = tpu.scan <min>, %select_n3A_1849 masked %reduce_min3A_2040 : vector<16xf32>, vector<16xi1> -> vector<16xf32>
      %reduce_min3A_2042 = vector.extract %reduce_min3A_2041[15] : f32 from vector<16xf32>
      %eq3A_2043 = vector.broadcast %reduce_min3A_2042 : f32 to vector<16xf32>
      %eq3A_2044 = arith.cmpf oeq, %select_n3A_1849, %eq3A_2043 : vector<16xf32>
      %broadcast_in_dim3A_2045 = vector.broadcast %scan3A : i32 to vector<16xi32>
      %select_n3A_2046 = arith.select %eq3A_2044, %scan3A_159#11, %broadcast_in_dim3A_2045 : vector<16xi1>, vector<16xi32>
      %reduce_min3A_2047 = arith.constant true
      %reduce_min3A_2048 = vector.broadcast %reduce_min3A_2047 : i1 to vector<16xi1>
      %reduce_min3A_2049 = arith.constant -2147483648 : i32
      %reduce_min3A_2050 = vector.broadcast %reduce_min3A_2049 : i32 to vector<16xi32>
      %reduce_min3A_2051 = arith.xori %select_n3A_2046, %reduce_min3A_2050 : vector<16xi32>
      %reduce_min3A_2052 = tpu.scan <min>, %reduce_min3A_2051 masked %reduce_min3A_2048 : vector<16xi32>, vector<16xi1> -> vector<16xi32>
      %reduce_min3A_2053 = arith.xori %reduce_min3A_2052, %reduce_min3A_2050 : vector<16xi32>
      %reduce_min3A_2054 = vector.extract %reduce_min3A_2053[15] : i32 from vector<16xi32>
      %eq3A_2055 = arith.constant 8 : i32
      %eq3A_2056 = vector.broadcast %eq3A_2055 : i32 to vector<16xi32>
      %eq3A_2057 = arith.cmpi eq, %iota3A, %eq3A_2056 : vector<16xi32>
      %broadcast_in_dim3A_2058 = vector.broadcast %reduce_min3A_2054 : i32 to vector<16xi32>
      %select_n3A_2059 = arith.select %eq3A_2057, %broadcast_in_dim3A_2058, %select_n3A_1843 : vector<16xi1>, vector<16xi32>
      %eq3A_2060 = vector.broadcast %reduce_min3A_2054 : i32 to vector<16xi32>
      %eq3A_2061 = arith.cmpi eq, %scan3A_159#11, %eq3A_2060 : vector<16xi32>
      %and3A_2062 = arith.andi %eq3A_2044, %eq3A_2061 : vector<16xi1>
      %jit3A_2063 = arith.constant 0x7F800000 : f32
      %broadcast_in_dim3A_2064 = vector.broadcast %jit3A_2063 : f32 to vector<16xf32>
      %select_n3A_2065 = arith.select %and3A_2062, %broadcast_in_dim3A_2064, %select_n3A_1849 : vector<16xi1>, vector<16xf32>
      %reduce_min3A_2066 = arith.constant true
      %reduce_min3A_2067 = vector.broadcast %reduce_min3A_2066 : i1 to vector<16xi1>
      %reduce_min3A_2068 = tpu.scan <min>, %select_n3A_1876 masked %reduce_min3A_2067 : vector<16xf32>, vector<16xi1> -> vector<16xf32>
      %reduce_min3A_2069 = vector.extract %reduce_min3A_2068[15] : f32 from vector<16xf32>
      %eq3A_2070 = vector.broadcast %reduce_min3A_2069 : f32 to vector<16xf32>
      %eq3A_2071 = arith.cmpf oeq, %select_n3A_1876, %eq3A_2070 : vector<16xf32>
      %broadcast_in_dim3A_2072 = vector.broadcast %scan3A : i32 to vector<16xi32>
      %select_n3A_2073 = arith.select %eq3A_2071, %scan3A_159#13, %broadcast_in_dim3A_2072 : vector<16xi1>, vector<16xi32>
      %reduce_min3A_2074 = arith.constant true
      %reduce_min3A_2075 = vector.broadcast %reduce_min3A_2074 : i1 to vector<16xi1>
      %reduce_min3A_2076 = arith.constant -2147483648 : i32
      %reduce_min3A_2077 = vector.broadcast %reduce_min3A_2076 : i32 to vector<16xi32>
      %reduce_min3A_2078 = arith.xori %select_n3A_2073, %reduce_min3A_2077 : vector<16xi32>
      %reduce_min3A_2079 = tpu.scan <min>, %reduce_min3A_2078 masked %reduce_min3A_2075 : vector<16xi32>, vector<16xi1> -> vector<16xi32>
      %reduce_min3A_2080 = arith.xori %reduce_min3A_2079, %reduce_min3A_2077 : vector<16xi32>
      %reduce_min3A_2081 = vector.extract %reduce_min3A_2080[15] : i32 from vector<16xi32>
      %eq3A_2082 = arith.constant 8 : i32
      %eq3A_2083 = vector.broadcast %eq3A_2082 : i32 to vector<16xi32>
      %eq3A_2084 = arith.cmpi eq, %iota3A, %eq3A_2083 : vector<16xi32>
      %broadcast_in_dim3A_2085 = vector.broadcast %reduce_min3A_2081 : i32 to vector<16xi32>
      %select_n3A_2086 = arith.select %eq3A_2084, %broadcast_in_dim3A_2085, %select_n3A_1870 : vector<16xi1>, vector<16xi32>
      %eq3A_2087 = vector.broadcast %reduce_min3A_2081 : i32 to vector<16xi32>
      %eq3A_2088 = arith.cmpi eq, %scan3A_159#13, %eq3A_2087 : vector<16xi32>
      %and3A_2089 = arith.andi %eq3A_2071, %eq3A_2088 : vector<16xi1>
      %jit3A_2090 = arith.constant 0x7F800000 : f32
      %broadcast_in_dim3A_2091 = vector.broadcast %jit3A_2090 : f32 to vector<16xf32>
      %select_n3A_2092 = arith.select %and3A_2089, %broadcast_in_dim3A_2091, %select_n3A_1876 : vector<16xi1>, vector<16xf32>
      %reduce_min3A_2093 = arith.constant true
      %reduce_min3A_2094 = vector.broadcast %reduce_min3A_2093 : i1 to vector<16xi1>
      %reduce_min3A_2095 = tpu.scan <min>, %select_n3A_1903 masked %reduce_min3A_2094 : vector<16xf32>, vector<16xi1> -> vector<16xf32>
      %reduce_min3A_2096 = vector.extract %reduce_min3A_2095[15] : f32 from vector<16xf32>
      %eq3A_2097 = vector.broadcast %reduce_min3A_2096 : f32 to vector<16xf32>
      %eq3A_2098 = arith.cmpf oeq, %select_n3A_1903, %eq3A_2097 : vector<16xf32>
      %broadcast_in_dim3A_2099 = vector.broadcast %scan3A : i32 to vector<16xi32>
      %select_n3A_2100 = arith.select %eq3A_2098, %scan3A_159#15, %broadcast_in_dim3A_2099 : vector<16xi1>, vector<16xi32>
      %reduce_min3A_2101 = arith.constant true
      %reduce_min3A_2102 = vector.broadcast %reduce_min3A_2101 : i1 to vector<16xi1>
      %reduce_min3A_2103 = arith.constant -2147483648 : i32
      %reduce_min3A_2104 = vector.broadcast %reduce_min3A_2103 : i32 to vector<16xi32>
      %reduce_min3A_2105 = arith.xori %select_n3A_2100, %reduce_min3A_2104 : vector<16xi32>
      %reduce_min3A_2106 = tpu.scan <min>, %reduce_min3A_2105 masked %reduce_min3A_2102 : vector<16xi32>, vector<16xi1> -> vector<16xi32>
      %reduce_min3A_2107 = arith.xori %reduce_min3A_2106, %reduce_min3A_2104 : vector<16xi32>
      %reduce_min3A_2108 = vector.extract %reduce_min3A_2107[15] : i32 from vector<16xi32>
      %eq3A_2109 = arith.constant 8 : i32
      %eq3A_2110 = vector.broadcast %eq3A_2109 : i32 to vector<16xi32>
      %eq3A_2111 = arith.cmpi eq, %iota3A, %eq3A_2110 : vector<16xi32>
      %broadcast_in_dim3A_2112 = vector.broadcast %reduce_min3A_2108 : i32 to vector<16xi32>
      %select_n3A_2113 = arith.select %eq3A_2111, %broadcast_in_dim3A_2112, %select_n3A_1897 : vector<16xi1>, vector<16xi32>
      %eq3A_2114 = vector.broadcast %reduce_min3A_2108 : i32 to vector<16xi32>
      %eq3A_2115 = arith.cmpi eq, %scan3A_159#15, %eq3A_2114 : vector<16xi32>
      %and3A_2116 = arith.andi %eq3A_2098, %eq3A_2115 : vector<16xi1>
      %jit3A_2117 = arith.constant 0x7F800000 : f32
      %broadcast_in_dim3A_2118 = vector.broadcast %jit3A_2117 : f32 to vector<16xf32>
      %select_n3A_2119 = arith.select %and3A_2116, %broadcast_in_dim3A_2118, %select_n3A_1903 : vector<16xi1>, vector<16xf32>
      %reduce_min3A_2120 = arith.constant true
      %reduce_min3A_2121 = vector.broadcast %reduce_min3A_2120 : i1 to vector<16xi1>
      %reduce_min3A_2122 = tpu.scan <min>, %select_n3A_1930 masked %reduce_min3A_2121 : vector<16xf32>, vector<16xi1> -> vector<16xf32>
      %reduce_min3A_2123 = vector.extract %reduce_min3A_2122[15] : f32 from vector<16xf32>
      %eq3A_2124 = vector.broadcast %reduce_min3A_2123 : f32 to vector<16xf32>
      %eq3A_2125 = arith.cmpf oeq, %select_n3A_1930, %eq3A_2124 : vector<16xf32>
      %broadcast_in_dim3A_2126 = vector.broadcast %scan3A : i32 to vector<16xi32>
      %select_n3A_2127 = arith.select %eq3A_2125, %scan3A_159#1, %broadcast_in_dim3A_2126 : vector<16xi1>, vector<16xi32>
      %reduce_min3A_2128 = arith.constant true
      %reduce_min3A_2129 = vector.broadcast %reduce_min3A_2128 : i1 to vector<16xi1>
      %reduce_min3A_2130 = arith.constant -2147483648 : i32
      %reduce_min3A_2131 = vector.broadcast %reduce_min3A_2130 : i32 to vector<16xi32>
      %reduce_min3A_2132 = arith.xori %select_n3A_2127, %reduce_min3A_2131 : vector<16xi32>
      %reduce_min3A_2133 = tpu.scan <min>, %reduce_min3A_2132 masked %reduce_min3A_2129 : vector<16xi32>, vector<16xi1> -> vector<16xi32>
      %reduce_min3A_2134 = arith.xori %reduce_min3A_2133, %reduce_min3A_2131 : vector<16xi32>
      %reduce_min3A_2135 = vector.extract %reduce_min3A_2134[15] : i32 from vector<16xi32>
      %eq3A_2136 = arith.constant 9 : i32
      %eq3A_2137 = vector.broadcast %eq3A_2136 : i32 to vector<16xi32>
      %eq3A_2138 = arith.cmpi eq, %iota3A, %eq3A_2137 : vector<16xi32>
      %broadcast_in_dim3A_2139 = vector.broadcast %reduce_min3A_2135 : i32 to vector<16xi32>
      %select_n3A_2140 = arith.select %eq3A_2138, %broadcast_in_dim3A_2139, %select_n3A_1924 : vector<16xi1>, vector<16xi32>
      %eq3A_2141 = vector.broadcast %reduce_min3A_2135 : i32 to vector<16xi32>
      %eq3A_2142 = arith.cmpi eq, %scan3A_159#1, %eq3A_2141 : vector<16xi32>
      %and3A_2143 = arith.andi %eq3A_2125, %eq3A_2142 : vector<16xi1>
      %jit3A_2144 = arith.constant 0x7F800000 : f32
      %broadcast_in_dim3A_2145 = vector.broadcast %jit3A_2144 : f32 to vector<16xf32>
      %select_n3A_2146 = arith.select %and3A_2143, %broadcast_in_dim3A_2145, %select_n3A_1930 : vector<16xi1>, vector<16xf32>
      %reduce_min3A_2147 = arith.constant true
      %reduce_min3A_2148 = vector.broadcast %reduce_min3A_2147 : i1 to vector<16xi1>
      %reduce_min3A_2149 = tpu.scan <min>, %select_n3A_1957 masked %reduce_min3A_2148 : vector<16xf32>, vector<16xi1> -> vector<16xf32>
      %reduce_min3A_2150 = vector.extract %reduce_min3A_2149[15] : f32 from vector<16xf32>
      %eq3A_2151 = vector.broadcast %reduce_min3A_2150 : f32 to vector<16xf32>
      %eq3A_2152 = arith.cmpf oeq, %select_n3A_1957, %eq3A_2151 : vector<16xf32>
      %broadcast_in_dim3A_2153 = vector.broadcast %scan3A : i32 to vector<16xi32>
      %select_n3A_2154 = arith.select %eq3A_2152, %scan3A_159#3, %broadcast_in_dim3A_2153 : vector<16xi1>, vector<16xi32>
      %reduce_min3A_2155 = arith.constant true
      %reduce_min3A_2156 = vector.broadcast %reduce_min3A_2155 : i1 to vector<16xi1>
      %reduce_min3A_2157 = arith.constant -2147483648 : i32
      %reduce_min3A_2158 = vector.broadcast %reduce_min3A_2157 : i32 to vector<16xi32>
      %reduce_min3A_2159 = arith.xori %select_n3A_2154, %reduce_min3A_2158 : vector<16xi32>
      %reduce_min3A_2160 = tpu.scan <min>, %reduce_min3A_2159 masked %reduce_min3A_2156 : vector<16xi32>, vector<16xi1> -> vector<16xi32>
      %reduce_min3A_2161 = arith.xori %reduce_min3A_2160, %reduce_min3A_2158 : vector<16xi32>
      %reduce_min3A_2162 = vector.extract %reduce_min3A_2161[15] : i32 from vector<16xi32>
      %eq3A_2163 = arith.constant 9 : i32
      %eq3A_2164 = vector.broadcast %eq3A_2163 : i32 to vector<16xi32>
      %eq3A_2165 = arith.cmpi eq, %iota3A, %eq3A_2164 : vector<16xi32>
      %broadcast_in_dim3A_2166 = vector.broadcast %reduce_min3A_2162 : i32 to vector<16xi32>
      %select_n3A_2167 = arith.select %eq3A_2165, %broadcast_in_dim3A_2166, %select_n3A_1951 : vector<16xi1>, vector<16xi32>
      %eq3A_2168 = vector.broadcast %reduce_min3A_2162 : i32 to vector<16xi32>
      %eq3A_2169 = arith.cmpi eq, %scan3A_159#3, %eq3A_2168 : vector<16xi32>
      %and3A_2170 = arith.andi %eq3A_2152, %eq3A_2169 : vector<16xi1>
      %jit3A_2171 = arith.constant 0x7F800000 : f32
      %broadcast_in_dim3A_2172 = vector.broadcast %jit3A_2171 : f32 to vector<16xf32>
      %select_n3A_2173 = arith.select %and3A_2170, %broadcast_in_dim3A_2172, %select_n3A_1957 : vector<16xi1>, vector<16xf32>
      %reduce_min3A_2174 = arith.constant true
      %reduce_min3A_2175 = vector.broadcast %reduce_min3A_2174 : i1 to vector<16xi1>
      %reduce_min3A_2176 = tpu.scan <min>, %select_n3A_1984 masked %reduce_min3A_2175 : vector<16xf32>, vector<16xi1> -> vector<16xf32>
      %reduce_min3A_2177 = vector.extract %reduce_min3A_2176[15] : f32 from vector<16xf32>
      %eq3A_2178 = vector.broadcast %reduce_min3A_2177 : f32 to vector<16xf32>
      %eq3A_2179 = arith.cmpf oeq, %select_n3A_1984, %eq3A_2178 : vector<16xf32>
      %broadcast_in_dim3A_2180 = vector.broadcast %scan3A : i32 to vector<16xi32>
      %select_n3A_2181 = arith.select %eq3A_2179, %scan3A_159#5, %broadcast_in_dim3A_2180 : vector<16xi1>, vector<16xi32>
      %reduce_min3A_2182 = arith.constant true
      %reduce_min3A_2183 = vector.broadcast %reduce_min3A_2182 : i1 to vector<16xi1>
      %reduce_min3A_2184 = arith.constant -2147483648 : i32
      %reduce_min3A_2185 = vector.broadcast %reduce_min3A_2184 : i32 to vector<16xi32>
      %reduce_min3A_2186 = arith.xori %select_n3A_2181, %reduce_min3A_2185 : vector<16xi32>
      %reduce_min3A_2187 = tpu.scan <min>, %reduce_min3A_2186 masked %reduce_min3A_2183 : vector<16xi32>, vector<16xi1> -> vector<16xi32>
      %reduce_min3A_2188 = arith.xori %reduce_min3A_2187, %reduce_min3A_2185 : vector<16xi32>
      %reduce_min3A_2189 = vector.extract %reduce_min3A_2188[15] : i32 from vector<16xi32>
      %eq3A_2190 = arith.constant 9 : i32
      %eq3A_2191 = vector.broadcast %eq3A_2190 : i32 to vector<16xi32>
      %eq3A_2192 = arith.cmpi eq, %iota3A, %eq3A_2191 : vector<16xi32>
      %broadcast_in_dim3A_2193 = vector.broadcast %reduce_min3A_2189 : i32 to vector<16xi32>
      %select_n3A_2194 = arith.select %eq3A_2192, %broadcast_in_dim3A_2193, %select_n3A_1978 : vector<16xi1>, vector<16xi32>
      %eq3A_2195 = vector.broadcast %reduce_min3A_2189 : i32 to vector<16xi32>
      %eq3A_2196 = arith.cmpi eq, %scan3A_159#5, %eq3A_2195 : vector<16xi32>
      %and3A_2197 = arith.andi %eq3A_2179, %eq3A_2196 : vector<16xi1>
      %jit3A_2198 = arith.constant 0x7F800000 : f32
      %broadcast_in_dim3A_2199 = vector.broadcast %jit3A_2198 : f32 to vector<16xf32>
      %select_n3A_2200 = arith.select %and3A_2197, %broadcast_in_dim3A_2199, %select_n3A_1984 : vector<16xi1>, vector<16xf32>
      %reduce_min3A_2201 = arith.constant true
      %reduce_min3A_2202 = vector.broadcast %reduce_min3A_2201 : i1 to vector<16xi1>
      %reduce_min3A_2203 = tpu.scan <min>, %select_n3A_2011 masked %reduce_min3A_2202 : vector<16xf32>, vector<16xi1> -> vector<16xf32>
      %reduce_min3A_2204 = vector.extract %reduce_min3A_2203[15] : f32 from vector<16xf32>
      %eq3A_2205 = vector.broadcast %reduce_min3A_2204 : f32 to vector<16xf32>
      %eq3A_2206 = arith.cmpf oeq, %select_n3A_2011, %eq3A_2205 : vector<16xf32>
      %broadcast_in_dim3A_2207 = vector.broadcast %scan3A : i32 to vector<16xi32>
      %select_n3A_2208 = arith.select %eq3A_2206, %scan3A_159#7, %broadcast_in_dim3A_2207 : vector<16xi1>, vector<16xi32>
      %reduce_min3A_2209 = arith.constant true
      %reduce_min3A_2210 = vector.broadcast %reduce_min3A_2209 : i1 to vector<16xi1>
      %reduce_min3A_2211 = arith.constant -2147483648 : i32
      %reduce_min3A_2212 = vector.broadcast %reduce_min3A_2211 : i32 to vector<16xi32>
      %reduce_min3A_2213 = arith.xori %select_n3A_2208, %reduce_min3A_2212 : vector<16xi32>
      %reduce_min3A_2214 = tpu.scan <min>, %reduce_min3A_2213 masked %reduce_min3A_2210 : vector<16xi32>, vector<16xi1> -> vector<16xi32>
      %reduce_min3A_2215 = arith.xori %reduce_min3A_2214, %reduce_min3A_2212 : vector<16xi32>
      %reduce_min3A_2216 = vector.extract %reduce_min3A_2215[15] : i32 from vector<16xi32>
      %eq3A_2217 = arith.constant 9 : i32
      %eq3A_2218 = vector.broadcast %eq3A_2217 : i32 to vector<16xi32>
      %eq3A_2219 = arith.cmpi eq, %iota3A, %eq3A_2218 : vector<16xi32>
      %broadcast_in_dim3A_2220 = vector.broadcast %reduce_min3A_2216 : i32 to vector<16xi32>
      %select_n3A_2221 = arith.select %eq3A_2219, %broadcast_in_dim3A_2220, %select_n3A_2005 : vector<16xi1>, vector<16xi32>
      %eq3A_2222 = vector.broadcast %reduce_min3A_2216 : i32 to vector<16xi32>
      %eq3A_2223 = arith.cmpi eq, %scan3A_159#7, %eq3A_2222 : vector<16xi32>
      %and3A_2224 = arith.andi %eq3A_2206, %eq3A_2223 : vector<16xi1>
      %jit3A_2225 = arith.constant 0x7F800000 : f32
      %broadcast_in_dim3A_2226 = vector.broadcast %jit3A_2225 : f32 to vector<16xf32>
      %select_n3A_2227 = arith.select %and3A_2224, %broadcast_in_dim3A_2226, %select_n3A_2011 : vector<16xi1>, vector<16xf32>
      %reduce_min3A_2228 = arith.constant true
      %reduce_min3A_2229 = vector.broadcast %reduce_min3A_2228 : i1 to vector<16xi1>
      %reduce_min3A_2230 = tpu.scan <min>, %select_n3A_2038 masked %reduce_min3A_2229 : vector<16xf32>, vector<16xi1> -> vector<16xf32>
      %reduce_min3A_2231 = vector.extract %reduce_min3A_2230[15] : f32 from vector<16xf32>
      %eq3A_2232 = vector.broadcast %reduce_min3A_2231 : f32 to vector<16xf32>
      %eq3A_2233 = arith.cmpf oeq, %select_n3A_2038, %eq3A_2232 : vector<16xf32>
      %broadcast_in_dim3A_2234 = vector.broadcast %scan3A : i32 to vector<16xi32>
      %select_n3A_2235 = arith.select %eq3A_2233, %scan3A_159#9, %broadcast_in_dim3A_2234 : vector<16xi1>, vector<16xi32>
      %reduce_min3A_2236 = arith.constant true
      %reduce_min3A_2237 = vector.broadcast %reduce_min3A_2236 : i1 to vector<16xi1>
      %reduce_min3A_2238 = arith.constant -2147483648 : i32
      %reduce_min3A_2239 = vector.broadcast %reduce_min3A_2238 : i32 to vector<16xi32>
      %reduce_min3A_2240 = arith.xori %select_n3A_2235, %reduce_min3A_2239 : vector<16xi32>
      %reduce_min3A_2241 = tpu.scan <min>, %reduce_min3A_2240 masked %reduce_min3A_2237 : vector<16xi32>, vector<16xi1> -> vector<16xi32>
      %reduce_min3A_2242 = arith.xori %reduce_min3A_2241, %reduce_min3A_2239 : vector<16xi32>
      %reduce_min3A_2243 = vector.extract %reduce_min3A_2242[15] : i32 from vector<16xi32>
      %eq3A_2244 = arith.constant 9 : i32
      %eq3A_2245 = vector.broadcast %eq3A_2244 : i32 to vector<16xi32>
      %eq3A_2246 = arith.cmpi eq, %iota3A, %eq3A_2245 : vector<16xi32>
      %broadcast_in_dim3A_2247 = vector.broadcast %reduce_min3A_2243 : i32 to vector<16xi32>
      %select_n3A_2248 = arith.select %eq3A_2246, %broadcast_in_dim3A_2247, %select_n3A_2032 : vector<16xi1>, vector<16xi32>
      %eq3A_2249 = vector.broadcast %reduce_min3A_2243 : i32 to vector<16xi32>
      %eq3A_2250 = arith.cmpi eq, %scan3A_159#9, %eq3A_2249 : vector<16xi32>
      %and3A_2251 = arith.andi %eq3A_2233, %eq3A_2250 : vector<16xi1>
      %jit3A_2252 = arith.constant 0x7F800000 : f32
      %broadcast_in_dim3A_2253 = vector.broadcast %jit3A_2252 : f32 to vector<16xf32>
      %select_n3A_2254 = arith.select %and3A_2251, %broadcast_in_dim3A_2253, %select_n3A_2038 : vector<16xi1>, vector<16xf32>
      %reduce_min3A_2255 = arith.constant true
      %reduce_min3A_2256 = vector.broadcast %reduce_min3A_2255 : i1 to vector<16xi1>
      %reduce_min3A_2257 = tpu.scan <min>, %select_n3A_2065 masked %reduce_min3A_2256 : vector<16xf32>, vector<16xi1> -> vector<16xf32>
      %reduce_min3A_2258 = vector.extract %reduce_min3A_2257[15] : f32 from vector<16xf32>
      %eq3A_2259 = vector.broadcast %reduce_min3A_2258 : f32 to vector<16xf32>
      %eq3A_2260 = arith.cmpf oeq, %select_n3A_2065, %eq3A_2259 : vector<16xf32>
      %broadcast_in_dim3A_2261 = vector.broadcast %scan3A : i32 to vector<16xi32>
      %select_n3A_2262 = arith.select %eq3A_2260, %scan3A_159#11, %broadcast_in_dim3A_2261 : vector<16xi1>, vector<16xi32>
      %reduce_min3A_2263 = arith.constant true
      %reduce_min3A_2264 = vector.broadcast %reduce_min3A_2263 : i1 to vector<16xi1>
      %reduce_min3A_2265 = arith.constant -2147483648 : i32
      %reduce_min3A_2266 = vector.broadcast %reduce_min3A_2265 : i32 to vector<16xi32>
      %reduce_min3A_2267 = arith.xori %select_n3A_2262, %reduce_min3A_2266 : vector<16xi32>
      %reduce_min3A_2268 = tpu.scan <min>, %reduce_min3A_2267 masked %reduce_min3A_2264 : vector<16xi32>, vector<16xi1> -> vector<16xi32>
      %reduce_min3A_2269 = arith.xori %reduce_min3A_2268, %reduce_min3A_2266 : vector<16xi32>
      %reduce_min3A_2270 = vector.extract %reduce_min3A_2269[15] : i32 from vector<16xi32>
      %eq3A_2271 = arith.constant 9 : i32
      %eq3A_2272 = vector.broadcast %eq3A_2271 : i32 to vector<16xi32>
      %eq3A_2273 = arith.cmpi eq, %iota3A, %eq3A_2272 : vector<16xi32>
      %broadcast_in_dim3A_2274 = vector.broadcast %reduce_min3A_2270 : i32 to vector<16xi32>
      %select_n3A_2275 = arith.select %eq3A_2273, %broadcast_in_dim3A_2274, %select_n3A_2059 : vector<16xi1>, vector<16xi32>
      %eq3A_2276 = vector.broadcast %reduce_min3A_2270 : i32 to vector<16xi32>
      %eq3A_2277 = arith.cmpi eq, %scan3A_159#11, %eq3A_2276 : vector<16xi32>
      %and3A_2278 = arith.andi %eq3A_2260, %eq3A_2277 : vector<16xi1>
      %jit3A_2279 = arith.constant 0x7F800000 : f32
      %broadcast_in_dim3A_2280 = vector.broadcast %jit3A_2279 : f32 to vector<16xf32>
      %select_n3A_2281 = arith.select %and3A_2278, %broadcast_in_dim3A_2280, %select_n3A_2065 : vector<16xi1>, vector<16xf32>
      %reduce_min3A_2282 = arith.constant true
      %reduce_min3A_2283 = vector.broadcast %reduce_min3A_2282 : i1 to vector<16xi1>
      %reduce_min3A_2284 = tpu.scan <min>, %select_n3A_2092 masked %reduce_min3A_2283 : vector<16xf32>, vector<16xi1> -> vector<16xf32>
      %reduce_min3A_2285 = vector.extract %reduce_min3A_2284[15] : f32 from vector<16xf32>
      %eq3A_2286 = vector.broadcast %reduce_min3A_2285 : f32 to vector<16xf32>
      %eq3A_2287 = arith.cmpf oeq, %select_n3A_2092, %eq3A_2286 : vector<16xf32>
      %broadcast_in_dim3A_2288 = vector.broadcast %scan3A : i32 to vector<16xi32>
      %select_n3A_2289 = arith.select %eq3A_2287, %scan3A_159#13, %broadcast_in_dim3A_2288 : vector<16xi1>, vector<16xi32>
      %reduce_min3A_2290 = arith.constant true
      %reduce_min3A_2291 = vector.broadcast %reduce_min3A_2290 : i1 to vector<16xi1>
      %reduce_min3A_2292 = arith.constant -2147483648 : i32
      %reduce_min3A_2293 = vector.broadcast %reduce_min3A_2292 : i32 to vector<16xi32>
      %reduce_min3A_2294 = arith.xori %select_n3A_2289, %reduce_min3A_2293 : vector<16xi32>
      %reduce_min3A_2295 = tpu.scan <min>, %reduce_min3A_2294 masked %reduce_min3A_2291 : vector<16xi32>, vector<16xi1> -> vector<16xi32>
      %reduce_min3A_2296 = arith.xori %reduce_min3A_2295, %reduce_min3A_2293 : vector<16xi32>
      %reduce_min3A_2297 = vector.extract %reduce_min3A_2296[15] : i32 from vector<16xi32>
      %eq3A_2298 = arith.constant 9 : i32
      %eq3A_2299 = vector.broadcast %eq3A_2298 : i32 to vector<16xi32>
      %eq3A_2300 = arith.cmpi eq, %iota3A, %eq3A_2299 : vector<16xi32>
      %broadcast_in_dim3A_2301 = vector.broadcast %reduce_min3A_2297 : i32 to vector<16xi32>
      %select_n3A_2302 = arith.select %eq3A_2300, %broadcast_in_dim3A_2301, %select_n3A_2086 : vector<16xi1>, vector<16xi32>
      %eq3A_2303 = vector.broadcast %reduce_min3A_2297 : i32 to vector<16xi32>
      %eq3A_2304 = arith.cmpi eq, %scan3A_159#13, %eq3A_2303 : vector<16xi32>
      %and3A_2305 = arith.andi %eq3A_2287, %eq3A_2304 : vector<16xi1>
      %jit3A_2306 = arith.constant 0x7F800000 : f32
      %broadcast_in_dim3A_2307 = vector.broadcast %jit3A_2306 : f32 to vector<16xf32>
      %select_n3A_2308 = arith.select %and3A_2305, %broadcast_in_dim3A_2307, %select_n3A_2092 : vector<16xi1>, vector<16xf32>
      %reduce_min3A_2309 = arith.constant true
      %reduce_min3A_2310 = vector.broadcast %reduce_min3A_2309 : i1 to vector<16xi1>
      %reduce_min3A_2311 = tpu.scan <min>, %select_n3A_2119 masked %reduce_min3A_2310 : vector<16xf32>, vector<16xi1> -> vector<16xf32>
      %reduce_min3A_2312 = vector.extract %reduce_min3A_2311[15] : f32 from vector<16xf32>
      %eq3A_2313 = vector.broadcast %reduce_min3A_2312 : f32 to vector<16xf32>
      %eq3A_2314 = arith.cmpf oeq, %select_n3A_2119, %eq3A_2313 : vector<16xf32>
      %broadcast_in_dim3A_2315 = vector.broadcast %scan3A : i32 to vector<16xi32>
      %select_n3A_2316 = arith.select %eq3A_2314, %scan3A_159#15, %broadcast_in_dim3A_2315 : vector<16xi1>, vector<16xi32>
      %reduce_min3A_2317 = arith.constant true
      %reduce_min3A_2318 = vector.broadcast %reduce_min3A_2317 : i1 to vector<16xi1>
      %reduce_min3A_2319 = arith.constant -2147483648 : i32
      %reduce_min3A_2320 = vector.broadcast %reduce_min3A_2319 : i32 to vector<16xi32>
      %reduce_min3A_2321 = arith.xori %select_n3A_2316, %reduce_min3A_2320 : vector<16xi32>
      %reduce_min3A_2322 = tpu.scan <min>, %reduce_min3A_2321 masked %reduce_min3A_2318 : vector<16xi32>, vector<16xi1> -> vector<16xi32>
      %reduce_min3A_2323 = arith.xori %reduce_min3A_2322, %reduce_min3A_2320 : vector<16xi32>
      %reduce_min3A_2324 = vector.extract %reduce_min3A_2323[15] : i32 from vector<16xi32>
      %eq3A_2325 = arith.constant 9 : i32
      %eq3A_2326 = vector.broadcast %eq3A_2325 : i32 to vector<16xi32>
      %eq3A_2327 = arith.cmpi eq, %iota3A, %eq3A_2326 : vector<16xi32>
      %broadcast_in_dim3A_2328 = vector.broadcast %reduce_min3A_2324 : i32 to vector<16xi32>
      %select_n3A_2329 = arith.select %eq3A_2327, %broadcast_in_dim3A_2328, %select_n3A_2113 : vector<16xi1>, vector<16xi32>
      %eq3A_2330 = vector.broadcast %reduce_min3A_2324 : i32 to vector<16xi32>
      %eq3A_2331 = arith.cmpi eq, %scan3A_159#15, %eq3A_2330 : vector<16xi32>
      %and3A_2332 = arith.andi %eq3A_2314, %eq3A_2331 : vector<16xi1>
      %jit3A_2333 = arith.constant 0x7F800000 : f32
      %broadcast_in_dim3A_2334 = vector.broadcast %jit3A_2333 : f32 to vector<16xf32>
      %select_n3A_2335 = arith.select %and3A_2332, %broadcast_in_dim3A_2334, %select_n3A_2119 : vector<16xi1>, vector<16xf32>
      %reduce_min3A_2336 = arith.constant true
      %reduce_min3A_2337 = vector.broadcast %reduce_min3A_2336 : i1 to vector<16xi1>
      %reduce_min3A_2338 = tpu.scan <min>, %select_n3A_2146 masked %reduce_min3A_2337 : vector<16xf32>, vector<16xi1> -> vector<16xf32>
      %reduce_min3A_2339 = vector.extract %reduce_min3A_2338[15] : f32 from vector<16xf32>
      %eq3A_2340 = vector.broadcast %reduce_min3A_2339 : f32 to vector<16xf32>
      %eq3A_2341 = arith.cmpf oeq, %select_n3A_2146, %eq3A_2340 : vector<16xf32>
      %broadcast_in_dim3A_2342 = vector.broadcast %scan3A : i32 to vector<16xi32>
      %select_n3A_2343 = arith.select %eq3A_2341, %scan3A_159#1, %broadcast_in_dim3A_2342 : vector<16xi1>, vector<16xi32>
      %reduce_min3A_2344 = arith.constant true
      %reduce_min3A_2345 = vector.broadcast %reduce_min3A_2344 : i1 to vector<16xi1>
      %reduce_min3A_2346 = arith.constant -2147483648 : i32
      %reduce_min3A_2347 = vector.broadcast %reduce_min3A_2346 : i32 to vector<16xi32>
      %reduce_min3A_2348 = arith.xori %select_n3A_2343, %reduce_min3A_2347 : vector<16xi32>
      %reduce_min3A_2349 = tpu.scan <min>, %reduce_min3A_2348 masked %reduce_min3A_2345 : vector<16xi32>, vector<16xi1> -> vector<16xi32>
      %reduce_min3A_2350 = arith.xori %reduce_min3A_2349, %reduce_min3A_2347 : vector<16xi32>
      %reduce_min3A_2351 = vector.extract %reduce_min3A_2350[15] : i32 from vector<16xi32>
      %eq3A_2352 = arith.constant 10 : i32
      %eq3A_2353 = vector.broadcast %eq3A_2352 : i32 to vector<16xi32>
      %eq3A_2354 = arith.cmpi eq, %iota3A, %eq3A_2353 : vector<16xi32>
      %broadcast_in_dim3A_2355 = vector.broadcast %reduce_min3A_2351 : i32 to vector<16xi32>
      %select_n3A_2356 = arith.select %eq3A_2354, %broadcast_in_dim3A_2355, %select_n3A_2140 : vector<16xi1>, vector<16xi32>
      %eq3A_2357 = vector.broadcast %reduce_min3A_2351 : i32 to vector<16xi32>
      %eq3A_2358 = arith.cmpi eq, %scan3A_159#1, %eq3A_2357 : vector<16xi32>
      %and3A_2359 = arith.andi %eq3A_2341, %eq3A_2358 : vector<16xi1>
      %jit3A_2360 = arith.constant 0x7F800000 : f32
      %broadcast_in_dim3A_2361 = vector.broadcast %jit3A_2360 : f32 to vector<16xf32>
      %select_n3A_2362 = arith.select %and3A_2359, %broadcast_in_dim3A_2361, %select_n3A_2146 : vector<16xi1>, vector<16xf32>
      %reduce_min3A_2363 = arith.constant true
      %reduce_min3A_2364 = vector.broadcast %reduce_min3A_2363 : i1 to vector<16xi1>
      %reduce_min3A_2365 = tpu.scan <min>, %select_n3A_2173 masked %reduce_min3A_2364 : vector<16xf32>, vector<16xi1> -> vector<16xf32>
      %reduce_min3A_2366 = vector.extract %reduce_min3A_2365[15] : f32 from vector<16xf32>
      %eq3A_2367 = vector.broadcast %reduce_min3A_2366 : f32 to vector<16xf32>
      %eq3A_2368 = arith.cmpf oeq, %select_n3A_2173, %eq3A_2367 : vector<16xf32>
      %broadcast_in_dim3A_2369 = vector.broadcast %scan3A : i32 to vector<16xi32>
      %select_n3A_2370 = arith.select %eq3A_2368, %scan3A_159#3, %broadcast_in_dim3A_2369 : vector<16xi1>, vector<16xi32>
      %reduce_min3A_2371 = arith.constant true
      %reduce_min3A_2372 = vector.broadcast %reduce_min3A_2371 : i1 to vector<16xi1>
      %reduce_min3A_2373 = arith.constant -2147483648 : i32
      %reduce_min3A_2374 = vector.broadcast %reduce_min3A_2373 : i32 to vector<16xi32>
      %reduce_min3A_2375 = arith.xori %select_n3A_2370, %reduce_min3A_2374 : vector<16xi32>
      %reduce_min3A_2376 = tpu.scan <min>, %reduce_min3A_2375 masked %reduce_min3A_2372 : vector<16xi32>, vector<16xi1> -> vector<16xi32>
      %reduce_min3A_2377 = arith.xori %reduce_min3A_2376, %reduce_min3A_2374 : vector<16xi32>
      %reduce_min3A_2378 = vector.extract %reduce_min3A_2377[15] : i32 from vector<16xi32>
      %eq3A_2379 = arith.constant 10 : i32
      %eq3A_2380 = vector.broadcast %eq3A_2379 : i32 to vector<16xi32>
      %eq3A_2381 = arith.cmpi eq, %iota3A, %eq3A_2380 : vector<16xi32>
      %broadcast_in_dim3A_2382 = vector.broadcast %reduce_min3A_2378 : i32 to vector<16xi32>
      %select_n3A_2383 = arith.select %eq3A_2381, %broadcast_in_dim3A_2382, %select_n3A_2167 : vector<16xi1>, vector<16xi32>
      %eq3A_2384 = vector.broadcast %reduce_min3A_2378 : i32 to vector<16xi32>
      %eq3A_2385 = arith.cmpi eq, %scan3A_159#3, %eq3A_2384 : vector<16xi32>
      %and3A_2386 = arith.andi %eq3A_2368, %eq3A_2385 : vector<16xi1>
      %jit3A_2387 = arith.constant 0x7F800000 : f32
      %broadcast_in_dim3A_2388 = vector.broadcast %jit3A_2387 : f32 to vector<16xf32>
      %select_n3A_2389 = arith.select %and3A_2386, %broadcast_in_dim3A_2388, %select_n3A_2173 : vector<16xi1>, vector<16xf32>
      %reduce_min3A_2390 = arith.constant true
      %reduce_min3A_2391 = vector.broadcast %reduce_min3A_2390 : i1 to vector<16xi1>
      %reduce_min3A_2392 = tpu.scan <min>, %select_n3A_2200 masked %reduce_min3A_2391 : vector<16xf32>, vector<16xi1> -> vector<16xf32>
      %reduce_min3A_2393 = vector.extract %reduce_min3A_2392[15] : f32 from vector<16xf32>
      %eq3A_2394 = vector.broadcast %reduce_min3A_2393 : f32 to vector<16xf32>
      %eq3A_2395 = arith.cmpf oeq, %select_n3A_2200, %eq3A_2394 : vector<16xf32>
      %broadcast_in_dim3A_2396 = vector.broadcast %scan3A : i32 to vector<16xi32>
      %select_n3A_2397 = arith.select %eq3A_2395, %scan3A_159#5, %broadcast_in_dim3A_2396 : vector<16xi1>, vector<16xi32>
      %reduce_min3A_2398 = arith.constant true
      %reduce_min3A_2399 = vector.broadcast %reduce_min3A_2398 : i1 to vector<16xi1>
      %reduce_min3A_2400 = arith.constant -2147483648 : i32
      %reduce_min3A_2401 = vector.broadcast %reduce_min3A_2400 : i32 to vector<16xi32>
      %reduce_min3A_2402 = arith.xori %select_n3A_2397, %reduce_min3A_2401 : vector<16xi32>
      %reduce_min3A_2403 = tpu.scan <min>, %reduce_min3A_2402 masked %reduce_min3A_2399 : vector<16xi32>, vector<16xi1> -> vector<16xi32>
      %reduce_min3A_2404 = arith.xori %reduce_min3A_2403, %reduce_min3A_2401 : vector<16xi32>
      %reduce_min3A_2405 = vector.extract %reduce_min3A_2404[15] : i32 from vector<16xi32>
      %eq3A_2406 = arith.constant 10 : i32
      %eq3A_2407 = vector.broadcast %eq3A_2406 : i32 to vector<16xi32>
      %eq3A_2408 = arith.cmpi eq, %iota3A, %eq3A_2407 : vector<16xi32>
      %broadcast_in_dim3A_2409 = vector.broadcast %reduce_min3A_2405 : i32 to vector<16xi32>
      %select_n3A_2410 = arith.select %eq3A_2408, %broadcast_in_dim3A_2409, %select_n3A_2194 : vector<16xi1>, vector<16xi32>
      %eq3A_2411 = vector.broadcast %reduce_min3A_2405 : i32 to vector<16xi32>
      %eq3A_2412 = arith.cmpi eq, %scan3A_159#5, %eq3A_2411 : vector<16xi32>
      %and3A_2413 = arith.andi %eq3A_2395, %eq3A_2412 : vector<16xi1>
      %jit3A_2414 = arith.constant 0x7F800000 : f32
      %broadcast_in_dim3A_2415 = vector.broadcast %jit3A_2414 : f32 to vector<16xf32>
      %select_n3A_2416 = arith.select %and3A_2413, %broadcast_in_dim3A_2415, %select_n3A_2200 : vector<16xi1>, vector<16xf32>
      %reduce_min3A_2417 = arith.constant true
      %reduce_min3A_2418 = vector.broadcast %reduce_min3A_2417 : i1 to vector<16xi1>
      %reduce_min3A_2419 = tpu.scan <min>, %select_n3A_2227 masked %reduce_min3A_2418 : vector<16xf32>, vector<16xi1> -> vector<16xf32>
      %reduce_min3A_2420 = vector.extract %reduce_min3A_2419[15] : f32 from vector<16xf32>
      %eq3A_2421 = vector.broadcast %reduce_min3A_2420 : f32 to vector<16xf32>
      %eq3A_2422 = arith.cmpf oeq, %select_n3A_2227, %eq3A_2421 : vector<16xf32>
      %broadcast_in_dim3A_2423 = vector.broadcast %scan3A : i32 to vector<16xi32>
      %select_n3A_2424 = arith.select %eq3A_2422, %scan3A_159#7, %broadcast_in_dim3A_2423 : vector<16xi1>, vector<16xi32>
      %reduce_min3A_2425 = arith.constant true
      %reduce_min3A_2426 = vector.broadcast %reduce_min3A_2425 : i1 to vector<16xi1>
      %reduce_min3A_2427 = arith.constant -2147483648 : i32
      %reduce_min3A_2428 = vector.broadcast %reduce_min3A_2427 : i32 to vector<16xi32>
      %reduce_min3A_2429 = arith.xori %select_n3A_2424, %reduce_min3A_2428 : vector<16xi32>
      %reduce_min3A_2430 = tpu.scan <min>, %reduce_min3A_2429 masked %reduce_min3A_2426 : vector<16xi32>, vector<16xi1> -> vector<16xi32>
      %reduce_min3A_2431 = arith.xori %reduce_min3A_2430, %reduce_min3A_2428 : vector<16xi32>
      %reduce_min3A_2432 = vector.extract %reduce_min3A_2431[15] : i32 from vector<16xi32>
      %eq3A_2433 = arith.constant 10 : i32
      %eq3A_2434 = vector.broadcast %eq3A_2433 : i32 to vector<16xi32>
      %eq3A_2435 = arith.cmpi eq, %iota3A, %eq3A_2434 : vector<16xi32>
      %broadcast_in_dim3A_2436 = vector.broadcast %reduce_min3A_2432 : i32 to vector<16xi32>
      %select_n3A_2437 = arith.select %eq3A_2435, %broadcast_in_dim3A_2436, %select_n3A_2221 : vector<16xi1>, vector<16xi32>
      %eq3A_2438 = vector.broadcast %reduce_min3A_2432 : i32 to vector<16xi32>
      %eq3A_2439 = arith.cmpi eq, %scan3A_159#7, %eq3A_2438 : vector<16xi32>
      %and3A_2440 = arith.andi %eq3A_2422, %eq3A_2439 : vector<16xi1>
      %jit3A_2441 = arith.constant 0x7F800000 : f32
      %broadcast_in_dim3A_2442 = vector.broadcast %jit3A_2441 : f32 to vector<16xf32>
      %select_n3A_2443 = arith.select %and3A_2440, %broadcast_in_dim3A_2442, %select_n3A_2227 : vector<16xi1>, vector<16xf32>
      %reduce_min3A_2444 = arith.constant true
      %reduce_min3A_2445 = vector.broadcast %reduce_min3A_2444 : i1 to vector<16xi1>
      %reduce_min3A_2446 = tpu.scan <min>, %select_n3A_2254 masked %reduce_min3A_2445 : vector<16xf32>, vector<16xi1> -> vector<16xf32>
      %reduce_min3A_2447 = vector.extract %reduce_min3A_2446[15] : f32 from vector<16xf32>
      %eq3A_2448 = vector.broadcast %reduce_min3A_2447 : f32 to vector<16xf32>
      %eq3A_2449 = arith.cmpf oeq, %select_n3A_2254, %eq3A_2448 : vector<16xf32>
      %broadcast_in_dim3A_2450 = vector.broadcast %scan3A : i32 to vector<16xi32>
      %select_n3A_2451 = arith.select %eq3A_2449, %scan3A_159#9, %broadcast_in_dim3A_2450 : vector<16xi1>, vector<16xi32>
      %reduce_min3A_2452 = arith.constant true
      %reduce_min3A_2453 = vector.broadcast %reduce_min3A_2452 : i1 to vector<16xi1>
      %reduce_min3A_2454 = arith.constant -2147483648 : i32
      %reduce_min3A_2455 = vector.broadcast %reduce_min3A_2454 : i32 to vector<16xi32>
      %reduce_min3A_2456 = arith.xori %select_n3A_2451, %reduce_min3A_2455 : vector<16xi32>
      %reduce_min3A_2457 = tpu.scan <min>, %reduce_min3A_2456 masked %reduce_min3A_2453 : vector<16xi32>, vector<16xi1> -> vector<16xi32>
      %reduce_min3A_2458 = arith.xori %reduce_min3A_2457, %reduce_min3A_2455 : vector<16xi32>
      %reduce_min3A_2459 = vector.extract %reduce_min3A_2458[15] : i32 from vector<16xi32>
      %eq3A_2460 = arith.constant 10 : i32
      %eq3A_2461 = vector.broadcast %eq3A_2460 : i32 to vector<16xi32>
      %eq3A_2462 = arith.cmpi eq, %iota3A, %eq3A_2461 : vector<16xi32>
      %broadcast_in_dim3A_2463 = vector.broadcast %reduce_min3A_2459 : i32 to vector<16xi32>
      %select_n3A_2464 = arith.select %eq3A_2462, %broadcast_in_dim3A_2463, %select_n3A_2248 : vector<16xi1>, vector<16xi32>
      %eq3A_2465 = vector.broadcast %reduce_min3A_2459 : i32 to vector<16xi32>
      %eq3A_2466 = arith.cmpi eq, %scan3A_159#9, %eq3A_2465 : vector<16xi32>
      %and3A_2467 = arith.andi %eq3A_2449, %eq3A_2466 : vector<16xi1>
      %jit3A_2468 = arith.constant 0x7F800000 : f32
      %broadcast_in_dim3A_2469 = vector.broadcast %jit3A_2468 : f32 to vector<16xf32>
      %select_n3A_2470 = arith.select %and3A_2467, %broadcast_in_dim3A_2469, %select_n3A_2254 : vector<16xi1>, vector<16xf32>
      %reduce_min3A_2471 = arith.constant true
      %reduce_min3A_2472 = vector.broadcast %reduce_min3A_2471 : i1 to vector<16xi1>
      %reduce_min3A_2473 = tpu.scan <min>, %select_n3A_2281 masked %reduce_min3A_2472 : vector<16xf32>, vector<16xi1> -> vector<16xf32>
      %reduce_min3A_2474 = vector.extract %reduce_min3A_2473[15] : f32 from vector<16xf32>
      %eq3A_2475 = vector.broadcast %reduce_min3A_2474 : f32 to vector<16xf32>
      %eq3A_2476 = arith.cmpf oeq, %select_n3A_2281, %eq3A_2475 : vector<16xf32>
      %broadcast_in_dim3A_2477 = vector.broadcast %scan3A : i32 to vector<16xi32>
      %select_n3A_2478 = arith.select %eq3A_2476, %scan3A_159#11, %broadcast_in_dim3A_2477 : vector<16xi1>, vector<16xi32>
      %reduce_min3A_2479 = arith.constant true
      %reduce_min3A_2480 = vector.broadcast %reduce_min3A_2479 : i1 to vector<16xi1>
      %reduce_min3A_2481 = arith.constant -2147483648 : i32
      %reduce_min3A_2482 = vector.broadcast %reduce_min3A_2481 : i32 to vector<16xi32>
      %reduce_min3A_2483 = arith.xori %select_n3A_2478, %reduce_min3A_2482 : vector<16xi32>
      %reduce_min3A_2484 = tpu.scan <min>, %reduce_min3A_2483 masked %reduce_min3A_2480 : vector<16xi32>, vector<16xi1> -> vector<16xi32>
      %reduce_min3A_2485 = arith.xori %reduce_min3A_2484, %reduce_min3A_2482 : vector<16xi32>
      %reduce_min3A_2486 = vector.extract %reduce_min3A_2485[15] : i32 from vector<16xi32>
      %eq3A_2487 = arith.constant 10 : i32
      %eq3A_2488 = vector.broadcast %eq3A_2487 : i32 to vector<16xi32>
      %eq3A_2489 = arith.cmpi eq, %iota3A, %eq3A_2488 : vector<16xi32>
      %broadcast_in_dim3A_2490 = vector.broadcast %reduce_min3A_2486 : i32 to vector<16xi32>
      %select_n3A_2491 = arith.select %eq3A_2489, %broadcast_in_dim3A_2490, %select_n3A_2275 : vector<16xi1>, vector<16xi32>
      %eq3A_2492 = vector.broadcast %reduce_min3A_2486 : i32 to vector<16xi32>
      %eq3A_2493 = arith.cmpi eq, %scan3A_159#11, %eq3A_2492 : vector<16xi32>
      %and3A_2494 = arith.andi %eq3A_2476, %eq3A_2493 : vector<16xi1>
      %jit3A_2495 = arith.constant 0x7F800000 : f32
      %broadcast_in_dim3A_2496 = vector.broadcast %jit3A_2495 : f32 to vector<16xf32>
      %select_n3A_2497 = arith.select %and3A_2494, %broadcast_in_dim3A_2496, %select_n3A_2281 : vector<16xi1>, vector<16xf32>
      %reduce_min3A_2498 = arith.constant true
      %reduce_min3A_2499 = vector.broadcast %reduce_min3A_2498 : i1 to vector<16xi1>
      %reduce_min3A_2500 = tpu.scan <min>, %select_n3A_2308 masked %reduce_min3A_2499 : vector<16xf32>, vector<16xi1> -> vector<16xf32>
      %reduce_min3A_2501 = vector.extract %reduce_min3A_2500[15] : f32 from vector<16xf32>
      %eq3A_2502 = vector.broadcast %reduce_min3A_2501 : f32 to vector<16xf32>
      %eq3A_2503 = arith.cmpf oeq, %select_n3A_2308, %eq3A_2502 : vector<16xf32>
      %broadcast_in_dim3A_2504 = vector.broadcast %scan3A : i32 to vector<16xi32>
      %select_n3A_2505 = arith.select %eq3A_2503, %scan3A_159#13, %broadcast_in_dim3A_2504 : vector<16xi1>, vector<16xi32>
      %reduce_min3A_2506 = arith.constant true
      %reduce_min3A_2507 = vector.broadcast %reduce_min3A_2506 : i1 to vector<16xi1>
      %reduce_min3A_2508 = arith.constant -2147483648 : i32
      %reduce_min3A_2509 = vector.broadcast %reduce_min3A_2508 : i32 to vector<16xi32>
      %reduce_min3A_2510 = arith.xori %select_n3A_2505, %reduce_min3A_2509 : vector<16xi32>
      %reduce_min3A_2511 = tpu.scan <min>, %reduce_min3A_2510 masked %reduce_min3A_2507 : vector<16xi32>, vector<16xi1> -> vector<16xi32>
      %reduce_min3A_2512 = arith.xori %reduce_min3A_2511, %reduce_min3A_2509 : vector<16xi32>
      %reduce_min3A_2513 = vector.extract %reduce_min3A_2512[15] : i32 from vector<16xi32>
      %eq3A_2514 = arith.constant 10 : i32
      %eq3A_2515 = vector.broadcast %eq3A_2514 : i32 to vector<16xi32>
      %eq3A_2516 = arith.cmpi eq, %iota3A, %eq3A_2515 : vector<16xi32>
      %broadcast_in_dim3A_2517 = vector.broadcast %reduce_min3A_2513 : i32 to vector<16xi32>
      %select_n3A_2518 = arith.select %eq3A_2516, %broadcast_in_dim3A_2517, %select_n3A_2302 : vector<16xi1>, vector<16xi32>
      %eq3A_2519 = vector.broadcast %reduce_min3A_2513 : i32 to vector<16xi32>
      %eq3A_2520 = arith.cmpi eq, %scan3A_159#13, %eq3A_2519 : vector<16xi32>
      %and3A_2521 = arith.andi %eq3A_2503, %eq3A_2520 : vector<16xi1>
      %jit3A_2522 = arith.constant 0x7F800000 : f32
      %broadcast_in_dim3A_2523 = vector.broadcast %jit3A_2522 : f32 to vector<16xf32>
      %select_n3A_2524 = arith.select %and3A_2521, %broadcast_in_dim3A_2523, %select_n3A_2308 : vector<16xi1>, vector<16xf32>
      %reduce_min3A_2525 = arith.constant true
      %reduce_min3A_2526 = vector.broadcast %reduce_min3A_2525 : i1 to vector<16xi1>
      %reduce_min3A_2527 = tpu.scan <min>, %select_n3A_2335 masked %reduce_min3A_2526 : vector<16xf32>, vector<16xi1> -> vector<16xf32>
      %reduce_min3A_2528 = vector.extract %reduce_min3A_2527[15] : f32 from vector<16xf32>
      %eq3A_2529 = vector.broadcast %reduce_min3A_2528 : f32 to vector<16xf32>
      %eq3A_2530 = arith.cmpf oeq, %select_n3A_2335, %eq3A_2529 : vector<16xf32>
      %broadcast_in_dim3A_2531 = vector.broadcast %scan3A : i32 to vector<16xi32>
      %select_n3A_2532 = arith.select %eq3A_2530, %scan3A_159#15, %broadcast_in_dim3A_2531 : vector<16xi1>, vector<16xi32>
      %reduce_min3A_2533 = arith.constant true
      %reduce_min3A_2534 = vector.broadcast %reduce_min3A_2533 : i1 to vector<16xi1>
      %reduce_min3A_2535 = arith.constant -2147483648 : i32
      %reduce_min3A_2536 = vector.broadcast %reduce_min3A_2535 : i32 to vector<16xi32>
      %reduce_min3A_2537 = arith.xori %select_n3A_2532, %reduce_min3A_2536 : vector<16xi32>
      %reduce_min3A_2538 = tpu.scan <min>, %reduce_min3A_2537 masked %reduce_min3A_2534 : vector<16xi32>, vector<16xi1> -> vector<16xi32>
      %reduce_min3A_2539 = arith.xori %reduce_min3A_2538, %reduce_min3A_2536 : vector<16xi32>
      %reduce_min3A_2540 = vector.extract %reduce_min3A_2539[15] : i32 from vector<16xi32>
      %eq3A_2541 = arith.constant 10 : i32
      %eq3A_2542 = vector.broadcast %eq3A_2541 : i32 to vector<16xi32>
      %eq3A_2543 = arith.cmpi eq, %iota3A, %eq3A_2542 : vector<16xi32>
      %broadcast_in_dim3A_2544 = vector.broadcast %reduce_min3A_2540 : i32 to vector<16xi32>
      %select_n3A_2545 = arith.select %eq3A_2543, %broadcast_in_dim3A_2544, %select_n3A_2329 : vector<16xi1>, vector<16xi32>
      %eq3A_2546 = vector.broadcast %reduce_min3A_2540 : i32 to vector<16xi32>
      %eq3A_2547 = arith.cmpi eq, %scan3A_159#15, %eq3A_2546 : vector<16xi32>
      %and3A_2548 = arith.andi %eq3A_2530, %eq3A_2547 : vector<16xi1>
      %jit3A_2549 = arith.constant 0x7F800000 : f32
      %broadcast_in_dim3A_2550 = vector.broadcast %jit3A_2549 : f32 to vector<16xf32>
      %select_n3A_2551 = arith.select %and3A_2548, %broadcast_in_dim3A_2550, %select_n3A_2335 : vector<16xi1>, vector<16xf32>
      %reduce_min3A_2552 = arith.constant true
      %reduce_min3A_2553 = vector.broadcast %reduce_min3A_2552 : i1 to vector<16xi1>
      %reduce_min3A_2554 = tpu.scan <min>, %select_n3A_2362 masked %reduce_min3A_2553 : vector<16xf32>, vector<16xi1> -> vector<16xf32>
      %reduce_min3A_2555 = vector.extract %reduce_min3A_2554[15] : f32 from vector<16xf32>
      %eq3A_2556 = vector.broadcast %reduce_min3A_2555 : f32 to vector<16xf32>
      %eq3A_2557 = arith.cmpf oeq, %select_n3A_2362, %eq3A_2556 : vector<16xf32>
      %broadcast_in_dim3A_2558 = vector.broadcast %scan3A : i32 to vector<16xi32>
      %select_n3A_2559 = arith.select %eq3A_2557, %scan3A_159#1, %broadcast_in_dim3A_2558 : vector<16xi1>, vector<16xi32>
      %reduce_min3A_2560 = arith.constant true
      %reduce_min3A_2561 = vector.broadcast %reduce_min3A_2560 : i1 to vector<16xi1>
      %reduce_min3A_2562 = arith.constant -2147483648 : i32
      %reduce_min3A_2563 = vector.broadcast %reduce_min3A_2562 : i32 to vector<16xi32>
      %reduce_min3A_2564 = arith.xori %select_n3A_2559, %reduce_min3A_2563 : vector<16xi32>
      %reduce_min3A_2565 = tpu.scan <min>, %reduce_min3A_2564 masked %reduce_min3A_2561 : vector<16xi32>, vector<16xi1> -> vector<16xi32>
      %reduce_min3A_2566 = arith.xori %reduce_min3A_2565, %reduce_min3A_2563 : vector<16xi32>
      %reduce_min3A_2567 = vector.extract %reduce_min3A_2566[15] : i32 from vector<16xi32>
      %eq3A_2568 = arith.constant 11 : i32
      %eq3A_2569 = vector.broadcast %eq3A_2568 : i32 to vector<16xi32>
      %eq3A_2570 = arith.cmpi eq, %iota3A, %eq3A_2569 : vector<16xi32>
      %broadcast_in_dim3A_2571 = vector.broadcast %reduce_min3A_2567 : i32 to vector<16xi32>
      %select_n3A_2572 = arith.select %eq3A_2570, %broadcast_in_dim3A_2571, %select_n3A_2356 : vector<16xi1>, vector<16xi32>
      %eq3A_2573 = vector.broadcast %reduce_min3A_2567 : i32 to vector<16xi32>
      %eq3A_2574 = arith.cmpi eq, %scan3A_159#1, %eq3A_2573 : vector<16xi32>
      %and3A_2575 = arith.andi %eq3A_2557, %eq3A_2574 : vector<16xi1>
      %jit3A_2576 = arith.constant 0x7F800000 : f32
      %broadcast_in_dim3A_2577 = vector.broadcast %jit3A_2576 : f32 to vector<16xf32>
      %select_n3A_2578 = arith.select %and3A_2575, %broadcast_in_dim3A_2577, %select_n3A_2362 : vector<16xi1>, vector<16xf32>
      %reduce_min3A_2579 = arith.constant true
      %reduce_min3A_2580 = vector.broadcast %reduce_min3A_2579 : i1 to vector<16xi1>
      %reduce_min3A_2581 = tpu.scan <min>, %select_n3A_2389 masked %reduce_min3A_2580 : vector<16xf32>, vector<16xi1> -> vector<16xf32>
      %reduce_min3A_2582 = vector.extract %reduce_min3A_2581[15] : f32 from vector<16xf32>
      %eq3A_2583 = vector.broadcast %reduce_min3A_2582 : f32 to vector<16xf32>
      %eq3A_2584 = arith.cmpf oeq, %select_n3A_2389, %eq3A_2583 : vector<16xf32>
      %broadcast_in_dim3A_2585 = vector.broadcast %scan3A : i32 to vector<16xi32>
      %select_n3A_2586 = arith.select %eq3A_2584, %scan3A_159#3, %broadcast_in_dim3A_2585 : vector<16xi1>, vector<16xi32>
      %reduce_min3A_2587 = arith.constant true
      %reduce_min3A_2588 = vector.broadcast %reduce_min3A_2587 : i1 to vector<16xi1>
      %reduce_min3A_2589 = arith.constant -2147483648 : i32
      %reduce_min3A_2590 = vector.broadcast %reduce_min3A_2589 : i32 to vector<16xi32>
      %reduce_min3A_2591 = arith.xori %select_n3A_2586, %reduce_min3A_2590 : vector<16xi32>
      %reduce_min3A_2592 = tpu.scan <min>, %reduce_min3A_2591 masked %reduce_min3A_2588 : vector<16xi32>, vector<16xi1> -> vector<16xi32>
      %reduce_min3A_2593 = arith.xori %reduce_min3A_2592, %reduce_min3A_2590 : vector<16xi32>
      %reduce_min3A_2594 = vector.extract %reduce_min3A_2593[15] : i32 from vector<16xi32>
      %eq3A_2595 = arith.constant 11 : i32
      %eq3A_2596 = vector.broadcast %eq3A_2595 : i32 to vector<16xi32>
      %eq3A_2597 = arith.cmpi eq, %iota3A, %eq3A_2596 : vector<16xi32>
      %broadcast_in_dim3A_2598 = vector.broadcast %reduce_min3A_2594 : i32 to vector<16xi32>
      %select_n3A_2599 = arith.select %eq3A_2597, %broadcast_in_dim3A_2598, %select_n3A_2383 : vector<16xi1>, vector<16xi32>
      %eq3A_2600 = vector.broadcast %reduce_min3A_2594 : i32 to vector<16xi32>
      %eq3A_2601 = arith.cmpi eq, %scan3A_159#3, %eq3A_2600 : vector<16xi32>
      %and3A_2602 = arith.andi %eq3A_2584, %eq3A_2601 : vector<16xi1>
      %jit3A_2603 = arith.constant 0x7F800000 : f32
      %broadcast_in_dim3A_2604 = vector.broadcast %jit3A_2603 : f32 to vector<16xf32>
      %select_n3A_2605 = arith.select %and3A_2602, %broadcast_in_dim3A_2604, %select_n3A_2389 : vector<16xi1>, vector<16xf32>
      %reduce_min3A_2606 = arith.constant true
      %reduce_min3A_2607 = vector.broadcast %reduce_min3A_2606 : i1 to vector<16xi1>
      %reduce_min3A_2608 = tpu.scan <min>, %select_n3A_2416 masked %reduce_min3A_2607 : vector<16xf32>, vector<16xi1> -> vector<16xf32>
      %reduce_min3A_2609 = vector.extract %reduce_min3A_2608[15] : f32 from vector<16xf32>
      %eq3A_2610 = vector.broadcast %reduce_min3A_2609 : f32 to vector<16xf32>
      %eq3A_2611 = arith.cmpf oeq, %select_n3A_2416, %eq3A_2610 : vector<16xf32>
      %broadcast_in_dim3A_2612 = vector.broadcast %scan3A : i32 to vector<16xi32>
      %select_n3A_2613 = arith.select %eq3A_2611, %scan3A_159#5, %broadcast_in_dim3A_2612 : vector<16xi1>, vector<16xi32>
      %reduce_min3A_2614 = arith.constant true
      %reduce_min3A_2615 = vector.broadcast %reduce_min3A_2614 : i1 to vector<16xi1>
      %reduce_min3A_2616 = arith.constant -2147483648 : i32
      %reduce_min3A_2617 = vector.broadcast %reduce_min3A_2616 : i32 to vector<16xi32>
      %reduce_min3A_2618 = arith.xori %select_n3A_2613, %reduce_min3A_2617 : vector<16xi32>
      %reduce_min3A_2619 = tpu.scan <min>, %reduce_min3A_2618 masked %reduce_min3A_2615 : vector<16xi32>, vector<16xi1> -> vector<16xi32>
      %reduce_min3A_2620 = arith.xori %reduce_min3A_2619, %reduce_min3A_2617 : vector<16xi32>
      %reduce_min3A_2621 = vector.extract %reduce_min3A_2620[15] : i32 from vector<16xi32>
      %eq3A_2622 = arith.constant 11 : i32
      %eq3A_2623 = vector.broadcast %eq3A_2622 : i32 to vector<16xi32>
      %eq3A_2624 = arith.cmpi eq, %iota3A, %eq3A_2623 : vector<16xi32>
      %broadcast_in_dim3A_2625 = vector.broadcast %reduce_min3A_2621 : i32 to vector<16xi32>
      %select_n3A_2626 = arith.select %eq3A_2624, %broadcast_in_dim3A_2625, %select_n3A_2410 : vector<16xi1>, vector<16xi32>
      %eq3A_2627 = vector.broadcast %reduce_min3A_2621 : i32 to vector<16xi32>
      %eq3A_2628 = arith.cmpi eq, %scan3A_159#5, %eq3A_2627 : vector<16xi32>
      %and3A_2629 = arith.andi %eq3A_2611, %eq3A_2628 : vector<16xi1>
      %jit3A_2630 = arith.constant 0x7F800000 : f32
      %broadcast_in_dim3A_2631 = vector.broadcast %jit3A_2630 : f32 to vector<16xf32>
      %select_n3A_2632 = arith.select %and3A_2629, %broadcast_in_dim3A_2631, %select_n3A_2416 : vector<16xi1>, vector<16xf32>
      %reduce_min3A_2633 = arith.constant true
      %reduce_min3A_2634 = vector.broadcast %reduce_min3A_2633 : i1 to vector<16xi1>
      %reduce_min3A_2635 = tpu.scan <min>, %select_n3A_2443 masked %reduce_min3A_2634 : vector<16xf32>, vector<16xi1> -> vector<16xf32>
      %reduce_min3A_2636 = vector.extract %reduce_min3A_2635[15] : f32 from vector<16xf32>
      %eq3A_2637 = vector.broadcast %reduce_min3A_2636 : f32 to vector<16xf32>
      %eq3A_2638 = arith.cmpf oeq, %select_n3A_2443, %eq3A_2637 : vector<16xf32>
      %broadcast_in_dim3A_2639 = vector.broadcast %scan3A : i32 to vector<16xi32>
      %select_n3A_2640 = arith.select %eq3A_2638, %scan3A_159#7, %broadcast_in_dim3A_2639 : vector<16xi1>, vector<16xi32>
      %reduce_min3A_2641 = arith.constant true
      %reduce_min3A_2642 = vector.broadcast %reduce_min3A_2641 : i1 to vector<16xi1>
      %reduce_min3A_2643 = arith.constant -2147483648 : i32
      %reduce_min3A_2644 = vector.broadcast %reduce_min3A_2643 : i32 to vector<16xi32>
      %reduce_min3A_2645 = arith.xori %select_n3A_2640, %reduce_min3A_2644 : vector<16xi32>
      %reduce_min3A_2646 = tpu.scan <min>, %reduce_min3A_2645 masked %reduce_min3A_2642 : vector<16xi32>, vector<16xi1> -> vector<16xi32>
      %reduce_min3A_2647 = arith.xori %reduce_min3A_2646, %reduce_min3A_2644 : vector<16xi32>
      %reduce_min3A_2648 = vector.extract %reduce_min3A_2647[15] : i32 from vector<16xi32>
      %eq3A_2649 = arith.constant 11 : i32
      %eq3A_2650 = vector.broadcast %eq3A_2649 : i32 to vector<16xi32>
      %eq3A_2651 = arith.cmpi eq, %iota3A, %eq3A_2650 : vector<16xi32>
      %broadcast_in_dim3A_2652 = vector.broadcast %reduce_min3A_2648 : i32 to vector<16xi32>
      %select_n3A_2653 = arith.select %eq3A_2651, %broadcast_in_dim3A_2652, %select_n3A_2437 : vector<16xi1>, vector<16xi32>
      %eq3A_2654 = vector.broadcast %reduce_min3A_2648 : i32 to vector<16xi32>
      %eq3A_2655 = arith.cmpi eq, %scan3A_159#7, %eq3A_2654 : vector<16xi32>
      %and3A_2656 = arith.andi %eq3A_2638, %eq3A_2655 : vector<16xi1>
      %jit3A_2657 = arith.constant 0x7F800000 : f32
      %broadcast_in_dim3A_2658 = vector.broadcast %jit3A_2657 : f32 to vector<16xf32>
      %select_n3A_2659 = arith.select %and3A_2656, %broadcast_in_dim3A_2658, %select_n3A_2443 : vector<16xi1>, vector<16xf32>
      %reduce_min3A_2660 = arith.constant true
      %reduce_min3A_2661 = vector.broadcast %reduce_min3A_2660 : i1 to vector<16xi1>
      %reduce_min3A_2662 = tpu.scan <min>, %select_n3A_2470 masked %reduce_min3A_2661 : vector<16xf32>, vector<16xi1> -> vector<16xf32>
      %reduce_min3A_2663 = vector.extract %reduce_min3A_2662[15] : f32 from vector<16xf32>
      %eq3A_2664 = vector.broadcast %reduce_min3A_2663 : f32 to vector<16xf32>
      %eq3A_2665 = arith.cmpf oeq, %select_n3A_2470, %eq3A_2664 : vector<16xf32>
      %broadcast_in_dim3A_2666 = vector.broadcast %scan3A : i32 to vector<16xi32>
      %select_n3A_2667 = arith.select %eq3A_2665, %scan3A_159#9, %broadcast_in_dim3A_2666 : vector<16xi1>, vector<16xi32>
      %reduce_min3A_2668 = arith.constant true
      %reduce_min3A_2669 = vector.broadcast %reduce_min3A_2668 : i1 to vector<16xi1>
      %reduce_min3A_2670 = arith.constant -2147483648 : i32
      %reduce_min3A_2671 = vector.broadcast %reduce_min3A_2670 : i32 to vector<16xi32>
      %reduce_min3A_2672 = arith.xori %select_n3A_2667, %reduce_min3A_2671 : vector<16xi32>
      %reduce_min3A_2673 = tpu.scan <min>, %reduce_min3A_2672 masked %reduce_min3A_2669 : vector<16xi32>, vector<16xi1> -> vector<16xi32>
      %reduce_min3A_2674 = arith.xori %reduce_min3A_2673, %reduce_min3A_2671 : vector<16xi32>
      %reduce_min3A_2675 = vector.extract %reduce_min3A_2674[15] : i32 from vector<16xi32>
      %eq3A_2676 = arith.constant 11 : i32
      %eq3A_2677 = vector.broadcast %eq3A_2676 : i32 to vector<16xi32>
      %eq3A_2678 = arith.cmpi eq, %iota3A, %eq3A_2677 : vector<16xi32>
      %broadcast_in_dim3A_2679 = vector.broadcast %reduce_min3A_2675 : i32 to vector<16xi32>
      %select_n3A_2680 = arith.select %eq3A_2678, %broadcast_in_dim3A_2679, %select_n3A_2464 : vector<16xi1>, vector<16xi32>
      %eq3A_2681 = vector.broadcast %reduce_min3A_2675 : i32 to vector<16xi32>
      %eq3A_2682 = arith.cmpi eq, %scan3A_159#9, %eq3A_2681 : vector<16xi32>
      %and3A_2683 = arith.andi %eq3A_2665, %eq3A_2682 : vector<16xi1>
      %jit3A_2684 = arith.constant 0x7F800000 : f32
      %broadcast_in_dim3A_2685 = vector.broadcast %jit3A_2684 : f32 to vector<16xf32>
      %select_n3A_2686 = arith.select %and3A_2683, %broadcast_in_dim3A_2685, %select_n3A_2470 : vector<16xi1>, vector<16xf32>
      %reduce_min3A_2687 = arith.constant true
      %reduce_min3A_2688 = vector.broadcast %reduce_min3A_2687 : i1 to vector<16xi1>
      %reduce_min3A_2689 = tpu.scan <min>, %select_n3A_2497 masked %reduce_min3A_2688 : vector<16xf32>, vector<16xi1> -> vector<16xf32>
      %reduce_min3A_2690 = vector.extract %reduce_min3A_2689[15] : f32 from vector<16xf32>
      %eq3A_2691 = vector.broadcast %reduce_min3A_2690 : f32 to vector<16xf32>
      %eq3A_2692 = arith.cmpf oeq, %select_n3A_2497, %eq3A_2691 : vector<16xf32>
      %broadcast_in_dim3A_2693 = vector.broadcast %scan3A : i32 to vector<16xi32>
      %select_n3A_2694 = arith.select %eq3A_2692, %scan3A_159#11, %broadcast_in_dim3A_2693 : vector<16xi1>, vector<16xi32>
      %reduce_min3A_2695 = arith.constant true
      %reduce_min3A_2696 = vector.broadcast %reduce_min3A_2695 : i1 to vector<16xi1>
      %reduce_min3A_2697 = arith.constant -2147483648 : i32
      %reduce_min3A_2698 = vector.broadcast %reduce_min3A_2697 : i32 to vector<16xi32>
      %reduce_min3A_2699 = arith.xori %select_n3A_2694, %reduce_min3A_2698 : vector<16xi32>
      %reduce_min3A_2700 = tpu.scan <min>, %reduce_min3A_2699 masked %reduce_min3A_2696 : vector<16xi32>, vector<16xi1> -> vector<16xi32>
      %reduce_min3A_2701 = arith.xori %reduce_min3A_2700, %reduce_min3A_2698 : vector<16xi32>
      %reduce_min3A_2702 = vector.extract %reduce_min3A_2701[15] : i32 from vector<16xi32>
      %eq3A_2703 = arith.constant 11 : i32
      %eq3A_2704 = vector.broadcast %eq3A_2703 : i32 to vector<16xi32>
      %eq3A_2705 = arith.cmpi eq, %iota3A, %eq3A_2704 : vector<16xi32>
      %broadcast_in_dim3A_2706 = vector.broadcast %reduce_min3A_2702 : i32 to vector<16xi32>
      %select_n3A_2707 = arith.select %eq3A_2705, %broadcast_in_dim3A_2706, %select_n3A_2491 : vector<16xi1>, vector<16xi32>
      %eq3A_2708 = vector.broadcast %reduce_min3A_2702 : i32 to vector<16xi32>
      %eq3A_2709 = arith.cmpi eq, %scan3A_159#11, %eq3A_2708 : vector<16xi32>
      %and3A_2710 = arith.andi %eq3A_2692, %eq3A_2709 : vector<16xi1>
      %jit3A_2711 = arith.constant 0x7F800000 : f32
      %broadcast_in_dim3A_2712 = vector.broadcast %jit3A_2711 : f32 to vector<16xf32>
      %select_n3A_2713 = arith.select %and3A_2710, %broadcast_in_dim3A_2712, %select_n3A_2497 : vector<16xi1>, vector<16xf32>
      %reduce_min3A_2714 = arith.constant true
      %reduce_min3A_2715 = vector.broadcast %reduce_min3A_2714 : i1 to vector<16xi1>
      %reduce_min3A_2716 = tpu.scan <min>, %select_n3A_2524 masked %reduce_min3A_2715 : vector<16xf32>, vector<16xi1> -> vector<16xf32>
      %reduce_min3A_2717 = vector.extract %reduce_min3A_2716[15] : f32 from vector<16xf32>
      %eq3A_2718 = vector.broadcast %reduce_min3A_2717 : f32 to vector<16xf32>
      %eq3A_2719 = arith.cmpf oeq, %select_n3A_2524, %eq3A_2718 : vector<16xf32>
      %broadcast_in_dim3A_2720 = vector.broadcast %scan3A : i32 to vector<16xi32>
      %select_n3A_2721 = arith.select %eq3A_2719, %scan3A_159#13, %broadcast_in_dim3A_2720 : vector<16xi1>, vector<16xi32>
      %reduce_min3A_2722 = arith.constant true
      %reduce_min3A_2723 = vector.broadcast %reduce_min3A_2722 : i1 to vector<16xi1>
      %reduce_min3A_2724 = arith.constant -2147483648 : i32
      %reduce_min3A_2725 = vector.broadcast %reduce_min3A_2724 : i32 to vector<16xi32>
      %reduce_min3A_2726 = arith.xori %select_n3A_2721, %reduce_min3A_2725 : vector<16xi32>
      %reduce_min3A_2727 = tpu.scan <min>, %reduce_min3A_2726 masked %reduce_min3A_2723 : vector<16xi32>, vector<16xi1> -> vector<16xi32>
      %reduce_min3A_2728 = arith.xori %reduce_min3A_2727, %reduce_min3A_2725 : vector<16xi32>
      %reduce_min3A_2729 = vector.extract %reduce_min3A_2728[15] : i32 from vector<16xi32>
      %eq3A_2730 = arith.constant 11 : i32
      %eq3A_2731 = vector.broadcast %eq3A_2730 : i32 to vector<16xi32>
      %eq3A_2732 = arith.cmpi eq, %iota3A, %eq3A_2731 : vector<16xi32>
      %broadcast_in_dim3A_2733 = vector.broadcast %reduce_min3A_2729 : i32 to vector<16xi32>
      %select_n3A_2734 = arith.select %eq3A_2732, %broadcast_in_dim3A_2733, %select_n3A_2518 : vector<16xi1>, vector<16xi32>
      %eq3A_2735 = vector.broadcast %reduce_min3A_2729 : i32 to vector<16xi32>
      %eq3A_2736 = arith.cmpi eq, %scan3A_159#13, %eq3A_2735 : vector<16xi32>
      %and3A_2737 = arith.andi %eq3A_2719, %eq3A_2736 : vector<16xi1>
      %jit3A_2738 = arith.constant 0x7F800000 : f32
      %broadcast_in_dim3A_2739 = vector.broadcast %jit3A_2738 : f32 to vector<16xf32>
      %select_n3A_2740 = arith.select %and3A_2737, %broadcast_in_dim3A_2739, %select_n3A_2524 : vector<16xi1>, vector<16xf32>
      %reduce_min3A_2741 = arith.constant true
      %reduce_min3A_2742 = vector.broadcast %reduce_min3A_2741 : i1 to vector<16xi1>
      %reduce_min3A_2743 = tpu.scan <min>, %select_n3A_2551 masked %reduce_min3A_2742 : vector<16xf32>, vector<16xi1> -> vector<16xf32>
      %reduce_min3A_2744 = vector.extract %reduce_min3A_2743[15] : f32 from vector<16xf32>
      %eq3A_2745 = vector.broadcast %reduce_min3A_2744 : f32 to vector<16xf32>
      %eq3A_2746 = arith.cmpf oeq, %select_n3A_2551, %eq3A_2745 : vector<16xf32>
      %broadcast_in_dim3A_2747 = vector.broadcast %scan3A : i32 to vector<16xi32>
      %select_n3A_2748 = arith.select %eq3A_2746, %scan3A_159#15, %broadcast_in_dim3A_2747 : vector<16xi1>, vector<16xi32>
      %reduce_min3A_2749 = arith.constant true
      %reduce_min3A_2750 = vector.broadcast %reduce_min3A_2749 : i1 to vector<16xi1>
      %reduce_min3A_2751 = arith.constant -2147483648 : i32
      %reduce_min3A_2752 = vector.broadcast %reduce_min3A_2751 : i32 to vector<16xi32>
      %reduce_min3A_2753 = arith.xori %select_n3A_2748, %reduce_min3A_2752 : vector<16xi32>
      %reduce_min3A_2754 = tpu.scan <min>, %reduce_min3A_2753 masked %reduce_min3A_2750 : vector<16xi32>, vector<16xi1> -> vector<16xi32>
      %reduce_min3A_2755 = arith.xori %reduce_min3A_2754, %reduce_min3A_2752 : vector<16xi32>
      %reduce_min3A_2756 = vector.extract %reduce_min3A_2755[15] : i32 from vector<16xi32>
      %eq3A_2757 = arith.constant 11 : i32
      %eq3A_2758 = vector.broadcast %eq3A_2757 : i32 to vector<16xi32>
      %eq3A_2759 = arith.cmpi eq, %iota3A, %eq3A_2758 : vector<16xi32>
      %broadcast_in_dim3A_2760 = vector.broadcast %reduce_min3A_2756 : i32 to vector<16xi32>
      %select_n3A_2761 = arith.select %eq3A_2759, %broadcast_in_dim3A_2760, %select_n3A_2545 : vector<16xi1>, vector<16xi32>
      %eq3A_2762 = vector.broadcast %reduce_min3A_2756 : i32 to vector<16xi32>
      %eq3A_2763 = arith.cmpi eq, %scan3A_159#15, %eq3A_2762 : vector<16xi32>
      %and3A_2764 = arith.andi %eq3A_2746, %eq3A_2763 : vector<16xi1>
      %jit3A_2765 = arith.constant 0x7F800000 : f32
      %broadcast_in_dim3A_2766 = vector.broadcast %jit3A_2765 : f32 to vector<16xf32>
      %select_n3A_2767 = arith.select %and3A_2764, %broadcast_in_dim3A_2766, %select_n3A_2551 : vector<16xi1>, vector<16xf32>
      %reduce_min3A_2768 = arith.constant true
      %reduce_min3A_2769 = vector.broadcast %reduce_min3A_2768 : i1 to vector<16xi1>
      %reduce_min3A_2770 = tpu.scan <min>, %select_n3A_2578 masked %reduce_min3A_2769 : vector<16xf32>, vector<16xi1> -> vector<16xf32>
      %reduce_min3A_2771 = vector.extract %reduce_min3A_2770[15] : f32 from vector<16xf32>
      %eq3A_2772 = vector.broadcast %reduce_min3A_2771 : f32 to vector<16xf32>
      %eq3A_2773 = arith.cmpf oeq, %select_n3A_2578, %eq3A_2772 : vector<16xf32>
      %broadcast_in_dim3A_2774 = vector.broadcast %scan3A : i32 to vector<16xi32>
      %select_n3A_2775 = arith.select %eq3A_2773, %scan3A_159#1, %broadcast_in_dim3A_2774 : vector<16xi1>, vector<16xi32>
      %reduce_min3A_2776 = arith.constant true
      %reduce_min3A_2777 = vector.broadcast %reduce_min3A_2776 : i1 to vector<16xi1>
      %reduce_min3A_2778 = arith.constant -2147483648 : i32
      %reduce_min3A_2779 = vector.broadcast %reduce_min3A_2778 : i32 to vector<16xi32>
      %reduce_min3A_2780 = arith.xori %select_n3A_2775, %reduce_min3A_2779 : vector<16xi32>
      %reduce_min3A_2781 = tpu.scan <min>, %reduce_min3A_2780 masked %reduce_min3A_2777 : vector<16xi32>, vector<16xi1> -> vector<16xi32>
      %reduce_min3A_2782 = arith.xori %reduce_min3A_2781, %reduce_min3A_2779 : vector<16xi32>
      %reduce_min3A_2783 = vector.extract %reduce_min3A_2782[15] : i32 from vector<16xi32>
      %eq3A_2784 = arith.constant 12 : i32
      %eq3A_2785 = vector.broadcast %eq3A_2784 : i32 to vector<16xi32>
      %eq3A_2786 = arith.cmpi eq, %iota3A, %eq3A_2785 : vector<16xi32>
      %broadcast_in_dim3A_2787 = vector.broadcast %reduce_min3A_2783 : i32 to vector<16xi32>
      %select_n3A_2788 = arith.select %eq3A_2786, %broadcast_in_dim3A_2787, %select_n3A_2572 : vector<16xi1>, vector<16xi32>
      %eq3A_2789 = vector.broadcast %reduce_min3A_2783 : i32 to vector<16xi32>
      %eq3A_2790 = arith.cmpi eq, %scan3A_159#1, %eq3A_2789 : vector<16xi32>
      %and3A_2791 = arith.andi %eq3A_2773, %eq3A_2790 : vector<16xi1>
      %jit3A_2792 = arith.constant 0x7F800000 : f32
      %broadcast_in_dim3A_2793 = vector.broadcast %jit3A_2792 : f32 to vector<16xf32>
      %select_n3A_2794 = arith.select %and3A_2791, %broadcast_in_dim3A_2793, %select_n3A_2578 : vector<16xi1>, vector<16xf32>
      %reduce_min3A_2795 = arith.constant true
      %reduce_min3A_2796 = vector.broadcast %reduce_min3A_2795 : i1 to vector<16xi1>
      %reduce_min3A_2797 = tpu.scan <min>, %select_n3A_2605 masked %reduce_min3A_2796 : vector<16xf32>, vector<16xi1> -> vector<16xf32>
      %reduce_min3A_2798 = vector.extract %reduce_min3A_2797[15] : f32 from vector<16xf32>
      %eq3A_2799 = vector.broadcast %reduce_min3A_2798 : f32 to vector<16xf32>
      %eq3A_2800 = arith.cmpf oeq, %select_n3A_2605, %eq3A_2799 : vector<16xf32>
      %broadcast_in_dim3A_2801 = vector.broadcast %scan3A : i32 to vector<16xi32>
      %select_n3A_2802 = arith.select %eq3A_2800, %scan3A_159#3, %broadcast_in_dim3A_2801 : vector<16xi1>, vector<16xi32>
      %reduce_min3A_2803 = arith.constant true
      %reduce_min3A_2804 = vector.broadcast %reduce_min3A_2803 : i1 to vector<16xi1>
      %reduce_min3A_2805 = arith.constant -2147483648 : i32
      %reduce_min3A_2806 = vector.broadcast %reduce_min3A_2805 : i32 to vector<16xi32>
      %reduce_min3A_2807 = arith.xori %select_n3A_2802, %reduce_min3A_2806 : vector<16xi32>
      %reduce_min3A_2808 = tpu.scan <min>, %reduce_min3A_2807 masked %reduce_min3A_2804 : vector<16xi32>, vector<16xi1> -> vector<16xi32>
      %reduce_min3A_2809 = arith.xori %reduce_min3A_2808, %reduce_min3A_2806 : vector<16xi32>
      %reduce_min3A_2810 = vector.extract %reduce_min3A_2809[15] : i32 from vector<16xi32>
      %eq3A_2811 = arith.constant 12 : i32
      %eq3A_2812 = vector.broadcast %eq3A_2811 : i32 to vector<16xi32>
      %eq3A_2813 = arith.cmpi eq, %iota3A, %eq3A_2812 : vector<16xi32>
      %broadcast_in_dim3A_2814 = vector.broadcast %reduce_min3A_2810 : i32 to vector<16xi32>
      %select_n3A_2815 = arith.select %eq3A_2813, %broadcast_in_dim3A_2814, %select_n3A_2599 : vector<16xi1>, vector<16xi32>
      %eq3A_2816 = vector.broadcast %reduce_min3A_2810 : i32 to vector<16xi32>
      %eq3A_2817 = arith.cmpi eq, %scan3A_159#3, %eq3A_2816 : vector<16xi32>
      %and3A_2818 = arith.andi %eq3A_2800, %eq3A_2817 : vector<16xi1>
      %jit3A_2819 = arith.constant 0x7F800000 : f32
      %broadcast_in_dim3A_2820 = vector.broadcast %jit3A_2819 : f32 to vector<16xf32>
      %select_n3A_2821 = arith.select %and3A_2818, %broadcast_in_dim3A_2820, %select_n3A_2605 : vector<16xi1>, vector<16xf32>
      %reduce_min3A_2822 = arith.constant true
      %reduce_min3A_2823 = vector.broadcast %reduce_min3A_2822 : i1 to vector<16xi1>
      %reduce_min3A_2824 = tpu.scan <min>, %select_n3A_2632 masked %reduce_min3A_2823 : vector<16xf32>, vector<16xi1> -> vector<16xf32>
      %reduce_min3A_2825 = vector.extract %reduce_min3A_2824[15] : f32 from vector<16xf32>
      %eq3A_2826 = vector.broadcast %reduce_min3A_2825 : f32 to vector<16xf32>
      %eq3A_2827 = arith.cmpf oeq, %select_n3A_2632, %eq3A_2826 : vector<16xf32>
      %broadcast_in_dim3A_2828 = vector.broadcast %scan3A : i32 to vector<16xi32>
      %select_n3A_2829 = arith.select %eq3A_2827, %scan3A_159#5, %broadcast_in_dim3A_2828 : vector<16xi1>, vector<16xi32>
      %reduce_min3A_2830 = arith.constant true
      %reduce_min3A_2831 = vector.broadcast %reduce_min3A_2830 : i1 to vector<16xi1>
      %reduce_min3A_2832 = arith.constant -2147483648 : i32
      %reduce_min3A_2833 = vector.broadcast %reduce_min3A_2832 : i32 to vector<16xi32>
      %reduce_min3A_2834 = arith.xori %select_n3A_2829, %reduce_min3A_2833 : vector<16xi32>
      %reduce_min3A_2835 = tpu.scan <min>, %reduce_min3A_2834 masked %reduce_min3A_2831 : vector<16xi32>, vector<16xi1> -> vector<16xi32>
      %reduce_min3A_2836 = arith.xori %reduce_min3A_2835, %reduce_min3A_2833 : vector<16xi32>
      %reduce_min3A_2837 = vector.extract %reduce_min3A_2836[15] : i32 from vector<16xi32>
      %eq3A_2838 = arith.constant 12 : i32
      %eq3A_2839 = vector.broadcast %eq3A_2838 : i32 to vector<16xi32>
      %eq3A_2840 = arith.cmpi eq, %iota3A, %eq3A_2839 : vector<16xi32>
      %broadcast_in_dim3A_2841 = vector.broadcast %reduce_min3A_2837 : i32 to vector<16xi32>
      %select_n3A_2842 = arith.select %eq3A_2840, %broadcast_in_dim3A_2841, %select_n3A_2626 : vector<16xi1>, vector<16xi32>
      %eq3A_2843 = vector.broadcast %reduce_min3A_2837 : i32 to vector<16xi32>
      %eq3A_2844 = arith.cmpi eq, %scan3A_159#5, %eq3A_2843 : vector<16xi32>
      %and3A_2845 = arith.andi %eq3A_2827, %eq3A_2844 : vector<16xi1>
      %jit3A_2846 = arith.constant 0x7F800000 : f32
      %broadcast_in_dim3A_2847 = vector.broadcast %jit3A_2846 : f32 to vector<16xf32>
      %select_n3A_2848 = arith.select %and3A_2845, %broadcast_in_dim3A_2847, %select_n3A_2632 : vector<16xi1>, vector<16xf32>
      %reduce_min3A_2849 = arith.constant true
      %reduce_min3A_2850 = vector.broadcast %reduce_min3A_2849 : i1 to vector<16xi1>
      %reduce_min3A_2851 = tpu.scan <min>, %select_n3A_2659 masked %reduce_min3A_2850 : vector<16xf32>, vector<16xi1> -> vector<16xf32>
      %reduce_min3A_2852 = vector.extract %reduce_min3A_2851[15] : f32 from vector<16xf32>
      %eq3A_2853 = vector.broadcast %reduce_min3A_2852 : f32 to vector<16xf32>
      %eq3A_2854 = arith.cmpf oeq, %select_n3A_2659, %eq3A_2853 : vector<16xf32>
      %broadcast_in_dim3A_2855 = vector.broadcast %scan3A : i32 to vector<16xi32>
      %select_n3A_2856 = arith.select %eq3A_2854, %scan3A_159#7, %broadcast_in_dim3A_2855 : vector<16xi1>, vector<16xi32>
      %reduce_min3A_2857 = arith.constant true
      %reduce_min3A_2858 = vector.broadcast %reduce_min3A_2857 : i1 to vector<16xi1>
      %reduce_min3A_2859 = arith.constant -2147483648 : i32
      %reduce_min3A_2860 = vector.broadcast %reduce_min3A_2859 : i32 to vector<16xi32>
      %reduce_min3A_2861 = arith.xori %select_n3A_2856, %reduce_min3A_2860 : vector<16xi32>
      %reduce_min3A_2862 = tpu.scan <min>, %reduce_min3A_2861 masked %reduce_min3A_2858 : vector<16xi32>, vector<16xi1> -> vector<16xi32>
      %reduce_min3A_2863 = arith.xori %reduce_min3A_2862, %reduce_min3A_2860 : vector<16xi32>
      %reduce_min3A_2864 = vector.extract %reduce_min3A_2863[15] : i32 from vector<16xi32>
      %eq3A_2865 = arith.constant 12 : i32
      %eq3A_2866 = vector.broadcast %eq3A_2865 : i32 to vector<16xi32>
      %eq3A_2867 = arith.cmpi eq, %iota3A, %eq3A_2866 : vector<16xi32>
      %broadcast_in_dim3A_2868 = vector.broadcast %reduce_min3A_2864 : i32 to vector<16xi32>
      %select_n3A_2869 = arith.select %eq3A_2867, %broadcast_in_dim3A_2868, %select_n3A_2653 : vector<16xi1>, vector<16xi32>
      %eq3A_2870 = vector.broadcast %reduce_min3A_2864 : i32 to vector<16xi32>
      %eq3A_2871 = arith.cmpi eq, %scan3A_159#7, %eq3A_2870 : vector<16xi32>
      %and3A_2872 = arith.andi %eq3A_2854, %eq3A_2871 : vector<16xi1>
      %jit3A_2873 = arith.constant 0x7F800000 : f32
      %broadcast_in_dim3A_2874 = vector.broadcast %jit3A_2873 : f32 to vector<16xf32>
      %select_n3A_2875 = arith.select %and3A_2872, %broadcast_in_dim3A_2874, %select_n3A_2659 : vector<16xi1>, vector<16xf32>
      %reduce_min3A_2876 = arith.constant true
      %reduce_min3A_2877 = vector.broadcast %reduce_min3A_2876 : i1 to vector<16xi1>
      %reduce_min3A_2878 = tpu.scan <min>, %select_n3A_2686 masked %reduce_min3A_2877 : vector<16xf32>, vector<16xi1> -> vector<16xf32>
      %reduce_min3A_2879 = vector.extract %reduce_min3A_2878[15] : f32 from vector<16xf32>
      %eq3A_2880 = vector.broadcast %reduce_min3A_2879 : f32 to vector<16xf32>
      %eq3A_2881 = arith.cmpf oeq, %select_n3A_2686, %eq3A_2880 : vector<16xf32>
      %broadcast_in_dim3A_2882 = vector.broadcast %scan3A : i32 to vector<16xi32>
      %select_n3A_2883 = arith.select %eq3A_2881, %scan3A_159#9, %broadcast_in_dim3A_2882 : vector<16xi1>, vector<16xi32>
      %reduce_min3A_2884 = arith.constant true
      %reduce_min3A_2885 = vector.broadcast %reduce_min3A_2884 : i1 to vector<16xi1>
      %reduce_min3A_2886 = arith.constant -2147483648 : i32
      %reduce_min3A_2887 = vector.broadcast %reduce_min3A_2886 : i32 to vector<16xi32>
      %reduce_min3A_2888 = arith.xori %select_n3A_2883, %reduce_min3A_2887 : vector<16xi32>
      %reduce_min3A_2889 = tpu.scan <min>, %reduce_min3A_2888 masked %reduce_min3A_2885 : vector<16xi32>, vector<16xi1> -> vector<16xi32>
      %reduce_min3A_2890 = arith.xori %reduce_min3A_2889, %reduce_min3A_2887 : vector<16xi32>
      %reduce_min3A_2891 = vector.extract %reduce_min3A_2890[15] : i32 from vector<16xi32>
      %eq3A_2892 = arith.constant 12 : i32
      %eq3A_2893 = vector.broadcast %eq3A_2892 : i32 to vector<16xi32>
      %eq3A_2894 = arith.cmpi eq, %iota3A, %eq3A_2893 : vector<16xi32>
      %broadcast_in_dim3A_2895 = vector.broadcast %reduce_min3A_2891 : i32 to vector<16xi32>
      %select_n3A_2896 = arith.select %eq3A_2894, %broadcast_in_dim3A_2895, %select_n3A_2680 : vector<16xi1>, vector<16xi32>
      %eq3A_2897 = vector.broadcast %reduce_min3A_2891 : i32 to vector<16xi32>
      %eq3A_2898 = arith.cmpi eq, %scan3A_159#9, %eq3A_2897 : vector<16xi32>
      %and3A_2899 = arith.andi %eq3A_2881, %eq3A_2898 : vector<16xi1>
      %jit3A_2900 = arith.constant 0x7F800000 : f32
      %broadcast_in_dim3A_2901 = vector.broadcast %jit3A_2900 : f32 to vector<16xf32>
      %select_n3A_2902 = arith.select %and3A_2899, %broadcast_in_dim3A_2901, %select_n3A_2686 : vector<16xi1>, vector<16xf32>
      %reduce_min3A_2903 = arith.constant true
      %reduce_min3A_2904 = vector.broadcast %reduce_min3A_2903 : i1 to vector<16xi1>
      %reduce_min3A_2905 = tpu.scan <min>, %select_n3A_2713 masked %reduce_min3A_2904 : vector<16xf32>, vector<16xi1> -> vector<16xf32>
      %reduce_min3A_2906 = vector.extract %reduce_min3A_2905[15] : f32 from vector<16xf32>
      %eq3A_2907 = vector.broadcast %reduce_min3A_2906 : f32 to vector<16xf32>
      %eq3A_2908 = arith.cmpf oeq, %select_n3A_2713, %eq3A_2907 : vector<16xf32>
      %broadcast_in_dim3A_2909 = vector.broadcast %scan3A : i32 to vector<16xi32>
      %select_n3A_2910 = arith.select %eq3A_2908, %scan3A_159#11, %broadcast_in_dim3A_2909 : vector<16xi1>, vector<16xi32>
      %reduce_min3A_2911 = arith.constant true
      %reduce_min3A_2912 = vector.broadcast %reduce_min3A_2911 : i1 to vector<16xi1>
      %reduce_min3A_2913 = arith.constant -2147483648 : i32
      %reduce_min3A_2914 = vector.broadcast %reduce_min3A_2913 : i32 to vector<16xi32>
      %reduce_min3A_2915 = arith.xori %select_n3A_2910, %reduce_min3A_2914 : vector<16xi32>
      %reduce_min3A_2916 = tpu.scan <min>, %reduce_min3A_2915 masked %reduce_min3A_2912 : vector<16xi32>, vector<16xi1> -> vector<16xi32>
      %reduce_min3A_2917 = arith.xori %reduce_min3A_2916, %reduce_min3A_2914 : vector<16xi32>
      %reduce_min3A_2918 = vector.extract %reduce_min3A_2917[15] : i32 from vector<16xi32>
      %eq3A_2919 = arith.constant 12 : i32
      %eq3A_2920 = vector.broadcast %eq3A_2919 : i32 to vector<16xi32>
      %eq3A_2921 = arith.cmpi eq, %iota3A, %eq3A_2920 : vector<16xi32>
      %broadcast_in_dim3A_2922 = vector.broadcast %reduce_min3A_2918 : i32 to vector<16xi32>
      %select_n3A_2923 = arith.select %eq3A_2921, %broadcast_in_dim3A_2922, %select_n3A_2707 : vector<16xi1>, vector<16xi32>
      %eq3A_2924 = vector.broadcast %reduce_min3A_2918 : i32 to vector<16xi32>
      %eq3A_2925 = arith.cmpi eq, %scan3A_159#11, %eq3A_2924 : vector<16xi32>
      %and3A_2926 = arith.andi %eq3A_2908, %eq3A_2925 : vector<16xi1>
      %jit3A_2927 = arith.constant 0x7F800000 : f32
      %broadcast_in_dim3A_2928 = vector.broadcast %jit3A_2927 : f32 to vector<16xf32>
      %select_n3A_2929 = arith.select %and3A_2926, %broadcast_in_dim3A_2928, %select_n3A_2713 : vector<16xi1>, vector<16xf32>
      %reduce_min3A_2930 = arith.constant true
      %reduce_min3A_2931 = vector.broadcast %reduce_min3A_2930 : i1 to vector<16xi1>
      %reduce_min3A_2932 = tpu.scan <min>, %select_n3A_2740 masked %reduce_min3A_2931 : vector<16xf32>, vector<16xi1> -> vector<16xf32>
      %reduce_min3A_2933 = vector.extract %reduce_min3A_2932[15] : f32 from vector<16xf32>
      %eq3A_2934 = vector.broadcast %reduce_min3A_2933 : f32 to vector<16xf32>
      %eq3A_2935 = arith.cmpf oeq, %select_n3A_2740, %eq3A_2934 : vector<16xf32>
      %broadcast_in_dim3A_2936 = vector.broadcast %scan3A : i32 to vector<16xi32>
      %select_n3A_2937 = arith.select %eq3A_2935, %scan3A_159#13, %broadcast_in_dim3A_2936 : vector<16xi1>, vector<16xi32>
      %reduce_min3A_2938 = arith.constant true
      %reduce_min3A_2939 = vector.broadcast %reduce_min3A_2938 : i1 to vector<16xi1>
      %reduce_min3A_2940 = arith.constant -2147483648 : i32
      %reduce_min3A_2941 = vector.broadcast %reduce_min3A_2940 : i32 to vector<16xi32>
      %reduce_min3A_2942 = arith.xori %select_n3A_2937, %reduce_min3A_2941 : vector<16xi32>
      %reduce_min3A_2943 = tpu.scan <min>, %reduce_min3A_2942 masked %reduce_min3A_2939 : vector<16xi32>, vector<16xi1> -> vector<16xi32>
      %reduce_min3A_2944 = arith.xori %reduce_min3A_2943, %reduce_min3A_2941 : vector<16xi32>
      %reduce_min3A_2945 = vector.extract %reduce_min3A_2944[15] : i32 from vector<16xi32>
      %eq3A_2946 = arith.constant 12 : i32
      %eq3A_2947 = vector.broadcast %eq3A_2946 : i32 to vector<16xi32>
      %eq3A_2948 = arith.cmpi eq, %iota3A, %eq3A_2947 : vector<16xi32>
      %broadcast_in_dim3A_2949 = vector.broadcast %reduce_min3A_2945 : i32 to vector<16xi32>
      %select_n3A_2950 = arith.select %eq3A_2948, %broadcast_in_dim3A_2949, %select_n3A_2734 : vector<16xi1>, vector<16xi32>
      %eq3A_2951 = vector.broadcast %reduce_min3A_2945 : i32 to vector<16xi32>
      %eq3A_2952 = arith.cmpi eq, %scan3A_159#13, %eq3A_2951 : vector<16xi32>
      %and3A_2953 = arith.andi %eq3A_2935, %eq3A_2952 : vector<16xi1>
      %jit3A_2954 = arith.constant 0x7F800000 : f32
      %broadcast_in_dim3A_2955 = vector.broadcast %jit3A_2954 : f32 to vector<16xf32>
      %select_n3A_2956 = arith.select %and3A_2953, %broadcast_in_dim3A_2955, %select_n3A_2740 : vector<16xi1>, vector<16xf32>
      %reduce_min3A_2957 = arith.constant true
      %reduce_min3A_2958 = vector.broadcast %reduce_min3A_2957 : i1 to vector<16xi1>
      %reduce_min3A_2959 = tpu.scan <min>, %select_n3A_2767 masked %reduce_min3A_2958 : vector<16xf32>, vector<16xi1> -> vector<16xf32>
      %reduce_min3A_2960 = vector.extract %reduce_min3A_2959[15] : f32 from vector<16xf32>
      %eq3A_2961 = vector.broadcast %reduce_min3A_2960 : f32 to vector<16xf32>
      %eq3A_2962 = arith.cmpf oeq, %select_n3A_2767, %eq3A_2961 : vector<16xf32>
      %broadcast_in_dim3A_2963 = vector.broadcast %scan3A : i32 to vector<16xi32>
      %select_n3A_2964 = arith.select %eq3A_2962, %scan3A_159#15, %broadcast_in_dim3A_2963 : vector<16xi1>, vector<16xi32>
      %reduce_min3A_2965 = arith.constant true
      %reduce_min3A_2966 = vector.broadcast %reduce_min3A_2965 : i1 to vector<16xi1>
      %reduce_min3A_2967 = arith.constant -2147483648 : i32
      %reduce_min3A_2968 = vector.broadcast %reduce_min3A_2967 : i32 to vector<16xi32>
      %reduce_min3A_2969 = arith.xori %select_n3A_2964, %reduce_min3A_2968 : vector<16xi32>
      %reduce_min3A_2970 = tpu.scan <min>, %reduce_min3A_2969 masked %reduce_min3A_2966 : vector<16xi32>, vector<16xi1> -> vector<16xi32>
      %reduce_min3A_2971 = arith.xori %reduce_min3A_2970, %reduce_min3A_2968 : vector<16xi32>
      %reduce_min3A_2972 = vector.extract %reduce_min3A_2971[15] : i32 from vector<16xi32>
      %eq3A_2973 = arith.constant 12 : i32
      %eq3A_2974 = vector.broadcast %eq3A_2973 : i32 to vector<16xi32>
      %eq3A_2975 = arith.cmpi eq, %iota3A, %eq3A_2974 : vector<16xi32>
      %broadcast_in_dim3A_2976 = vector.broadcast %reduce_min3A_2972 : i32 to vector<16xi32>
      %select_n3A_2977 = arith.select %eq3A_2975, %broadcast_in_dim3A_2976, %select_n3A_2761 : vector<16xi1>, vector<16xi32>
      %eq3A_2978 = vector.broadcast %reduce_min3A_2972 : i32 to vector<16xi32>
      %eq3A_2979 = arith.cmpi eq, %scan3A_159#15, %eq3A_2978 : vector<16xi32>
      %and3A_2980 = arith.andi %eq3A_2962, %eq3A_2979 : vector<16xi1>
      %jit3A_2981 = arith.constant 0x7F800000 : f32
      %broadcast_in_dim3A_2982 = vector.broadcast %jit3A_2981 : f32 to vector<16xf32>
      %select_n3A_2983 = arith.select %and3A_2980, %broadcast_in_dim3A_2982, %select_n3A_2767 : vector<16xi1>, vector<16xf32>
      %reduce_min3A_2984 = arith.constant true
      %reduce_min3A_2985 = vector.broadcast %reduce_min3A_2984 : i1 to vector<16xi1>
      %reduce_min3A_2986 = tpu.scan <min>, %select_n3A_2794 masked %reduce_min3A_2985 : vector<16xf32>, vector<16xi1> -> vector<16xf32>
      %reduce_min3A_2987 = vector.extract %reduce_min3A_2986[15] : f32 from vector<16xf32>
      %eq3A_2988 = vector.broadcast %reduce_min3A_2987 : f32 to vector<16xf32>
      %eq3A_2989 = arith.cmpf oeq, %select_n3A_2794, %eq3A_2988 : vector<16xf32>
      %broadcast_in_dim3A_2990 = vector.broadcast %scan3A : i32 to vector<16xi32>
      %select_n3A_2991 = arith.select %eq3A_2989, %scan3A_159#1, %broadcast_in_dim3A_2990 : vector<16xi1>, vector<16xi32>
      %reduce_min3A_2992 = arith.constant true
      %reduce_min3A_2993 = vector.broadcast %reduce_min3A_2992 : i1 to vector<16xi1>
      %reduce_min3A_2994 = arith.constant -2147483648 : i32
      %reduce_min3A_2995 = vector.broadcast %reduce_min3A_2994 : i32 to vector<16xi32>
      %reduce_min3A_2996 = arith.xori %select_n3A_2991, %reduce_min3A_2995 : vector<16xi32>
      %reduce_min3A_2997 = tpu.scan <min>, %reduce_min3A_2996 masked %reduce_min3A_2993 : vector<16xi32>, vector<16xi1> -> vector<16xi32>
      %reduce_min3A_2998 = arith.xori %reduce_min3A_2997, %reduce_min3A_2995 : vector<16xi32>
      %reduce_min3A_2999 = vector.extract %reduce_min3A_2998[15] : i32 from vector<16xi32>
      %eq3A_3000 = arith.constant 13 : i32
      %eq3A_3001 = vector.broadcast %eq3A_3000 : i32 to vector<16xi32>
      %eq3A_3002 = arith.cmpi eq, %iota3A, %eq3A_3001 : vector<16xi32>
      %broadcast_in_dim3A_3003 = vector.broadcast %reduce_min3A_2999 : i32 to vector<16xi32>
      %select_n3A_3004 = arith.select %eq3A_3002, %broadcast_in_dim3A_3003, %select_n3A_2788 : vector<16xi1>, vector<16xi32>
      %eq3A_3005 = vector.broadcast %reduce_min3A_2999 : i32 to vector<16xi32>
      %eq3A_3006 = arith.cmpi eq, %scan3A_159#1, %eq3A_3005 : vector<16xi32>
      %and3A_3007 = arith.andi %eq3A_2989, %eq3A_3006 : vector<16xi1>
      %jit3A_3008 = arith.constant 0x7F800000 : f32
      %broadcast_in_dim3A_3009 = vector.broadcast %jit3A_3008 : f32 to vector<16xf32>
      %select_n3A_3010 = arith.select %and3A_3007, %broadcast_in_dim3A_3009, %select_n3A_2794 : vector<16xi1>, vector<16xf32>
      %reduce_min3A_3011 = arith.constant true
      %reduce_min3A_3012 = vector.broadcast %reduce_min3A_3011 : i1 to vector<16xi1>
      %reduce_min3A_3013 = tpu.scan <min>, %select_n3A_2821 masked %reduce_min3A_3012 : vector<16xf32>, vector<16xi1> -> vector<16xf32>
      %reduce_min3A_3014 = vector.extract %reduce_min3A_3013[15] : f32 from vector<16xf32>
      %eq3A_3015 = vector.broadcast %reduce_min3A_3014 : f32 to vector<16xf32>
      %eq3A_3016 = arith.cmpf oeq, %select_n3A_2821, %eq3A_3015 : vector<16xf32>
      %broadcast_in_dim3A_3017 = vector.broadcast %scan3A : i32 to vector<16xi32>
      %select_n3A_3018 = arith.select %eq3A_3016, %scan3A_159#3, %broadcast_in_dim3A_3017 : vector<16xi1>, vector<16xi32>
      %reduce_min3A_3019 = arith.constant true
      %reduce_min3A_3020 = vector.broadcast %reduce_min3A_3019 : i1 to vector<16xi1>
      %reduce_min3A_3021 = arith.constant -2147483648 : i32
      %reduce_min3A_3022 = vector.broadcast %reduce_min3A_3021 : i32 to vector<16xi32>
      %reduce_min3A_3023 = arith.xori %select_n3A_3018, %reduce_min3A_3022 : vector<16xi32>
      %reduce_min3A_3024 = tpu.scan <min>, %reduce_min3A_3023 masked %reduce_min3A_3020 : vector<16xi32>, vector<16xi1> -> vector<16xi32>
      %reduce_min3A_3025 = arith.xori %reduce_min3A_3024, %reduce_min3A_3022 : vector<16xi32>
      %reduce_min3A_3026 = vector.extract %reduce_min3A_3025[15] : i32 from vector<16xi32>
      %eq3A_3027 = arith.constant 13 : i32
      %eq3A_3028 = vector.broadcast %eq3A_3027 : i32 to vector<16xi32>
      %eq3A_3029 = arith.cmpi eq, %iota3A, %eq3A_3028 : vector<16xi32>
      %broadcast_in_dim3A_3030 = vector.broadcast %reduce_min3A_3026 : i32 to vector<16xi32>
      %select_n3A_3031 = arith.select %eq3A_3029, %broadcast_in_dim3A_3030, %select_n3A_2815 : vector<16xi1>, vector<16xi32>
      %eq3A_3032 = vector.broadcast %reduce_min3A_3026 : i32 to vector<16xi32>
      %eq3A_3033 = arith.cmpi eq, %scan3A_159#3, %eq3A_3032 : vector<16xi32>
      %and3A_3034 = arith.andi %eq3A_3016, %eq3A_3033 : vector<16xi1>
      %jit3A_3035 = arith.constant 0x7F800000 : f32
      %broadcast_in_dim3A_3036 = vector.broadcast %jit3A_3035 : f32 to vector<16xf32>
      %select_n3A_3037 = arith.select %and3A_3034, %broadcast_in_dim3A_3036, %select_n3A_2821 : vector<16xi1>, vector<16xf32>
      %reduce_min3A_3038 = arith.constant true
      %reduce_min3A_3039 = vector.broadcast %reduce_min3A_3038 : i1 to vector<16xi1>
      %reduce_min3A_3040 = tpu.scan <min>, %select_n3A_2848 masked %reduce_min3A_3039 : vector<16xf32>, vector<16xi1> -> vector<16xf32>
      %reduce_min3A_3041 = vector.extract %reduce_min3A_3040[15] : f32 from vector<16xf32>
      %eq3A_3042 = vector.broadcast %reduce_min3A_3041 : f32 to vector<16xf32>
      %eq3A_3043 = arith.cmpf oeq, %select_n3A_2848, %eq3A_3042 : vector<16xf32>
      %broadcast_in_dim3A_3044 = vector.broadcast %scan3A : i32 to vector<16xi32>
      %select_n3A_3045 = arith.select %eq3A_3043, %scan3A_159#5, %broadcast_in_dim3A_3044 : vector<16xi1>, vector<16xi32>
      %reduce_min3A_3046 = arith.constant true
      %reduce_min3A_3047 = vector.broadcast %reduce_min3A_3046 : i1 to vector<16xi1>
      %reduce_min3A_3048 = arith.constant -2147483648 : i32
      %reduce_min3A_3049 = vector.broadcast %reduce_min3A_3048 : i32 to vector<16xi32>
      %reduce_min3A_3050 = arith.xori %select_n3A_3045, %reduce_min3A_3049 : vector<16xi32>
      %reduce_min3A_3051 = tpu.scan <min>, %reduce_min3A_3050 masked %reduce_min3A_3047 : vector<16xi32>, vector<16xi1> -> vector<16xi32>
      %reduce_min3A_3052 = arith.xori %reduce_min3A_3051, %reduce_min3A_3049 : vector<16xi32>
      %reduce_min3A_3053 = vector.extract %reduce_min3A_3052[15] : i32 from vector<16xi32>
      %eq3A_3054 = arith.constant 13 : i32
      %eq3A_3055 = vector.broadcast %eq3A_3054 : i32 to vector<16xi32>
      %eq3A_3056 = arith.cmpi eq, %iota3A, %eq3A_3055 : vector<16xi32>
      %broadcast_in_dim3A_3057 = vector.broadcast %reduce_min3A_3053 : i32 to vector<16xi32>
      %select_n3A_3058 = arith.select %eq3A_3056, %broadcast_in_dim3A_3057, %select_n3A_2842 : vector<16xi1>, vector<16xi32>
      %eq3A_3059 = vector.broadcast %reduce_min3A_3053 : i32 to vector<16xi32>
      %eq3A_3060 = arith.cmpi eq, %scan3A_159#5, %eq3A_3059 : vector<16xi32>
      %and3A_3061 = arith.andi %eq3A_3043, %eq3A_3060 : vector<16xi1>
      %jit3A_3062 = arith.constant 0x7F800000 : f32
      %broadcast_in_dim3A_3063 = vector.broadcast %jit3A_3062 : f32 to vector<16xf32>
      %select_n3A_3064 = arith.select %and3A_3061, %broadcast_in_dim3A_3063, %select_n3A_2848 : vector<16xi1>, vector<16xf32>
      %reduce_min3A_3065 = arith.constant true
      %reduce_min3A_3066 = vector.broadcast %reduce_min3A_3065 : i1 to vector<16xi1>
      %reduce_min3A_3067 = tpu.scan <min>, %select_n3A_2875 masked %reduce_min3A_3066 : vector<16xf32>, vector<16xi1> -> vector<16xf32>
      %reduce_min3A_3068 = vector.extract %reduce_min3A_3067[15] : f32 from vector<16xf32>
      %eq3A_3069 = vector.broadcast %reduce_min3A_3068 : f32 to vector<16xf32>
      %eq3A_3070 = arith.cmpf oeq, %select_n3A_2875, %eq3A_3069 : vector<16xf32>
      %broadcast_in_dim3A_3071 = vector.broadcast %scan3A : i32 to vector<16xi32>
      %select_n3A_3072 = arith.select %eq3A_3070, %scan3A_159#7, %broadcast_in_dim3A_3071 : vector<16xi1>, vector<16xi32>
      %reduce_min3A_3073 = arith.constant true
      %reduce_min3A_3074 = vector.broadcast %reduce_min3A_3073 : i1 to vector<16xi1>
      %reduce_min3A_3075 = arith.constant -2147483648 : i32
      %reduce_min3A_3076 = vector.broadcast %reduce_min3A_3075 : i32 to vector<16xi32>
      %reduce_min3A_3077 = arith.xori %select_n3A_3072, %reduce_min3A_3076 : vector<16xi32>
      %reduce_min3A_3078 = tpu.scan <min>, %reduce_min3A_3077 masked %reduce_min3A_3074 : vector<16xi32>, vector<16xi1> -> vector<16xi32>
      %reduce_min3A_3079 = arith.xori %reduce_min3A_3078, %reduce_min3A_3076 : vector<16xi32>
      %reduce_min3A_3080 = vector.extract %reduce_min3A_3079[15] : i32 from vector<16xi32>
      %eq3A_3081 = arith.constant 13 : i32
      %eq3A_3082 = vector.broadcast %eq3A_3081 : i32 to vector<16xi32>
      %eq3A_3083 = arith.cmpi eq, %iota3A, %eq3A_3082 : vector<16xi32>
      %broadcast_in_dim3A_3084 = vector.broadcast %reduce_min3A_3080 : i32 to vector<16xi32>
      %select_n3A_3085 = arith.select %eq3A_3083, %broadcast_in_dim3A_3084, %select_n3A_2869 : vector<16xi1>, vector<16xi32>
      %eq3A_3086 = vector.broadcast %reduce_min3A_3080 : i32 to vector<16xi32>
      %eq3A_3087 = arith.cmpi eq, %scan3A_159#7, %eq3A_3086 : vector<16xi32>
      %and3A_3088 = arith.andi %eq3A_3070, %eq3A_3087 : vector<16xi1>
      %jit3A_3089 = arith.constant 0x7F800000 : f32
      %broadcast_in_dim3A_3090 = vector.broadcast %jit3A_3089 : f32 to vector<16xf32>
      %select_n3A_3091 = arith.select %and3A_3088, %broadcast_in_dim3A_3090, %select_n3A_2875 : vector<16xi1>, vector<16xf32>
      %reduce_min3A_3092 = arith.constant true
      %reduce_min3A_3093 = vector.broadcast %reduce_min3A_3092 : i1 to vector<16xi1>
      %reduce_min3A_3094 = tpu.scan <min>, %select_n3A_2902 masked %reduce_min3A_3093 : vector<16xf32>, vector<16xi1> -> vector<16xf32>
      %reduce_min3A_3095 = vector.extract %reduce_min3A_3094[15] : f32 from vector<16xf32>
      %eq3A_3096 = vector.broadcast %reduce_min3A_3095 : f32 to vector<16xf32>
      %eq3A_3097 = arith.cmpf oeq, %select_n3A_2902, %eq3A_3096 : vector<16xf32>
      %broadcast_in_dim3A_3098 = vector.broadcast %scan3A : i32 to vector<16xi32>
      %select_n3A_3099 = arith.select %eq3A_3097, %scan3A_159#9, %broadcast_in_dim3A_3098 : vector<16xi1>, vector<16xi32>
      %reduce_min3A_3100 = arith.constant true
      %reduce_min3A_3101 = vector.broadcast %reduce_min3A_3100 : i1 to vector<16xi1>
      %reduce_min3A_3102 = arith.constant -2147483648 : i32
      %reduce_min3A_3103 = vector.broadcast %reduce_min3A_3102 : i32 to vector<16xi32>
      %reduce_min3A_3104 = arith.xori %select_n3A_3099, %reduce_min3A_3103 : vector<16xi32>
      %reduce_min3A_3105 = tpu.scan <min>, %reduce_min3A_3104 masked %reduce_min3A_3101 : vector<16xi32>, vector<16xi1> -> vector<16xi32>
      %reduce_min3A_3106 = arith.xori %reduce_min3A_3105, %reduce_min3A_3103 : vector<16xi32>
      %reduce_min3A_3107 = vector.extract %reduce_min3A_3106[15] : i32 from vector<16xi32>
      %eq3A_3108 = arith.constant 13 : i32
      %eq3A_3109 = vector.broadcast %eq3A_3108 : i32 to vector<16xi32>
      %eq3A_3110 = arith.cmpi eq, %iota3A, %eq3A_3109 : vector<16xi32>
      %broadcast_in_dim3A_3111 = vector.broadcast %reduce_min3A_3107 : i32 to vector<16xi32>
      %select_n3A_3112 = arith.select %eq3A_3110, %broadcast_in_dim3A_3111, %select_n3A_2896 : vector<16xi1>, vector<16xi32>
      %eq3A_3113 = vector.broadcast %reduce_min3A_3107 : i32 to vector<16xi32>
      %eq3A_3114 = arith.cmpi eq, %scan3A_159#9, %eq3A_3113 : vector<16xi32>
      %and3A_3115 = arith.andi %eq3A_3097, %eq3A_3114 : vector<16xi1>
      %jit3A_3116 = arith.constant 0x7F800000 : f32
      %broadcast_in_dim3A_3117 = vector.broadcast %jit3A_3116 : f32 to vector<16xf32>
      %select_n3A_3118 = arith.select %and3A_3115, %broadcast_in_dim3A_3117, %select_n3A_2902 : vector<16xi1>, vector<16xf32>
      %reduce_min3A_3119 = arith.constant true
      %reduce_min3A_3120 = vector.broadcast %reduce_min3A_3119 : i1 to vector<16xi1>
      %reduce_min3A_3121 = tpu.scan <min>, %select_n3A_2929 masked %reduce_min3A_3120 : vector<16xf32>, vector<16xi1> -> vector<16xf32>
      %reduce_min3A_3122 = vector.extract %reduce_min3A_3121[15] : f32 from vector<16xf32>
      %eq3A_3123 = vector.broadcast %reduce_min3A_3122 : f32 to vector<16xf32>
      %eq3A_3124 = arith.cmpf oeq, %select_n3A_2929, %eq3A_3123 : vector<16xf32>
      %broadcast_in_dim3A_3125 = vector.broadcast %scan3A : i32 to vector<16xi32>
      %select_n3A_3126 = arith.select %eq3A_3124, %scan3A_159#11, %broadcast_in_dim3A_3125 : vector<16xi1>, vector<16xi32>
      %reduce_min3A_3127 = arith.constant true
      %reduce_min3A_3128 = vector.broadcast %reduce_min3A_3127 : i1 to vector<16xi1>
      %reduce_min3A_3129 = arith.constant -2147483648 : i32
      %reduce_min3A_3130 = vector.broadcast %reduce_min3A_3129 : i32 to vector<16xi32>
      %reduce_min3A_3131 = arith.xori %select_n3A_3126, %reduce_min3A_3130 : vector<16xi32>
      %reduce_min3A_3132 = tpu.scan <min>, %reduce_min3A_3131 masked %reduce_min3A_3128 : vector<16xi32>, vector<16xi1> -> vector<16xi32>
      %reduce_min3A_3133 = arith.xori %reduce_min3A_3132, %reduce_min3A_3130 : vector<16xi32>
      %reduce_min3A_3134 = vector.extract %reduce_min3A_3133[15] : i32 from vector<16xi32>
      %eq3A_3135 = arith.constant 13 : i32
      %eq3A_3136 = vector.broadcast %eq3A_3135 : i32 to vector<16xi32>
      %eq3A_3137 = arith.cmpi eq, %iota3A, %eq3A_3136 : vector<16xi32>
      %broadcast_in_dim3A_3138 = vector.broadcast %reduce_min3A_3134 : i32 to vector<16xi32>
      %select_n3A_3139 = arith.select %eq3A_3137, %broadcast_in_dim3A_3138, %select_n3A_2923 : vector<16xi1>, vector<16xi32>
      %eq3A_3140 = vector.broadcast %reduce_min3A_3134 : i32 to vector<16xi32>
      %eq3A_3141 = arith.cmpi eq, %scan3A_159#11, %eq3A_3140 : vector<16xi32>
      %and3A_3142 = arith.andi %eq3A_3124, %eq3A_3141 : vector<16xi1>
      %jit3A_3143 = arith.constant 0x7F800000 : f32
      %broadcast_in_dim3A_3144 = vector.broadcast %jit3A_3143 : f32 to vector<16xf32>
      %select_n3A_3145 = arith.select %and3A_3142, %broadcast_in_dim3A_3144, %select_n3A_2929 : vector<16xi1>, vector<16xf32>
      %reduce_min3A_3146 = arith.constant true
      %reduce_min3A_3147 = vector.broadcast %reduce_min3A_3146 : i1 to vector<16xi1>
      %reduce_min3A_3148 = tpu.scan <min>, %select_n3A_2956 masked %reduce_min3A_3147 : vector<16xf32>, vector<16xi1> -> vector<16xf32>
      %reduce_min3A_3149 = vector.extract %reduce_min3A_3148[15] : f32 from vector<16xf32>
      %eq3A_3150 = vector.broadcast %reduce_min3A_3149 : f32 to vector<16xf32>
      %eq3A_3151 = arith.cmpf oeq, %select_n3A_2956, %eq3A_3150 : vector<16xf32>
      %broadcast_in_dim3A_3152 = vector.broadcast %scan3A : i32 to vector<16xi32>
      %select_n3A_3153 = arith.select %eq3A_3151, %scan3A_159#13, %broadcast_in_dim3A_3152 : vector<16xi1>, vector<16xi32>
      %reduce_min3A_3154 = arith.constant true
      %reduce_min3A_3155 = vector.broadcast %reduce_min3A_3154 : i1 to vector<16xi1>
      %reduce_min3A_3156 = arith.constant -2147483648 : i32
      %reduce_min3A_3157 = vector.broadcast %reduce_min3A_3156 : i32 to vector<16xi32>
      %reduce_min3A_3158 = arith.xori %select_n3A_3153, %reduce_min3A_3157 : vector<16xi32>
      %reduce_min3A_3159 = tpu.scan <min>, %reduce_min3A_3158 masked %reduce_min3A_3155 : vector<16xi32>, vector<16xi1> -> vector<16xi32>
      %reduce_min3A_3160 = arith.xori %reduce_min3A_3159, %reduce_min3A_3157 : vector<16xi32>
      %reduce_min3A_3161 = vector.extract %reduce_min3A_3160[15] : i32 from vector<16xi32>
      %eq3A_3162 = arith.constant 13 : i32
      %eq3A_3163 = vector.broadcast %eq3A_3162 : i32 to vector<16xi32>
      %eq3A_3164 = arith.cmpi eq, %iota3A, %eq3A_3163 : vector<16xi32>
      %broadcast_in_dim3A_3165 = vector.broadcast %reduce_min3A_3161 : i32 to vector<16xi32>
      %select_n3A_3166 = arith.select %eq3A_3164, %broadcast_in_dim3A_3165, %select_n3A_2950 : vector<16xi1>, vector<16xi32>
      %eq3A_3167 = vector.broadcast %reduce_min3A_3161 : i32 to vector<16xi32>
      %eq3A_3168 = arith.cmpi eq, %scan3A_159#13, %eq3A_3167 : vector<16xi32>
      %and3A_3169 = arith.andi %eq3A_3151, %eq3A_3168 : vector<16xi1>
      %jit3A_3170 = arith.constant 0x7F800000 : f32
      %broadcast_in_dim3A_3171 = vector.broadcast %jit3A_3170 : f32 to vector<16xf32>
      %select_n3A_3172 = arith.select %and3A_3169, %broadcast_in_dim3A_3171, %select_n3A_2956 : vector<16xi1>, vector<16xf32>
      %reduce_min3A_3173 = arith.constant true
      %reduce_min3A_3174 = vector.broadcast %reduce_min3A_3173 : i1 to vector<16xi1>
      %reduce_min3A_3175 = tpu.scan <min>, %select_n3A_2983 masked %reduce_min3A_3174 : vector<16xf32>, vector<16xi1> -> vector<16xf32>
      %reduce_min3A_3176 = vector.extract %reduce_min3A_3175[15] : f32 from vector<16xf32>
      %eq3A_3177 = vector.broadcast %reduce_min3A_3176 : f32 to vector<16xf32>
      %eq3A_3178 = arith.cmpf oeq, %select_n3A_2983, %eq3A_3177 : vector<16xf32>
      %broadcast_in_dim3A_3179 = vector.broadcast %scan3A : i32 to vector<16xi32>
      %select_n3A_3180 = arith.select %eq3A_3178, %scan3A_159#15, %broadcast_in_dim3A_3179 : vector<16xi1>, vector<16xi32>
      %reduce_min3A_3181 = arith.constant true
      %reduce_min3A_3182 = vector.broadcast %reduce_min3A_3181 : i1 to vector<16xi1>
      %reduce_min3A_3183 = arith.constant -2147483648 : i32
      %reduce_min3A_3184 = vector.broadcast %reduce_min3A_3183 : i32 to vector<16xi32>
      %reduce_min3A_3185 = arith.xori %select_n3A_3180, %reduce_min3A_3184 : vector<16xi32>
      %reduce_min3A_3186 = tpu.scan <min>, %reduce_min3A_3185 masked %reduce_min3A_3182 : vector<16xi32>, vector<16xi1> -> vector<16xi32>
      %reduce_min3A_3187 = arith.xori %reduce_min3A_3186, %reduce_min3A_3184 : vector<16xi32>
      %reduce_min3A_3188 = vector.extract %reduce_min3A_3187[15] : i32 from vector<16xi32>
      %eq3A_3189 = arith.constant 13 : i32
      %eq3A_3190 = vector.broadcast %eq3A_3189 : i32 to vector<16xi32>
      %eq3A_3191 = arith.cmpi eq, %iota3A, %eq3A_3190 : vector<16xi32>
      %broadcast_in_dim3A_3192 = vector.broadcast %reduce_min3A_3188 : i32 to vector<16xi32>
      %select_n3A_3193 = arith.select %eq3A_3191, %broadcast_in_dim3A_3192, %select_n3A_2977 : vector<16xi1>, vector<16xi32>
      %eq3A_3194 = vector.broadcast %reduce_min3A_3188 : i32 to vector<16xi32>
      %eq3A_3195 = arith.cmpi eq, %scan3A_159#15, %eq3A_3194 : vector<16xi32>
      %and3A_3196 = arith.andi %eq3A_3178, %eq3A_3195 : vector<16xi1>
      %jit3A_3197 = arith.constant 0x7F800000 : f32
      %broadcast_in_dim3A_3198 = vector.broadcast %jit3A_3197 : f32 to vector<16xf32>
      %select_n3A_3199 = arith.select %and3A_3196, %broadcast_in_dim3A_3198, %select_n3A_2983 : vector<16xi1>, vector<16xf32>
      %reduce_min3A_3200 = arith.constant true
      %reduce_min3A_3201 = vector.broadcast %reduce_min3A_3200 : i1 to vector<16xi1>
      %reduce_min3A_3202 = tpu.scan <min>, %select_n3A_3010 masked %reduce_min3A_3201 : vector<16xf32>, vector<16xi1> -> vector<16xf32>
      %reduce_min3A_3203 = vector.extract %reduce_min3A_3202[15] : f32 from vector<16xf32>
      %eq3A_3204 = vector.broadcast %reduce_min3A_3203 : f32 to vector<16xf32>
      %eq3A_3205 = arith.cmpf oeq, %select_n3A_3010, %eq3A_3204 : vector<16xf32>
      %broadcast_in_dim3A_3206 = vector.broadcast %scan3A : i32 to vector<16xi32>
      %select_n3A_3207 = arith.select %eq3A_3205, %scan3A_159#1, %broadcast_in_dim3A_3206 : vector<16xi1>, vector<16xi32>
      %reduce_min3A_3208 = arith.constant true
      %reduce_min3A_3209 = vector.broadcast %reduce_min3A_3208 : i1 to vector<16xi1>
      %reduce_min3A_3210 = arith.constant -2147483648 : i32
      %reduce_min3A_3211 = vector.broadcast %reduce_min3A_3210 : i32 to vector<16xi32>
      %reduce_min3A_3212 = arith.xori %select_n3A_3207, %reduce_min3A_3211 : vector<16xi32>
      %reduce_min3A_3213 = tpu.scan <min>, %reduce_min3A_3212 masked %reduce_min3A_3209 : vector<16xi32>, vector<16xi1> -> vector<16xi32>
      %reduce_min3A_3214 = arith.xori %reduce_min3A_3213, %reduce_min3A_3211 : vector<16xi32>
      %reduce_min3A_3215 = vector.extract %reduce_min3A_3214[15] : i32 from vector<16xi32>
      %eq3A_3216 = arith.constant 14 : i32
      %eq3A_3217 = vector.broadcast %eq3A_3216 : i32 to vector<16xi32>
      %eq3A_3218 = arith.cmpi eq, %iota3A, %eq3A_3217 : vector<16xi32>
      %broadcast_in_dim3A_3219 = vector.broadcast %reduce_min3A_3215 : i32 to vector<16xi32>
      %select_n3A_3220 = arith.select %eq3A_3218, %broadcast_in_dim3A_3219, %select_n3A_3004 : vector<16xi1>, vector<16xi32>
      %eq3A_3221 = vector.broadcast %reduce_min3A_3215 : i32 to vector<16xi32>
      %eq3A_3222 = arith.cmpi eq, %scan3A_159#1, %eq3A_3221 : vector<16xi32>
      %and3A_3223 = arith.andi %eq3A_3205, %eq3A_3222 : vector<16xi1>
      %jit3A_3224 = arith.constant 0x7F800000 : f32
      %broadcast_in_dim3A_3225 = vector.broadcast %jit3A_3224 : f32 to vector<16xf32>
      %select_n3A_3226 = arith.select %and3A_3223, %broadcast_in_dim3A_3225, %select_n3A_3010 : vector<16xi1>, vector<16xf32>
      %reduce_min3A_3227 = arith.constant true
      %reduce_min3A_3228 = vector.broadcast %reduce_min3A_3227 : i1 to vector<16xi1>
      %reduce_min3A_3229 = tpu.scan <min>, %select_n3A_3037 masked %reduce_min3A_3228 : vector<16xf32>, vector<16xi1> -> vector<16xf32>
      %reduce_min3A_3230 = vector.extract %reduce_min3A_3229[15] : f32 from vector<16xf32>
      %eq3A_3231 = vector.broadcast %reduce_min3A_3230 : f32 to vector<16xf32>
      %eq3A_3232 = arith.cmpf oeq, %select_n3A_3037, %eq3A_3231 : vector<16xf32>
      %broadcast_in_dim3A_3233 = vector.broadcast %scan3A : i32 to vector<16xi32>
      %select_n3A_3234 = arith.select %eq3A_3232, %scan3A_159#3, %broadcast_in_dim3A_3233 : vector<16xi1>, vector<16xi32>
      %reduce_min3A_3235 = arith.constant true
      %reduce_min3A_3236 = vector.broadcast %reduce_min3A_3235 : i1 to vector<16xi1>
      %reduce_min3A_3237 = arith.constant -2147483648 : i32
      %reduce_min3A_3238 = vector.broadcast %reduce_min3A_3237 : i32 to vector<16xi32>
      %reduce_min3A_3239 = arith.xori %select_n3A_3234, %reduce_min3A_3238 : vector<16xi32>
      %reduce_min3A_3240 = tpu.scan <min>, %reduce_min3A_3239 masked %reduce_min3A_3236 : vector<16xi32>, vector<16xi1> -> vector<16xi32>
      %reduce_min3A_3241 = arith.xori %reduce_min3A_3240, %reduce_min3A_3238 : vector<16xi32>
      %reduce_min3A_3242 = vector.extract %reduce_min3A_3241[15] : i32 from vector<16xi32>
      %eq3A_3243 = arith.constant 14 : i32
      %eq3A_3244 = vector.broadcast %eq3A_3243 : i32 to vector<16xi32>
      %eq3A_3245 = arith.cmpi eq, %iota3A, %eq3A_3244 : vector<16xi32>
      %broadcast_in_dim3A_3246 = vector.broadcast %reduce_min3A_3242 : i32 to vector<16xi32>
      %select_n3A_3247 = arith.select %eq3A_3245, %broadcast_in_dim3A_3246, %select_n3A_3031 : vector<16xi1>, vector<16xi32>
      %eq3A_3248 = vector.broadcast %reduce_min3A_3242 : i32 to vector<16xi32>
      %eq3A_3249 = arith.cmpi eq, %scan3A_159#3, %eq3A_3248 : vector<16xi32>
      %and3A_3250 = arith.andi %eq3A_3232, %eq3A_3249 : vector<16xi1>
      %jit3A_3251 = arith.constant 0x7F800000 : f32
      %broadcast_in_dim3A_3252 = vector.broadcast %jit3A_3251 : f32 to vector<16xf32>
      %select_n3A_3253 = arith.select %and3A_3250, %broadcast_in_dim3A_3252, %select_n3A_3037 : vector<16xi1>, vector<16xf32>
      %reduce_min3A_3254 = arith.constant true
      %reduce_min3A_3255 = vector.broadcast %reduce_min3A_3254 : i1 to vector<16xi1>
      %reduce_min3A_3256 = tpu.scan <min>, %select_n3A_3064 masked %reduce_min3A_3255 : vector<16xf32>, vector<16xi1> -> vector<16xf32>
      %reduce_min3A_3257 = vector.extract %reduce_min3A_3256[15] : f32 from vector<16xf32>
      %eq3A_3258 = vector.broadcast %reduce_min3A_3257 : f32 to vector<16xf32>
      %eq3A_3259 = arith.cmpf oeq, %select_n3A_3064, %eq3A_3258 : vector<16xf32>
      %broadcast_in_dim3A_3260 = vector.broadcast %scan3A : i32 to vector<16xi32>
      %select_n3A_3261 = arith.select %eq3A_3259, %scan3A_159#5, %broadcast_in_dim3A_3260 : vector<16xi1>, vector<16xi32>
      %reduce_min3A_3262 = arith.constant true
      %reduce_min3A_3263 = vector.broadcast %reduce_min3A_3262 : i1 to vector<16xi1>
      %reduce_min3A_3264 = arith.constant -2147483648 : i32
      %reduce_min3A_3265 = vector.broadcast %reduce_min3A_3264 : i32 to vector<16xi32>
      %reduce_min3A_3266 = arith.xori %select_n3A_3261, %reduce_min3A_3265 : vector<16xi32>
      %reduce_min3A_3267 = tpu.scan <min>, %reduce_min3A_3266 masked %reduce_min3A_3263 : vector<16xi32>, vector<16xi1> -> vector<16xi32>
      %reduce_min3A_3268 = arith.xori %reduce_min3A_3267, %reduce_min3A_3265 : vector<16xi32>
      %reduce_min3A_3269 = vector.extract %reduce_min3A_3268[15] : i32 from vector<16xi32>
      %eq3A_3270 = arith.constant 14 : i32
      %eq3A_3271 = vector.broadcast %eq3A_3270 : i32 to vector<16xi32>
      %eq3A_3272 = arith.cmpi eq, %iota3A, %eq3A_3271 : vector<16xi32>
      %broadcast_in_dim3A_3273 = vector.broadcast %reduce_min3A_3269 : i32 to vector<16xi32>
      %select_n3A_3274 = arith.select %eq3A_3272, %broadcast_in_dim3A_3273, %select_n3A_3058 : vector<16xi1>, vector<16xi32>
      %eq3A_3275 = vector.broadcast %reduce_min3A_3269 : i32 to vector<16xi32>
      %eq3A_3276 = arith.cmpi eq, %scan3A_159#5, %eq3A_3275 : vector<16xi32>
      %and3A_3277 = arith.andi %eq3A_3259, %eq3A_3276 : vector<16xi1>
      %jit3A_3278 = arith.constant 0x7F800000 : f32
      %broadcast_in_dim3A_3279 = vector.broadcast %jit3A_3278 : f32 to vector<16xf32>
      %select_n3A_3280 = arith.select %and3A_3277, %broadcast_in_dim3A_3279, %select_n3A_3064 : vector<16xi1>, vector<16xf32>
      %reduce_min3A_3281 = arith.constant true
      %reduce_min3A_3282 = vector.broadcast %reduce_min3A_3281 : i1 to vector<16xi1>
      %reduce_min3A_3283 = tpu.scan <min>, %select_n3A_3091 masked %reduce_min3A_3282 : vector<16xf32>, vector<16xi1> -> vector<16xf32>
      %reduce_min3A_3284 = vector.extract %reduce_min3A_3283[15] : f32 from vector<16xf32>
      %eq3A_3285 = vector.broadcast %reduce_min3A_3284 : f32 to vector<16xf32>
      %eq3A_3286 = arith.cmpf oeq, %select_n3A_3091, %eq3A_3285 : vector<16xf32>
      %broadcast_in_dim3A_3287 = vector.broadcast %scan3A : i32 to vector<16xi32>
      %select_n3A_3288 = arith.select %eq3A_3286, %scan3A_159#7, %broadcast_in_dim3A_3287 : vector<16xi1>, vector<16xi32>
      %reduce_min3A_3289 = arith.constant true
      %reduce_min3A_3290 = vector.broadcast %reduce_min3A_3289 : i1 to vector<16xi1>
      %reduce_min3A_3291 = arith.constant -2147483648 : i32
      %reduce_min3A_3292 = vector.broadcast %reduce_min3A_3291 : i32 to vector<16xi32>
      %reduce_min3A_3293 = arith.xori %select_n3A_3288, %reduce_min3A_3292 : vector<16xi32>
      %reduce_min3A_3294 = tpu.scan <min>, %reduce_min3A_3293 masked %reduce_min3A_3290 : vector<16xi32>, vector<16xi1> -> vector<16xi32>
      %reduce_min3A_3295 = arith.xori %reduce_min3A_3294, %reduce_min3A_3292 : vector<16xi32>
      %reduce_min3A_3296 = vector.extract %reduce_min3A_3295[15] : i32 from vector<16xi32>
      %eq3A_3297 = arith.constant 14 : i32
      %eq3A_3298 = vector.broadcast %eq3A_3297 : i32 to vector<16xi32>
      %eq3A_3299 = arith.cmpi eq, %iota3A, %eq3A_3298 : vector<16xi32>
      %broadcast_in_dim3A_3300 = vector.broadcast %reduce_min3A_3296 : i32 to vector<16xi32>
      %select_n3A_3301 = arith.select %eq3A_3299, %broadcast_in_dim3A_3300, %select_n3A_3085 : vector<16xi1>, vector<16xi32>
      %eq3A_3302 = vector.broadcast %reduce_min3A_3296 : i32 to vector<16xi32>
      %eq3A_3303 = arith.cmpi eq, %scan3A_159#7, %eq3A_3302 : vector<16xi32>
      %and3A_3304 = arith.andi %eq3A_3286, %eq3A_3303 : vector<16xi1>
      %jit3A_3305 = arith.constant 0x7F800000 : f32
      %broadcast_in_dim3A_3306 = vector.broadcast %jit3A_3305 : f32 to vector<16xf32>
      %select_n3A_3307 = arith.select %and3A_3304, %broadcast_in_dim3A_3306, %select_n3A_3091 : vector<16xi1>, vector<16xf32>
      %reduce_min3A_3308 = arith.constant true
      %reduce_min3A_3309 = vector.broadcast %reduce_min3A_3308 : i1 to vector<16xi1>
      %reduce_min3A_3310 = tpu.scan <min>, %select_n3A_3118 masked %reduce_min3A_3309 : vector<16xf32>, vector<16xi1> -> vector<16xf32>
      %reduce_min3A_3311 = vector.extract %reduce_min3A_3310[15] : f32 from vector<16xf32>
      %eq3A_3312 = vector.broadcast %reduce_min3A_3311 : f32 to vector<16xf32>
      %eq3A_3313 = arith.cmpf oeq, %select_n3A_3118, %eq3A_3312 : vector<16xf32>
      %broadcast_in_dim3A_3314 = vector.broadcast %scan3A : i32 to vector<16xi32>
      %select_n3A_3315 = arith.select %eq3A_3313, %scan3A_159#9, %broadcast_in_dim3A_3314 : vector<16xi1>, vector<16xi32>
      %reduce_min3A_3316 = arith.constant true
      %reduce_min3A_3317 = vector.broadcast %reduce_min3A_3316 : i1 to vector<16xi1>
      %reduce_min3A_3318 = arith.constant -2147483648 : i32
      %reduce_min3A_3319 = vector.broadcast %reduce_min3A_3318 : i32 to vector<16xi32>
      %reduce_min3A_3320 = arith.xori %select_n3A_3315, %reduce_min3A_3319 : vector<16xi32>
      %reduce_min3A_3321 = tpu.scan <min>, %reduce_min3A_3320 masked %reduce_min3A_3317 : vector<16xi32>, vector<16xi1> -> vector<16xi32>
      %reduce_min3A_3322 = arith.xori %reduce_min3A_3321, %reduce_min3A_3319 : vector<16xi32>
      %reduce_min3A_3323 = vector.extract %reduce_min3A_3322[15] : i32 from vector<16xi32>
      %eq3A_3324 = arith.constant 14 : i32
      %eq3A_3325 = vector.broadcast %eq3A_3324 : i32 to vector<16xi32>
      %eq3A_3326 = arith.cmpi eq, %iota3A, %eq3A_3325 : vector<16xi32>
      %broadcast_in_dim3A_3327 = vector.broadcast %reduce_min3A_3323 : i32 to vector<16xi32>
      %select_n3A_3328 = arith.select %eq3A_3326, %broadcast_in_dim3A_3327, %select_n3A_3112 : vector<16xi1>, vector<16xi32>
      %eq3A_3329 = vector.broadcast %reduce_min3A_3323 : i32 to vector<16xi32>
      %eq3A_3330 = arith.cmpi eq, %scan3A_159#9, %eq3A_3329 : vector<16xi32>
      %and3A_3331 = arith.andi %eq3A_3313, %eq3A_3330 : vector<16xi1>
      %jit3A_3332 = arith.constant 0x7F800000 : f32
      %broadcast_in_dim3A_3333 = vector.broadcast %jit3A_3332 : f32 to vector<16xf32>
      %select_n3A_3334 = arith.select %and3A_3331, %broadcast_in_dim3A_3333, %select_n3A_3118 : vector<16xi1>, vector<16xf32>
      %reduce_min3A_3335 = arith.constant true
      %reduce_min3A_3336 = vector.broadcast %reduce_min3A_3335 : i1 to vector<16xi1>
      %reduce_min3A_3337 = tpu.scan <min>, %select_n3A_3145 masked %reduce_min3A_3336 : vector<16xf32>, vector<16xi1> -> vector<16xf32>
      %reduce_min3A_3338 = vector.extract %reduce_min3A_3337[15] : f32 from vector<16xf32>
      %eq3A_3339 = vector.broadcast %reduce_min3A_3338 : f32 to vector<16xf32>
      %eq3A_3340 = arith.cmpf oeq, %select_n3A_3145, %eq3A_3339 : vector<16xf32>
      %broadcast_in_dim3A_3341 = vector.broadcast %scan3A : i32 to vector<16xi32>
      %select_n3A_3342 = arith.select %eq3A_3340, %scan3A_159#11, %broadcast_in_dim3A_3341 : vector<16xi1>, vector<16xi32>
      %reduce_min3A_3343 = arith.constant true
      %reduce_min3A_3344 = vector.broadcast %reduce_min3A_3343 : i1 to vector<16xi1>
      %reduce_min3A_3345 = arith.constant -2147483648 : i32
      %reduce_min3A_3346 = vector.broadcast %reduce_min3A_3345 : i32 to vector<16xi32>
      %reduce_min3A_3347 = arith.xori %select_n3A_3342, %reduce_min3A_3346 : vector<16xi32>
      %reduce_min3A_3348 = tpu.scan <min>, %reduce_min3A_3347 masked %reduce_min3A_3344 : vector<16xi32>, vector<16xi1> -> vector<16xi32>
      %reduce_min3A_3349 = arith.xori %reduce_min3A_3348, %reduce_min3A_3346 : vector<16xi32>
      %reduce_min3A_3350 = vector.extract %reduce_min3A_3349[15] : i32 from vector<16xi32>
      %eq3A_3351 = arith.constant 14 : i32
      %eq3A_3352 = vector.broadcast %eq3A_3351 : i32 to vector<16xi32>
      %eq3A_3353 = arith.cmpi eq, %iota3A, %eq3A_3352 : vector<16xi32>
      %broadcast_in_dim3A_3354 = vector.broadcast %reduce_min3A_3350 : i32 to vector<16xi32>
      %select_n3A_3355 = arith.select %eq3A_3353, %broadcast_in_dim3A_3354, %select_n3A_3139 : vector<16xi1>, vector<16xi32>
      %eq3A_3356 = vector.broadcast %reduce_min3A_3350 : i32 to vector<16xi32>
      %eq3A_3357 = arith.cmpi eq, %scan3A_159#11, %eq3A_3356 : vector<16xi32>
      %and3A_3358 = arith.andi %eq3A_3340, %eq3A_3357 : vector<16xi1>
      %jit3A_3359 = arith.constant 0x7F800000 : f32
      %broadcast_in_dim3A_3360 = vector.broadcast %jit3A_3359 : f32 to vector<16xf32>
      %select_n3A_3361 = arith.select %and3A_3358, %broadcast_in_dim3A_3360, %select_n3A_3145 : vector<16xi1>, vector<16xf32>
      %reduce_min3A_3362 = arith.constant true
      %reduce_min3A_3363 = vector.broadcast %reduce_min3A_3362 : i1 to vector<16xi1>
      %reduce_min3A_3364 = tpu.scan <min>, %select_n3A_3172 masked %reduce_min3A_3363 : vector<16xf32>, vector<16xi1> -> vector<16xf32>
      %reduce_min3A_3365 = vector.extract %reduce_min3A_3364[15] : f32 from vector<16xf32>
      %eq3A_3366 = vector.broadcast %reduce_min3A_3365 : f32 to vector<16xf32>
      %eq3A_3367 = arith.cmpf oeq, %select_n3A_3172, %eq3A_3366 : vector<16xf32>
      %broadcast_in_dim3A_3368 = vector.broadcast %scan3A : i32 to vector<16xi32>
      %select_n3A_3369 = arith.select %eq3A_3367, %scan3A_159#13, %broadcast_in_dim3A_3368 : vector<16xi1>, vector<16xi32>
      %reduce_min3A_3370 = arith.constant true
      %reduce_min3A_3371 = vector.broadcast %reduce_min3A_3370 : i1 to vector<16xi1>
      %reduce_min3A_3372 = arith.constant -2147483648 : i32
      %reduce_min3A_3373 = vector.broadcast %reduce_min3A_3372 : i32 to vector<16xi32>
      %reduce_min3A_3374 = arith.xori %select_n3A_3369, %reduce_min3A_3373 : vector<16xi32>
      %reduce_min3A_3375 = tpu.scan <min>, %reduce_min3A_3374 masked %reduce_min3A_3371 : vector<16xi32>, vector<16xi1> -> vector<16xi32>
      %reduce_min3A_3376 = arith.xori %reduce_min3A_3375, %reduce_min3A_3373 : vector<16xi32>
      %reduce_min3A_3377 = vector.extract %reduce_min3A_3376[15] : i32 from vector<16xi32>
      %eq3A_3378 = arith.constant 14 : i32
      %eq3A_3379 = vector.broadcast %eq3A_3378 : i32 to vector<16xi32>
      %eq3A_3380 = arith.cmpi eq, %iota3A, %eq3A_3379 : vector<16xi32>
      %broadcast_in_dim3A_3381 = vector.broadcast %reduce_min3A_3377 : i32 to vector<16xi32>
      %select_n3A_3382 = arith.select %eq3A_3380, %broadcast_in_dim3A_3381, %select_n3A_3166 : vector<16xi1>, vector<16xi32>
      %eq3A_3383 = vector.broadcast %reduce_min3A_3377 : i32 to vector<16xi32>
      %eq3A_3384 = arith.cmpi eq, %scan3A_159#13, %eq3A_3383 : vector<16xi32>
      %and3A_3385 = arith.andi %eq3A_3367, %eq3A_3384 : vector<16xi1>
      %jit3A_3386 = arith.constant 0x7F800000 : f32
      %broadcast_in_dim3A_3387 = vector.broadcast %jit3A_3386 : f32 to vector<16xf32>
      %select_n3A_3388 = arith.select %and3A_3385, %broadcast_in_dim3A_3387, %select_n3A_3172 : vector<16xi1>, vector<16xf32>
      %reduce_min3A_3389 = arith.constant true
      %reduce_min3A_3390 = vector.broadcast %reduce_min3A_3389 : i1 to vector<16xi1>
      %reduce_min3A_3391 = tpu.scan <min>, %select_n3A_3199 masked %reduce_min3A_3390 : vector<16xf32>, vector<16xi1> -> vector<16xf32>
      %reduce_min3A_3392 = vector.extract %reduce_min3A_3391[15] : f32 from vector<16xf32>
      %eq3A_3393 = vector.broadcast %reduce_min3A_3392 : f32 to vector<16xf32>
      %eq3A_3394 = arith.cmpf oeq, %select_n3A_3199, %eq3A_3393 : vector<16xf32>
      %broadcast_in_dim3A_3395 = vector.broadcast %scan3A : i32 to vector<16xi32>
      %select_n3A_3396 = arith.select %eq3A_3394, %scan3A_159#15, %broadcast_in_dim3A_3395 : vector<16xi1>, vector<16xi32>
      %reduce_min3A_3397 = arith.constant true
      %reduce_min3A_3398 = vector.broadcast %reduce_min3A_3397 : i1 to vector<16xi1>
      %reduce_min3A_3399 = arith.constant -2147483648 : i32
      %reduce_min3A_3400 = vector.broadcast %reduce_min3A_3399 : i32 to vector<16xi32>
      %reduce_min3A_3401 = arith.xori %select_n3A_3396, %reduce_min3A_3400 : vector<16xi32>
      %reduce_min3A_3402 = tpu.scan <min>, %reduce_min3A_3401 masked %reduce_min3A_3398 : vector<16xi32>, vector<16xi1> -> vector<16xi32>
      %reduce_min3A_3403 = arith.xori %reduce_min3A_3402, %reduce_min3A_3400 : vector<16xi32>
      %reduce_min3A_3404 = vector.extract %reduce_min3A_3403[15] : i32 from vector<16xi32>
      %eq3A_3405 = arith.constant 14 : i32
      %eq3A_3406 = vector.broadcast %eq3A_3405 : i32 to vector<16xi32>
      %eq3A_3407 = arith.cmpi eq, %iota3A, %eq3A_3406 : vector<16xi32>
      %broadcast_in_dim3A_3408 = vector.broadcast %reduce_min3A_3404 : i32 to vector<16xi32>
      %select_n3A_3409 = arith.select %eq3A_3407, %broadcast_in_dim3A_3408, %select_n3A_3193 : vector<16xi1>, vector<16xi32>
      %eq3A_3410 = vector.broadcast %reduce_min3A_3404 : i32 to vector<16xi32>
      %eq3A_3411 = arith.cmpi eq, %scan3A_159#15, %eq3A_3410 : vector<16xi32>
      %and3A_3412 = arith.andi %eq3A_3394, %eq3A_3411 : vector<16xi1>
      %jit3A_3413 = arith.constant 0x7F800000 : f32
      %broadcast_in_dim3A_3414 = vector.broadcast %jit3A_3413 : f32 to vector<16xf32>
      %select_n3A_3415 = arith.select %and3A_3412, %broadcast_in_dim3A_3414, %select_n3A_3199 : vector<16xi1>, vector<16xf32>
      %reduce_min3A_3416 = arith.constant true
      %reduce_min3A_3417 = vector.broadcast %reduce_min3A_3416 : i1 to vector<16xi1>
      %reduce_min3A_3418 = tpu.scan <min>, %select_n3A_3226 masked %reduce_min3A_3417 : vector<16xf32>, vector<16xi1> -> vector<16xf32>
      %reduce_min3A_3419 = vector.extract %reduce_min3A_3418[15] : f32 from vector<16xf32>
      %eq3A_3420 = vector.broadcast %reduce_min3A_3419 : f32 to vector<16xf32>
      %eq3A_3421 = arith.cmpf oeq, %select_n3A_3226, %eq3A_3420 : vector<16xf32>
      %broadcast_in_dim3A_3422 = vector.broadcast %scan3A : i32 to vector<16xi32>
      %select_n3A_3423 = arith.select %eq3A_3421, %scan3A_159#1, %broadcast_in_dim3A_3422 : vector<16xi1>, vector<16xi32>
      %reduce_min3A_3424 = arith.constant true
      %reduce_min3A_3425 = vector.broadcast %reduce_min3A_3424 : i1 to vector<16xi1>
      %reduce_min3A_3426 = arith.constant -2147483648 : i32
      %reduce_min3A_3427 = vector.broadcast %reduce_min3A_3426 : i32 to vector<16xi32>
      %reduce_min3A_3428 = arith.xori %select_n3A_3423, %reduce_min3A_3427 : vector<16xi32>
      %reduce_min3A_3429 = tpu.scan <min>, %reduce_min3A_3428 masked %reduce_min3A_3425 : vector<16xi32>, vector<16xi1> -> vector<16xi32>
      %reduce_min3A_3430 = arith.xori %reduce_min3A_3429, %reduce_min3A_3427 : vector<16xi32>
      %reduce_min3A_3431 = vector.extract %reduce_min3A_3430[15] : i32 from vector<16xi32>
      %eq3A_3432 = arith.constant 15 : i32
      %eq3A_3433 = vector.broadcast %eq3A_3432 : i32 to vector<16xi32>
      %eq3A_3434 = arith.cmpi eq, %iota3A, %eq3A_3433 : vector<16xi32>
      %broadcast_in_dim3A_3435 = vector.broadcast %reduce_min3A_3431 : i32 to vector<16xi32>
      %select_n3A_3436 = arith.select %eq3A_3434, %broadcast_in_dim3A_3435, %select_n3A_3220 : vector<16xi1>, vector<16xi32>
      %eq3A_3437 = vector.broadcast %reduce_min3A_3431 : i32 to vector<16xi32>
      %eq3A_3438 = arith.cmpi eq, %scan3A_159#1, %eq3A_3437 : vector<16xi32>
      %and3A_3439 = arith.andi %eq3A_3421, %eq3A_3438 : vector<16xi1>
      %jit3A_3440 = arith.constant 0x7F800000 : f32
      %broadcast_in_dim3A_3441 = vector.broadcast %jit3A_3440 : f32 to vector<16xf32>
      %select_n3A_3442 = arith.select %and3A_3439, %broadcast_in_dim3A_3441, %select_n3A_3226 : vector<16xi1>, vector<16xf32>
      %reduce_min3A_3443 = arith.constant true
      %reduce_min3A_3444 = vector.broadcast %reduce_min3A_3443 : i1 to vector<16xi1>
      %reduce_min3A_3445 = tpu.scan <min>, %select_n3A_3253 masked %reduce_min3A_3444 : vector<16xf32>, vector<16xi1> -> vector<16xf32>
      %reduce_min3A_3446 = vector.extract %reduce_min3A_3445[15] : f32 from vector<16xf32>
      %eq3A_3447 = vector.broadcast %reduce_min3A_3446 : f32 to vector<16xf32>
      %eq3A_3448 = arith.cmpf oeq, %select_n3A_3253, %eq3A_3447 : vector<16xf32>
      %broadcast_in_dim3A_3449 = vector.broadcast %scan3A : i32 to vector<16xi32>
      %select_n3A_3450 = arith.select %eq3A_3448, %scan3A_159#3, %broadcast_in_dim3A_3449 : vector<16xi1>, vector<16xi32>
      %reduce_min3A_3451 = arith.constant true
      %reduce_min3A_3452 = vector.broadcast %reduce_min3A_3451 : i1 to vector<16xi1>
      %reduce_min3A_3453 = arith.constant -2147483648 : i32
      %reduce_min3A_3454 = vector.broadcast %reduce_min3A_3453 : i32 to vector<16xi32>
      %reduce_min3A_3455 = arith.xori %select_n3A_3450, %reduce_min3A_3454 : vector<16xi32>
      %reduce_min3A_3456 = tpu.scan <min>, %reduce_min3A_3455 masked %reduce_min3A_3452 : vector<16xi32>, vector<16xi1> -> vector<16xi32>
      %reduce_min3A_3457 = arith.xori %reduce_min3A_3456, %reduce_min3A_3454 : vector<16xi32>
      %reduce_min3A_3458 = vector.extract %reduce_min3A_3457[15] : i32 from vector<16xi32>
      %eq3A_3459 = arith.constant 15 : i32
      %eq3A_3460 = vector.broadcast %eq3A_3459 : i32 to vector<16xi32>
      %eq3A_3461 = arith.cmpi eq, %iota3A, %eq3A_3460 : vector<16xi32>
      %broadcast_in_dim3A_3462 = vector.broadcast %reduce_min3A_3458 : i32 to vector<16xi32>
      %select_n3A_3463 = arith.select %eq3A_3461, %broadcast_in_dim3A_3462, %select_n3A_3247 : vector<16xi1>, vector<16xi32>
      %eq3A_3464 = vector.broadcast %reduce_min3A_3458 : i32 to vector<16xi32>
      %eq3A_3465 = arith.cmpi eq, %scan3A_159#3, %eq3A_3464 : vector<16xi32>
      %and3A_3466 = arith.andi %eq3A_3448, %eq3A_3465 : vector<16xi1>
      %jit3A_3467 = arith.constant 0x7F800000 : f32
      %broadcast_in_dim3A_3468 = vector.broadcast %jit3A_3467 : f32 to vector<16xf32>
      %select_n3A_3469 = arith.select %and3A_3466, %broadcast_in_dim3A_3468, %select_n3A_3253 : vector<16xi1>, vector<16xf32>
      %reduce_min3A_3470 = arith.constant true
      %reduce_min3A_3471 = vector.broadcast %reduce_min3A_3470 : i1 to vector<16xi1>
      %reduce_min3A_3472 = tpu.scan <min>, %select_n3A_3280 masked %reduce_min3A_3471 : vector<16xf32>, vector<16xi1> -> vector<16xf32>
      %reduce_min3A_3473 = vector.extract %reduce_min3A_3472[15] : f32 from vector<16xf32>
      %eq3A_3474 = vector.broadcast %reduce_min3A_3473 : f32 to vector<16xf32>
      %eq3A_3475 = arith.cmpf oeq, %select_n3A_3280, %eq3A_3474 : vector<16xf32>
      %broadcast_in_dim3A_3476 = vector.broadcast %scan3A : i32 to vector<16xi32>
      %select_n3A_3477 = arith.select %eq3A_3475, %scan3A_159#5, %broadcast_in_dim3A_3476 : vector<16xi1>, vector<16xi32>
      %reduce_min3A_3478 = arith.constant true
      %reduce_min3A_3479 = vector.broadcast %reduce_min3A_3478 : i1 to vector<16xi1>
      %reduce_min3A_3480 = arith.constant -2147483648 : i32
      %reduce_min3A_3481 = vector.broadcast %reduce_min3A_3480 : i32 to vector<16xi32>
      %reduce_min3A_3482 = arith.xori %select_n3A_3477, %reduce_min3A_3481 : vector<16xi32>
      %reduce_min3A_3483 = tpu.scan <min>, %reduce_min3A_3482 masked %reduce_min3A_3479 : vector<16xi32>, vector<16xi1> -> vector<16xi32>
      %reduce_min3A_3484 = arith.xori %reduce_min3A_3483, %reduce_min3A_3481 : vector<16xi32>
      %reduce_min3A_3485 = vector.extract %reduce_min3A_3484[15] : i32 from vector<16xi32>
      %eq3A_3486 = arith.constant 15 : i32
      %eq3A_3487 = vector.broadcast %eq3A_3486 : i32 to vector<16xi32>
      %eq3A_3488 = arith.cmpi eq, %iota3A, %eq3A_3487 : vector<16xi32>
      %broadcast_in_dim3A_3489 = vector.broadcast %reduce_min3A_3485 : i32 to vector<16xi32>
      %select_n3A_3490 = arith.select %eq3A_3488, %broadcast_in_dim3A_3489, %select_n3A_3274 : vector<16xi1>, vector<16xi32>
      %eq3A_3491 = vector.broadcast %reduce_min3A_3485 : i32 to vector<16xi32>
      %eq3A_3492 = arith.cmpi eq, %scan3A_159#5, %eq3A_3491 : vector<16xi32>
      %and3A_3493 = arith.andi %eq3A_3475, %eq3A_3492 : vector<16xi1>
      %jit3A_3494 = arith.constant 0x7F800000 : f32
      %broadcast_in_dim3A_3495 = vector.broadcast %jit3A_3494 : f32 to vector<16xf32>
      %select_n3A_3496 = arith.select %and3A_3493, %broadcast_in_dim3A_3495, %select_n3A_3280 : vector<16xi1>, vector<16xf32>
      %reduce_min3A_3497 = arith.constant true
      %reduce_min3A_3498 = vector.broadcast %reduce_min3A_3497 : i1 to vector<16xi1>
      %reduce_min3A_3499 = tpu.scan <min>, %select_n3A_3307 masked %reduce_min3A_3498 : vector<16xf32>, vector<16xi1> -> vector<16xf32>
      %reduce_min3A_3500 = vector.extract %reduce_min3A_3499[15] : f32 from vector<16xf32>
      %eq3A_3501 = vector.broadcast %reduce_min3A_3500 : f32 to vector<16xf32>
      %eq3A_3502 = arith.cmpf oeq, %select_n3A_3307, %eq3A_3501 : vector<16xf32>
      %broadcast_in_dim3A_3503 = vector.broadcast %scan3A : i32 to vector<16xi32>
      %select_n3A_3504 = arith.select %eq3A_3502, %scan3A_159#7, %broadcast_in_dim3A_3503 : vector<16xi1>, vector<16xi32>
      %reduce_min3A_3505 = arith.constant true
      %reduce_min3A_3506 = vector.broadcast %reduce_min3A_3505 : i1 to vector<16xi1>
      %reduce_min3A_3507 = arith.constant -2147483648 : i32
      %reduce_min3A_3508 = vector.broadcast %reduce_min3A_3507 : i32 to vector<16xi32>
      %reduce_min3A_3509 = arith.xori %select_n3A_3504, %reduce_min3A_3508 : vector<16xi32>
      %reduce_min3A_3510 = tpu.scan <min>, %reduce_min3A_3509 masked %reduce_min3A_3506 : vector<16xi32>, vector<16xi1> -> vector<16xi32>
      %reduce_min3A_3511 = arith.xori %reduce_min3A_3510, %reduce_min3A_3508 : vector<16xi32>
      %reduce_min3A_3512 = vector.extract %reduce_min3A_3511[15] : i32 from vector<16xi32>
      %eq3A_3513 = arith.constant 15 : i32
      %eq3A_3514 = vector.broadcast %eq3A_3513 : i32 to vector<16xi32>
      %eq3A_3515 = arith.cmpi eq, %iota3A, %eq3A_3514 : vector<16xi32>
      %broadcast_in_dim3A_3516 = vector.broadcast %reduce_min3A_3512 : i32 to vector<16xi32>
      %select_n3A_3517 = arith.select %eq3A_3515, %broadcast_in_dim3A_3516, %select_n3A_3301 : vector<16xi1>, vector<16xi32>
      %eq3A_3518 = vector.broadcast %reduce_min3A_3512 : i32 to vector<16xi32>
      %eq3A_3519 = arith.cmpi eq, %scan3A_159#7, %eq3A_3518 : vector<16xi32>
      %and3A_3520 = arith.andi %eq3A_3502, %eq3A_3519 : vector<16xi1>
      %jit3A_3521 = arith.constant 0x7F800000 : f32
      %broadcast_in_dim3A_3522 = vector.broadcast %jit3A_3521 : f32 to vector<16xf32>
      %select_n3A_3523 = arith.select %and3A_3520, %broadcast_in_dim3A_3522, %select_n3A_3307 : vector<16xi1>, vector<16xf32>
      %reduce_min3A_3524 = arith.constant true
      %reduce_min3A_3525 = vector.broadcast %reduce_min3A_3524 : i1 to vector<16xi1>
      %reduce_min3A_3526 = tpu.scan <min>, %select_n3A_3334 masked %reduce_min3A_3525 : vector<16xf32>, vector<16xi1> -> vector<16xf32>
      %reduce_min3A_3527 = vector.extract %reduce_min3A_3526[15] : f32 from vector<16xf32>
      %eq3A_3528 = vector.broadcast %reduce_min3A_3527 : f32 to vector<16xf32>
      %eq3A_3529 = arith.cmpf oeq, %select_n3A_3334, %eq3A_3528 : vector<16xf32>
      %broadcast_in_dim3A_3530 = vector.broadcast %scan3A : i32 to vector<16xi32>
      %select_n3A_3531 = arith.select %eq3A_3529, %scan3A_159#9, %broadcast_in_dim3A_3530 : vector<16xi1>, vector<16xi32>
      %reduce_min3A_3532 = arith.constant true
      %reduce_min3A_3533 = vector.broadcast %reduce_min3A_3532 : i1 to vector<16xi1>
      %reduce_min3A_3534 = arith.constant -2147483648 : i32
      %reduce_min3A_3535 = vector.broadcast %reduce_min3A_3534 : i32 to vector<16xi32>
      %reduce_min3A_3536 = arith.xori %select_n3A_3531, %reduce_min3A_3535 : vector<16xi32>
      %reduce_min3A_3537 = tpu.scan <min>, %reduce_min3A_3536 masked %reduce_min3A_3533 : vector<16xi32>, vector<16xi1> -> vector<16xi32>
      %reduce_min3A_3538 = arith.xori %reduce_min3A_3537, %reduce_min3A_3535 : vector<16xi32>
      %reduce_min3A_3539 = vector.extract %reduce_min3A_3538[15] : i32 from vector<16xi32>
      %eq3A_3540 = arith.constant 15 : i32
      %eq3A_3541 = vector.broadcast %eq3A_3540 : i32 to vector<16xi32>
      %eq3A_3542 = arith.cmpi eq, %iota3A, %eq3A_3541 : vector<16xi32>
      %broadcast_in_dim3A_3543 = vector.broadcast %reduce_min3A_3539 : i32 to vector<16xi32>
      %select_n3A_3544 = arith.select %eq3A_3542, %broadcast_in_dim3A_3543, %select_n3A_3328 : vector<16xi1>, vector<16xi32>
      %eq3A_3545 = vector.broadcast %reduce_min3A_3539 : i32 to vector<16xi32>
      %eq3A_3546 = arith.cmpi eq, %scan3A_159#9, %eq3A_3545 : vector<16xi32>
      %and3A_3547 = arith.andi %eq3A_3529, %eq3A_3546 : vector<16xi1>
      %jit3A_3548 = arith.constant 0x7F800000 : f32
      %broadcast_in_dim3A_3549 = vector.broadcast %jit3A_3548 : f32 to vector<16xf32>
      %select_n3A_3550 = arith.select %and3A_3547, %broadcast_in_dim3A_3549, %select_n3A_3334 : vector<16xi1>, vector<16xf32>
      %reduce_min3A_3551 = arith.constant true
      %reduce_min3A_3552 = vector.broadcast %reduce_min3A_3551 : i1 to vector<16xi1>
      %reduce_min3A_3553 = tpu.scan <min>, %select_n3A_3361 masked %reduce_min3A_3552 : vector<16xf32>, vector<16xi1> -> vector<16xf32>
      %reduce_min3A_3554 = vector.extract %reduce_min3A_3553[15] : f32 from vector<16xf32>
      %eq3A_3555 = vector.broadcast %reduce_min3A_3554 : f32 to vector<16xf32>
      %eq3A_3556 = arith.cmpf oeq, %select_n3A_3361, %eq3A_3555 : vector<16xf32>
      %broadcast_in_dim3A_3557 = vector.broadcast %scan3A : i32 to vector<16xi32>
      %select_n3A_3558 = arith.select %eq3A_3556, %scan3A_159#11, %broadcast_in_dim3A_3557 : vector<16xi1>, vector<16xi32>
      %reduce_min3A_3559 = arith.constant true
      %reduce_min3A_3560 = vector.broadcast %reduce_min3A_3559 : i1 to vector<16xi1>
      %reduce_min3A_3561 = arith.constant -2147483648 : i32
      %reduce_min3A_3562 = vector.broadcast %reduce_min3A_3561 : i32 to vector<16xi32>
      %reduce_min3A_3563 = arith.xori %select_n3A_3558, %reduce_min3A_3562 : vector<16xi32>
      %reduce_min3A_3564 = tpu.scan <min>, %reduce_min3A_3563 masked %reduce_min3A_3560 : vector<16xi32>, vector<16xi1> -> vector<16xi32>
      %reduce_min3A_3565 = arith.xori %reduce_min3A_3564, %reduce_min3A_3562 : vector<16xi32>
      %reduce_min3A_3566 = vector.extract %reduce_min3A_3565[15] : i32 from vector<16xi32>
      %eq3A_3567 = arith.constant 15 : i32
      %eq3A_3568 = vector.broadcast %eq3A_3567 : i32 to vector<16xi32>
      %eq3A_3569 = arith.cmpi eq, %iota3A, %eq3A_3568 : vector<16xi32>
      %broadcast_in_dim3A_3570 = vector.broadcast %reduce_min3A_3566 : i32 to vector<16xi32>
      %select_n3A_3571 = arith.select %eq3A_3569, %broadcast_in_dim3A_3570, %select_n3A_3355 : vector<16xi1>, vector<16xi32>
      %eq3A_3572 = vector.broadcast %reduce_min3A_3566 : i32 to vector<16xi32>
      %eq3A_3573 = arith.cmpi eq, %scan3A_159#11, %eq3A_3572 : vector<16xi32>
      %and3A_3574 = arith.andi %eq3A_3556, %eq3A_3573 : vector<16xi1>
      %jit3A_3575 = arith.constant 0x7F800000 : f32
      %broadcast_in_dim3A_3576 = vector.broadcast %jit3A_3575 : f32 to vector<16xf32>
      %select_n3A_3577 = arith.select %and3A_3574, %broadcast_in_dim3A_3576, %select_n3A_3361 : vector<16xi1>, vector<16xf32>
      %reduce_min3A_3578 = arith.constant true
      %reduce_min3A_3579 = vector.broadcast %reduce_min3A_3578 : i1 to vector<16xi1>
      %reduce_min3A_3580 = tpu.scan <min>, %select_n3A_3388 masked %reduce_min3A_3579 : vector<16xf32>, vector<16xi1> -> vector<16xf32>
      %reduce_min3A_3581 = vector.extract %reduce_min3A_3580[15] : f32 from vector<16xf32>
      %eq3A_3582 = vector.broadcast %reduce_min3A_3581 : f32 to vector<16xf32>
      %eq3A_3583 = arith.cmpf oeq, %select_n3A_3388, %eq3A_3582 : vector<16xf32>
      %broadcast_in_dim3A_3584 = vector.broadcast %scan3A : i32 to vector<16xi32>
      %select_n3A_3585 = arith.select %eq3A_3583, %scan3A_159#13, %broadcast_in_dim3A_3584 : vector<16xi1>, vector<16xi32>
      %reduce_min3A_3586 = arith.constant true
      %reduce_min3A_3587 = vector.broadcast %reduce_min3A_3586 : i1 to vector<16xi1>
      %reduce_min3A_3588 = arith.constant -2147483648 : i32
      %reduce_min3A_3589 = vector.broadcast %reduce_min3A_3588 : i32 to vector<16xi32>
      %reduce_min3A_3590 = arith.xori %select_n3A_3585, %reduce_min3A_3589 : vector<16xi32>
      %reduce_min3A_3591 = tpu.scan <min>, %reduce_min3A_3590 masked %reduce_min3A_3587 : vector<16xi32>, vector<16xi1> -> vector<16xi32>
      %reduce_min3A_3592 = arith.xori %reduce_min3A_3591, %reduce_min3A_3589 : vector<16xi32>
      %reduce_min3A_3593 = vector.extract %reduce_min3A_3592[15] : i32 from vector<16xi32>
      %eq3A_3594 = arith.constant 15 : i32
      %eq3A_3595 = vector.broadcast %eq3A_3594 : i32 to vector<16xi32>
      %eq3A_3596 = arith.cmpi eq, %iota3A, %eq3A_3595 : vector<16xi32>
      %broadcast_in_dim3A_3597 = vector.broadcast %reduce_min3A_3593 : i32 to vector<16xi32>
      %select_n3A_3598 = arith.select %eq3A_3596, %broadcast_in_dim3A_3597, %select_n3A_3382 : vector<16xi1>, vector<16xi32>
      %eq3A_3599 = vector.broadcast %reduce_min3A_3593 : i32 to vector<16xi32>
      %eq3A_3600 = arith.cmpi eq, %scan3A_159#13, %eq3A_3599 : vector<16xi32>
      %and3A_3601 = arith.andi %eq3A_3583, %eq3A_3600 : vector<16xi1>
      %jit3A_3602 = arith.constant 0x7F800000 : f32
      %broadcast_in_dim3A_3603 = vector.broadcast %jit3A_3602 : f32 to vector<16xf32>
      %select_n3A_3604 = arith.select %and3A_3601, %broadcast_in_dim3A_3603, %select_n3A_3388 : vector<16xi1>, vector<16xf32>
      %reduce_min3A_3605 = arith.constant true
      %reduce_min3A_3606 = vector.broadcast %reduce_min3A_3605 : i1 to vector<16xi1>
      %reduce_min3A_3607 = tpu.scan <min>, %select_n3A_3415 masked %reduce_min3A_3606 : vector<16xf32>, vector<16xi1> -> vector<16xf32>
      %reduce_min3A_3608 = vector.extract %reduce_min3A_3607[15] : f32 from vector<16xf32>
      %eq3A_3609 = vector.broadcast %reduce_min3A_3608 : f32 to vector<16xf32>
      %eq3A_3610 = arith.cmpf oeq, %select_n3A_3415, %eq3A_3609 : vector<16xf32>
      %broadcast_in_dim3A_3611 = vector.broadcast %scan3A : i32 to vector<16xi32>
      %select_n3A_3612 = arith.select %eq3A_3610, %scan3A_159#15, %broadcast_in_dim3A_3611 : vector<16xi1>, vector<16xi32>
      %reduce_min3A_3613 = arith.constant true
      %reduce_min3A_3614 = vector.broadcast %reduce_min3A_3613 : i1 to vector<16xi1>
      %reduce_min3A_3615 = arith.constant -2147483648 : i32
      %reduce_min3A_3616 = vector.broadcast %reduce_min3A_3615 : i32 to vector<16xi32>
      %reduce_min3A_3617 = arith.xori %select_n3A_3612, %reduce_min3A_3616 : vector<16xi32>
      %reduce_min3A_3618 = tpu.scan <min>, %reduce_min3A_3617 masked %reduce_min3A_3614 : vector<16xi32>, vector<16xi1> -> vector<16xi32>
      %reduce_min3A_3619 = arith.xori %reduce_min3A_3618, %reduce_min3A_3616 : vector<16xi32>
      %reduce_min3A_3620 = vector.extract %reduce_min3A_3619[15] : i32 from vector<16xi32>
      %eq3A_3621 = arith.constant 15 : i32
      %eq3A_3622 = vector.broadcast %eq3A_3621 : i32 to vector<16xi32>
      %eq3A_3623 = arith.cmpi eq, %iota3A, %eq3A_3622 : vector<16xi32>
      %broadcast_in_dim3A_3624 = vector.broadcast %reduce_min3A_3620 : i32 to vector<16xi32>
      %select_n3A_3625 = arith.select %eq3A_3623, %broadcast_in_dim3A_3624, %select_n3A_3409 : vector<16xi1>, vector<16xi32>
      %eq3A_3626 = vector.broadcast %reduce_min3A_3620 : i32 to vector<16xi32>
      %eq3A_3627 = arith.cmpi eq, %scan3A_159#15, %eq3A_3626 : vector<16xi32>
      %and3A_3628 = arith.andi %eq3A_3610, %eq3A_3627 : vector<16xi1>
      %jit3A_3629 = arith.constant 0x7F800000 : f32
      %broadcast_in_dim3A_3630 = vector.broadcast %jit3A_3629 : f32 to vector<16xf32>
      %select_n3A_3631 = arith.select %and3A_3628, %broadcast_in_dim3A_3630, %select_n3A_3415 : vector<16xi1>, vector<16xf32>
      %mul3A_3632 = arith.constant 8 : i32
      %mul3A_3633 = arith.muli %scan3A_58, %mul3A_3632 : i32
      %add3A_3634 = arith.constant 0 : i32
      %add3A_3635 = arith.addi %mul3A_3633, %add3A_3634 : i32
      %mul3A_3636 = arith.constant 16 : i32
      %mul3A_3637 = arith.muli %add3A_3635, %mul3A_3636 : i32
      %swap3A = arith.index_cast %mul3A_3637 : i32 to index
      %swap3A_3638 = tpu.vector_load %arg15[%swap3A] {strides = array<i32>} : memref<2048xi32, #tpu.memory_space<vmem>>, vector<16xi32>,
      tpu.vector_store %arg15[%swap3A], %select_n3A_3436 {strides = array<i32>} : memref<2048xi32, #tpu.memory_space<vmem>>, vector<16xi32>,
      %mul3A_3639 = arith.constant 8 : i32
      %mul3A_3640 = arith.muli %scan3A_58, %mul3A_3639 : i32
      %add3A_3641 = arith.constant 1 : i32
      %add3A_3642 = arith.addi %mul3A_3640, %add3A_3641 : i32
      %mul3A_3643 = arith.constant 16 : i32
      %mul3A_3644 = arith.muli %add3A_3642, %mul3A_3643 : i32
      %swap3A_3645 = arith.index_cast %mul3A_3644 : i32 to index
      %swap3A_3646 = tpu.vector_load %arg15[%swap3A_3645] {strides = array<i32>} : memref<2048xi32, #tpu.memory_space<vmem>>, vector<16xi32>,
      tpu.vector_store %arg15[%swap3A_3645], %select_n3A_3463 {strides = array<i32>} : memref<2048xi32, #tpu.memory_space<vmem>>, vector<16xi32>,
      %mul3A_3647 = arith.constant 8 : i32
      %mul3A_3648 = arith.muli %scan3A_58, %mul3A_3647 : i32
      %add3A_3649 = arith.constant 2 : i32
      %add3A_3650 = arith.addi %mul3A_3648, %add3A_3649 : i32
      %mul3A_3651 = arith.constant 16 : i32
      %mul3A_3652 = arith.muli %add3A_3650, %mul3A_3651 : i32
      %swap3A_3653 = arith.index_cast %mul3A_3652 : i32 to index
      %swap3A_3654 = tpu.vector_load %arg15[%swap3A_3653] {strides = array<i32>} : memref<2048xi32, #tpu.memory_space<vmem>>, vector<16xi32>,
      tpu.vector_store %arg15[%swap3A_3653], %select_n3A_3490 {strides = array<i32>} : memref<2048xi32, #tpu.memory_space<vmem>>, vector<16xi32>,
      %mul3A_3655 = arith.constant 8 : i32
      %mul3A_3656 = arith.muli %scan3A_58, %mul3A_3655 : i32
      %add3A_3657 = arith.constant 3 : i32
      %add3A_3658 = arith.addi %mul3A_3656, %add3A_3657 : i32
      %mul3A_3659 = arith.constant 16 : i32
      %mul3A_3660 = arith.muli %add3A_3658, %mul3A_3659 : i32
      %swap3A_3661 = arith.index_cast %mul3A_3660 : i32 to index
      %swap3A_3662 = tpu.vector_load %arg15[%swap3A_3661] {strides = array<i32>} : memref<2048xi32, #tpu.memory_space<vmem>>, vector<16xi32>,
      tpu.vector_store %arg15[%swap3A_3661], %select_n3A_3517 {strides = array<i32>} : memref<2048xi32, #tpu.memory_space<vmem>>, vector<16xi32>,
      %mul3A_3663 = arith.constant 8 : i32
      %mul3A_3664 = arith.muli %scan3A_58, %mul3A_3663 : i32
      %add3A_3665 = arith.constant 4 : i32
      %add3A_3666 = arith.addi %mul3A_3664, %add3A_3665 : i32
      %mul3A_3667 = arith.constant 16 : i32
      %mul3A_3668 = arith.muli %add3A_3666, %mul3A_3667 : i32
      %swap3A_3669 = arith.index_cast %mul3A_3668 : i32 to index
      %swap3A_3670 = tpu.vector_load %arg15[%swap3A_3669] {strides = array<i32>} : memref<2048xi32, #tpu.memory_space<vmem>>, vector<16xi32>,
      tpu.vector_store %arg15[%swap3A_3669], %select_n3A_3544 {strides = array<i32>} : memref<2048xi32, #tpu.memory_space<vmem>>, vector<16xi32>,
      %mul3A_3671 = arith.constant 8 : i32
      %mul3A_3672 = arith.muli %scan3A_58, %mul3A_3671 : i32
      %add3A_3673 = arith.constant 5 : i32
      %add3A_3674 = arith.addi %mul3A_3672, %add3A_3673 : i32
      %mul3A_3675 = arith.constant 16 : i32
      %mul3A_3676 = arith.muli %add3A_3674, %mul3A_3675 : i32
      %swap3A_3677 = arith.index_cast %mul3A_3676 : i32 to index
      %swap3A_3678 = tpu.vector_load %arg15[%swap3A_3677] {strides = array<i32>} : memref<2048xi32, #tpu.memory_space<vmem>>, vector<16xi32>,
      tpu.vector_store %arg15[%swap3A_3677], %select_n3A_3571 {strides = array<i32>} : memref<2048xi32, #tpu.memory_space<vmem>>, vector<16xi32>,
      %mul3A_3679 = arith.constant 8 : i32
      %mul3A_3680 = arith.muli %scan3A_58, %mul3A_3679 : i32
      %add3A_3681 = arith.constant 6 : i32
      %add3A_3682 = arith.addi %mul3A_3680, %add3A_3681 : i32
      %mul3A_3683 = arith.constant 16 : i32
      %mul3A_3684 = arith.muli %add3A_3682, %mul3A_3683 : i32
      %swap3A_3685 = arith.index_cast %mul3A_3684 : i32 to index
      %swap3A_3686 = tpu.vector_load %arg15[%swap3A_3685] {strides = array<i32>} : memref<2048xi32, #tpu.memory_space<vmem>>, vector<16xi32>,
      tpu.vector_store %arg15[%swap3A_3685], %select_n3A_3598 {strides = array<i32>} : memref<2048xi32, #tpu.memory_space<vmem>>, vector<16xi32>,
      %mul3A_3687 = arith.constant 8 : i32
      %mul3A_3688 = arith.muli %scan3A_58, %mul3A_3687 : i32
      %add3A_3689 = arith.constant 7 : i32
      %add3A_3690 = arith.addi %mul3A_3688, %add3A_3689 : i32
      %mul3A_3691 = arith.constant 16 : i32
      %mul3A_3692 = arith.muli %add3A_3690, %mul3A_3691 : i32
      %swap3A_3693 = arith.index_cast %mul3A_3692 : i32 to index
      %swap3A_3694 = tpu.vector_load %arg15[%swap3A_3693] {strides = array<i32>} : memref<2048xi32, #tpu.memory_space<vmem>>, vector<16xi32>,
      tpu.vector_store %arg15[%swap3A_3693], %select_n3A_3625 {strides = array<i32>} : memref<2048xi32, #tpu.memory_space<vmem>>, vector<16xi32>,
      %scan3A_3695 = arith.constant 0 : i32
      scf.yield %scan3A_3695 : i32
    }
    %scan3A_55 = arith.constant 16 : i32
    %mul3A_56 = arith.constant 16 : i32
    %mul3A_57 = arith.muli %add3A_35, %mul3A_56 : i32
    "tpu.region"() ({
      %run_scoped3A = tpu.sem_alloc : memref<!tpu.dma_semaphore, #tpu.memory_space<semaphore_mem>>
      %dma_start3A = tpu.memref_slice %arg8[%mul3A_57] : memref<65536xi32, #tpu.memory_space<hbm>> -> memref<2048xi32, #tpu.memory_space<hbm>>
      %dma_start3A_58 = tpu.memref_slice %arg8[%mul3A_57] : memref<65536xi32, #tpu.memory_space<hbm>> -> memref<2048xi32, #tpu.memory_space<hbm>>
      tpu.enqueue_dma source(%arg15 : memref<2048xi32, #tpu.memory_space<vmem>>) target(%dma_start3A_58 : memref<2048xi32, #tpu.memory_space<hbm>>) target_semaphore(%run_scoped3A : memref<!tpu.dma_semaphore, #tpu.memory_space<semaphore_mem>>)
      %dma_wait3A = tpu.memref_slice %arg8[%mul3A_57] : memref<65536xi32, #tpu.memory_space<hbm>> -> memref<2048xi32, #tpu.memory_space<hbm>>
      %dma_wait3A_59 = tpu.memref_slice %arg8[%mul3A_57] : memref<65536xi32, #tpu.memory_space<hbm>> -> memref<2048xi32, #tpu.memory_space<hbm>>
      tpu.wait_dma2 semaphore(%run_scoped3A : memref<!tpu.dma_semaphore, #tpu.memory_space<semaphore_mem>>) src(%arg15 : memref<2048xi32, #tpu.memory_space<vmem>>) dst(%dma_wait3A_59 : memref<2048xi32, #tpu.memory_space<hbm>>)
      tpu.yield
    }) : () -> ()
    return
  }
}

</mosaic_0001>

<sc_bundles>
// kernel: kernel.3.cloned.1.call-start
scs
__scs_entry_jumppad:
0x0: {  	(pc) =	sbr.rel $0x88, $3  }
0x1: {  	(tag) =	ssettag $0x0;
	lr =	simm.s32 $0x1  }
0x2: {  	[smem:$0x3FA0] =	sst lr;
	_ =	strace $0xD0000000  }
0x3: {  	_ = 	snop  }
0x4: {  	_ = 	snop  }
0x5: {  	_ = 	snop  }
0x6: {  	_ = 	snop  }
0x7: {  	_ = 	snop  }
__scs_overlays_trampoline_lowered:
0x8: {  	[smem:$0x3FAF] =	sst s0  }
0x9: {  	[smem:$0x3FB0] =	sst s1  }
0xa: {  	[smem:$0x3FB1] =	sst s2  }
0xb: {  	[smem:$0x3FB2] =	sst s3  }
0xc: {  	[smem:$0x3FB3] =	sst s4  }
0xd: {  	[smem:$0x3FB4] =	sst s5  }
0xe: {  	[smem:$0x3FB5] =	sst s6  }
0xf: {  	[smem:$0x3FB6] =	sst s7  }
0x10: {  	[smem:$0x3FB7] =	sst s8  }
0x11: {  	[smem:$0x3FB8] =	sst s9;
	s0 =	simm.s32 @!p0 $0x0  }
0x12: {  	s1 =	sld [smem:$0x3F9E];
	s0 =	simm.s32 @p0 $0x1  }
0x13: {  	[smem:$0x3FB9] =	sst s0;
	s0 =	simm.s32 @!p1 $0x0  }
0x14: {  	s2 =	sld [smem:$0x3F9D];
	s0 =	simm.s32 @p1 $0x1  }
0x15: {  	[smem:$0x3FBA] =	sst s0;
	s0 =	simm.s32 @!p2 $0x0  }
0x16: {  	s3 =	sld [smem:$0x3FDB];
	s0 =	simm.s32 @p2 $0x1  }
0x17: {  	s4 =	simm.s32 $0x1BF5;
	[smem:$0x3FBC] =	sst s0  }
0x18: {  	s0 =	sld [smem:$0x3F9F];
	_ =	swait.ge [sflag:s4], $0x0  }
0x19: {  	s7 =	sld [smem:$0x3FA0]  }
0x1a: {  	s8 =	sadd.s32 $0xFFFFE003, lr  }
0x1b: {  	s9 =	sadd.s32 $0xFFFFFEF7, lr;
	s5 =	simm.s32 $0xFFFFFFFF;
	p2 =	slt.u32 s8, $0xFFFFF086  }
0x1c: {  	p1 =	slt.u32 s9, $0xF7A;
	s5 =	simm.s32 @!p2 $0x0  }
0x1d: {  	s5 =	simm.s32 @p1 $0x1;
	p0 =	seq.s32 s7, s2  }
0x1e: {  	s7 =	smul.u32 @!p0 $0xF7A, s2;
	p2 =	seq.s32 @!p0 s5, $0x0  }
0x1f: {  	s9 =	smul.u32 $0xF7A, s1;
	s8 =	simm.s32 @!p0 $0x1BF5;
	p2 =	por !p2, p0  }
0x20: {  	[sflag:s8] =	ssyncset.s32 @!p0 $0xFFFFF086;
	s6 =	sadd.s32 @!p0 s3, s7;
	s7 =	simm.s32 @!p0 $0x108  }
0x21: {  	s3 =	sadd.s32 s3, s9;
	s6 =	sadd.s32 @!p0 $0x88, s6;
	s7 =	simm.s32 @p2 $0x1082  }
0x22: {  	[simem:s7], [sflag:s8] =	dma.local @!p0 [hbm:s6], $0xF7A  }
0x23: {  	s9 =	sor.u32 $0xD0000000, s2;
	s6 =	simm.s32 $0x108;
	_ =	swait.ge @!p0 [sflag:s8], $0x0  }
0x24: {  	s3 =	sadd.s32 $0x88, s3;
	s6 =	simm.s32 @!p1 $0x1082;
	[sflag:s4] =	ssyncset.s32 $0xFFFFF086  }
0x25: {  	[simem:s6], [sflag:s4] =	dma.local [hbm:s3], $0xF7A  }
0x26: {  	[smem:$0x3FA0] =	sst s1;
	(tag) =	ssettag s2;
	_ =	strace s9  }
0x27: {  	s1 =	sld [smem:$0x3FB0]  }
0x28: {  	s2 =	sld [smem:$0x3FB1]  }
0x29: {  	s4 =	sld [smem:$0x3FB3]  }
0x2a: {  	p0 =	seq.s32 s5, $0x0;
	s5 =	sld [smem:$0x3FB4]  }
0x2b: {  	s6 =	sld [smem:$0x3FB5]  }
0x2c: {  	s7 =	sld [smem:$0x3FB6]  }
0x2d: {  	s3 =	simm.s32 $0x108;
	s8 =	sld [smem:$0x3FB7]  }
0x2e: {  	s3 =	simm.s32 @!p0 $0x1082;
	s9 =	sld [smem:$0x3FB8]  }
0x2f: {  	lr =	sadd.s32 s0, s3;
	s0 =	sld [smem:$0x3FAF]  }
0x30: {  	s3 =	sld [smem:$0x3FB2]  }
0x31: {  	[smem:$0x3FBB] =	sst s10  }
0x32: {  	s10 =	sld [smem:$0x3FB9];
	_ =	sdelay $0x3  }
0x33: {  	p0 =	seq.s32 s10, $0x1;
	s10 =	sld [smem:$0x3FBB];
	_ =	sdelay $0x3  }
0x34: {  	[smem:$0x3FBB] =	sst s10  }
0x35: {  	s10 =	sld [smem:$0x3FBA];
	_ =	sdelay $0x3  }
0x36: {  	p1 =	seq.s32 s10, $0x1;
	s10 =	sld [smem:$0x3FBB];
	_ =	sdelay $0x3  }
0x37: {  	[smem:$0x3FBB] =	sst s10  }
0x38: {  	s10 =	sld [smem:$0x3FBC]  }
0x39: {  	_ = 	snop;
	(pc) =	sbr.ind lr, $3  }
0x3a: {  	_ = 	snop  }
0x3b: {  	_ = 	snop  }
0x3c: {  	p2 =	seq.s32 s10, $0x1;
	s10 =	sld [smem:$0x3FBB]  }
0x3d: {  	_ =	shalt  }
0x3e: {  	_ =	shalt  }
0x3f: {  	_ =	shalt  }
0x40: {  	_ =	shalt  }
0x41: {  	_ =	shalt  }
0x42: {  	_ =	shalt  }
0x43: {  	_ =	shalt  }
0x44: {  	_ =	shalt  }
0x45: {  	_ =	shalt  }
0x46: {  	_ =	shalt  }
0x47: {  	_ =	shalt  }
0x48: {  	_ =	shalt  }
0x49: {  	_ =	shalt  }
0x4a: {  	_ =	shalt  }
0x4b: {  	_ =	shalt  }
0x4c: {  	_ =	shalt  }
0x4d: {  	_ =	shalt  }
0x4e: {  	_ =	shalt  }
0x4f: {  	_ =	shalt  }
0x50: {  	_ =	shalt  }
0x51: {  	_ =	shalt  }
0x52: {  	_ =	shalt  }
0x53: {  	_ =	shalt  }
0x54: {  	_ =	shalt  }
0x55: {  	_ =	shalt  }
0x56: {  	_ =	shalt  }
0x57: {  	_ =	shalt  }
0x58: {  	_ =	shalt  }
0x59: {  	_ =	shalt  }
0x5a: {  	_ =	shalt  }
0x5b: {  	_ =	shalt  }
0x5c: {  	_ =	shalt  }
0x5d: {  	_ =	shalt  }
0x5e: {  	_ =	shalt  }
0x5f: {  	_ =	shalt  }
0x60: {  	_ =	shalt  }
0x61: {  	_ =	shalt  }
0x62: {  	_ =	shalt  }
0x63: {  	_ =	shalt  }
0x64: {  	_ =	shalt  }
0x65: {  	_ =	shalt  }
0x66: {  	_ =	shalt  }
0x67: {  	_ =	shalt  }
0x68: {  	_ =	shalt  }
0x69: {  	_ =	shalt  }
0x6a: {  	_ =	shalt  }
0x6b: {  	_ =	shalt  }
0x6c: {  	_ =	shalt  }
0x6d: {  	_ =	shalt  }
0x6e: {  	_ =	shalt  }
0x6f: {  	_ =	shalt  }
0x70: {  	_ =	shalt  }
0x71: {  	_ =	shalt  }
0x72: {  	_ =	shalt  }
0x73: {  	_ =	shalt  }
0x74: {  	_ =	shalt  }
0x75: {  	_ =	shalt  }
0x76: {  	_ =	shalt  }
0x77: {  	_ =	shalt  }
0x78: {  	_ =	shalt  }
0x79: {  	_ =	shalt  }
0x7a: {  	_ =	shalt  }
0x7b: {  	_ =	shalt  }
0x7c: {  	_ =	shalt  }
0x7d: {  	_ =	shalt  }
0x7e: {  	_ =	shalt  }
0x7f: {  	_ =	shalt  }
0x80: {  	_ =	shalt  }
0x81: {  	_ =	shalt  }
0x82: {  	_ =	shalt  }
0x83: {  	_ =	shalt  }
0x84: {  	_ =	shalt  }
0x85: {  	_ =	shalt  }
0x86: {  	_ =	shalt  }
0x87: {  	_ =	shalt  }
.Lfunc_end0:
.L_simem_size_0:
called_computation_lowered:
.L_overlay_start_0:
0x88: {  	s2 =	sld [smem:$0x3FD9]  }
0x89: {  	s3 =	sld [smem:$0x3FFE];
	_ =	sdelay $0x1  }
0x8a: {  	s1 =	srdreg.scid  }
0x8b: {  	s0 =	sand.u32 $0x1, s1  }
0x8c: {  	s14 =	sshll.u32 s0, $0xA;
	s2 =	sadd.s32 s3, s2  }
0x8d: {  	s2 =	sadd.s32 s2, s14  }
0x8e: {  	[smem:$0x3FC7] =	sst s2  }
0x8f: {  	_ = 	snop  }
0x90: {  	s2 =	sld [smem:$0x3FD0];
	_ =	sdelay $0x2  }
0x91: {  	s15 =	simm.s32 $0xA;
	s4 =	simm.s32 $0x10  }
0x92: {  	[smem:s4], [sflag:s15] =	dma.local [hbm:s2], $0x1  }
0x93: {  	_ =	swait.eq [sflag:s15], $0x1  }
0x94: {  	[sflag:s15] =	ssyncset.done $0x0  }
0x95: {  	[sflag:s15] =	ssyncadd.s32 $0xFFFFFFFF  }
0x96: {  	s16 =	sld [smem:$0x10];
	(tm) =	ssettm $0x1  }
0x97: {  	s17 =	sld [smem:$0x3FFB];
	_ =	sdelay $0x3  }
0x98: {  	_ =	strace s17  }
0x99: {  	s3 =	sld [smem:$0x3FFC];
	_ =	sdelay $0x3  }
0x9a: {  	_ =	strace s3  }
0x9b: {  	s3 =	sld [smem:$0x3FFD];
	_ =	sdelay $0x3  }
0x9c: {  	_ =	strace s3  }
0x9d: {  	_ =	strace $0x8FFFFFFF  }
0x9e: {  	s18 =	sld [smem:$0x3FDB];
	_ =	sdelay $0x1  }
0x9f: {  	s19 =	simm.s32 $_scs_section_size  }
0xa0: {  	s5 =	simm.s32 $_size__tile_overlayer_lowered;
	s6 =	simm.s32 $_tile_overlayer_lowered  }
0xa1: {  	s22 =	simm.s32 $0x1BFF;
	s21 =	sshll.u32 s6, $0x1;
	s3 =	sadd.s32 s19, s18  }
0xa2: {  	s7 =	simm.s32 $0x0;
	s20 =	sshll.u32 s5, $0x1;
	s5 =	sadd.s32 s21, s3  }
0xa3: {  	[timem:s7], [sflag:s22] =	dma.local [hbm:s5], s20  }
0xa4: {  	_ =	swait.ge [sflag:s22], s20  }
0xa5: {  	s4 =	ssub.s32 $0x0, s20;
	[sflag:s22] =	ssyncset.done $0x0  }
0xa6: {  	[sflag:s22] =	ssyncadd.s32 s4;
	_ =	sdelay $0x1  }
0xa7: {  	s23 =	simm.s32 $0x1B8B  }
0xa8: {  	_ =	swait.ge [sflag:s23], $0x1  }
0xa9: {  	[sflag:s23] =	ssyncset.done $0x0  }
0xaa: {  	s25 =	simm.s32 $0x1B8E;
	s24 =	sld [smem:$0x3FFE];
	[sflag:s23] =	ssyncadd.s32 $0xFFFFFFFF  }
0xab: {  	s26 =	simm.s32 $execute0_lowered;
	[smem:$0x3FD2] =	sst s25  }
0xac: {  	s5 =	sshll.u32 s26, $0x1;
	_ =	strace $0x80000046;
	[dreg:$0x1] =	wrdreg $0xFFFFFFFF  }
0xad: {  	s28 =	simm.s32 $_size_execute0_lowered;
	s3 =	sadd.s32 s3, s5;
	[dreg:$0x0] =	wrdreg $0x0  }
0xae: {  	s5 =	sshll.u32 s28, $0x1;
	[dreg:$0x2] =	wrdreg s3  }
0xaf: {  	[dreg:$0x3] =	wrdreg s5  }
0xb0: {  	[dreg:$0x4] =	wrdreg $0xC0  }
0xb1: {  	_ =	task [dreg:s7], $0x5FFFF  }
0xb2: {  	[dreg:$0x1] =	wrdreg $0xFFFFFFFF  }
0xb3: {  	[dreg:$0x0] =	wrdreg $0x60  }
0xb4: {  	[dreg:$0x2] =	wrdreg s24  }
0xb5: {  	[dreg:$0x3] =	wrdreg s16  }
0xb6: {  	[dreg:$0x4] =	wrdreg $0x9  }
0xb7: {  	_ =	task.clear_ibuf [dreg:s7], $0x5FFFF;
	_ =	strace $0x90000046  }
0xb8: {  	s29 =	simm.s32 $0x9;
	_ =	strace $0x80000048  }
0xb9: {  	_ =	swait.ge [sflag:s29], $0x1  }
0xba: {  	[sflag:s29] =	ssyncadd.s32 $0xFFFFFFFF  }
0xbb: {  	_ =	strace $0x90000048  }
0xbc: {  	_ =	sfence  }
0xbd: {  	s30 =	sld [smem:$0x0];
	_ =	sdelay $0x2  }
0xbe: {  	s31 =	sshll.u32 s1, $0xD;
	s1 =	sshrl.u32 s1, $0x2  }
0xbf: {  	s3 =	sand.u32 $0x4000, s31;
	s1 =	sadd.s32 s1, s30  }
0xc0: {  	s0 =	sor.u32 s3, s0;
	s1 =	sshll.u32 s1, $0x11  }
0xc1: {  	s0 =	sor.u32 s1, s0  }
0xc2: {  	s0 =	sadd.s32 $0x8F2B, s0  }
0xc3: {  	[sflag:s0] =	ssyncadd.remote.s32 $0x1  }
0xc4: {  	_ =	sfence.sel $0xFFFF  }
0xc5: {  	[dreg:$0x0] =	wrdreg $0xFFFFFFFF;
	(pc) =	sbr.abs _section_cstart, $3  }
0xc6: {  	[dreg:$0x1] =	wrdreg $0xFFFFFFFF  }
0xc7: {  	_ =	task.clear_ibuf [dreg:s7], $0x2FFFF;
	_ =	strace $0x9FFFFFFF  }
0xc8: {  	(tm) =	ssettm $0x7FFFFFFF  }
0xc9: {  	_ =	shalt  }
tec
execute0_lowered:
.L_overlay_start_1:
0x0: {  	(tag) =	ssettag $0x1  }
0x1: {  	s0 =	rddreg [dreg:$0x0]  }
0x2: {  	s1 =	rddreg [dreg:$0x1];
	s6 =	simm.s32 $0x0;
	s4 =	stileid.u32  }
0x3: {  	s2 =	srdreg.scid;
	vm0 =	vmmov $0x7;
	v1 =	vimm.s32 $0x0;
	[smem:$0x7FF] =	sst s6  }
0x4: {  	s3 =	sshll.u32 s4, $0x1;
	s4 =	sshrl.u32 s4, $0x2;
	s2 =	sand.u32 $0x1, s2;
	v1 =	vsel vm0, $0xFFFFFFFF, v1  }
0x5: {  	vm11 =	vmmov $0xf;
	s3 =	sand.u32 $0x6, s3;
	_ =	strace $0x80000047;
	s5 =	sshll.u32 s4, $0xA;
	[tilespmem:$0x1FFA0] =	vst v1;
	v1 =	vimm.s32 $0x0  }
0x6: {  	s4 =	sshll.u32 s4, $0xB;
	s3 =	sor.u32 s2, s3;
	s5 =	sadd.s32 s5, s0;
	v1 =	vsel vm11, $0xFFFFFFFF, v1  }
0x7: {  	vm12 =	vmmov $0x1f;
	s2 =	ssub.s32 $0x2, s2;
	s3 =	sshll.u32 s3, $0x8;
	s25 =	sadd.s32 $0x5A00, s5;
	[tilespmem:$0x1FFB0] =	vst v1;
	v1 =	vimm.s32 $0x0  }
0x8: {  	s24 =	sshrl.u32 s2, $0x1;
	s26 =	sadd.s32 $0x6A00, s5;
	[dreg:$0x3] =	wrdreg s25;
	v1 =	vsel vm12, $0xFFFFFFFF, v1  }
0x9: {  	vm13 =	vmmov $0x3f;
	s28 =	sadd.s32 $0x4A00, s5;
	s3 =	sor.u32 s4, s3;
	[dreg:$0x4] =	wrdreg s26;
	[tilespmem:$0x1FFC0] =	vst v1;
	v1 =	vimm.s32 $0x0  }
0xa: {  	s2 =	ssub.s32 s2, s24;
	[dreg:$0x5] =	wrdreg s28;
	s1 =	sadd.s32 s1, s3;
	v1 =	vsel vm13, $0xFFFFFFFF, v1  }
0xb: {  	vm14 =	vmmov $0x7f;
	s0 =	sadd.s32 s3, s0;
	s31 =	smax.u32 s2, $0x1;
	[dreg:$0x6] =	wrdreg s1;
	[tilespmem:$0x1FFD0] =	vst v1;
	v1 =	vimm.s32 $0x0  }
0xc: {  	s29 =	sadd.s32 $0xA00, s0;
	[dreg:$0xa] =	wrdreg s31;
	v1 =	vsel vm14, $0xFFFFFFFF, v1  }
0xd: {  	vm15 =	vmmov $0xff;
	s30 =	sadd.s32 $0x2A00, s0;
	[dreg:$0x7] =	wrdreg s29;
	[tilespmem:$0x1FFE0] =	vst v1;
	v1 =	vimm.s32 $0x0  }
0xe: {  	s0 =	sadd.s32 $0x7A00, s0;
	[dreg:$0x8] =	wrdreg s30;
	v1 =	vsel vm15, $0xFFFFFFFF, v1  }
0xf: {  	v0 =	vlaneseq.u32;
	vm7 =	vmmov $0x1ff;
	s2 =	simm.s32 $0x0;
	s1 =	simm.s32 $0x1;
	[dreg:$0x9] =	wrdreg s0;
	[tilespmem:$0x1FFF0] =	vst v1  }
.LBB2_1:
0x10: {  	[dreg:$0xb] =	wrdreg s2  }
0x11: {  	s0 =	rddreg [dreg:$0x3]  }
0x12: {  	[tilespmem:s6], [sflag:$0x1] =	stream.linear.gather [hbm4b:s0+s6], $0x2000, $0x38;
	[tilespmem:$0x8000] =	vst v63  }
0x13: {  	_ =	swait.ge [sflag:s1], $0x2000  }
0x14: {  	[sflag:s1] =	ssyncset.done $0x0  }
0x15: {  	s22 =	simm.s32 $0x2000;
	s21 =	rddreg [dreg:$0x4];
	[sflag:s1] =	ssyncadd.s32 $0xFFFFE000  }
0x16: {  	[tilespmem:s22], [sflag:$0x1] =	stream.linear.gather [hbm4b:s21+s6], $0x2000, $0x38;
	[tilespmem:$0x8000] =	vst v63  }
0x17: {  	_ =	swait.ge [sflag:s1], $0x2000  }
0x18: {  	[sflag:s1] =	ssyncset.done $0x0  }
0x19: {  	s24 =	simm.s32 $0x4000;
	s23 =	rddreg [dreg:$0x5];
	[sflag:s1] =	ssyncadd.s32 $0xFFFFE000  }
0x1a: {  	[tilespmem:s24], [sflag:$0x1] =	stream.linear.gather [hbm4b:s23+s6], $0x2000, $0x38;
	[tilespmem:$0x8000] =	vst v63  }
0x1b: {  	_ =	swait.ge [sflag:s1], $0x2000  }
0x1c: {  	[sflag:s1] =	ssyncset.done $0x0  }
0x1d: {  	s26 =	simm.s32 $0x6000;
	s25 =	rddreg [dreg:$0x6];
	[sflag:s1] =	ssyncadd.s32 $0xFFFFE000  }
0x1e: {  	[tilespmem:s26], [sflag:$0x1] =	stream.linear.gather [hbm4b:s25+s6], $0x800, $0x38;
	[tilespmem:$0x8000] =	vst v63  }
0x1f: {  	_ =	swait.ge [sflag:s1], $0x800  }
0x20: {  	[sflag:s1] =	ssyncset.done $0x0  }
0x21: {  	s29 =	simm.s32 $0x6800;
	s28 =	rddreg [dreg:$0x7];
	[sflag:s1] =	ssyncadd.s32 $0xFFFFF800  }
0x22: {  	[tilespmem:s29], [sflag:$0x1] =	stream.linear.gather [hbm4b:s28+s6], $0x800, $0x38;
	[tilespmem:$0x8000] =	vst v63  }
0x23: {  	_ =	swait.ge [sflag:s1], $0x800  }
0x24: {  	[sflag:s1] =	ssyncset.done $0x0  }
0x25: {  	s31 =	simm.s32 $0x7000;
	s30 =	rddreg [dreg:$0x8];
	[sflag:s1] =	ssyncadd.s32 $0xFFFFF800  }
0x26: {  	[tilespmem:s31], [sflag:$0x1] =	stream.linear.gather [hbm4b:s30+s6], $0x800, $0x38;
	[tilespmem:$0x8000] =	vst v63  }
0x27: {  	_ =	swait.ge [sflag:s1], $0x800  }
0x28: {  	[sflag:s1] =	ssyncset.done $0x0  }
0x29: {  	[sflag:s1] =	ssyncadd.s32 $0xFFFFF800;
	s1 =	simm.s32 $0x0  }
.LBB2_2:
0x2a: {  	s31 =	sshll.u32 s1, $0x7  }
0x2b: {  	v1 =	vld [tilespmem:s31+$0x6000]  }
0x2c: {  	v2 =	vld [tilespmem:s31+$0x6800]  }
0x2d: {  	v3 =	vld [tilespmem:s31+$0x7000]  }
0x2e: {  	v4 =	vld [tilespmem:s31+$0x6010]  }
0x2f: {  	v5 =	vld [tilespmem:s31+$0x6810]  }
0x30: {  	v6 =	vld [tilespmem:s31+$0x6020]  }
0x31: {  	v7 =	vld [tilespmem:s31+$0x6820]  }
0x32: {  	v9 =	vld [tilespmem:s31+$0x6030]  }
0x33: {  	s0 =	simm.s32 $0x0;
	v10 =	vld [tilespmem:s31+$0x6840]  }
0x34: {  	s22 =	simm.s32 $0x2000;
	v25 =	vld [tilespmem:s0+$0x0]  }
0x35: {  	v18 =	vld [tilespmem:s22+$0x0]  }
0x36: {  	v13 =	vld [tilespmem:s31+$0x6050]  }
0x37: {  	s23 =	simm.s32 $0x4000;
	v15 =	vld [tilespmem:s31+$0x6860]  }
0x38: {  	v26 =	vld [tilespmem:s23+$0x0]  }
0x39: {  	v47 =	vld [tilespmem:s31+$0x6830]  }
0x3a: {  	v49 =	vld [tilespmem:s31+$0x6040];
	v16 =	vsub.f32 v1, v25;
	v21 =	vsub.f32 v4, v25  }
0x3b: {  	v14 =	vld [tilespmem:s31+$0x7050];
	v17 =	vsub.f32 v2, v18;
	v23 =	vsub.f32 v9, v25  }
0x3c: {  	v52 =	vld [tilespmem:s31+$0x7060];
	v19 =	vsub.f32 v7, v18;
	v24 =	vsub.f32 v15, v18  }
0x3d: {  	v8 =	vld [tilespmem:s31+$0x7020];
	v27 =	vsub.f32 v10, v18;
	v28 =	vsub.f32 v13, v25  }
0x3e: {  	v55 =	vld [tilespmem:s31+$0x7040];
	v29 =	vsub.f32 v3, v26;
	v33 =	vsub.f32 v5, v18  }
0x3f: {  	v54 =	vld [tilespmem:s31+$0x7030];
	v43 =	vor.u32 s0, v0;
	v35 =	vsub.f32 v6, v25;
	v36 =	vsub.f32 v47, v18  }
0x40: {  	v48 =	vld [tilespmem:s31+$0x6850];
	v38 =	vsub.f32 v14, v26;
	v39 =	vsub.f32 v49, v25;
	v20 =	vmul.f32 v16, v16  }
0x41: {  	v11 =	vld [tilespmem:s31+$0x6870];
	v41 =	vsub.f32 v52, v26;
	v22 =	vmul.f32 v17, v17;
	v30 =	vmul.f32 v19, v19  }
0x42: {  	v50 =	vsub.f32 v8, v26;
	v32 =	vmul.f32 v24, v24;
	v27 =	vmul.f32 v27, v27  }
0x43: {  	v45 =	vsub.f32 v55, v26;
	v34 =	vmul.f32 v21, v21;
	v29 =	vmul.f32 v29, v29  }
0x44: {  	v46 =	vsub.f32 v54, v26;
	v37 =	vmul.f32 v23, v23;
	v33 =	vmul.f32 v33, v33  }
0x45: {  	v24 =	vsub.f32 v48, v18;
	v36 =	vmul.f32 v36, v36;
	v39 =	vmul.f32 v39, v39  }
0x46: {  	v17 =	vld [tilespmem:s31+$0x6060];
	v18 =	vsub.f32 v11, v18;
	v38 =	vmul.f32 v38, v38;
	v28 =	vmul.f32 v28, v28  }
0x47: {  	v60 =	vld [tilespmem:s31+$0x6070];
	v53 =	vmul.f32 v45, v45;
	v35 =	vmul.f32 v35, v35;
	v31 =	vadd.f32 v22, v20  }
0x48: {  	v57 =	vmul.f32 v46, v46;
	v22 =	vld [tilespmem:s31+$0x7010];
	v36 =	vadd.f32 v36, v37;
	v27 =	vadd.f32 v27, v39  }
0x49: {  	v12 =	vld [tilespmem:s31+$0x7070];
	v33 =	vadd.f32 v33, v34;
	v37 =	vmul.f32 v50, v50;
	v30 =	vadd.f32 v30, v35  }
0x4a: {  	[dreg:$0xc] =	wrdreg s1;
	s1 =	simm.s32 $0x2010;
	v40 =	vmul.f32 v24, v24;
	v27 =	vadd.f32 v53, v27;
	v36 =	vadd.f32 v57, v36  }
0x4b: {  	v61 =	vld [tilespmem:s1+$0x0];
	v56 =	vmul.f32 v41, v41;
	v30 =	vadd.f32 v37, v30;
	v44 =	vsub.f32 v17, v25  }
0x4c: {  	v42 =	vmul.f32 v18, v18;
	v28 =	vadd.f32 v40, v28;
	v25 =	vsub.f32 v60, v25  }
0x4d: {  	s0 =	simm.s32 $0x10;
	(xrf1) =	vsort.ascd.msk.f32 $0xffff, v27, v43;
	v51 =	vmul.f32 v44, v44;
	v58 =	vsub.f32 v22, v26  }
0x4e: {  	v26 =	vsub.f32 v12, v26;
	v25 =	vmul.f32 v25, v25;
	(xrf1) =	vsort.ascd.msk.f32 $0xffff, v36, v43;
	v36 =	vld [tilespmem:s0+$0x0]  }
0x4f: {  	v31 =	vadd.f32 v29, v31;
	v27 =	vadd.f32 v32, v51;
	v59 =	vmul.f32 v58, v58  }
0x50: {  	v29 =	vsub.f32 v7, v61;
	v25 =	vadd.f32 v42, v25;
	v26 =	vmul.f32 v26, v26  }
0x51: {  	v27 =	vadd.f32 v56, v27;
	v32 =	vadd.f32 v59, v33  }
0x52: {  	[tilespmem:$0x1FF00] =	vst v12;
	v33 =	vadd.f32 v26, v25;
	v26 =	vadd.f32 v38, v28  }
0x53: {  	s2 =	simm.s32 $0x4010;
	[tilespmem:$0x1FF10] =	vst v1;
	v28 =	vsub.f32 v2, v61;
	v62 =	vsub.f32 v4, v36  }
0x54: {  	[tilespmem:$0x1FF20] =	vst v4;
	v40 =	vmul.f32 v29, v29;
	v25 =	vld [tilespmem:s2+$0x0];
	v63 =	vsub.f32 v9, v36;
	v45 =	vsub.f32 v49, v36  }
0x55: {  	[tilespmem:$0x1FF30] =	vst v2;
	(xrf1) =	vsort.ascd.msk.f32 $0xffff, v27, v43;
	v27 =	vsub.f32 v1, v36;
	v1 =	vsub.f32 v13, v36  }
0x56: {  	[tilespmem:$0x1FF50] =	vst v7;
	(xrf1) =	vsort.ascd.msk.f32 $0xffff, v30, v43;
	v34 =	vmul.f32 v62, v62;
	v37 =	vmul.f32 v63, v63  }
0x57: {  	[tilespmem:$0x1FF60] =	vst v13;
	v35 =	vmul.f32 v45, v45;
	v63 =	vsub.f32 v17, v36;
	v27 =	vmul.f32 v27, v27  }
0x58: {  	[tilespmem:$0x1FF70] =	vst v15;
	(xrf1) =	vsort.ascd.msk.f32 $0xffff, v26, v43;
	v26 =	vmul.f32 v28, v28;
	v28 =	vsub.f32 v15, v61  }
0x59: {  	[tilespmem:$0x1FF80] =	vst v3;
	v58 =	vmul.f32 v1, v1;
	v2 =	vsub.f32 v3, v25;
	v3 =	vsub.f32 v10, v61  }
0x5a: {  	v16 =	vmovc v6;
	v29 =	vimm.f32 $+Inf;
	(xrf1) =	vsort.ascd.msk.f32 $0xffff, v32, v43;
	v7 =	vsub.f32 v14, v25;
	v62 =	vsub.f32 v8, v25  }
0x5b: {  	v23 =	vmovc v47;
	v45 =	vmul.f32 v63, v63;
	v41 =	vsub.f32 v22, v25;
	v42 =	vadd.f32 v26, v27  }
0x5c: {  	v19 =	vmovc v52;
	v30 =	vlaneseq.u32;
	v28 =	vmul.f32 v28, v28;
	v26 =	vsub.f32 v48, v61;
	(xrf1) =	vsort.ascd.msk.f32 $0xffff, v31, v43  }
0x5d: {  	v15 =	vmovc v5;
	v27 =	vsub.f32 v5, v61;
	v5 =	vsub.f32 v6, v36;
	v4 =	vmul.f32 v3, v3  }
0x5e: {  	v24 =	vmovc v48;
	v31 =	vsub.f32 v47, v61;
	v51 =	vmul.f32 v2, v2;
	v1 =	vmul.f32 v62, v62  }
0x5f: {  	v18 =	vmovc v8;
	v2 =	vsub.f32 v54, v25;
	v6 =	vmul.f32 v27, v27;
	v27 =	vsub.f32 v11, v61  }
0x60: {  	v21 =	vmovc v17;
	v31 =	vmul.f32 v31, v31;
	v57 =	vmul.f32 v26, v26;
	v61 =	vsub.f32 v52, v25  }
0x61: {  	v12 =	vmovc v14;
	v13 =	vmovc v22;
	v26 =	vor.u32 s0, v0;
	v44 =	vmul.f32 v5, v5;
	v53 =	vadd.f32 v4, v35  }
0x62: {  	v46, v50, _ =	vpop (xrf1);
	(xrf1) =	vsort.ascd.msk.f32 $0xffff, v33, v43;
	v4 =	vsub.f32 v55, v25;
	v5 =	vmul.f32 v2, v2;
	v43 =	vlaneseq.u32  }
0x63: {  	v17 =	vmovc v55;
	v27 =	vmul.f32 v27, v27;
	v52 =	vadd.f32 v31, v37;
	v31 =	vmul.f32 v7, v7  }
0x64: {  	v14 =	vmovc v11;
	v32 =	vadd.f32 v6, v34;
	v33 =	vmul.f32 v61, v61;
	v37 =	vsub.f32 v60, v36  }
0x65: {  	v47, v56, _ =	vpop (xrf1);
	v40 =	vadd.f32 v40, v44;
	vm2 =	vlt.f32 v46, v29;
	v44 =	vimm.f32 $+Inf  }
0x66: {  	s3 =	sor.u32 $0x10, s31;
	v22 =	vmovc v54;
	vm0 =	vlt.f32 v47, v29;
	v36 =	vmul.f32 v4, v4;
	v50 =	vsel vm2, v50, v30  }
0x67: {  	s24 =	sor.u32 $0x20, s31;
	[dreg:$0x13] =	wrdreg s3;
	v38 =	vadd.f32 v1, v40;
	v52 =	vadd.f32 v5, v52;
	v55 =	vsel vm0, v47, v29;
	v39, v0, _ =	vpop (xrf1)  }
0x68: {  	s25 =	sor.u32 $0x30, s31;
	[dreg:$0x12] =	wrdreg s24;
	v47 =	vsel vm2, v46, v29;
	v56 =	vsel vm0, v56, v30;
	v61 =	vadd.f32 v36, v53;
	v35, v34, _ =	vpop (xrf1)  }
0x69: {  	s26 =	sor.u32 $0x40, s31;
	[dreg:$0x11] =	wrdreg s25;
	[tilespmem:$0x1FF40] =	vst v9;
	v46 =	vimm.f32 $+Inf;
	v36 =	vadd.f32 v51, v42;
	vm8 =	vlt.f32 v39, v29;
	v59, v3, _ =	vpop (xrf1)  }
0x6a: {  	s28 =	sor.u32 $0x50, s31;
	[dreg:$0x10] =	wrdreg s26;
	v40 =	vimm.f32 $+Inf;
	v51 =	vadd.f32 v57, v58;
	(xrf1) =	vsort.ascd.msk.f32 $0xffff, v61, v26;
	v48 =	vsel vm8, v0, v30;
	v7, v6, _ =	vpop (xrf1)  }
0x6b: {  	s29 =	sor.u32 $0x60, s31;
	[dreg:$0xd] =	wrdreg s28;
	v11 =	vmovc v49;
	vm9 =	vlt.f32 v35, v29;
	vm1 =	vlt.f32 v59, v29;
	vm3 =	vlt.f32 v7, v29  }
0x6c: {  	s30 =	sor.u32 $0x70, s31;
	[dreg:$0xf] =	wrdreg s29;
	[tilespmem:$0x1FF90] =	vst v10;
	v49 =	vsel vm1, v3, v30;
	v54, v53, _ =	vpop (xrf1);
	v62 =	vsel vm3, v7, v29;
	v63 =	vsel vm3, v6, v30  }
0x6d: {  	[dreg:$0xe] =	wrdreg s30;
	s3 =	simm.s32 $0x20;
	v20 =	vmovc v60;
	v42 =	vlaneseq.u32;
	v57 =	vsel vm1, v59, v29;
	vm0 =	vlt.f32 v54, v29;
	(xrf1) =	vsort.dscd.msk.f32 $0xffff, v62, v63  }
.LBB2_3:
0x6e: {  	v0 =	vld [tilespmem:$0x1FF00]  }
0x6f: {  	s1 =	sadd.s32 $0x10, s1;
	v4 =	vld [tilespmem:$0x1FF30]  }
0x70: {  	v35 =	vsel vm9, v35, v40;
	v37 =	vmul.f32 v37, v37;
	v40 =	vld [tilespmem:s1+$0x0]  }
0x71: {  	s0 =	sadd.s32 $0x10, s0;
	v6 =	vld [tilespmem:$0x1FF40]  }
0x72: {  	v27 =	vadd.f32 v27, v37;
	v37 =	vld [tilespmem:s0+$0x0]  }
0x73: {  	v29 =	vsel vm8, v39, v29;
	v41 =	vmul.f32 v41, v41  }
0x74: {  	v30 =	vsel vm0, v53, v30;
	v28 =	vadd.f32 v28, v45;
	v25 =	vsub.f32 v0, v25  }
0x75: {  	v34 =	vsel vm9, v34, v43;
	v32 =	vadd.f32 v41, v32;
	v5 =	vsub.f32 v4, v40  }
0x76: {  	v61, v60, _ =	vpop (xrf1);
	(xrf1) =	vsort.dscd.msk.f32 $0xffff, v29, v48;
	v29 =	vsel vm0, v54, v46;
	v25 =	vmul.f32 v25, v25  }
0x77: {  	v59 =	vld [tilespmem:$0x1FF60];
	(xrf1) =	vsort.dscd.msk.f32 $0xffff, v55, v56;
	vm0 =	vlt.f32 v61, v44;
	v7 =	vsub.f32 v6, v37  }
0x78: {  	v63 =	vld [tilespmem:$0x1FF20];
	v1 =	vmul.f32 v5, v5;
	v5 =	vsub.f32 v15, v40;
	(xrf1) =	vsort.ascd.msk.f32 $0xffff, v52, v26  }
0x79: {  	v48 =	vsub.f32 v16, v37;
	v6 =	vsub.f32 v14, v40;
	(xrf1) =	vsort.dscd.msk.f32 $0xffff, v57, v49  }
0x7a: {  	s2 =	sadd.s32 $0x10, s2;
	v62 =	vld [tilespmem:$0x1FF10];
	v45 =	vsub.f32 v21, v37;
	v41 =	vadd.f32 v25, v27;
	(xrf1) =	vsort.dscd.msk.f32 $0xffff, v29, v30  }
0x7b: {  	v27 =	vadd.f32 v33, v28;
	v25 =	vld [tilespmem:s2+$0x0];
	v28 =	vsel vm0, v61, v44;
	(xrf1) =	vsort.dscd.msk.f32 $0xffff, v35, v34  }
0x7c: {  	v33 =	vsub.f32 v59, v37;
	v61 =	vld [tilespmem:$0x1FF80];
	v44 =	vmul.f32 v5, v5;
	(xrf1) =	vsort.dscd.msk.f32 $0xffff, v47, v50  }
0x7d: {  	v58 =	vld [tilespmem:$0x1FF50];
	v30 =	vadd.f32 v31, v51;
	v31 =	vsub.f32 v63, v37;
	(xrf1) =	vsort.ascd.msk.f32 $0xffff, v27, v26  }
0x7e: {  	v45 =	vmul.f32 v45, v45;
	v29 =	vsel vm0, v60, v42;
	v60 =	vld [tilespmem:$0x1FF70];
	v34 =	vmul.f32 v7, v7  }
0x7f: {  	v63 =	vld [tilespmem:$0x1FF90];
	v7 =	vsub.f32 v11, v37;
	v42 =	vmul.f32 v31, v31;
	(xrf1) =	vsort.ascd.msk.f32 $0xffff, v38, v26  }
0x80: {  	v31 =	vsub.f32 v23, v40;
	v27 =	vsub.f32 v62, v37;
	(xrf1) =	vsort.dscd.msk.f32 $0xffff, v28, v29  }
0x81: {  	v47, v50, _ =	vpop (xrf1);
	v62 =	vsub.f32 v61, v25;
	v35 =	vsub.f32 v12, v25;
	(xrf1) =	vsort.ascd.msk.f32 $0xffff, v30, v26  }
0x82: {  	v51, v56, _ =	vpop (xrf1);
	v52 =	vsub.f32 v19, v25;
	v5 =	vmul.f32 v7, v7;
	(xrf1) =	vsort.ascd.msk.f32 $0xffff, v32, v26  }
0x83: {  	v7 =	vmul.f32 v48, v48;
	v27 =	vmul.f32 v27, v27;
	v30 =	vsub.f32 v60, v40  }
0x84: {  	v3 =	vlaneseq.u32;
	v28 =	vsub.f32 v58, v40;
	v4 =	vsub.f32 v63, v40;
	(xrf1) =	vsort.ascd.msk.f32 $0xffff, v36, v26;
	v29, v36, _ =	vpop (xrf1)  }
0x85: {  	v53 =	vsub.f32 v18, v25;
	v31 =	vmul.f32 v31, v31;
	v59 =	vmul.f32 v62, v62;
	v55, v58, _ =	vpop (xrf1)  }
0x86: {  	v38 =	vmul.f32 v28, v28;
	v57 =	vadd.f32 v1, v27;
	v32 =	vmul.f32 v4, v4;
	v60, v61, _ =	vpop (xrf1)  }
0x87: {  	v27 =	vsub.f32 v24, v40;
	v4 =	vmul.f32 v33, v33;
	v33 =	vmul.f32 v52, v52;
	v62, v49, _ =	vpop (xrf1)  }
0x88: {  	v52 =	vmul.f32 v53, v53;
	v53 =	vsub.f32 v22, v25;
	v28 =	vmul.f32 v30, v30;
	v46, v30, _ =	vpop (xrf1)  }
0x89: {  	v0 =	vadd.f32 v31, v34;
	v31 =	vmul.f32 v35, v35;
	v7 =	vadd.f32 v38, v7;
	v40, v43, _ =	vpop (xrf1)  }
0x8a: {  	v37 =	vsub.f32 v20, v37;
	v63 =	vmul.f32 v27, v27;
	v8 =	vmul.f32 v53, v53;
	v1, v2, _ =	vpop (xrf1)  }
0x8b: {  	v27 =	vmul.f32 v6, v6;
	v38 =	vadd.f32 v52, v7;
	vm0 =	vlt.f32 v60, v55;
	v39, v54, _ =	vpop (xrf1)  }
0x8c: {  	s4 =	smov.u32 s3;
	v52 =	vadd.f32 v8, v0;
	v55 =	vsel vm0, v60, v55;
	vm8 =	vlt.f32 v39, v29  }
0x8d: {  	(xrf1) =	vsort.ascd.msk.f32 $0xffff, v41, v26;
	v26 =	vor.u32 s4, v3;
	v35, v34, _ =	vpop (xrf1);
	v48 =	vsel vm8, v54, v36;
	v54 =	vsub.f32 v17, v25  }
0x8e: {  	v3 =	vadd.f32 v32, v5;
	v32 =	vadd.f32 v44, v42;
	vm2 =	vlt.f32 v47, v1;
	v44, v42, _ =	vpop (xrf1)  }
0x8f: {  	p0 =	sne.s32 s3, $0x1FF0;
	v41 =	vsub.f32 v13, v25;
	v47 =	vsel vm2, v47, v1;
	v5, v6, _ =	vpop (xrf1);
	v36 =	vmul.f32 v54, v54  }
.Ltmp0:
0x90: {  	v50 =	vsel vm2, v50, v2;
	vm9 =	vlt.f32 v35, v40;
	vm1 =	vlt.f32 v5, v62;
	v9, v10, _ =	vpop (xrf1);
	(pc) =	sbr.rel @p0 .LBB2_3-.Ltmp0, $4  }
0x91: {  	vm3 =	vlt.f32 v9, v51;
	v49 =	vsel vm1, v6, v49;
	v6 =	vadd.f32 v36, v3  }
0x92: {  	v7 =	vsel vm3, v9, v51;
	v60 =	vsel vm3, v10, v56;
	v56 =	vsel vm0, v61, v58  }
0x93: {  	v54, v53, _ =	vpop (xrf1);
	v36 =	vadd.f32 v59, v57;
	v51 =	vadd.f32 v63, v4;
	(xrf1) =	vsort.ascd.msk.f32 $0xffff, v6, v26  }
0x94: {  	s3 =	sadd.s32 $0x10, s3;
	v57 =	vsel vm1, v5, v62;
	vm0 =	vlt.f32 v54, v46;
	(xrf1) =	vsort.dscd.msk.f32 $0xffff, v7, v60  }
0x95: {  	v0 =	vsel vm8, v39, v29  }
0x96: {  	(xrf1) =	vsort.dscd.msk.f32 $0xffff, v0, v48  }
0x97: {  	v2 =	vsel vm0, v53, v30;
	(xrf1) =	vsort.dscd.msk.f32 $0xffff, v55, v56  }
0x98: {  	v1 =	vsel vm0, v54, v46;
	(xrf1) =	vsort.ascd.msk.f32 $0xffff, v52, v26  }
0x99: {  	v0 =	vadd.f32 v28, v45;
	(xrf1) =	vsort.dscd.msk.f32 $0xffff, v57, v49  }
0x9a: {  	v3 =	vsel vm9, v35, v40;
	v4 =	vsel vm9, v34, v43;
	(xrf1) =	vsort.dscd.msk.f32 $0xffff, v1, v2  }
0x9b: {  	v0 =	vadd.f32 v33, v0;
	v1, v2, _ =	vpop (xrf1);
	(xrf1) =	vsort.dscd.msk.f32 $0xffff, v3, v4  }
0x9c: {  	v3 =	vmul.f32 v41, v41;
	vm11 =	vlt.f32 v1, v44;
	(xrf1) =	vsort.dscd.msk.f32 $0xffff, v47, v50  }
0x9d: {  	v1 =	vsel vm11, v1, v44;
	(xrf1) =	vsort.ascd.msk.f32 $0xffff, v0, v26;
	v0 =	vsel vm11, v2, v42  }
0x9e: {  	v2 =	vadd.f32 v31, v51;
	v3 =	vadd.f32 v3, v32;
	(xrf1) =	vsort.ascd.msk.f32 $0xffff, v38, v26  }
0x9f: {  	(xrf1) =	vsort.dscd.msk.f32 $0xffff, v1, v0  }
0xa0: {  	(xrf1) =	vsort.ascd.msk.f32 $0xffff, v2, v26  }
0xa1: {  	(xrf1) =	vsort.ascd.msk.f32 $0xffff, v3, v26  }
0xa2: {  	v0, v1, _ =	vpop (xrf1)  }
0xa3: {  	v2, v3, _ =	vpop (xrf1)  }
0xa4: {  	v48, v5, _ =	vpop (xrf1)  }
0xa5: {  	(xrf1) =	vsort.ascd.msk.f32 $0xffff, v36, v26;
	v6, v7, _ =	vpop (xrf1)  }
0xa6: {  	v8, v9, _ =	vpop (xrf1)  }
0xa7: {  	v10, v11, _ =	vpop (xrf1);
	v16 =	vld [tilespmem:$0x1FF00]  }
0xa8: {  	v12, v13, _ =	vpop (xrf1)  }
0xa9: {  	v14, v15, _ =	vpop (xrf1)  }
0xaa: {  	v19, v20, _ =	vpop (xrf1)  }
0xab: {  	v18, v21, _ =	vpop (xrf1)  }
0xac: {  	v17 =	vmul.f32 v37, v37;
	v16 =	vsub.f32 v16, v25;
	v22, v23, _ =	vpop (xrf1)  }
0xad: {  	v24, v49, _ =	vpop (xrf1)  }
0xae: {  	v17 =	vadd.f32 v27, v17;
	v16 =	vmul.f32 v16, v16;
	v50, v27, _ =	vpop (xrf1)  }
0xaf: {  	v52, v51, _ =	vpop (xrf1)  }
0xb0: {  	vm12 =	vlt.f32 v8, v6;
	v16 =	vadd.f32 v16, v17;
	vm2 =	vlt.f32 v52, v2  }
0xb1: {  	v6 =	vsel vm12, v8, v6;
	vm1 =	vlt.f32 v18, v48;
	v3 =	vsel vm2, v51, v3  }
0xb2: {  	v5 =	vsel vm1, v21, v5;
	v2 =	vsel vm2, v52, v2;
	(xrf1) =	vsort.ascd.msk.f32 $0xffff, v16, v26  }
0xb3: {  	vm3 =	vlt.f32 v50, v10;
	(xrf1) =	vsort.dscd.msk.f32 $0xffff, v2, v3;
	v2 =	vsel vm1, v18, v48  }
0xb4: {  	v7 =	vsel vm12, v9, v7;
	v11 =	vsel vm3, v27, v11;
	v3, v53, _ =	vpop (xrf1);
	(xrf1) =	vsort.dscd.msk.f32 $0xffff, v2, v5  }
0xb5: {  	v2 =	vsel vm3, v50, v10;
	vm13 =	vlt.f32 v3, v12;
	(xrf1) =	vsort.dscd.msk.f32 $0xffff, v6, v7  }
0xb6: {  	v3 =	vsel vm13, v3, v12;
	v4 =	vsel vm13, v53, v13;
	(xrf1) =	vsort.dscd.msk.f32 $0xffff, v2, v11  }
0xb7: {  	(xrf1) =	vsort.dscd.msk.f32 $0xffff, v3, v4;
	_ =	sdelay $0x8  }
0xb8: {  	v55, v54, _ =	vpop (xrf1)  }
0xb9: {  	v56, v10, _ =	vpop (xrf1)  }
0xba: {  	v17, v2, _ =	vpop (xrf1)  }
0xbb: {  	v57, v6, _ =	vpop (xrf1)  }
0xbc: {  	v58, v3, _ =	vpop (xrf1)  }
0xbd: {  	v59, v16, _ =	vpop (xrf1)  }
0xbe: {  	(xrf0) =	vmin.scan.msk.f32 $0xffff, v59;
	_ =	sdelay $0x5  }
0xbf: {  	v60, _, _ =	vpop (xrf0)  }
0xc0: {  	vm14 =	vlt.f32 v22, v14;
	v7 =	vbroadcast v60, $0xF  }
0xc1: {  	v61 =	vsel vm14, v22, v14;
	v62 =	vsel vm14, v23, v15  }
0xc2: {  	(xrf1) =	vsort.dscd.msk.f32 $0xffff, v61, v62;
	v14 =	vxor.u32 $0x80000000, v16;
	vm5 =	veq.f32 v59, v7  }
0xc3: {  	v7 =	vnsel vm5, $0xC0000000, v14  }
0xc4: {  	(xrf0) =	vmin.scan.msk.u32 $0xffff, v7  }
0xc5: {  	(xrf0) =	vmin.scan.msk.f32 $0xffff, v56;
	_ =	sdelay $0x4  }
0xc6: {  	v63, _, _ =	vpop (xrf0)  }
0xc7: {  	v31, _, _ =	vpop (xrf0)  }
0xc8: {  	v7 =	vbroadcast v31, $0xF;
	_ =	sdelay $0x1  }
0xc9: {  	v11 =	vxor.u32 $0x80000000, v10;
	vm15 =	veq.f32 v56, v7  }
0xca: {  	v7 =	vnsel vm15, $0xC0000000, v11  }
0xcb: {  	v23, v15, _ =	vpop (xrf1);
	(xrf0) =	vmin.scan.msk.u32 $0xffff, v7  }
0xcc: {  	(xrf0) =	vmin.scan.msk.f32 $0xffff, v23;
	_ =	sdelay $0x4  }
0xcd: {  	v32, _, _ =	vpop (xrf0)  }
0xce: {  	v33, _, _ =	vpop (xrf0)  }
0xcf: {  	vm11 =	vlt.f32 v0, v19;
	v7 =	vbroadcast v33, $0xF  }
0xd0: {  	v0 =	vsel vm11, v0, v19;
	v1 =	vsel vm11, v1, v20  }
0xd1: {  	(xrf1) =	vsort.dscd.msk.f32 $0xffff, v0, v1;
	v12 =	vxor.u32 $0x80000000, v15;
	vm4 =	veq.f32 v23, v7  }
0xd2: {  	v0 =	vnsel vm4, $0xC0000000, v12  }
0xd3: {  	(xrf0) =	vmin.scan.msk.u32 $0xffff, v0  }
0xd4: {  	(xrf0) =	vmin.scan.msk.f32 $0xffff, v57;
	_ =	sdelay $0x4  }
0xd5: {  	v0, _, _ =	vpop (xrf0)  }
0xd6: {  	v1, _, _ =	vpop (xrf0)  }
0xd7: {  	v1 =	vbroadcast v1, $0xF;
	_ =	sdelay $0x1  }
0xd8: {  	v9 =	vxor.u32 $0x80000000, v6;
	vm2 =	veq.f32 v57, v1  }
0xd9: {  	v1 =	vnsel vm2, $0xC0000000, v9  }
0xda: {  	v34, v13, _ =	vpop (xrf1);
	(xrf0) =	vmin.scan.msk.u32 $0xffff, v1  }
0xdb: {  	(xrf0) =	vmin.scan.msk.f32 $0xffff, v34;
	_ =	sdelay $0x4  }
0xdc: {  	v35, _, _ =	vpop (xrf0)  }
0xdd: {  	v1, _, _ =	vpop (xrf0)  }
0xde: {  	v1 =	vbroadcast v1, $0xF;
	_ =	sdelay $0x1  }
0xdf: {  	v8 =	vxor.u32 $0x80000000, v13;
	vm1 =	veq.f32 v34, v1  }
0xe0: {  	v1 =	vnsel vm1, $0xC0000000, v8  }
0xe1: {  	(xrf0) =	vmin.scan.msk.u32 $0xffff, v1  }
0xe2: {  	(xrf0) =	vmin.scan.msk.f32 $0xffff, v58;
	_ =	sdelay $0x4  }
0xe3: {  	v36, _, _ =	vpop (xrf0)  }
0xe4: {  	v1, _, _ =	vpop (xrf0)  }
0xe5: {  	vm12 =	vlt.f32 v55, v24;
	v1 =	vbroadcast v1, $0xF  }
0xe6: {  	v4 =	vsel vm12, v55, v24;
	v5 =	vsel vm12, v54, v49  }
0xe7: {  	(xrf1) =	vsort.dscd.msk.f32 $0xffff, v4, v5;
	v7 =	vxor.u32 $0x80000000, v3;
	vm0 =	veq.f32 v58, v1  }
0xe8: {  	v1 =	vnsel vm0, $0xC0000000, v7  }
0xe9: {  	(xrf0) =	vmin.scan.msk.u32 $0xffff, v1  }
0xea: {  	(xrf0) =	vmin.scan.msk.f32 $0xffff, v17;
	_ =	sdelay $0x3  }
0xeb: {  	(v2sf) =	vpush v63, $0xF  }
0xec: {  	v37, _, _ =	vpop (xrf0)  }
0xed: {  	v1, _, _ =	vpop (xrf0)  }
0xee: {  	v1 =	vbroadcast v1, $0xF;
	_ =	sdelay $0x1  }
0xef: {  	v4 =	vxor.u32 $0x80000000, v2;
	vm8 =	veq.f32 v17, v1  }
0xf0: {  	v1 =	vnsel vm8, $0xC0000000, v4  }
0xf1: {  	v38, v5, _ =	vpop (xrf1);
	(xrf0) =	vmin.scan.msk.u32 $0xffff, v1  }
0xf2: {  	(xrf0) =	vmin.scan.msk.f32 $0xffff, v38;
	_ =	sdelay $0x3  }
0xf3: {  	(v2sf) =	vpush v32, $0xF  }
0xf4: {  	v39, _, _ =	vpop (xrf0)  }
0xf5: {  	v1, _, _ =	vpop (xrf0)  }
0xf6: {  	s0 =	spop (v2sf);
	v1 =	vbroadcast v1, $0xF  }
0xf7: {  	s20 =	sxor.u32 $0x80000000, s0  }
0xf8: {  	vm6 =	veq.s32 v16, s20;
	vm9 =	veq.f32 v38, v1;
	v1 =	vxor.u32 $0x80000000, v5  }
0xf9: {  	vm5 =	vmand vm5, vm6;
	v40 =	vnsel vm9, $0xC0000000, v1  }
0xfa: {  	v27 =	vsel vm5, $0x7F800000, v59;
	(xrf0) =	vmin.scan.msk.u32 $0xffff, v40  }
0xfb: {  	(xrf0) =	vmin.scan.msk.f32 $0xffff, v27;
	_ =	sdelay $0x3  }
0xfc: {  	(v2sf) =	vpush v0, $0xF  }
0xfd: {  	v0, _, _ =	vpop (xrf0)  }
0xfe: {  	v41, _, _ =	vpop (xrf0)  }
0xff: {  	s28 =	spop (v2sf);
	v28 =	vbroadcast v41, $0xF  }
0x100: {  	s0 =	sxor.u32 $0x80000000, s28  }
0x101: {  	vm5 =	veq.s32 v10, s0;
	vm10 =	veq.f32 v27, v28  }
0x102: {  	vm3 =	vmand vm15, vm5;
	v28 =	vnsel vm10, $0xC0000000, v14  }
0x103: {  	v21 =	vsel vm3, $0x7F800000, v56;
	(xrf0) =	vmin.scan.msk.u32 $0xffff, v28  }
0x104: {  	(xrf0) =	vmin.scan.msk.f32 $0xffff, v21;
	_ =	sdelay $0x3  }
0x105: {  	(v2sf) =	vpush v35, $0xF  }
0x106: {  	v42, _, _ =	vpop (xrf0)  }
0x107: {  	v43, _, _ =	vpop (xrf0)  }
0x108: {  	s29 =	spop (v2sf);
	v28 =	vbroadcast v43, $0xF  }
0x109: {  	[dreg:$0x14] =	wrdreg s0;
	s0 =	sxor.u32 $0x80000000, s29  }
0x10a: {  	vm13 =	veq.s32 v15, s0;
	vm11 =	veq.f32 v21, v28  }
0x10b: {  	vm3 =	vmand vm4, vm13;
	v28 =	vnsel vm11, $0xC0000000, v11  }
0x10c: {  	v23 =	vsel vm3, $0x7F800000, v23;
	(xrf0) =	vmin.scan.msk.u32 $0xffff, v28  }
0x10d: {  	(xrf0) =	vmin.scan.msk.f32 $0xffff, v23;
	_ =	sdelay $0x3  }
0x10e: {  	(v2sf) =	vpush v36, $0xF  }
0x10f: {  	v28, _, _ =	vpop (xrf0)  }
0x110: {  	v44, _, _ =	vpop (xrf0)  }
0x111: {  	s30 =	spop (v2sf);
	v29 =	vbroadcast v44, $0xF  }
0x112: {  	[dreg:$0x15] =	wrdreg s0;
	s0 =	sxor.u32 $0x80000000, s30  }
0x113: {  	vm3 =	veq.s32 v6, s0;
	vm12 =	veq.f32 v23, v29  }
0x114: {  	vm2 =	vmand vm2, vm3;
	v29 =	vnsel vm12, $0xC0000000, v12  }
0x115: {  	v26 =	vsel vm2, $0x7F800000, v57;
	(xrf0) =	vmin.scan.msk.u32 $0xffff, v29  }
0x116: {  	(xrf0) =	vmin.scan.msk.f32 $0xffff, v26;
	_ =	sdelay $0x3  }
0x117: {  	(v2sf) =	vpush v37, $0xF  }
0x118: {  	v45, _, _ =	vpop (xrf0)  }
0x119: {  	v46, _, _ =	vpop (xrf0)  }
0x11a: {  	s1 =	spop (v2sf);
	v29 =	vbroadcast v46, $0xF  }
0x11b: {  	[dreg:$0x16] =	wrdreg s0;
	s0 =	sxor.u32 $0x80000000, s1  }
0x11c: {  	vm2 =	veq.s32 v13, s0;
	vm13 =	veq.f32 v26, v29  }
0x11d: {  	vm1 =	vmand vm1, vm2;
	v29 =	vnsel vm13, $0xC0000000, v9  }
0x11e: {  	v19 =	vsel vm1, $0x7F800000, v34;
	(xrf0) =	vmin.scan.msk.u32 $0xffff, v29  }
0x11f: {  	(xrf0) =	vmin.scan.msk.f32 $0xffff, v19;
	_ =	sdelay $0x3  }
0x120: {  	(v2sf) =	vpush v39, $0xF  }
0x121: {  	v47, _, _ =	vpop (xrf0)  }
0x122: {  	v48, _, _ =	vpop (xrf0)  }
0x123: {  	s2 =	spop (v2sf);
	v29 =	vbroadcast v48, $0xF  }
0x124: {  	[dreg:$0x17] =	wrdreg s0;
	s0 =	sxor.u32 $0x80000000, s2  }
0x125: {  	vm1 =	veq.s32 v3, s0;
	vm14 =	veq.f32 v19, v29  }
0x126: {  	vm0 =	vmand vm0, vm1;
	v29 =	vnsel vm14, $0xC0000000, v8  }
0x127: {  	v18 =	vsel vm0, $0x7F800000, v58;
	(xrf0) =	vmin.scan.msk.u32 $0xffff, v29  }
0x128: {  	(xrf0) =	vmin.scan.msk.f32 $0xffff, v18;
	_ =	sdelay $0x3  }
0x129: {  	(v2sf) =	vpush v0, $0xF  }
0x12a: {  	v0, _, _ =	vpop (xrf0)  }
0x12b: {  	v49, _, _ =	vpop (xrf0)  }
0x12c: {  	s3 =	spop (v2sf);
	v29 =	vbroadcast v49, $0xF  }
0x12d: {  	[dreg:$0x18] =	wrdreg s0;
	s0 =	sxor.u32 $0x80000000, s3  }
0x12e: {  	vm0 =	veq.s32 v2, s0;
	vm15 =	veq.f32 v18, v29  }
0x12f: {  	vm0 =	vmand vm8, vm0;
	v29 =	vnsel vm15, $0xC0000000, v7  }
0x130: {  	v17 =	vsel vm0, $0x7F800000, v17;
	(xrf0) =	vmin.scan.msk.u32 $0xffff, v29  }
0x131: {  	(xrf0) =	vmin.scan.msk.f32 $0xffff, v17;
	_ =	sdelay $0x3  }
0x132: {  	(v2sf) =	vpush v42, $0xF  }
0x133: {  	v50, _, _ =	vpop (xrf0)  }
0x134: {  	v51, _, _ =	vpop (xrf0)  }
0x135: {  	s4 =	spop (v2sf);
	v29 =	vbroadcast v51, $0xF  }
0x136: {  	[dreg:$0x19] =	wrdreg s0;
	s0 =	sxor.u32 $0x80000000, s4  }
0x137: {  	vm0 =	veq.s32 v5, s0;
	vm8 =	veq.f32 v17, v29  }
0x138: {  	vm0 =	vmand vm9, vm0;
	v29 =	vnsel vm8, $0xC0000000, v4  }
0x139: {  	v24 =	vsel vm0, $0x7F800000, v38;
	(xrf0) =	vmin.scan.msk.u32 $0xffff, v29  }
0x13a: {  	(xrf0) =	vmin.scan.msk.f32 $0xffff, v24;
	_ =	sdelay $0x3  }
0x13b: {  	(v2sf) =	vpush v28, $0xF  }
0x13c: {  	v52, _, _ =	vpop (xrf0)  }
0x13d: {  	v53, _, _ =	vpop (xrf0)  }
0x13e: {  	s5 =	spop (v2sf);
	v29 =	vbroadcast v53, $0xF  }
0x13f: {  	[dreg:$0x1a] =	wrdreg s0;
	s0 =	sxor.u32 $0x80000000, s5  }
0x140: {  	vm0 =	veq.s32 v16, s0;
	vm9 =	veq.f32 v24, v29  }
0x141: {  	vm0 =	vmand vm10, vm0;
	v29 =	vnsel vm9, $0xC0000000, v1  }
0x142: {  	v27 =	vsel vm0, $0x7F800000, v27;
	(xrf0) =	vmin.scan.msk.u32 $0xffff, v29  }
0x143: {  	(xrf0) =	vmin.scan.msk.f32 $0xffff, v27;
	_ =	sdelay $0x3  }
0x144: {  	(v2sf) =	vpush v45, $0xF  }
0x145: {  	v54, _, _ =	vpop (xrf0)  }
0x146: {  	v55, _, _ =	vpop (xrf0)  }
0x147: {  	s6 =	spop (v2sf);
	v29 =	vbroadcast v55, $0xF  }
0x148: {  	[dreg:$0x1b] =	wrdreg s0;
	s0 =	sxor.u32 $0x80000000, s6  }
0x149: {  	vm0 =	veq.s32 v10, s0;
	vm10 =	veq.f32 v27, v29  }
0x14a: {  	vm0 =	vmand vm11, vm0;
	v29 =	vnsel vm10, $0xC0000000, v14  }
0x14b: {  	v21 =	vsel vm0, $0x7F800000, v21;
	(xrf0) =	vmin.scan.msk.u32 $0xffff, v29  }
0x14c: {  	(xrf0) =	vmin.scan.msk.f32 $0xffff, v21;
	_ =	sdelay $0x3  }
0x14d: {  	(v2sf) =	vpush v47, $0xF  }
0x14e: {  	v56, _, _ =	vpop (xrf0)  }
0x14f: {  	v57, _, _ =	vpop (xrf0)  }
0x150: {  	s7 =	spop (v2sf);
	v29 =	vbroadcast v57, $0xF  }
0x151: {  	[dreg:$0x1c] =	wrdreg s0;
	s0 =	sxor.u32 $0x80000000, s7  }
0x152: {  	vm0 =	veq.s32 v15, s0;
	vm11 =	veq.f32 v21, v29  }
0x153: {  	vm0 =	vmand vm12, vm0;
	v29 =	vnsel vm11, $0xC0000000, v11  }
0x154: {  	v23 =	vsel vm0, $0x7F800000, v23;
	(xrf0) =	vmin.scan.msk.u32 $0xffff, v29  }
0x155: {  	(xrf0) =	vmin.scan.msk.f32 $0xffff, v23;
	_ =	sdelay $0x3  }
0x156: {  	(v2sf) =	vpush v0, $0xF  }
0x157: {  	v0, _, _ =	vpop (xrf0)  }
0x158: {  	v58, _, _ =	vpop (xrf0)  }
0x159: {  	s8 =	spop (v2sf);
	v29 =	vbroadcast v58, $0xF  }
0x15a: {  	[dreg:$0x1d] =	wrdreg s0;
	s0 =	sxor.u32 $0x80000000, s8  }
0x15b: {  	vm0 =	veq.s32 v6, s0;
	vm12 =	veq.f32 v23, v29  }
0x15c: {  	vm0 =	vmand vm13, vm0;
	v29 =	vnsel vm12, $0xC0000000, v12  }
0x15d: {  	v26 =	vsel vm0, $0x7F800000, v26;
	(xrf0) =	vmin.scan.msk.u32 $0xffff, v29  }
0x15e: {  	(xrf0) =	vmin.scan.msk.f32 $0xffff, v26;
	_ =	sdelay $0x3  }
0x15f: {  	(v2sf) =	vpush v50, $0xF  }
0x160: {  	v59, _, _ =	vpop (xrf0)  }
0x161: {  	v60, _, _ =	vpop (xrf0)  }
0x162: {  	s9 =	spop (v2sf);
	v29 =	vbroadcast v60, $0xF  }
0x163: {  	[dreg:$0x1e] =	wrdreg s0;
	s0 =	sxor.u32 $0x80000000, s9  }
0x164: {  	vm0 =	veq.s32 v13, s0;
	vm13 =	veq.f32 v26, v29  }
0x165: {  	vm0 =	vmand vm14, vm0;
	v29 =	vnsel vm13, $0xC0000000, v9  }
0x166: {  	v19 =	vsel vm0, $0x7F800000, v19;
	(xrf0) =	vmin.scan.msk.u32 $0xffff, v29  }
0x167: {  	(xrf0) =	vmin.scan.msk.f32 $0xffff, v19;
	_ =	sdelay $0x3  }
0x168: {  	(v2sf) =	vpush v52, $0xF  }
0x169: {  	v61, _, _ =	vpop (xrf0)  }
0x16a: {  	v62, _, _ =	vpop (xrf0)  }
0x16b: {  	s10 =	spop (v2sf);
	v29 =	vbroadcast v62, $0xF  }
0x16c: {  	[dreg:$0x1f] =	wrdreg s0;
	s0 =	sxor.u32 $0x80000000, s10  }
0x16d: {  	vm0 =	veq.s32 v3, s0;
	vm14 =	veq.f32 v19, v29  }
0x16e: {  	vm0 =	vmand vm15, vm0;
	v29 =	vnsel vm14, $0xC0000000, v8  }
0x16f: {  	v18 =	vsel vm0, $0x7F800000, v18;
	(xrf0) =	vmin.scan.msk.u32 $0xffff, v29  }
0x170: {  	(xrf0) =	vmin.scan.msk.f32 $0xffff, v18;
	_ =	sdelay $0x3  }
0x171: {  	(v2sf) =	vpush v54, $0xF  }
0x172: {  	v63, _, _ =	vpop (xrf0)  }
0x173: {  	v32, _, _ =	vpop (xrf0)  }
0x174: {  	s11 =	spop (v2sf);
	v29 =	vbroadcast v32, $0xF  }
0x175: {  	[smem:$0x7B0] =	sst s0;
	s0 =	sxor.u32 $0x80000000, s11  }
0x176: {  	vm0 =	veq.s32 v2, s0;
	vm15 =	veq.f32 v18, v29  }
0x177: {  	vm0 =	vmand vm8, vm0;
	v29 =	vnsel vm15, $0xC0000000, v7  }
0x178: {  	v17 =	vsel vm0, $0x7F800000, v17;
	(xrf0) =	vmin.scan.msk.u32 $0xffff, v29  }
0x179: {  	(xrf0) =	vmin.scan.msk.f32 $0xffff, v17;
	_ =	sdelay $0x3  }
0x17a: {  	(v2sf) =	vpush v56, $0xF  }
0x17b: {  	v33, _, _ =	vpop (xrf0)  }
0x17c: {  	v34, _, _ =	vpop (xrf0)  }
0x17d: {  	s12 =	spop (v2sf);
	v29 =	vbroadcast v34, $0xF  }
0x17e: {  	[smem:$0x7B1] =	sst s0;
	s0 =	sxor.u32 $0x80000000, s12  }
0x17f: {  	vm0 =	veq.s32 v5, s0;
	vm8 =	veq.f32 v17, v29  }
0x180: {  	vm0 =	vmand vm9, vm0;
	v29 =	vnsel vm8, $0xC0000000, v4  }
0x181: {  	v24 =	vsel vm0, $0x7F800000, v24;
	(xrf0) =	vmin.scan.msk.u32 $0xffff, v29  }
0x182: {  	(xrf0) =	vmin.scan.msk.f32 $0xffff, v24;
	_ =	sdelay $0x3  }
0x183: {  	(v2sf) =	vpush v0, $0xF  }
0x184: {  	v0, _, _ =	vpop (xrf0)  }
0x185: {  	v35, _, _ =	vpop (xrf0)  }
0x186: {  	s13 =	spop (v2sf);
	v29 =	vbroadcast v35, $0xF  }
0x187: {  	[smem:$0x7B2] =	sst s0;
	s0 =	sxor.u32 $0x80000000, s13  }
0x188: {  	vm0 =	veq.s32 v16, s0;
	vm9 =	veq.f32 v24, v29  }
0x189: {  	vm0 =	vmand vm10, vm0;
	v29 =	vnsel vm9, $0xC0000000, v1  }
0x18a: {  	v27 =	vsel vm0, $0x7F800000, v27;
	(xrf0) =	vmin.scan.msk.u32 $0xffff, v29  }
0x18b: {  	(xrf0) =	vmin.scan.msk.f32 $0xffff, v27;
	_ =	sdelay $0x3  }
0x18c: {  	(v2sf) =	vpush v59, $0xF  }
0x18d: {  	v36, _, _ =	vpop (xrf0)  }
0x18e: {  	v37, _, _ =	vpop (xrf0)  }
0x18f: {  	s14 =	spop (v2sf);
	v29 =	vbroadcast v37, $0xF  }
0x190: {  	[smem:$0x7B3] =	sst s0;
	s0 =	sxor.u32 $0x80000000, s14  }
0x191: {  	vm0 =	veq.s32 v10, s0;
	vm10 =	veq.f32 v27, v29  }
0x192: {  	vm0 =	vmand vm11, vm0;
	v29 =	vnsel vm10, $0xC0000000, v14  }
0x193: {  	v21 =	vsel vm0, $0x7F800000, v21;
	(xrf0) =	vmin.scan.msk.u32 $0xffff, v29  }
0x194: {  	(xrf0) =	vmin.scan.msk.f32 $0xffff, v21;
	_ =	sdelay $0x3  }
0x195: {  	(v2sf) =	vpush v61, $0xF  }
0x196: {  	v38, _, _ =	vpop (xrf0)  }
0x197: {  	v39, _, _ =	vpop (xrf0)  }
0x198: {  	s15 =	spop (v2sf);
	v29 =	vbroadcast v39, $0xF  }
0x199: {  	[smem:$0x7B4] =	sst s0;
	s0 =	sxor.u32 $0x80000000, s15  }
0x19a: {  	vm0 =	veq.s32 v15, s0;
	vm11 =	veq.f32 v21, v29  }
0x19b: {  	vm0 =	vmand vm12, vm0;
	v29 =	vnsel vm11, $0xC0000000, v11  }
0x19c: {  	v23 =	vsel vm0, $0x7F800000, v23;
	(xrf0) =	vmin.scan.msk.u32 $0xffff, v29  }
0x19d: {  	(xrf0) =	vmin.scan.msk.f32 $0xffff, v23;
	_ =	sdelay $0x3  }
0x19e: {  	(v2sf) =	vpush v63, $0xF  }
0x19f: {  	v40, _, _ =	vpop (xrf0)  }
0x1a0: {  	v41, _, _ =	vpop (xrf0)  }
0x1a1: {  	s16 =	spop (v2sf);
	v29 =	vbroadcast v41, $0xF  }
0x1a2: {  	[smem:$0x7B5] =	sst s0;
	s0 =	sxor.u32 $0x80000000, s16  }
0x1a3: {  	vm0 =	veq.s32 v6, s0;
	vm12 =	veq.f32 v23, v29  }
0x1a4: {  	vm0 =	vmand vm13, vm0;
	v29 =	vnsel vm12, $0xC0000000, v12  }
0x1a5: {  	v26 =	vsel vm0, $0x7F800000, v26;
	(xrf0) =	vmin.scan.msk.u32 $0xffff, v29  }
0x1a6: {  	(xrf0) =	vmin.scan.msk.f32 $0xffff, v26;
	_ =	sdelay $0x3  }
0x1a7: {  	(v2sf) =	vpush v33, $0xF  }
0x1a8: {  	v42, _, _ =	vpop (xrf0)  }
0x1a9: {  	v43, _, _ =	vpop (xrf0)  }
0x1aa: {  	s17 =	spop (v2sf);
	v29 =	vbroadcast v43, $0xF  }
0x1ab: {  	[smem:$0x7B6] =	sst s0;
	s0 =	sxor.u32 $0x80000000, s17  }
0x1ac: {  	vm0 =	veq.s32 v13, s0;
	vm13 =	veq.f32 v26, v29  }
0x1ad: {  	vm0 =	vmand vm14, vm0;
	v29 =	vnsel vm13, $0xC0000000, v9  }
0x1ae: {  	v19 =	vsel vm0, $0x7F800000, v19;
	(xrf0) =	vmin.scan.msk.u32 $0xffff, v29  }
0x1af: {  	(xrf0) =	vmin.scan.msk.f32 $0xffff, v19;
	_ =	sdelay $0x3  }
0x1b0: {  	(v2sf) =	vpush v0, $0xF  }
0x1b1: {  	v0, _, _ =	vpop (xrf0)  }
0x1b2: {  	v44, _, _ =	vpop (xrf0)  }
0x1b3: {  	s18 =	spop (v2sf);
	v29 =	vbroadcast v44, $0xF  }
0x1b4: {  	[smem:$0x7B7] =	sst s0;
	s0 =	sxor.u32 $0x80000000, s18  }
0x1b5: {  	vm0 =	veq.s32 v3, s0;
	vm14 =	veq.f32 v19, v29  }
0x1b6: {  	vm0 =	vmand vm15, vm0;
	v29 =	vnsel vm14, $0xC0000000, v8  }
0x1b7: {  	v18 =	vsel vm0, $0x7F800000, v18;
	(xrf0) =	vmin.scan.msk.u32 $0xffff, v29  }
0x1b8: {  	(xrf0) =	vmin.scan.msk.f32 $0xffff, v18;
	_ =	sdelay $0x3  }
0x1b9: {  	(v2sf) =	vpush v36, $0xF  }
0x1ba: {  	v45, _, _ =	vpop (xrf0)  }
0x1bb: {  	v46, _, _ =	vpop (xrf0)  }
0x1bc: {  	s19 =	spop (v2sf);
	v29 =	vbroadcast v46, $0xF  }
0x1bd: {  	[smem:$0x7B8] =	sst s0;
	s0 =	sxor.u32 $0x80000000, s19  }
0x1be: {  	vm0 =	veq.s32 v2, s0;
	vm15 =	veq.f32 v18, v29  }
0x1bf: {  	vm0 =	vmand vm8, vm0;
	v29 =	vnsel vm15, $0xC0000000, v7  }
0x1c0: {  	v17 =	vsel vm0, $0x7F800000, v17;
	(xrf0) =	vmin.scan.msk.u32 $0xffff, v29  }
0x1c1: {  	(xrf0) =	vmin.scan.msk.f32 $0xffff, v17;
	_ =	sdelay $0x3  }
0x1c2: {  	(v2sf) =	vpush v38, $0xF  }
0x1c3: {  	v47, _, _ =	vpop (xrf0)  }
0x1c4: {  	v48, _, _ =	vpop (xrf0)  }
0x1c5: {  	s21 =	spop (v2sf);
	v29 =	vbroadcast v48, $0xF  }
0x1c6: {  	[smem:$0x7B9] =	sst s0;
	s0 =	sxor.u32 $0x80000000, s21  }
0x1c7: {  	vm0 =	veq.s32 v5, s0;
	vm8 =	veq.f32 v17, v29  }
0x1c8: {  	vm0 =	vmand vm9, vm0;
	v29 =	vnsel vm8, $0xC0000000, v4  }
0x1c9: {  	v24 =	vsel vm0, $0x7F800000, v24;
	(xrf0) =	vmin.scan.msk.u32 $0xffff, v29  }
0x1ca: {  	(xrf0) =	vmin.scan.msk.f32 $0xffff, v24;
	_ =	sdelay $0x3  }
0x1cb: {  	(v2sf) =	vpush v40, $0xF  }
0x1cc: {  	v49, _, _ =	vpop (xrf0)  }
0x1cd: {  	v50, _, _ =	vpop (xrf0)  }
0x1ce: {  	s22 =	spop (v2sf);
	v29 =	vbroadcast v50, $0xF  }
0x1cf: {  	[smem:$0x7BA] =	sst s0;
	s0 =	sxor.u32 $0x80000000, s22  }
0x1d0: {  	vm0 =	veq.s32 v16, s0;
	vm9 =	veq.f32 v24, v29  }
0x1d1: {  	vm0 =	vmand vm10, vm0;
	v29 =	vnsel vm9, $0xC0000000, v1  }
0x1d2: {  	v27 =	vsel vm0, $0x7F800000, v27;
	(xrf0) =	vmin.scan.msk.u32 $0xffff, v29  }
0x1d3: {  	(xrf0) =	vmin.scan.msk.f32 $0xffff, v27;
	_ =	sdelay $0x3  }
0x1d4: {  	(v2sf) =	vpush v42, $0xF  }
0x1d5: {  	v51, _, _ =	vpop (xrf0)  }
0x1d6: {  	v52, _, _ =	vpop (xrf0)  }
0x1d7: {  	s23 =	spop (v2sf);
	v29 =	vbroadcast v52, $0xF  }
0x1d8: {  	[smem:$0x7BB] =	sst s0;
	s0 =	sxor.u32 $0x80000000, s23  }
0x1d9: {  	vm0 =	veq.s32 v10, s0;
	vm10 =	veq.f32 v27, v29  }
0x1da: {  	vm0 =	vmand vm11, vm0;
	v29 =	vnsel vm10, $0xC0000000, v14  }
0x1db: {  	v21 =	vsel vm0, $0x7F800000, v21;
	(xrf0) =	vmin.scan.msk.u32 $0xffff, v29  }
0x1dc: {  	(xrf0) =	vmin.scan.msk.f32 $0xffff, v21;
	_ =	sdelay $0x3  }
0x1dd: {  	(v2sf) =	vpush v0, $0xF  }
0x1de: {  	v0, _, _ =	vpop (xrf0)  }
0x1df: {  	v53, _, _ =	vpop (xrf0)  }
0x1e0: {  	s24 =	spop (v2sf);
	v29 =	vbroadcast v53, $0xF  }
0x1e1: {  	[smem:$0x7BC] =	sst s0;
	s0 =	sxor.u32 $0x80000000, s24  }
0x1e2: {  	vm0 =	veq.s32 v15, s0;
	vm11 =	veq.f32 v21, v29  }
0x1e3: {  	vm0 =	vmand vm12, vm0;
	v29 =	vnsel vm11, $0xC0000000, v11  }
0x1e4: {  	v23 =	vsel vm0, $0x7F800000, v23;
	(xrf0) =	vmin.scan.msk.u32 $0xffff, v29  }
0x1e5: {  	(xrf0) =	vmin.scan.msk.f32 $0xffff, v23;
	_ =	sdelay $0x3  }
0x1e6: {  	(v2sf) =	vpush v45, $0xF  }
0x1e7: {  	v54, _, _ =	vpop (xrf0)  }
0x1e8: {  	v55, _, _ =	vpop (xrf0)  }
0x1e9: {  	s25 =	spop (v2sf);
	v29 =	vbroadcast v55, $0xF  }
0x1ea: {  	[smem:$0x7BD] =	sst s0;
	s0 =	sxor.u32 $0x80000000, s25  }
0x1eb: {  	vm0 =	veq.s32 v6, s0;
	vm12 =	veq.f32 v23, v29  }
0x1ec: {  	vm0 =	vmand vm13, vm0;
	v29 =	vnsel vm12, $0xC0000000, v12  }
0x1ed: {  	v26 =	vsel vm0, $0x7F800000, v26;
	(xrf0) =	vmin.scan.msk.u32 $0xffff, v29  }
0x1ee: {  	(xrf0) =	vmin.scan.msk.f32 $0xffff, v26;
	_ =	sdelay $0x3  }
0x1ef: {  	(v2sf) =	vpush v47, $0xF  }
0x1f0: {  	v56, _, _ =	vpop (xrf0)  }
0x1f1: {  	v57, _, _ =	vpop (xrf0)  }
0x1f2: {  	s26 =	spop (v2sf);
	v29 =	vbroadcast v57, $0xF  }
0x1f3: {  	[smem:$0x7BE] =	sst s0;
	s0 =	sxor.u32 $0x80000000, s26  }
0x1f4: {  	vm0 =	veq.s32 v13, s0;
	vm13 =	veq.f32 v26, v29  }
0x1f5: {  	vm0 =	vmand vm14, vm0;
	v29 =	vnsel vm13, $0xC0000000, v9  }
0x1f6: {  	v19 =	vsel vm0, $0x7F800000, v19;
	(xrf0) =	vmin.scan.msk.u32 $0xffff, v29  }
0x1f7: {  	(xrf0) =	vmin.scan.msk.f32 $0xffff, v19;
	_ =	sdelay $0x3  }
0x1f8: {  	(v2sf) =	vpush v49, $0xF  }
0x1f9: {  	v58, _, _ =	vpop (xrf0)  }
0x1fa: {  	v59, _, _ =	vpop (xrf0)  }
0x1fb: {  	s28 =	spop (v2sf);
	v29 =	vbroadcast v59, $0xF  }
0x1fc: {  	[smem:$0x7BF] =	sst s0;
	s0 =	sxor.u32 $0x80000000, s28  }
0x1fd: {  	vm14 =	veq.s32 v3, s0;
	vm0 =	veq.f32 v19, v29  }
0x1fe: {  	vm1 =	vmand vm15, vm14;
	v29 =	vnsel vm0, $0xC0000000, v8  }
0x1ff: {  	v18 =	vsel vm1, $0x7F800000, v18;
	(xrf0) =	vmin.scan.msk.u32 $0xffff, v29  }
0x200: {  	(xrf0) =	vmin.scan.msk.f32 $0xffff, v18;
	_ =	sdelay $0x3  }
0x201: {  	(v2sf) =	vpush v51, $0xF  }
0x202: {  	v60, _, _ =	vpop (xrf0)  }
0x203: {  	v61, _, _ =	vpop (xrf0)  }
0x204: {  	s29 =	spop (v2sf);
	v29 =	vbroadcast v61, $0xF  }
0x205: {  	[smem:$0x7C0] =	sst s0;
	s0 =	sxor.u32 $0x80000000, s29  }
0x206: {  	vm15 =	veq.s32 v2, s0;
	vm1 =	veq.f32 v18, v29  }
0x207: {  	vm2 =	vmand vm8, vm15;
	v29 =	vnsel vm1, $0xC0000000, v7  }
0x208: {  	v17 =	vsel vm2, $0x7F800000, v17;
	(xrf0) =	vmin.scan.msk.u32 $0xffff, v29  }
0x209: {  	(xrf0) =	vmin.scan.msk.f32 $0xffff, v17;
	_ =	sdelay $0x3  }
0x20a: {  	(v2sf) =	vpush v0, $0xF  }
0x20b: {  	v0, _, _ =	vpop (xrf0)  }
0x20c: {  	v62, _, _ =	vpop (xrf0)  }
0x20d: {  	s30 =	spop (v2sf);
	v29 =	vbroadcast v62, $0xF  }
0x20e: {  	[smem:$0x7C1] =	sst s0;
	s0 =	sxor.u32 $0x80000000, s30  }
0x20f: {  	vm14 =	veq.s32 v5, s0;
	vm8 =	veq.f32 v17, v29  }
0x210: {  	vm2 =	vmand vm9, vm14;
	v29 =	vnsel vm8, $0xC0000000, v4  }
0x211: {  	v24 =	vsel vm2, $0x7F800000, v24;
	(xrf0) =	vmin.scan.msk.u32 $0xffff, v29  }
0x212: {  	(xrf0) =	vmin.scan.msk.f32 $0xffff, v24;
	_ =	sdelay $0x3  }
0x213: {  	(v2sf) =	vpush v54, $0xF  }
0x214: {  	v63, _, _ =	vpop (xrf0)  }
0x215: {  	v32, _, _ =	vpop (xrf0)  }
0x216: {  	s1 =	spop (v2sf);
	v29 =	vbroadcast v32, $0xF  }
0x217: {  	[smem:$0x7C2] =	sst s0;
	s0 =	sxor.u32 $0x80000000, s1  }
0x218: {  	vm15 =	veq.s32 v16, s0;
	vm9 =	veq.f32 v24, v29  }
0x219: {  	vm2 =	vmand vm10, vm15;
	v29 =	vnsel vm9, $0xC0000000, v1  }
0x21a: {  	v27 =	vsel vm2, $0x7F800000, v27;
	(xrf0) =	vmin.scan.msk.u32 $0xffff, v29  }
0x21b: {  	(xrf0) =	vmin.scan.msk.f32 $0xffff, v27;
	_ =	sdelay $0x3  }
0x21c: {  	(v2sf) =	vpush v56, $0xF  }
0x21d: {  	v33, _, _ =	vpop (xrf0)  }
0x21e: {  	v34, _, _ =	vpop (xrf0)  }
0x21f: {  	s2 =	spop (v2sf);
	v29 =	vbroadcast v34, $0xF  }
0x220: {  	[smem:$0x7C3] =	sst s0;
	s0 =	sxor.u32 $0x80000000, s2  }
0x221: {  	vm14 =	veq.s32 v10, s0;
	vm10 =	veq.f32 v27, v29  }
0x222: {  	vm2 =	vmand vm11, vm14;
	v29 =	vnsel vm10, $0xC0000000, v14  }
0x223: {  	v21 =	vsel vm2, $0x7F800000, v21;
	(xrf0) =	vmin.scan.msk.u32 $0xffff, v29  }
0x224: {  	(xrf0) =	vmin.scan.msk.f32 $0xffff, v21;
	_ =	sdelay $0x3  }
0x225: {  	(v2sf) =	vpush v58, $0xF  }
0x226: {  	v35, _, _ =	vpop (xrf0)  }
0x227: {  	v36, _, _ =	vpop (xrf0)  }
0x228: {  	s3 =	spop (v2sf);
	v29 =	vbroadcast v36, $0xF  }
0x229: {  	[smem:$0x7C4] =	sst s0;
	s0 =	sxor.u32 $0x80000000, s3  }
0x22a: {  	vm15 =	veq.s32 v15, s0;
	vm11 =	veq.f32 v21, v29  }
0x22b: {  	vm2 =	vmand vm12, vm15;
	v29 =	vnsel vm11, $0xC0000000, v11  }
0x22c: {  	v23 =	vsel vm2, $0x7F800000, v23;
	(xrf0) =	vmin.scan.msk.u32 $0xffff, v29  }
0x22d: {  	(xrf0) =	vmin.scan.msk.f32 $0xffff, v23;
	_ =	sdelay $0x3  }
0x22e: {  	(v2sf) =	vpush v60, $0xF  }
0x22f: {  	v37, _, _ =	vpop (xrf0)  }
0x230: {  	v38, _, _ =	vpop (xrf0)  }
0x231: {  	s4 =	spop (v2sf);
	v29 =	vbroadcast v38, $0xF  }
0x232: {  	[smem:$0x7C5] =	sst s0;
	s0 =	sxor.u32 $0x80000000, s4  }
0x233: {  	vm2 =	veq.s32 v6, s0;
	vm12 =	veq.f32 v23, v29  }
0x234: {  	vm2 =	vmand vm13, vm2;
	v29 =	vnsel vm12, $0xC0000000, v12  }
0x235: {  	v26 =	vsel vm2, $0x7F800000, v26;
	(xrf0) =	vmin.scan.msk.u32 $0xffff, v29  }
0x236: {  	(xrf0) =	vmin.scan.msk.f32 $0xffff, v26;
	_ =	sdelay $0x3  }
0x237: {  	(v2sf) =	vpush v0, $0xF  }
0x238: {  	v0, _, _ =	vpop (xrf0)  }
0x239: {  	v39, _, _ =	vpop (xrf0)  }
0x23a: {  	s5 =	spop (v2sf);
	v29 =	vbroadcast v39, $0xF  }
0x23b: {  	[smem:$0x7C6] =	sst s0;
	s0 =	sxor.u32 $0x80000000, s5  }
0x23c: {  	vm2 =	veq.s32 v13, s0;
	vm14 =	veq.f32 v26, v29  }
0x23d: {  	vm0 =	vmand vm0, vm2;
	v29 =	vnsel vm14, $0xC0000000, v9  }
0x23e: {  	v19 =	vsel vm0, $0x7F800000, v19;
	(xrf0) =	vmin.scan.msk.u32 $0xffff, v29  }
0x23f: {  	(xrf0) =	vmin.scan.msk.f32 $0xffff, v19;
	_ =	sdelay $0x4  }
0x240: {  	v29, _, _ =	vpop (xrf0)  }
0x241: {  	v40, _, _ =	vpop (xrf0)  }
0x242: {  	s6 =	spop (v2sf);
	v30 =	vbroadcast v40, $0xF  }
0x243: {  	[smem:$0x7C7] =	sst s0;
	s0 =	sxor.u32 $0x80000000, s6  }
0x244: {  	vm0 =	veq.s32 v3, s0;
	vm15 =	veq.f32 v19, v30  }
0x245: {  	vm0 =	vmand vm1, vm0;
	v30 =	vnsel vm15, $0xC0000000, v8  }
0x246: {  	(v2sf) =	vpush v63, $0xF;
	v18 =	vsel vm0, $0x7F800000, v18;
	(xrf0) =	vmin.scan.msk.u32 $0xffff, v30  }
0x247: {  	(xrf0) =	vmin.scan.msk.f32 $0xffff, v18;
	_ =	sdelay $0x4  }
0x248: {  	v30, _, _ =	vpop (xrf0)  }
0x249: {  	v41, _, _ =	vpop (xrf0)  }
0x24a: {  	v31 =	vbroadcast v41, $0xF;
	_ =	sdelay $0x1  }
0x24b: {  	vm13 =	veq.f32 v18, v31  }
0x24c: {  	v31 =	vnsel vm13, $0xC0000000, v7  }
0x24d: {  	(v2sf) =	vpush v33, $0xF;
	(xrf0) =	vmin.scan.msk.u32 $0xffff, v31;
	_ =	sdelay $0x1  }
0x24e: {  	(v2sf) =	vpush v35, $0xF  }
0x24f: {  	s7 =	spop (v2sf);
	(v2sf) =	vpush v37, $0xF  }
0x250: {  	[smem:$0x7C8] =	sst s0;
	s0 =	sxor.u32 $0x80000000, s7;
	(v2sf) =	vpush v0, $0xF  }
0x251: {  	vm0 =	veq.s32 v2, s0;
	(v2sf) =	vpush v29, $0xF  }
0x252: {  	vm0 =	vmand vm8, vm0;
	(v2sf) =	vpush v30, $0xF;
	v0, _, _ =	vpop (xrf0)  }
0x253: {  	(v2sf) =	vpush v0, $0xF;
	v0 =	vsel vm0, $0x7F800000, v17  }
0x254: {  	(xrf0) =	vmin.scan.msk.f32 $0xffff, v0;
	_ =	sdelay $0x5  }
0x255: {  	v42, _, _ =	vpop (xrf0)  }
0x256: {  	s1 =	spop (v2sf);
	v17 =	vbroadcast v42, $0xF  }
0x257: {  	s1 =	sxor.u32 $0x80000000, s1  }
0x258: {  	vm0 =	veq.s32 v5, s1;
	vm6 =	veq.f32 v0, v17  }
0x259: {  	vm0 =	vmand vm9, vm0;
	v17 =	vnsel vm6, $0xC0000000, v4  }
0x25a: {  	v43 =	vsel vm0, $0x7F800000, v24;
	(xrf0) =	vmin.scan.msk.u32 $0xffff, v17  }
0x25b: {  	(xrf0) =	vmin.scan.msk.f32 $0xffff, v43;
	_ =	sdelay $0x4  }
0x25c: {  	v17, _, _ =	vpop (xrf0)  }
0x25d: {  	v44, _, _ =	vpop (xrf0)  }
0x25e: {  	s2 =	spop (v2sf);
	v22 =	vbroadcast v44, $0xF  }
0x25f: {  	s9 =	sxor.u32 $0x80000000, s2  }
0x260: {  	vm9 =	veq.s32 v16, s9;
	vm5 =	veq.f32 v43, v22  }
0x261: {  	vm0 =	vmand vm10, vm9;
	v22 =	vnsel vm5, $0xC0000000, v1  }
0x262: {  	v45 =	vsel vm0, $0x7F800000, v27;
	(xrf0) =	vmin.scan.msk.u32 $0xffff, v22  }
0x263: {  	(xrf0) =	vmin.scan.msk.f32 $0xffff, v45;
	_ =	sdelay $0x4  }
0x264: {  	v22, _, _ =	vpop (xrf0)  }
0x265: {  	v46, _, _ =	vpop (xrf0)  }
0x266: {  	s3 =	spop (v2sf);
	v25 =	vbroadcast v46, $0xF  }
0x267: {  	s10 =	sxor.u32 $0x80000000, s3  }
0x268: {  	vm9 =	veq.s32 v10, s10;
	vm4 =	veq.f32 v45, v25  }
0x269: {  	vm0 =	vmand vm11, vm9;
	v25 =	vnsel vm4, $0xC0000000, v14  }
0x26a: {  	v21 =	vsel vm0, $0x7F800000, v21;
	(xrf0) =	vmin.scan.msk.u32 $0xffff, v25  }
0x26b: {  	(xrf0) =	vmin.scan.msk.f32 $0xffff, v21;
	_ =	sdelay $0x4  }
0x26c: {  	v25, _, _ =	vpop (xrf0)  }
0x26d: {  	v47, _, _ =	vpop (xrf0)  }
0x26e: {  	s4 =	spop (v2sf);
	v27 =	vbroadcast v47, $0xF  }
0x26f: {  	s11 =	sxor.u32 $0x80000000, s4  }
0x270: {  	vm10 =	veq.s32 v15, s11;
	vm3 =	veq.f32 v21, v27  }
0x271: {  	vm0 =	vmand vm12, vm10;
	v27 =	vnsel vm3, $0xC0000000, v11  }
0x272: {  	v23 =	vsel vm0, $0x7F800000, v23;
	(xrf0) =	vmin.scan.msk.u32 $0xffff, v27  }
0x273: {  	(xrf0) =	vmin.scan.msk.f32 $0xffff, v23;
	_ =	sdelay $0x4  }
0x274: {  	v27, _, _ =	vpop (xrf0)  }
0x275: {  	v48, _, _ =	vpop (xrf0)  }
0x276: {  	s5 =	spop (v2sf);
	v28 =	vbroadcast v48, $0xF  }
0x277: {  	s12 =	sxor.u32 $0x80000000, s5  }
0x278: {  	vm11 =	veq.s32 v6, s12;
	vm2 =	veq.f32 v23, v28  }
0x279: {  	vm0 =	vmand vm14, vm11;
	v28 =	vnsel vm2, $0xC0000000, v12  }
0x27a: {  	v26 =	vsel vm0, $0x7F800000, v26;
	(xrf0) =	vmin.scan.msk.u32 $0xffff, v28  }
0x27b: {  	(xrf0) =	vmin.scan.msk.f32 $0xffff, v26;
	_ =	sdelay $0x4  }
0x27c: {  	v28, _, _ =	vpop (xrf0)  }
0x27d: {  	v49, _, _ =	vpop (xrf0)  }
0x27e: {  	s6 =	spop (v2sf);
	v29 =	vbroadcast v49, $0xF  }
0x27f: {  	s13 =	sxor.u32 $0x80000000, s6  }
0x280: {  	vm12 =	veq.s32 v13, s13;
	vm1 =	veq.f32 v26, v29  }
0x281: {  	vm0 =	vmand vm15, vm12;
	v29 =	vnsel vm1, $0xC0000000, v9  }
0x282: {  	v19 =	vsel vm0, $0x7F800000, v19;
	(xrf0) =	vmin.scan.msk.u32 $0xffff, v29  }
0x283: {  	(xrf0) =	vmin.scan.msk.f32 $0xffff, v19;
	_ =	sdelay $0x3  }
0x284: {  	(v2sf) =	vpush v17, $0xF  }
0x285: {  	v50, _, _ =	vpop (xrf0)  }
0x286: {  	v51, _, _ =	vpop (xrf0)  }
0x287: {  	s8 =	spop (v2sf);
	v29 =	vbroadcast v51, $0xF  }
0x288: {  	[smem:$0x7C9] =	sst s0;
	s0 =	sxor.u32 $0x80000000, s8  }
0x289: {  	vm8 =	veq.s32 v3, s0;
	vm0 =	veq.f32 v19, v29  }
0x28a: {  	vm8 =	vmand vm13, vm8;
	v29 =	vnsel vm0, $0xC0000000, v8  }
0x28b: {  	v18 =	vsel vm8, $0x7F800000, v18;
	(xrf0) =	vmin.scan.msk.u32 $0xffff, v29  }
0x28c: {  	(xrf0) =	vmin.scan.msk.f32 $0xffff, v18;
	_ =	sdelay $0x3  }
0x28d: {  	(v2sf) =	vpush v22, $0xF  }
0x28e: {  	v52, _, _ =	vpop (xrf0)  }
0x28f: {  	v53, _, _ =	vpop (xrf0)  }
0x290: {  	s14 =	spop (v2sf);
	v29 =	vbroadcast v53, $0xF  }
0x291: {  	[smem:$0x7D0] =	sst s0;
	s0 =	sxor.u32 $0x80000000, s14  }
0x292: {  	vm14 =	veq.s32 v2, s0;
	vm8 =	veq.f32 v18, v29  }
0x293: {  	vm6 =	vmand vm6, vm14;
	v29 =	vnsel vm8, $0xC0000000, v7  }
0x294: {  	v0 =	vsel vm6, $0x7F800000, v0;
	(xrf0) =	vmin.scan.msk.u32 $0xffff, v29  }
0x295: {  	(xrf0) =	vmin.scan.msk.f32 $0xffff, v0;
	_ =	sdelay $0x3  }
0x296: {  	(v2sf) =	vpush v25, $0xF  }
0x297: {  	v54, _, _ =	vpop (xrf0)  }
0x298: {  	v55, _, _ =	vpop (xrf0)  }
0x299: {  	s15 =	spop (v2sf);
	v29 =	vbroadcast v55, $0xF  }
0x29a: {  	[smem:$0x7D1] =	sst s0;
	s0 =	sxor.u32 $0x80000000, s15  }
0x29b: {  	vm6 =	veq.s32 v5, s0;
	vm9 =	veq.f32 v0, v29  }
0x29c: {  	vm5 =	vmand vm5, vm6;
	v29 =	vnsel vm9, $0xC0000000, v4  }
0x29d: {  	v20 =	vsel vm5, $0x7F800000, v43;
	(xrf0) =	vmin.scan.msk.u32 $0xffff, v29  }
0x29e: {  	(xrf0) =	vmin.scan.msk.f32 $0xffff, v20;
	_ =	sdelay $0x3  }
0x29f: {  	(v2sf) =	vpush v27, $0xF  }
0x2a0: {  	v56, _, _ =	vpop (xrf0)  }
0x2a1: {  	v57, _, _ =	vpop (xrf0)  }
0x2a2: {  	s16 =	spop (v2sf);
	v29 =	vbroadcast v57, $0xF  }
0x2a3: {  	[smem:$0x7D2] =	sst s0;
	s0 =	sxor.u32 $0x80000000, s16  }
0x2a4: {  	vm5 =	veq.s32 v16, s0;
	vm10 =	veq.f32 v20, v29  }
0x2a5: {  	vm4 =	vmand vm4, vm5;
	v29 =	vnsel vm10, $0xC0000000, v1  }
0x2a6: {  	v24 =	vsel vm4, $0x7F800000, v45;
	(xrf0) =	vmin.scan.msk.u32 $0xffff, v29  }
0x2a7: {  	(xrf0) =	vmin.scan.msk.f32 $0xffff, v24;
	_ =	sdelay $0x3  }
0x2a8: {  	(v2sf) =	vpush v28, $0xF  }
0x2a9: {  	v58, _, _ =	vpop (xrf0)  }
0x2aa: {  	v59, _, _ =	vpop (xrf0)  }
0x2ab: {  	s17 =	spop (v2sf);
	v29 =	vbroadcast v59, $0xF  }
0x2ac: {  	[smem:$0x7D3] =	sst s0;
	s0 =	sxor.u32 $0x80000000, s17  }
0x2ad: {  	vm4 =	veq.s32 v10, s0;
	vm11 =	veq.f32 v24, v29  }
0x2ae: {  	vm3 =	vmand vm3, vm4;
	v29 =	vnsel vm11, $0xC0000000, v14  }
0x2af: {  	v21 =	vsel vm3, $0x7F800000, v21;
	(xrf0) =	vmin.scan.msk.u32 $0xffff, v29  }
0x2b0: {  	(xrf0) =	vmin.scan.msk.f32 $0xffff, v21;
	_ =	sdelay $0x3  }
0x2b1: {  	(v2sf) =	vpush v50, $0xF  }
0x2b2: {  	v60, _, _ =	vpop (xrf0)  }
0x2b3: {  	v61, _, _ =	vpop (xrf0)  }
0x2b4: {  	s18 =	spop (v2sf);
	v29 =	vbroadcast v61, $0xF  }
0x2b5: {  	[smem:$0x7D4] =	sst s0;
	s0 =	sxor.u32 $0x80000000, s18  }
0x2b6: {  	vm3 =	veq.s32 v15, s0;
	vm12 =	veq.f32 v21, v29  }
0x2b7: {  	vm2 =	vmand vm2, vm3;
	v29 =	vnsel vm12, $0xC0000000, v11  }
0x2b8: {  	v23 =	vsel vm2, $0x7F800000, v23;
	(xrf0) =	vmin.scan.msk.u32 $0xffff, v29  }
0x2b9: {  	(xrf0) =	vmin.scan.msk.f32 $0xffff, v23;
	_ =	sdelay $0x3  }
0x2ba: {  	(v2sf) =	vpush v52, $0xF  }
0x2bb: {  	v62, _, _ =	vpop (xrf0)  }
0x2bc: {  	v63, _, _ =	vpop (xrf0)  }
0x2bd: {  	s19 =	spop (v2sf);
	v29 =	vbroadcast v63, $0xF  }
0x2be: {  	[smem:$0x7D5] =	sst s0;
	s0 =	sxor.u32 $0x80000000, s19  }
0x2bf: {  	vm2 =	veq.s32 v6, s0;
	vm13 =	veq.f32 v23, v29  }
0x2c0: {  	vm1 =	vmand vm1, vm2;
	v29 =	vnsel vm13, $0xC0000000, v12  }
0x2c1: {  	v26 =	vsel vm1, $0x7F800000, v26;
	(xrf0) =	vmin.scan.msk.u32 $0xffff, v29  }
0x2c2: {  	(xrf0) =	vmin.scan.msk.f32 $0xffff, v26;
	_ =	sdelay $0x3  }
0x2c3: {  	(v2sf) =	vpush v54, $0xF  }
0x2c4: {  	v32, _, _ =	vpop (xrf0)  }
0x2c5: {  	v33, _, _ =	vpop (xrf0)  }
0x2c6: {  	s21 =	spop (v2sf);
	v29 =	vbroadcast v33, $0xF  }
0x2c7: {  	[smem:$0x7D6] =	sst s0;
	s0 =	sxor.u32 $0x80000000, s21  }
0x2c8: {  	vm1 =	veq.s32 v13, s0;
	vm14 =	veq.f32 v26, v29  }
0x2c9: {  	vm0 =	vmand vm0, vm1;
	v29 =	vnsel vm14, $0xC0000000, v9  }
0x2ca: {  	v19 =	vsel vm0, $0x7F800000, v19;
	(xrf0) =	vmin.scan.msk.u32 $0xffff, v29  }
0x2cb: {  	(xrf0) =	vmin.scan.msk.f32 $0xffff, v19;
	_ =	sdelay $0x3  }
0x2cc: {  	(v2sf) =	vpush v56, $0xF  }
0x2cd: {  	v34, _, _ =	vpop (xrf0)  }
0x2ce: {  	v35, _, _ =	vpop (xrf0)  }
0x2cf: {  	s22 =	spop (v2sf);
	v29 =	vbroadcast v35, $0xF  }
0x2d0: {  	[smem:$0x7D7] =	sst s0;
	s0 =	sxor.u32 $0x80000000, s22  }
0x2d1: {  	vm15 =	veq.s32 v3, s0;
	vm0 =	veq.f32 v19, v29  }
0x2d2: {  	vm1 =	vmand vm8, vm15;
	v29 =	vnsel vm0, $0xC0000000, v8  }
0x2d3: {  	v18 =	vsel vm1, $0x7F800000, v18;
	(xrf0) =	vmin.scan.msk.u32 $0xffff, v29  }
0x2d4: {  	(xrf0) =	vmin.scan.msk.f32 $0xffff, v18;
	_ =	sdelay $0x3  }
0x2d5: {  	(v2sf) =	vpush v58, $0xF  }
0x2d6: {  	v36, _, _ =	vpop (xrf0)  }
0x2d7: {  	v37, _, _ =	vpop (xrf0)  }
0x2d8: {  	s23 =	spop (v2sf);
	v29 =	vbroadcast v37, $0xF  }
0x2d9: {  	[smem:$0x7D8] =	sst s0;
	s0 =	sxor.u32 $0x80000000, s23  }
0x2da: {  	vm15 =	veq.s32 v2, s0;
	vm8 =	veq.f32 v18, v29  }
0x2db: {  	vm1 =	vmand vm9, vm15;
	v29 =	vnsel vm8, $0xC0000000, v7  }
0x2dc: {  	v0 =	vsel vm1, $0x7F800000, v0;
	(xrf0) =	vmin.scan.msk.u32 $0xffff, v29  }
0x2dd: {  	(xrf0) =	vmin.scan.msk.f32 $0xffff, v0;
	_ =	sdelay $0x3  }
0x2de: {  	(v2sf) =	vpush v60, $0xF  }
0x2df: {  	v38, _, _ =	vpop (xrf0)  }
0x2e0: {  	v39, _, _ =	vpop (xrf0)  }
0x2e1: {  	s24 =	spop (v2sf);
	v29 =	vbroadcast v39, $0xF  }
0x2e2: {  	[smem:$0x7D9] =	sst s0;
	s0 =	sxor.u32 $0x80000000, s24  }
0x2e3: {  	vm15 =	veq.s32 v5, s0;
	vm9 =	veq.f32 v0, v29  }
0x2e4: {  	vm1 =	vmand vm10, vm15;
	v29 =	vnsel vm9, $0xC0000000, v4  }
0x2e5: {  	v20 =	vsel vm1, $0x7F800000, v20;
	(xrf0) =	vmin.scan.msk.u32 $0xffff, v29  }
0x2e6: {  	(xrf0) =	vmin.scan.msk.f32 $0xffff, v20;
	_ =	sdelay $0x3  }
0x2e7: {  	(v2sf) =	vpush v62, $0xF  }
0x2e8: {  	v40, _, _ =	vpop (xrf0)  }
0x2e9: {  	v41, _, _ =	vpop (xrf0)  }
0x2ea: {  	s25 =	spop (v2sf);
	v29 =	vbroadcast v41, $0xF  }
0x2eb: {  	[smem:$0x7DA] =	sst s0;
	s0 =	sxor.u32 $0x80000000, s25  }
0x2ec: {  	vm15 =	veq.s32 v16, s0;
	vm10 =	veq.f32 v20, v29  }
0x2ed: {  	vm1 =	vmand vm11, vm15;
	v29 =	vnsel vm10, $0xC0000000, v1  }
0x2ee: {  	v24 =	vsel vm1, $0x7F800000, v24;
	(xrf0) =	vmin.scan.msk.u32 $0xffff, v29  }
0x2ef: {  	(xrf0) =	vmin.scan.msk.f32 $0xffff, v24;
	_ =	sdelay $0x3  }
0x2f0: {  	(v2sf) =	vpush v32, $0xF  }
0x2f1: {  	v42, _, _ =	vpop (xrf0)  }
0x2f2: {  	v43, _, _ =	vpop (xrf0)  }
0x2f3: {  	s26 =	spop (v2sf);
	v29 =	vbroadcast v43, $0xF  }
0x2f4: {  	[smem:$0x7DB] =	sst s0;
	s0 =	sxor.u32 $0x80000000, s26  }
0x2f5: {  	vm15 =	veq.s32 v10, s0;
	vm11 =	veq.f32 v24, v29  }
0x2f6: {  	vm1 =	vmand vm12, vm15;
	v29 =	vnsel vm11, $0xC0000000, v14  }
0x2f7: {  	v21 =	vsel vm1, $0x7F800000, v21;
	(xrf0) =	vmin.scan.msk.u32 $0xffff, v29  }
0x2f8: {  	(xrf0) =	vmin.scan.msk.f32 $0xffff, v21;
	_ =	sdelay $0x3  }
0x2f9: {  	(v2sf) =	vpush v34, $0xF  }
0x2fa: {  	v44, _, _ =	vpop (xrf0)  }
0x2fb: {  	v45, _, _ =	vpop (xrf0)  }
0x2fc: {  	s28 =	spop (v2sf);
	v29 =	vbroadcast v45, $0xF  }
0x2fd: {  	[smem:$0x7DC] =	sst s0;
	s0 =	sxor.u32 $0x80000000, s28  }
0x2fe: {  	vm1 =	veq.s32 v15, s0;
	vm12 =	veq.f32 v21, v29  }
0x2ff: {  	vm1 =	vmand vm13, vm1;
	v29 =	vnsel vm12, $0xC0000000, v11  }
0x300: {  	v23 =	vsel vm1, $0x7F800000, v23;
	(xrf0) =	vmin.scan.msk.u32 $0xffff, v29  }
0x301: {  	(xrf0) =	vmin.scan.msk.f32 $0xffff, v23;
	_ =	sdelay $0x3  }
0x302: {  	(v2sf) =	vpush v36, $0xF  }
0x303: {  	v46, _, _ =	vpop (xrf0)  }
0x304: {  	v47, _, _ =	vpop (xrf0)  }
0x305: {  	s29 =	spop (v2sf);
	v29 =	vbroadcast v47, $0xF  }
0x306: {  	[smem:$0x7DD] =	sst s0;
	s0 =	sxor.u32 $0x80000000, s29  }
0x307: {  	vm1 =	veq.s32 v6, s0;
	vm13 =	veq.f32 v23, v29  }
0x308: {  	vm1 =	vmand vm14, vm1;
	v29 =	vnsel vm13, $0xC0000000, v12  }
0x309: {  	v26 =	vsel vm1, $0x7F800000, v26;
	(xrf0) =	vmin.scan.msk.u32 $0xffff, v29  }
0x30a: {  	(xrf0) =	vmin.scan.msk.f32 $0xffff, v26;
	_ =	sdelay $0x3  }
0x30b: {  	(v2sf) =	vpush v38, $0xF  }
0x30c: {  	v48, _, _ =	vpop (xrf0)  }
0x30d: {  	v49, _, _ =	vpop (xrf0)  }
0x30e: {  	s30 =	spop (v2sf);
	v29 =	vbroadcast v49, $0xF  }
0x30f: {  	[smem:$0x7DE] =	sst s0;
	s0 =	sxor.u32 $0x80000000, s30  }
0x310: {  	vm1 =	veq.s32 v13, s0;
	vm14 =	veq.f32 v26, v29  }
0x311: {  	vm0 =	vmand vm0, vm1;
	v29 =	vnsel vm14, $0xC0000000, v9  }
0x312: {  	v19 =	vsel vm0, $0x7F800000, v19;
	(xrf0) =	vmin.scan.msk.u32 $0xffff, v29  }
0x313: {  	(xrf0) =	vmin.scan.msk.f32 $0xffff, v19;
	_ =	sdelay $0x3  }
0x314: {  	(v2sf) =	vpush v40, $0xF  }
0x315: {  	v50, _, _ =	vpop (xrf0)  }
0x316: {  	v51, _, _ =	vpop (xrf0)  }
0x317: {  	[smem:$0x7CA] =	sst s1;
	s1 =	spop (v2sf);
	v29 =	vbroadcast v51, $0xF  }
0x318: {  	[smem:$0x7DF] =	sst s0;
	s0 =	sxor.u32 $0x80000000, s1  }
0x319: {  	vm15 =	veq.s32 v3, s0;
	vm0 =	veq.f32 v19, v29  }
0x31a: {  	vm1 =	vmand vm8, vm15;
	v29 =	vnsel vm0, $0xC0000000, v8  }
0x31b: {  	v18 =	vsel vm1, $0x7F800000, v18;
	(xrf0) =	vmin.scan.msk.u32 $0xffff, v29  }
0x31c: {  	(xrf0) =	vmin.scan.msk.f32 $0xffff, v18;
	_ =	sdelay $0x3  }
0x31d: {  	(v2sf) =	vpush v42, $0xF  }
0x31e: {  	v52, _, _ =	vpop (xrf0)  }
0x31f: {  	v53, _, _ =	vpop (xrf0)  }
0x320: {  	s2 =	spop (v2sf);
	v29 =	vbroadcast v53, $0xF  }
0x321: {  	[smem:$0x7E0] =	sst s0;
	s0 =	sxor.u32 $0x80000000, s2  }
0x322: {  	vm15 =	veq.s32 v2, s0;
	vm8 =	veq.f32 v18, v29  }
0x323: {  	vm1 =	vmand vm9, vm15;
	v29 =	vnsel vm8, $0xC0000000, v7  }
0x324: {  	[smem:$0x7CB] =	sst s9;
	v0 =	vsel vm1, $0x7F800000, v0;
	(xrf0) =	vmin.scan.msk.u32 $0xffff, v29  }
0x325: {  	[smem:$0x7CC] =	sst s10;
	(xrf0) =	vmin.scan.msk.f32 $0xffff, v0  }
0x326: {  	[smem:$0x7CD] =	sst s11  }
0x327: {  	[smem:$0x7CE] =	sst s12  }
0x328: {  	[smem:$0x7CF] =	sst s13  }
0x329: {  	[smem:$0x7E1] =	sst s0;
	(v2sf) =	vpush v44, $0xF  }
0x32a: {  	v27, _, _ =	vpop (xrf0)  }
0x32b: {  	v54, _, _ =	vpop (xrf0)  }
0x32c: {  	s3 =	spop (v2sf);
	v29 =	vbroadcast v54, $0xF  }
0x32d: {  	s0 =	sxor.u32 $0x80000000, s3  }
0x32e: {  	vm15 =	veq.s32 v5, s0;
	vm9 =	veq.f32 v0, v29  }
0x32f: {  	vm1 =	vmand vm10, vm15;
	v29 =	vnsel vm9, $0xC0000000, v4  }
0x330: {  	v20 =	vsel vm1, $0x7F800000, v20;
	(xrf0) =	vmin.scan.msk.u32 $0xffff, v29  }
0x331: {  	(xrf0) =	vmin.scan.msk.f32 $0xffff, v20;
	_ =	sdelay $0x3  }
0x332: {  	(v2sf) =	vpush v46, $0xF  }
0x333: {  	v55, _, _ =	vpop (xrf0)  }
0x334: {  	v56, _, _ =	vpop (xrf0)  }
0x335: {  	s4 =	spop (v2sf);
	v29 =	vbroadcast v56, $0xF  }
0x336: {  	[smem:$0x7E2] =	sst s0;
	s0 =	sxor.u32 $0x80000000, s4  }
0x337: {  	vm15 =	veq.s32 v16, s0;
	vm10 =	veq.f32 v20, v29  }
0x338: {  	vm1 =	vmand vm11, vm15;
	v29 =	vnsel vm10, $0xC0000000, v1  }
0x339: {  	v24 =	vsel vm1, $0x7F800000, v24;
	(xrf0) =	vmin.scan.msk.u32 $0xffff, v29  }
0x33a: {  	(xrf0) =	vmin.scan.msk.f32 $0xffff, v24;
	_ =	sdelay $0x3  }
0x33b: {  	(v2sf) =	vpush v48, $0xF  }
0x33c: {  	v57, _, _ =	vpop (xrf0)  }
0x33d: {  	v58, _, _ =	vpop (xrf0)  }
0x33e: {  	s5 =	spop (v2sf);
	v29 =	vbroadcast v58, $0xF  }
0x33f: {  	[smem:$0x7E3] =	sst s0;
	s0 =	sxor.u32 $0x80000000, s5  }
0x340: {  	vm15 =	veq.s32 v10, s0;
	vm11 =	veq.f32 v24, v29  }
0x341: {  	vm1 =	vmand vm12, vm15;
	v29 =	vnsel vm11, $0xC0000000, v14  }
0x342: {  	v21 =	vsel vm1, $0x7F800000, v21;
	(xrf0) =	vmin.scan.msk.u32 $0xffff, v29  }
0x343: {  	(xrf0) =	vmin.scan.msk.f32 $0xffff, v21;
	_ =	sdelay $0x3  }
0x344: {  	(v2sf) =	vpush v50, $0xF  }
0x345: {  	v59, _, _ =	vpop (xrf0)  }
0x346: {  	v60, _, _ =	vpop (xrf0)  }
0x347: {  	s6 =	spop (v2sf);
	v29 =	vbroadcast v60, $0xF  }
0x348: {  	[smem:$0x7E4] =	sst s0;
	s0 =	sxor.u32 $0x80000000, s6  }
0x349: {  	vm1 =	veq.s32 v15, s0;
	vm12 =	veq.f32 v21, v29  }
0x34a: {  	vm1 =	vmand vm13, vm1;
	v29 =	vnsel vm12, $0xC0000000, v11  }
0x34b: {  	v23 =	vsel vm1, $0x7F800000, v23;
	(xrf0) =	vmin.scan.msk.u32 $0xffff, v29  }
0x34c: {  	(xrf0) =	vmin.scan.msk.f32 $0xffff, v23;
	_ =	sdelay $0x3  }
0x34d: {  	(v2sf) =	vpush v52, $0xF  }
0x34e: {  	v61, _, _ =	vpop (xrf0)  }
0x34f: {  	v62, _, _ =	vpop (xrf0)  }
0x350: {  	s7 =	spop (v2sf);
	v29 =	vbroadcast v62, $0xF  }
0x351: {  	[smem:$0x7E5] =	sst s0;
	s0 =	sxor.u32 $0x80000000, s7  }
0x352: {  	vm1 =	veq.s32 v6, s0;
	vm13 =	veq.f32 v23, v29  }
0x353: {  	vm1 =	vmand vm14, vm1;
	v29 =	vnsel vm13, $0xC0000000, v12  }
0x354: {  	v26 =	vsel vm1, $0x7F800000, v26;
	(xrf0) =	vmin.scan.msk.u32 $0xffff, v29  }
0x355: {  	(xrf0) =	vmin.scan.msk.f32 $0xffff, v26;
	_ =	sdelay $0x3  }
0x356: {  	(v2sf) =	vpush v27, $0xF  }
0x357: {  	v63, _, _ =	vpop (xrf0)  }
0x358: {  	v32, _, _ =	vpop (xrf0)  }
0x359: {  	s8 =	spop (v2sf);
	v29 =	vbroadcast v32, $0xF  }
0x35a: {  	[smem:$0x7E6] =	sst s0;
	s0 =	sxor.u32 $0x80000000, s8  }
0x35b: {  	vm1 =	veq.s32 v13, s0;
	vm14 =	veq.f32 v26, v29  }
0x35c: {  	vm0 =	vmand vm0, vm1;
	v29 =	vnsel vm14, $0xC0000000, v9  }
0x35d: {  	v19 =	vsel vm0, $0x7F800000, v19;
	(xrf0) =	vmin.scan.msk.u32 $0xffff, v29  }
0x35e: {  	(xrf0) =	vmin.scan.msk.f32 $0xffff, v19;
	_ =	sdelay $0x3  }
0x35f: {  	(v2sf) =	vpush v55, $0xF  }
0x360: {  	v33, _, _ =	vpop (xrf0)  }
0x361: {  	v34, _, _ =	vpop (xrf0)  }
0x362: {  	s9 =	spop (v2sf);
	v29 =	vbroadcast v34, $0xF  }
0x363: {  	[smem:$0x7E7] =	sst s0;
	s0 =	sxor.u32 $0x80000000, s9  }
0x364: {  	vm15 =	veq.s32 v3, s0;
	vm0 =	veq.f32 v19, v29  }
0x365: {  	vm1 =	vmand vm8, vm15;
	v29 =	vnsel vm0, $0xC0000000, v8  }
0x366: {  	v18 =	vsel vm1, $0x7F800000, v18;
	(xrf0) =	vmin.scan.msk.u32 $0xffff, v29  }
0x367: {  	(xrf0) =	vmin.scan.msk.f32 $0xffff, v18;
	_ =	sdelay $0x3  }
0x368: {  	(v2sf) =	vpush v57, $0xF  }
0x369: {  	v35, _, _ =	vpop (xrf0)  }
0x36a: {  	v36, _, _ =	vpop (xrf0)  }
0x36b: {  	s10 =	spop (v2sf);
	v29 =	vbroadcast v36, $0xF  }
0x36c: {  	[smem:$0x7E8] =	sst s0;
	s0 =	sxor.u32 $0x80000000, s10  }
0x36d: {  	vm15 =	veq.s32 v2, s0;
	vm8 =	veq.f32 v18, v29  }
0x36e: {  	vm1 =	vmand vm9, vm15;
	v29 =	vnsel vm8, $0xC0000000, v7  }
0x36f: {  	v0 =	vsel vm1, $0x7F800000, v0;
	(xrf0) =	vmin.scan.msk.u32 $0xffff, v29  }
0x370: {  	(xrf0) =	vmin.scan.msk.f32 $0xffff, v0;
	_ =	sdelay $0x3  }
0x371: {  	(v2sf) =	vpush v59, $0xF  }
0x372: {  	v37, _, _ =	vpop (xrf0)  }
0x373: {  	v38, _, _ =	vpop (xrf0)  }
0x374: {  	s11 =	spop (v2sf);
	v29 =	vbroadcast v38, $0xF  }
0x375: {  	[smem:$0x7E9] =	sst s0;
	s0 =	sxor.u32 $0x80000000, s11  }
0x376: {  	vm15 =	veq.s32 v5, s0;
	vm9 =	veq.f32 v0, v29  }
0x377: {  	vm1 =	vmand vm10, vm15;
	v29 =	vnsel vm9, $0xC0000000, v4  }
0x378: {  	v20 =	vsel vm1, $0x7F800000, v20;
	(xrf0) =	vmin.scan.msk.u32 $0xffff, v29  }
0x379: {  	(xrf0) =	vmin.scan.msk.f32 $0xffff, v20;
	_ =	sdelay $0x3  }
0x37a: {  	(v2sf) =	vpush v61, $0xF  }
0x37b: {  	v39, _, _ =	vpop (xrf0)  }
0x37c: {  	v40, _, _ =	vpop (xrf0)  }
0x37d: {  	s12 =	spop (v2sf);
	v29 =	vbroadcast v40, $0xF  }
0x37e: {  	[smem:$0x7EA] =	sst s0;
	s0 =	sxor.u32 $0x80000000, s12  }
0x37f: {  	vm15 =	veq.s32 v16, s0;
	vm10 =	veq.f32 v20, v29  }
0x380: {  	vm1 =	vmand vm11, vm15;
	v29 =	vnsel vm10, $0xC0000000, v1  }
0x381: {  	v24 =	vsel vm1, $0x7F800000, v24;
	(xrf0) =	vmin.scan.msk.u32 $0xffff, v29  }
0x382: {  	(xrf0) =	vmin.scan.msk.f32 $0xffff, v24;
	_ =	sdelay $0x3  }
0x383: {  	(v2sf) =	vpush v63, $0xF  }
0x384: {  	v41, _, _ =	vpop (xrf0)  }
0x385: {  	v42, _, _ =	vpop (xrf0)  }
0x386: {  	s13 =	spop (v2sf);
	v29 =	vbroadcast v42, $0xF  }
0x387: {  	[smem:$0x7EB] =	sst s0;
	s0 =	sxor.u32 $0x80000000, s13  }
0x388: {  	vm15 =	veq.s32 v10, s0;
	vm11 =	veq.f32 v24, v29  }
0x389: {  	vm1 =	vmand vm12, vm15;
	v29 =	vnsel vm11, $0xC0000000, v14  }
0x38a: {  	v21 =	vsel vm1, $0x7F800000, v21;
	(xrf0) =	vmin.scan.msk.u32 $0xffff, v29  }
0x38b: {  	(xrf0) =	vmin.scan.msk.f32 $0xffff, v21;
	_ =	sdelay $0x3  }
0x38c: {  	(v2sf) =	vpush v33, $0xF  }
0x38d: {  	v43, _, _ =	vpop (xrf0)  }
0x38e: {  	v44, _, _ =	vpop (xrf0)  }
0x38f: {  	s14 =	spop (v2sf);
	v29 =	vbroadcast v44, $0xF  }
0x390: {  	[smem:$0x7EC] =	sst s0;
	s0 =	sxor.u32 $0x80000000, s14  }
0x391: {  	vm1 =	veq.s32 v15, s0;
	vm12 =	veq.f32 v21, v29  }
0x392: {  	vm1 =	vmand vm13, vm1;
	v29 =	vnsel vm12, $0xC0000000, v11  }
0x393: {  	v23 =	vsel vm1, $0x7F800000, v23;
	(xrf0) =	vmin.scan.msk.u32 $0xffff, v29  }
0x394: {  	(xrf0) =	vmin.scan.msk.f32 $0xffff, v23;
	_ =	sdelay $0x3  }
0x395: {  	(v2sf) =	vpush v35, $0xF  }
0x396: {  	v45, _, _ =	vpop (xrf0)  }
0x397: {  	v46, _, _ =	vpop (xrf0)  }
0x398: {  	s15 =	spop (v2sf);
	v29 =	vbroadcast v46, $0xF  }
0x399: {  	[smem:$0x7ED] =	sst s0;
	s0 =	sxor.u32 $0x80000000, s15  }
0x39a: {  	vm1 =	veq.s32 v6, s0;
	vm13 =	veq.f32 v23, v29  }
0x39b: {  	vm1 =	vmand vm14, vm1;
	v29 =	vnsel vm13, $0xC0000000, v12  }
0x39c: {  	v26 =	vsel vm1, $0x7F800000, v26;
	(xrf0) =	vmin.scan.msk.u32 $0xffff, v29  }
0x39d: {  	(xrf0) =	vmin.scan.msk.f32 $0xffff, v26;
	_ =	sdelay $0x3  }
0x39e: {  	(v2sf) =	vpush v37, $0xF  }
0x39f: {  	v47, _, _ =	vpop (xrf0)  }
0x3a0: {  	v48, _, _ =	vpop (xrf0)  }
0x3a1: {  	s16 =	spop (v2sf);
	v29 =	vbroadcast v48, $0xF  }
0x3a2: {  	[smem:$0x7EE] =	sst s0;
	s0 =	sxor.u32 $0x80000000, s16  }
0x3a3: {  	vm1 =	veq.s32 v13, s0;
	vm14 =	veq.f32 v26, v29  }
0x3a4: {  	vm0 =	vmand vm0, vm1;
	v29 =	vnsel vm14, $0xC0000000, v9  }
0x3a5: {  	v19 =	vsel vm0, $0x7F800000, v19;
	(xrf0) =	vmin.scan.msk.u32 $0xffff, v29  }
0x3a6: {  	(xrf0) =	vmin.scan.msk.f32 $0xffff, v19;
	_ =	sdelay $0x3  }
0x3a7: {  	(v2sf) =	vpush v39, $0xF  }
0x3a8: {  	v49, _, _ =	vpop (xrf0)  }
0x3a9: {  	v50, _, _ =	vpop (xrf0)  }
0x3aa: {  	s17 =	spop (v2sf);
	v29 =	vbroadcast v50, $0xF  }
0x3ab: {  	[smem:$0x7EF] =	sst s0;
	s0 =	sxor.u32 $0x80000000, s17  }
0x3ac: {  	vm15 =	veq.s32 v3, s0;
	vm0 =	veq.f32 v19, v29  }
0x3ad: {  	vm1 =	vmand vm8, vm15;
	v29 =	vnsel vm0, $0xC0000000, v8  }
0x3ae: {  	v18 =	vsel vm1, $0x7F800000, v18;
	(xrf0) =	vmin.scan.msk.u32 $0xffff, v29  }
0x3af: {  	(xrf0) =	vmin.scan.msk.f32 $0xffff, v18;
	_ =	sdelay $0x3  }
0x3b0: {  	(v2sf) =	vpush v41, $0xF  }
0x3b1: {  	v51, _, _ =	vpop (xrf0)  }
0x3b2: {  	v52, _, _ =	vpop (xrf0)  }
0x3b3: {  	s18 =	spop (v2sf);
	v29 =	vbroadcast v52, $0xF  }
0x3b4: {  	[smem:$0x7F0] =	sst s0;
	s0 =	sxor.u32 $0x80000000, s18  }
0x3b5: {  	vm15 =	veq.s32 v2, s0;
	vm8 =	veq.f32 v18, v29  }
0x3b6: {  	vm1 =	vmand vm9, vm15;
	v29 =	vnsel vm8, $0xC0000000, v7  }
0x3b7: {  	v0 =	vsel vm1, $0x7F800000, v0;
	(xrf0) =	vmin.scan.msk.u32 $0xffff, v29  }
0x3b8: {  	(xrf0) =	vmin.scan.msk.f32 $0xffff, v0;
	_ =	sdelay $0x3  }
0x3b9: {  	(v2sf) =	vpush v43, $0xF  }
0x3ba: {  	v53, _, _ =	vpop (xrf0)  }
0x3bb: {  	v54, _, _ =	vpop (xrf0)  }
0x3bc: {  	s19 =	spop (v2sf);
	v29 =	vbroadcast v54, $0xF  }
0x3bd: {  	[smem:$0x7F1] =	sst s0;
	s0 =	sxor.u32 $0x80000000, s19  }
0x3be: {  	vm15 =	veq.s32 v5, s0;
	vm9 =	veq.f32 v0, v29  }
0x3bf: {  	vm1 =	vmand vm10, vm15;
	v29 =	vnsel vm9, $0xC0000000, v4  }
0x3c0: {  	v20 =	vsel vm1, $0x7F800000, v20;
	(xrf0) =	vmin.scan.msk.u32 $0xffff, v29  }
0x3c1: {  	(xrf0) =	vmin.scan.msk.f32 $0xffff, v20;
	_ =	sdelay $0x3  }
0x3c2: {  	(v2sf) =	vpush v45, $0xF  }
0x3c3: {  	v55, _, _ =	vpop (xrf0)  }
0x3c4: {  	v56, _, _ =	vpop (xrf0)  }
0x3c5: {  	s21 =	spop (v2sf);
	v29 =	vbroadcast v56, $0xF  }
0x3c6: {  	[smem:$0x7F2] =	sst s0;
	s0 =	sxor.u32 $0x80000000, s21  }
0x3c7: {  	vm15 =	veq.s32 v16, s0;
	vm10 =	veq.f32 v20, v29  }
0x3c8: {  	vm1 =	vmand vm11, vm15;
	v29 =	vnsel vm10, $0xC0000000, v1  }
0x3c9: {  	v24 =	vsel vm1, $0x7F800000, v24;
	(xrf0) =	vmin.scan.msk.u32 $0xffff, v29  }
0x3ca: {  	(xrf0) =	vmin.scan.msk.f32 $0xffff, v24;
	_ =	sdelay $0x3  }
0x3cb: {  	(v2sf) =	vpush v47, $0xF  }
0x3cc: {  	v57, _, _ =	vpop (xrf0)  }
0x3cd: {  	v58, _, _ =	vpop (xrf0)  }
0x3ce: {  	s22 =	spop (v2sf);
	v29 =	vbroadcast v58, $0xF  }
0x3cf: {  	[smem:$0x7F3] =	sst s0;
	s0 =	sxor.u32 $0x80000000, s22  }
0x3d0: {  	vm15 =	veq.s32 v10, s0;
	vm11 =	veq.f32 v24, v29  }
0x3d1: {  	vm1 =	vmand vm12, vm15;
	v29 =	vnsel vm11, $0xC0000000, v14  }
0x3d2: {  	v21 =	vsel vm1, $0x7F800000, v21;
	(xrf0) =	vmin.scan.msk.u32 $0xffff, v29  }
0x3d3: {  	(xrf0) =	vmin.scan.msk.f32 $0xffff, v21;
	_ =	sdelay $0x3  }
0x3d4: {  	(v2sf) =	vpush v49, $0xF  }
0x3d5: {  	v59, _, _ =	vpop (xrf0)  }
0x3d6: {  	v60, _, _ =	vpop (xrf0)  }
0x3d7: {  	s23 =	spop (v2sf);
	v29 =	vbroadcast v60, $0xF  }
0x3d8: {  	[smem:$0x7F4] =	sst s0;
	s0 =	sxor.u32 $0x80000000, s23  }
0x3d9: {  	vm1 =	veq.s32 v15, s0;
	vm12 =	veq.f32 v21, v29  }
0x3da: {  	vm1 =	vmand vm13, vm1;
	v29 =	vnsel vm12, $0xC0000000, v11  }
0x3db: {  	v23 =	vsel vm1, $0x7F800000, v23;
	(xrf0) =	vmin.scan.msk.u32 $0xffff, v29  }
0x3dc: {  	(xrf0) =	vmin.scan.msk.f32 $0xffff, v23;
	_ =	sdelay $0x3  }
0x3dd: {  	(v2sf) =	vpush v51, $0xF  }
0x3de: {  	v61, _, _ =	vpop (xrf0)  }
0x3df: {  	v62, _, _ =	vpop (xrf0)  }
0x3e0: {  	s24 =	spop (v2sf);
	v29 =	vbroadcast v62, $0xF  }
0x3e1: {  	[smem:$0x7F5] =	sst s0;
	s0 =	sxor.u32 $0x80000000, s24  }
0x3e2: {  	vm1 =	veq.s32 v6, s0;
	vm13 =	veq.f32 v23, v29  }
0x3e3: {  	vm1 =	vmand vm14, vm1;
	v29 =	vnsel vm13, $0xC0000000, v12  }
0x3e4: {  	v26 =	vsel vm1, $0x7F800000, v26;
	(xrf0) =	vmin.scan.msk.u32 $0xffff, v29  }
0x3e5: {  	(xrf0) =	vmin.scan.msk.f32 $0xffff, v26;
	_ =	sdelay $0x3  }
0x3e6: {  	(v2sf) =	vpush v53, $0xF  }
0x3e7: {  	v63, _, _ =	vpop (xrf0)  }
0x3e8: {  	v32, _, _ =	vpop (xrf0)  }
0x3e9: {  	s25 =	spop (v2sf);
	v29 =	vbroadcast v32, $0xF  }
0x3ea: {  	[smem:$0x7F6] =	sst s0;
	s0 =	sxor.u32 $0x80000000, s25  }
0x3eb: {  	vm1 =	veq.s32 v13, s0;
	vm14 =	veq.f32 v26, v29  }
0x3ec: {  	vm0 =	vmand vm0, vm1;
	v29 =	vnsel vm14, $0xC0000000, v9  }
0x3ed: {  	v19 =	vsel vm0, $0x7F800000, v19;
	(xrf0) =	vmin.scan.msk.u32 $0xffff, v29  }
0x3ee: {  	(xrf0) =	vmin.scan.msk.f32 $0xffff, v19;
	_ =	sdelay $0x3  }
0x3ef: {  	(v2sf) =	vpush v55, $0xF  }
0x3f0: {  	v33, _, _ =	vpop (xrf0)  }
0x3f1: {  	v34, _, _ =	vpop (xrf0)  }
0x3f2: {  	s26 =	spop (v2sf);
	v29 =	vbroadcast v34, $0xF  }
0x3f3: {  	[smem:$0x7F7] =	sst s0;
	s0 =	sxor.u32 $0x80000000, s26  }
0x3f4: {  	vm15 =	veq.s32 v3, s0;
	vm0 =	veq.f32 v19, v29  }
0x3f5: {  	vm1 =	vmand vm8, vm15;
	v29 =	vnsel vm0, $0xC0000000, v8  }
0x3f6: {  	v18 =	vsel vm1, $0x7F800000, v18;
	(xrf0) =	vmin.scan.msk.u32 $0xffff, v29  }
0x3f7: {  	(xrf0) =	vmin.scan.msk.f32 $0xffff, v18;
	_ =	sdelay $0x3  }
0x3f8: {  	(v2sf) =	vpush v57, $0xF  }
0x3f9: {  	v35, _, _ =	vpop (xrf0)  }
0x3fa: {  	v36, _, _ =	vpop (xrf0)  }
0x3fb: {  	s28 =	spop (v2sf);
	v29 =	vbroadcast v36, $0xF  }
0x3fc: {  	[smem:$0x7F8] =	sst s0;
	s0 =	sxor.u32 $0x80000000, s28  }
0x3fd: {  	vm15 =	veq.s32 v2, s0;
	vm8 =	veq.f32 v18, v29  }
0x3fe: {  	vm1 =	vmand vm9, vm15;
	v29 =	vnsel vm8, $0xC0000000, v7  }
0x3ff: {  	v0 =	vsel vm1, $0x7F800000, v0;
	(xrf0) =	vmin.scan.msk.u32 $0xffff, v29  }
0x400: {  	(xrf0) =	vmin.scan.msk.f32 $0xffff, v0;
	_ =	sdelay $0x3  }
0x401: {  	(v2sf) =	vpush v59, $0xF  }
0x402: {  	v37, _, _ =	vpop (xrf0)  }
0x403: {  	v38, _, _ =	vpop (xrf0)  }
0x404: {  	s29 =	spop (v2sf);
	v29 =	vbroadcast v38, $0xF  }
0x405: {  	[smem:$0x7F9] =	sst s0;
	s0 =	sxor.u32 $0x80000000, s29  }
0x406: {  	vm15 =	veq.s32 v5, s0;
	vm9 =	veq.f32 v0, v29  }
0x407: {  	vm1 =	vmand vm10, vm15;
	v29 =	vnsel vm9, $0xC0000000, v4  }
0x408: {  	v20 =	vsel vm1, $0x7F800000, v20;
	(xrf0) =	vmin.scan.msk.u32 $0xffff, v29  }
0x409: {  	(xrf0) =	vmin.scan.msk.f32 $0xffff, v20;
	_ =	sdelay $0x3  }
0x40a: {  	(v2sf) =	vpush v61, $0xF  }
0x40b: {  	v39, _, _ =	vpop (xrf0)  }
0x40c: {  	v40, _, _ =	vpop (xrf0)  }
0x40d: {  	s30 =	spop (v2sf);
	v29 =	vbroadcast v40, $0xF  }
0x40e: {  	[smem:$0x7FA] =	sst s0;
	s0 =	sxor.u32 $0x80000000, s30  }
0x40f: {  	vm15 =	veq.s32 v16, s0;
	vm10 =	veq.f32 v20, v29  }
0x410: {  	vm1 =	vmand vm11, vm15;
	v29 =	vnsel vm10, $0xC0000000, v1  }
0x411: {  	v24 =	vsel vm1, $0x7F800000, v24;
	(xrf0) =	vmin.scan.msk.u32 $0xffff, v29  }
0x412: {  	(xrf0) =	vmin.scan.msk.f32 $0xffff, v24;
	_ =	sdelay $0x3  }
0x413: {  	(v2sf) =	vpush v63, $0xF  }
0x414: {  	v41, _, _ =	vpop (xrf0)  }
0x415: {  	v42, _, _ =	vpop (xrf0)  }
0x416: {  	s1 =	spop (v2sf);
	v29 =	vbroadcast v42, $0xF  }
0x417: {  	[smem:$0x7FB] =	sst s0;
	s0 =	sxor.u32 $0x80000000, s1  }
0x418: {  	vm15 =	veq.s32 v10, s0;
	vm11 =	veq.f32 v24, v29  }
0x419: {  	vm1 =	vmand vm12, vm15;
	v29 =	vnsel vm11, $0xC0000000, v14  }
0x41a: {  	v21 =	vsel vm1, $0x7F800000, v21;
	(xrf0) =	vmin.scan.msk.u32 $0xffff, v29  }
0x41b: {  	(xrf0) =	vmin.scan.msk.f32 $0xffff, v21;
	_ =	sdelay $0x3  }
0x41c: {  	(v2sf) =	vpush v33, $0xF  }
0x41d: {  	v43, _, _ =	vpop (xrf0)  }
0x41e: {  	v44, _, _ =	vpop (xrf0)  }
0x41f: {  	s2 =	spop (v2sf);
	v29 =	vbroadcast v44, $0xF  }
0x420: {  	[smem:$0x7FC] =	sst s0;
	s0 =	sxor.u32 $0x80000000, s2  }
0x421: {  	vm1 =	veq.s32 v15, s0;
	vm12 =	veq.f32 v21, v29  }
0x422: {  	vm1 =	vmand vm13, vm1;
	v29 =	vnsel vm12, $0xC0000000, v11  }
0x423: {  	v23 =	vsel vm1, $0x7F800000, v23;
	(xrf0) =	vmin.scan.msk.u32 $0xffff, v29  }
0x424: {  	(xrf0) =	vmin.scan.msk.f32 $0xffff, v23;
	_ =	sdelay $0x3  }
0x425: {  	(v2sf) =	vpush v35, $0xF  }
0x426: {  	v45, _, _ =	vpop (xrf0)  }
0x427: {  	v46, _, _ =	vpop (xrf0)  }
0x428: {  	s3 =	spop (v2sf);
	v29 =	vbroadcast v46, $0xF  }
0x429: {  	s29 =	sxor.u32 $0x80000000, s3  }
0x42a: {  	vm1 =	veq.s32 v6, s29;
	vm13 =	veq.f32 v23, v29  }
0x42b: {  	vm1 =	vmand vm14, vm1;
	v29 =	vnsel vm13, $0xC0000000, v12  }
0x42c: {  	v26 =	vsel vm1, $0x7F800000, v26;
	(xrf0) =	vmin.scan.msk.u32 $0xffff, v29  }
0x42d: {  	(xrf0) =	vmin.scan.msk.f32 $0xffff, v26;
	_ =	sdelay $0x3  }
0x42e: {  	(v2sf) =	vpush v37, $0xF  }
0x42f: {  	v47, _, _ =	vpop (xrf0)  }
0x430: {  	v48, _, _ =	vpop (xrf0)  }
0x431: {  	s4 =	spop (v2sf);
	v29 =	vbroadcast v48, $0xF  }
0x432: {  	s28 =	sxor.u32 $0x80000000, s4  }
0x433: {  	vm1 =	veq.s32 v13, s28;
	vm14 =	veq.f32 v26, v29  }
0x434: {  	vm0 =	vmand vm0, vm1;
	v29 =	vnsel vm14, $0xC0000000, v9  }
0x435: {  	v19 =	vsel vm0, $0x7F800000, v19;
	(xrf0) =	vmin.scan.msk.u32 $0xffff, v29  }
0x436: {  	(xrf0) =	vmin.scan.msk.f32 $0xffff, v19;
	_ =	sdelay $0x3  }
0x437: {  	(v2sf) =	vpush v39, $0xF  }
0x438: {  	v49, _, _ =	vpop (xrf0)  }
0x439: {  	v50, _, _ =	vpop (xrf0)  }
0x43a: {  	s5 =	spop (v2sf);
	v29 =	vbroadcast v50, $0xF  }
0x43b: {  	s26 =	sxor.u32 $0x80000000, s5  }
0x43c: {  	vm15 =	veq.s32 v3, s26;
	vm0 =	veq.f32 v19, v29  }
0x43d: {  	vm1 =	vmand vm8, vm15;
	v29 =	vnsel vm0, $0xC0000000, v8  }
0x43e: {  	v18 =	vsel vm1, $0x7F800000, v18;
	(xrf0) =	vmin.scan.msk.u32 $0xffff, v29  }
0x43f: {  	(xrf0) =	vmin.scan.msk.f32 $0xffff, v18;
	_ =	sdelay $0x3  }
0x440: {  	(v2sf) =	vpush v41, $0xF  }
0x441: {  	v51, _, _ =	vpop (xrf0)  }
0x442: {  	v52, _, _ =	vpop (xrf0)  }
0x443: {  	s6 =	spop (v2sf);
	v29 =	vbroadcast v52, $0xF  }
0x444: {  	s25 =	sxor.u32 $0x80000000, s6  }
0x445: {  	vm15 =	veq.s32 v2, s25;
	vm8 =	veq.f32 v18, v29  }
0x446: {  	vm1 =	vmand vm9, vm15;
	v29 =	vnsel vm8, $0xC0000000, v7  }
0x447: {  	v0 =	vsel vm1, $0x7F800000, v0;
	(xrf0) =	vmin.scan.msk.u32 $0xffff, v29  }
0x448: {  	(xrf0) =	vmin.scan.msk.f32 $0xffff, v0;
	_ =	sdelay $0x3  }
0x449: {  	(v2sf) =	vpush v43, $0xF  }
0x44a: {  	v53, _, _ =	vpop (xrf0)  }
0x44b: {  	v54, _, _ =	vpop (xrf0)  }
0x44c: {  	s7 =	spop (v2sf);
	v29 =	vbroadcast v54, $0xF  }
0x44d: {  	s24 =	sxor.u32 $0x80000000, s7  }
0x44e: {  	vm15 =	veq.s32 v5, s24;
	vm9 =	veq.f32 v0, v29  }
0x44f: {  	vm1 =	vmand vm10, vm15;
	v29 =	vnsel vm9, $0xC0000000, v4  }
0x450: {  	v20 =	vsel vm1, $0x7F800000, v20;
	(xrf0) =	vmin.scan.msk.u32 $0xffff, v29  }
0x451: {  	(xrf0) =	vmin.scan.msk.f32 $0xffff, v20;
	_ =	sdelay $0x3  }
0x452: {  	(v2sf) =	vpush v45, $0xF  }
0x453: {  	v55, _, _ =	vpop (xrf0)  }
0x454: {  	v56, _, _ =	vpop (xrf0)  }
0x455: {  	s8 =	spop (v2sf);
	v29 =	vbroadcast v56, $0xF  }
0x456: {  	s23 =	sxor.u32 $0x80000000, s8  }
0x457: {  	vm15 =	veq.s32 v16, s23;
	vm10 =	veq.f32 v20, v29  }
0x458: {  	vm1 =	vmand vm11, vm15;
	v29 =	vnsel vm10, $0xC0000000, v1  }
0x459: {  	v24 =	vsel vm1, $0x7F800000, v24;
	(xrf0) =	vmin.scan.msk.u32 $0xffff, v29  }
0x45a: {  	(xrf0) =	vmin.scan.msk.f32 $0xffff, v24;
	_ =	sdelay $0x3  }
0x45b: {  	(v2sf) =	vpush v47, $0xF  }
0x45c: {  	v57, _, _ =	vpop (xrf0)  }
0x45d: {  	v58, _, _ =	vpop (xrf0)  }
0x45e: {  	s9 =	spop (v2sf);
	v29 =	vbroadcast v58, $0xF  }
0x45f: {  	s22 =	sxor.u32 $0x80000000, s9  }
0x460: {  	vm15 =	veq.s32 v10, s22;
	vm11 =	veq.f32 v24, v29  }
0x461: {  	vm1 =	vmand vm12, vm15;
	v29 =	vnsel vm11, $0xC0000000, v14  }
0x462: {  	v21 =	vsel vm1, $0x7F800000, v21;
	(xrf0) =	vmin.scan.msk.u32 $0xffff, v29  }
0x463: {  	(xrf0) =	vmin.scan.msk.f32 $0xffff, v21;
	_ =	sdelay $0x3  }
0x464: {  	(v2sf) =	vpush v49, $0xF  }
0x465: {  	v59, _, _ =	vpop (xrf0)  }
0x466: {  	v60, _, _ =	vpop (xrf0)  }
0x467: {  	s10 =	spop (v2sf);
	v29 =	vbroadcast v60, $0xF  }
0x468: {  	s21 =	sxor.u32 $0x80000000, s10  }
0x469: {  	vm1 =	veq.s32 v15, s21;
	vm12 =	veq.f32 v21, v29  }
0x46a: {  	vm1 =	vmand vm13, vm1;
	v29 =	vnsel vm12, $0xC0000000, v11  }
0x46b: {  	v23 =	vsel vm1, $0x7F800000, v23;
	(xrf0) =	vmin.scan.msk.u32 $0xffff, v29  }
0x46c: {  	(xrf0) =	vmin.scan.msk.f32 $0xffff, v23;
	_ =	sdelay $0x3  }
0x46d: {  	(v2sf) =	vpush v51, $0xF  }
0x46e: {  	v61, _, _ =	vpop (xrf0)  }
0x46f: {  	v62, _, _ =	vpop (xrf0)  }
0x470: {  	s11 =	spop (v2sf);
	v29 =	vbroadcast v62, $0xF  }
0x471: {  	s19 =	sxor.u32 $0x80000000, s11  }
0x472: {  	vm1 =	veq.s32 v6, s19;
	vm13 =	veq.f32 v23, v29  }
0x473: {  	vm1 =	vmand vm14, vm1;
	v29 =	vnsel vm13, $0xC0000000, v12  }
0x474: {  	v26 =	vsel vm1, $0x7F800000, v26;
	(xrf0) =	vmin.scan.msk.u32 $0xffff, v29  }
0x475: {  	(xrf0) =	vmin.scan.msk.f32 $0xffff, v26;
	_ =	sdelay $0x3  }
0x476: {  	(v2sf) =	vpush v53, $0xF  }
0x477: {  	v63, _, _ =	vpop (xrf0)  }
0x478: {  	v32, _, _ =	vpop (xrf0)  }
0x479: {  	s12 =	spop (v2sf);
	v29 =	vbroadcast v32, $0xF  }
0x47a: {  	s18 =	sxor.u32 $0x80000000, s12  }
0x47b: {  	vm1 =	veq.s32 v13, s18;
	vm14 =	veq.f32 v26, v29  }
0x47c: {  	vm0 =	vmand vm0, vm1;
	v29 =	vnsel vm14, $0xC0000000, v9  }
0x47d: {  	v19 =	vsel vm0, $0x7F800000, v19;
	(xrf0) =	vmin.scan.msk.u32 $0xffff, v29  }
0x47e: {  	(xrf0) =	vmin.scan.msk.f32 $0xffff, v19;
	_ =	sdelay $0x3  }
0x47f: {  	(v2sf) =	vpush v55, $0xF  }
0x480: {  	v33, _, _ =	vpop (xrf0)  }
0x481: {  	v34, _, _ =	vpop (xrf0)  }
0x482: {  	s13 =	spop (v2sf);
	v29 =	vbroadcast v34, $0xF  }
0x483: {  	s17 =	sxor.u32 $0x80000000, s13  }
0x484: {  	vm15 =	veq.s32 v3, s17;
	vm0 =	veq.f32 v19, v29  }
0x485: {  	vm1 =	vmand vm8, vm15;
	v29 =	vnsel vm0, $0xC0000000, v8  }
0x486: {  	v18 =	vsel vm1, $0x7F800000, v18;
	(xrf0) =	vmin.scan.msk.u32 $0xffff, v29  }
0x487: {  	(xrf0) =	vmin.scan.msk.f32 $0xffff, v18;
	_ =	sdelay $0x3  }
0x488: {  	(v2sf) =	vpush v57, $0xF  }
0x489: {  	v35, _, _ =	vpop (xrf0)  }
0x48a: {  	v36, _, _ =	vpop (xrf0)  }
0x48b: {  	s14 =	spop (v2sf);
	v29 =	vbroadcast v36, $0xF  }
0x48c: {  	s16 =	sxor.u32 $0x80000000, s14  }
0x48d: {  	vm15 =	veq.s32 v2, s16;
	vm8 =	veq.f32 v18, v29  }
0x48e: {  	vm1 =	vmand vm9, vm15;
	v29 =	vnsel vm8, $0xC0000000, v7  }
0x48f: {  	v0 =	vsel vm1, $0x7F800000, v0;
	(xrf0) =	vmin.scan.msk.u32 $0xffff, v29  }
0x490: {  	(xrf0) =	vmin.scan.msk.f32 $0xffff, v0;
	_ =	sdelay $0x3  }
0x491: {  	(v2sf) =	vpush v59, $0xF  }
0x492: {  	v37, _, _ =	vpop (xrf0)  }
0x493: {  	v38, _, _ =	vpop (xrf0)  }
0x494: {  	s15 =	spop (v2sf);
	v29 =	vbroadcast v38, $0xF  }
0x495: {  	s15 =	sxor.u32 $0x80000000, s15  }
0x496: {  	vm15 =	veq.s32 v5, s15;
	vm9 =	veq.f32 v0, v29  }
0x497: {  	vm1 =	vmand vm10, vm15;
	v29 =	vnsel vm9, $0xC0000000, v4  }
0x498: {  	v20 =	vsel vm1, $0x7F800000, v20;
	(xrf0) =	vmin.scan.msk.u32 $0xffff, v29  }
0x499: {  	(xrf0) =	vmin.scan.msk.f32 $0xffff, v20;
	_ =	sdelay $0x3  }
0x49a: {  	(v2sf) =	vpush v61, $0xF  }
0x49b: {  	v39, _, _ =	vpop (xrf0)  }
0x49c: {  	v40, _, _ =	vpop (xrf0)  }
0x49d: {  	s30 =	spop (v2sf);
	v29 =	vbroadcast v40, $0xF  }
0x49e: {  	s14 =	sxor.u32 $0x80000000, s30  }
0x49f: {  	vm15 =	veq.s32 v16, s14;
	vm10 =	veq.f32 v20, v29  }
0x4a0: {  	vm1 =	vmand vm11, vm15;
	v29 =	vnsel vm10, $0xC0000000, v1  }
0x4a1: {  	v24 =	vsel vm1, $0x7F800000, v24;
	(xrf0) =	vmin.scan.msk.u32 $0xffff, v29  }
0x4a2: {  	(xrf0) =	vmin.scan.msk.f32 $0xffff, v24;
	_ =	sdelay $0x3  }
0x4a3: {  	(v2sf) =	vpush v63, $0xF  }
0x4a4: {  	v41, _, _ =	vpop (xrf0)  }
0x4a5: {  	v42, _, _ =	vpop (xrf0)  }
0x4a6: {  	s1 =	spop (v2sf);
	v29 =	vbroadcast v42, $0xF  }
0x4a7: {  	s13 =	sxor.u32 $0x80000000, s1  }
0x4a8: {  	vm15 =	veq.s32 v10, s13;
	vm11 =	veq.f32 v24, v29  }
0x4a9: {  	vm1 =	vmand vm12, vm15;
	v29 =	vnsel vm11, $0xC0000000, v14  }
0x4aa: {  	v21 =	vsel vm1, $0x7F800000, v21;
	(xrf0) =	vmin.scan.msk.u32 $0xffff, v29  }
0x4ab: {  	(xrf0) =	vmin.scan.msk.f32 $0xffff, v21;
	_ =	sdelay $0x3  }
0x4ac: {  	(v2sf) =	vpush v33, $0xF  }
0x4ad: {  	v43, _, _ =	vpop (xrf0)  }
0x4ae: {  	v44, _, _ =	vpop (xrf0)  }
0x4af: {  	s2 =	spop (v2sf);
	v29 =	vbroadcast v44, $0xF  }
0x4b0: {  	s12 =	sxor.u32 $0x80000000, s2  }
0x4b1: {  	vm1 =	veq.s32 v15, s12;
	vm12 =	veq.f32 v21, v29  }
0x4b2: {  	vm1 =	vmand vm13, vm1;
	v29 =	vnsel vm12, $0xC0000000, v11  }
0x4b3: {  	v23 =	vsel vm1, $0x7F800000, v23;
	(xrf0) =	vmin.scan.msk.u32 $0xffff, v29  }
0x4b4: {  	(xrf0) =	vmin.scan.msk.f32 $0xffff, v23;
	_ =	sdelay $0x3  }
0x4b5: {  	(v2sf) =	vpush v35, $0xF  }
0x4b6: {  	v45, _, _ =	vpop (xrf0)  }
0x4b7: {  	v46, _, _ =	vpop (xrf0)  }
0x4b8: {  	s3 =	spop (v2sf);
	v29 =	vbroadcast v46, $0xF  }
0x4b9: {  	s11 =	sxor.u32 $0x80000000, s3  }
0x4ba: {  	vm1 =	veq.s32 v6, s11;
	vm13 =	veq.f32 v23, v29  }
0x4bb: {  	vm1 =	vmand vm14, vm1;
	v29 =	vnsel vm13, $0xC0000000, v12  }
0x4bc: {  	v26 =	vsel vm1, $0x7F800000, v26;
	(xrf0) =	vmin.scan.msk.u32 $0xffff, v29  }
0x4bd: {  	(xrf0) =	vmin.scan.msk.f32 $0xffff, v26;
	_ =	sdelay $0x3  }
0x4be: {  	(v2sf) =	vpush v37, $0xF  }
0x4bf: {  	v47, _, _ =	vpop (xrf0)  }
0x4c0: {  	v48, _, _ =	vpop (xrf0)  }
0x4c1: {  	s4 =	spop (v2sf);
	v29 =	vbroadcast v48, $0xF  }
0x4c2: {  	s10 =	sxor.u32 $0x80000000, s4  }
0x4c3: {  	vm1 =	veq.s32 v13, s10;
	vm14 =	veq.f32 v26, v29  }
0x4c4: {  	vm0 =	vmand vm0, vm1;
	v29 =	vnsel vm14, $0xC0000000, v9  }
0x4c5: {  	v19 =	vsel vm0, $0x7F800000, v19;
	(xrf0) =	vmin.scan.msk.u32 $0xffff, v29  }
0x4c6: {  	(xrf0) =	vmin.scan.msk.f32 $0xffff, v19;
	_ =	sdelay $0x3  }
0x4c7: {  	(v2sf) =	vpush v39, $0xF  }
0x4c8: {  	v49, _, _ =	vpop (xrf0)  }
0x4c9: {  	v50, _, _ =	vpop (xrf0)  }
0x4ca: {  	s5 =	spop (v2sf);
	v29 =	vbroadcast v50, $0xF  }
0x4cb: {  	s9 =	sxor.u32 $0x80000000, s5  }
0x4cc: {  	vm15 =	veq.s32 v3, s9;
	vm0 =	veq.f32 v19, v29  }
0x4cd: {  	vm1 =	vmand vm8, vm15;
	v29 =	vnsel vm0, $0xC0000000, v8  }
0x4ce: {  	v18 =	vsel vm1, $0x7F800000, v18;
	(xrf0) =	vmin.scan.msk.u32 $0xffff, v29  }
0x4cf: {  	(xrf0) =	vmin.scan.msk.f32 $0xffff, v18;
	_ =	sdelay $0x3  }
0x4d0: {  	(v2sf) =	vpush v41, $0xF  }
0x4d1: {  	v29, _, _ =	vpop (xrf0)  }
0x4d2: {  	v51, _, _ =	vpop (xrf0)  }
0x4d3: {  	s6 =	spop (v2sf);
	v17 =	vbroadcast v51, $0xF  }
0x4d4: {  	s8 =	sxor.u32 $0x80000000, s6  }
0x4d5: {  	vm1 =	veq.s32 v2, s8;
	vm15 =	veq.f32 v18, v17  }
0x4d6: {  	vm1 =	vmand vm9, vm1;
	v17 =	vnsel vm15, $0xC0000000, v7  }
0x4d7: {  	v0 =	vsel vm1, $0x7F800000, v0;
	(xrf0) =	vmin.scan.msk.u32 $0xffff, v17  }
0x4d8: {  	(xrf0) =	vmin.scan.msk.f32 $0xffff, v0;
	_ =	sdelay $0x3  }
0x4d9: {  	(v2sf) =	vpush v43, $0xF  }
0x4da: {  	v52, _, _ =	vpop (xrf0)  }
0x4db: {  	v53, _, _ =	vpop (xrf0)  }
0x4dc: {  	s7 =	spop (v2sf);
	v17 =	vbroadcast v53, $0xF  }
0x4dd: {  	s7 =	sxor.u32 $0x80000000, s7  }
0x4de: {  	vm1 =	veq.s32 v5, s7;
	vm9 =	veq.f32 v0, v17  }
0x4df: {  	vm1 =	vmand vm10, vm1;
	v54 =	vnsel vm9, $0xC0000000, v4  }
0x4e0: {  	v55 =	vsel vm1, $0x7F800000, v20;
	(xrf0) =	vmin.scan.msk.u32 $0xffff, v54  }
0x4e1: {  	(xrf0) =	vmin.scan.msk.f32 $0xffff, v55;
	_ =	sdelay $0x3  }
0x4e2: {  	(v2sf) =	vpush v45, $0xF  }
0x4e3: {  	v56, _, _ =	vpop (xrf0)  }
0x4e4: {  	v57, _, _ =	vpop (xrf0)  }
0x4e5: {  	s30 =	spop (v2sf);
	v25 =	vbroadcast v57, $0xF  }
0x4e6: {  	s6 =	sxor.u32 $0x80000000, s30  }
0x4e7: {  	vm1 =	veq.s32 v16, s6;
	vm8 =	veq.f32 v55, v25  }
0x4e8: {  	vm1 =	vmand vm11, vm1;
	v58 =	vnsel vm8, $0xC0000000, v1  }
0x4e9: {  	v24 =	vsel vm1, $0x7F800000, v24;
	(xrf0) =	vmin.scan.msk.u32 $0xffff, v58  }
0x4ea: {  	(xrf0) =	vmin.scan.msk.f32 $0xffff, v24;
	_ =	sdelay $0x3  }
0x4eb: {  	(v2sf) =	vpush v47, $0xF  }
0x4ec: {  	v16, _, _ =	vpop (xrf0)  }
0x4ed: {  	v59, _, _ =	vpop (xrf0)  }
0x4ee: {  	s1 =	spop (v2sf);
	v25 =	vbroadcast v59, $0xF  }
0x4ef: {  	s5 =	sxor.u32 $0x80000000, s1  }
0x4f0: {  	vm10 =	veq.s32 v10, s5;
	vm11 =	veq.f32 v24, v25  }
0x4f1: {  	vm1 =	vmand vm12, vm10;
	v60 =	vnsel vm11, $0xC0000000, v14  }
0x4f2: {  	v61 =	vsel vm1, $0x7F800000, v21;
	(xrf0) =	vmin.scan.msk.u32 $0xffff, v60  }
0x4f3: {  	(xrf0) =	vmin.scan.msk.f32 $0xffff, v61;
	_ =	sdelay $0x3  }
0x4f4: {  	(v2sf) =	vpush v49, $0xF  }
0x4f5: {  	v10, _, _ =	vpop (xrf0)  }
0x4f6: {  	v62, _, _ =	vpop (xrf0)  }
0x4f7: {  	s2 =	spop (v2sf);
	v21 =	vbroadcast v62, $0xF  }
0x4f8: {  	s4 =	sxor.u32 $0x80000000, s2  }
0x4f9: {  	vm12 =	veq.s32 v15, s4;
	vm10 =	veq.f32 v61, v21  }
0x4fa: {  	vm1 =	vmand vm13, vm12;
	v11 =	vnsel vm10, $0xC0000000, v11  }
0x4fb: {  	v63 =	vsel vm1, $0x7F800000, v23;
	(xrf0) =	vmin.scan.msk.u32 $0xffff, v11  }
0x4fc: {  	(xrf0) =	vmin.scan.msk.f32 $0xffff, v63;
	_ =	sdelay $0x3  }
0x4fd: {  	(v2sf) =	vpush v29, $0xF  }
0x4fe: {  	v11, _, _ =	vpop (xrf0)  }
0x4ff: {  	v21, _, _ =	vpop (xrf0)  }
0x500: {  	s3 =	spop (v2sf);
	v15 =	vbroadcast v21, $0xF  }
0x501: {  	s3 =	sxor.u32 $0x80000000, s3  }
0x502: {  	vm11 =	veq.s32 v6, s3;
	vm12 =	veq.f32 v63, v15  }
0x503: {  	vm1 =	vmand vm14, vm11;
	v23 =	vnsel vm12, $0xC0000000, v12  }
0x504: {  	v24 =	vsel vm1, $0x7F800000, v26;
	(xrf0) =	vmin.scan.msk.u32 $0xffff, v23  }
0x505: {  	(xrf0) =	vmin.scan.msk.f32 $0xffff, v24;
	_ =	sdelay $0x1  }
0x506: {  	(v2sf) =	vpush v52, $0xF  }
0x507: {  	(v2sf) =	vpush v56, $0xF;
	_ =	sdelay $0x1  }
0x508: {  	v6, _, _ =	vpop (xrf0)  }
0x509: {  	v25, _, _ =	vpop (xrf0)  }
0x50a: {  	s30 =	spop (v2sf);
	v14 =	vbroadcast v25, $0xF  }
0x50b: {  	s2 =	sxor.u32 $0x80000000, s30  }
0x50c: {  	vm13 =	veq.s32 v13, s2;
	vm14 =	veq.f32 v24, v14  }
0x50d: {  	vm0 =	vmand vm0, vm13;
	v9 =	vnsel vm14, $0xC0000000, v9  }
0x50e: {  	v26 =	vsel vm0, $0x7F800000, v19;
	(xrf0) =	vmin.scan.msk.u32 $0xffff, v9  }
0x50f: {  	(xrf0) =	vmin.scan.msk.f32 $0xffff, v26;
	_ =	sdelay $0x2  }
0x510: {  	[smem:$0x7FD] =	sst s0  }
0x511: {  	s30 =	rddreg [dreg:$0x1b]  }
0x512: {  	v32 =	vlaneseq.u32;
	v30 =	vmov s30;
	s30 =	rddreg [dreg:$0x1c];
	s1 =	spop (v2sf);
	v9, _, _ =	vpop (xrf0)  }
0x513: {  	v31 =	vmov s30;
	s30 =	rddreg [dreg:$0x14];
	s0 =	spop (v2sf);
	vm12 =	veq.s32 v32, $0x0;
	v27, _, _ =	vpop (xrf0)  }
0x514: {  	s0 =	sxor.u32 $0x80000000, s0;
	v14 =	vsel vm12, s30, v31;
	s30 =	rddreg [dreg:$0x1d];
	v13 =	vbroadcast v27, $0xF  }
0x515: {  	s1 =	sxor.u32 $0x80000000, s1;
	vm13 =	veq.s32 v2, s0;
	v33 =	vmov s30;
	s30 =	rddreg [dreg:$0x15]  }
0x516: {  	vm10 =	veq.s32 v3, s1;
	v15 =	vsel vm12, s30, v33;
	s30 =	rddreg [dreg:$0x1e];
	vm11 =	veq.f32 v26, v13  }
0x517: {  	vm0 =	vmand vm15, vm10;
	v2 =	vmov s30;
	s30 =	rddreg [dreg:$0x16];
	v3 =	vnsel vm11, $0xC0000000, v8  }
0x518: {  	v28 =	vsel vm0, $0x7F800000, v18;
	v2 =	vsel vm12, s30, v2;
	s30 =	rddreg [dreg:$0x1f];
	(xrf0) =	vmin.scan.msk.u32 $0xffff, v3  }
0x519: {  	v34 =	vmov s30;
	s30 =	rddreg [dreg:$0x17];
	(xrf0) =	vmin.scan.msk.f32 $0xffff, v28  }
0x51a: {  	v35 =	vsel vm12, s30, v34;
	s30 =	sld [smem:$0x7B0];
	_ =	sdelay $0x2  }
0x51b: {  	v36 =	vmov s30;
	s30 =	sld [smem:$0x7B1]  }
0x51c: {  	v3, _, _ =	vpop (xrf0)  }
0x51d: {  	v29, _, _ =	vpop (xrf0)  }
0x51e: {  	v37 =	vmov s30;
	s30 =	rddreg [dreg:$0x18];
	v12 =	vbroadcast v29, $0xF  }
0x51f: {  	v8 =	vsel vm12, s30, v36;
	s30 =	rddreg [dreg:$0x19]  }
0x520: {  	vm14 =	veq.f32 v28, v12;
	v12 =	vsel vm12, s30, v37;
	s30 =	sld [smem:$0x7B2];
	_ =	sdelay $0x2  }
0x521: {  	v38 =	vmov s30;
	s30 =	rddreg [dreg:$0x1a]  }
0x522: {  	(v2sf) =	vpush v16, $0xF;
	v16 =	vsel vm12, s30, v38;
	s30 =	sld [smem:$0x7B3];
	_ =	sdelay $0x1  }
0x523: {  	vm15 =	vcmask $0xB08;
	v13 =	vsel vm12, s20, v30  }
0x524: {  	v13 =	vsel vm15, s30, v13;
	s30 =	sld [smem:$0x7B4];
	_ =	sdelay $0x2  }
0x525: {  	v14 =	vsel vm15, s30, v14;
	s30 =	sld [smem:$0x7B5];
	_ =	sdelay $0x2  }
0x526: {  	v15 =	vsel vm15, s30, v15;
	s30 =	sld [smem:$0x7B6];
	_ =	sdelay $0x2  }
0x527: {  	v2 =	vsel vm15, s30, v2;
	s30 =	sld [smem:$0x7B7];
	_ =	sdelay $0x1  }
0x528: {  	v7 =	vnsel vm14, $0xC0000000, v7  }
0x529: {  	(xrf0) =	vmin.scan.msk.u32 $0xffff, v7;
	v7 =	vsel vm15, s30, v35;
	s30 =	sld [smem:$0x7B8];
	_ =	sdelay $0x2  }
0x52a: {  	v8 =	vsel vm15, s30, v8;
	s30 =	sld [smem:$0x7B9];
	_ =	sdelay $0x2  }
0x52b: {  	v39 =	vld [tilespmem:$0x1FFA0];
	v12 =	vsel vm15, s30, v12;
	s30 =	sld [smem:$0x7BA];
	_ =	sdelay $0x2  }
0x52c: {  	v16 =	vsel vm15, s30, v16;
	s30 =	sld [smem:$0x7BB];
	_ =	sdelay $0x1  }
0x52d: {  	vm1 =	vmand vm9, vm13;
	vm9 =	vnez.u8 v39  }
0x52e: {  	v13 =	vnsel vm9, s30, v13;
	s30 =	sld [smem:$0x7BC];
	_ =	sdelay $0x2  }
0x52f: {  	v14 =	vnsel vm9, s30, v14;
	s30 =	sld [smem:$0x7BD];
	_ =	sdelay $0x2  }
0x530: {  	v15 =	vnsel vm9, s30, v15;
	s30 =	sld [smem:$0x7BE];
	_ =	sdelay $0x2  }
0x531: {  	v2 =	vnsel vm9, s30, v2;
	s30 =	sld [smem:$0x7BF];
	_ =	sdelay $0x2  }
0x532: {  	v7 =	vnsel vm9, s30, v7;
	s30 =	sld [smem:$0x7C0];
	_ =	sdelay $0x2  }
0x533: {  	v8 =	vnsel vm9, s30, v8;
	s30 =	sld [smem:$0x7C1];
	_ =	sdelay $0x2  }
0x534: {  	v42 =	vld [tilespmem:$0x1FFB0];
	v12 =	vnsel vm9, s30, v12;
	s30 =	sld [smem:$0x7C2];
	_ =	sdelay $0x2  }
0x535: {  	v16 =	vnsel vm9, s30, v16;
	s30 =	sld [smem:$0x7C3];
	_ =	sdelay $0x1  }
0x536: {  	vm10 =	vnez.u8 v42  }
0x537: {  	v13 =	vnsel vm10, s30, v13;
	s30 =	sld [smem:$0x7C4];
	_ =	sdelay $0x1  }
0x538: {  	v0 =	vsel vm1, $0x7F800000, v0  }
0x539: {  	(xrf0) =	vmin.scan.msk.f32 $0xffff, v0;
	v14 =	vnsel vm10, s30, v14;
	s30 =	sld [smem:$0x7C5];
	_ =	sdelay $0x2  }
0x53a: {  	v15 =	vnsel vm10, s30, v15;
	s30 =	sld [smem:$0x7C6];
	_ =	sdelay $0x1  }
0x53b: {  	v40, _, _ =	vpop (xrf0)  }
0x53c: {  	v41, _, _ =	vpop (xrf0);
	v2 =	vnsel vm10, s30, v2;
	s30 =	sld [smem:$0x7C7]  }
0x53d: {  	v19 =	vbroadcast v41, $0xF;
	_ =	sdelay $0x1  }
0x53e: {  	vm1 =	veq.f32 v0, v19;
	v0 =	vnsel vm10, s30, v7;
	s30 =	sld [smem:$0x7C8];
	_ =	sdelay $0x2  }
0x53f: {  	v43 =	vnsel vm10, s30, v8;
	s30 =	sld [smem:$0x7C9];
	_ =	sdelay $0x2  }
0x540: {  	v47 =	vld [tilespmem:$0x1FFC0];
	v44 =	vnsel vm10, s30, v12;
	s30 =	sld [smem:$0x7CA];
	_ =	sdelay $0x2  }
0x541: {  	v46 =	vnsel vm10, s30, v16;
	s30 =	sld [smem:$0x7CB];
	_ =	sdelay $0x1  }
0x542: {  	vm12 =	vnez.u8 v47  }
0x543: {  	v12 =	vnsel vm12, s30, v13;
	s30 =	sld [smem:$0x7CC];
	_ =	sdelay $0x2  }
0x544: {  	v48 =	vnsel vm12, s30, v14;
	s30 =	sld [smem:$0x7CD];
	_ =	sdelay $0x2  }
0x545: {  	v49 =	vnsel vm12, s30, v15;
	s30 =	sld [smem:$0x7CE];
	_ =	sdelay $0x2  }
0x546: {  	v2 =	vnsel vm12, s30, v2;
	s30 =	sld [smem:$0x7CF];
	_ =	sdelay $0x2  }
0x547: {  	v0 =	vnsel vm12, s30, v0;
	s30 =	sld [smem:$0x7D0]  }
0x548: {  	s20 =	spop (v2sf)  }
0x549: {  	s20 =	sxor.u32 $0x80000000, s20  }
0x54a: {  	vm11 =	veq.s32 v5, s20;
	v5 =	vnsel vm12, s30, v43;
	s30 =	sld [smem:$0x7D1];
	_ =	sdelay $0x2  }
0x54b: {  	v50 =	vld [tilespmem:$0x1FFD0];
	v7 =	vnsel vm12, s30, v44;
	s30 =	sld [smem:$0x7D2];
	_ =	sdelay $0x1  }
0x54c: {  	v4 =	vnsel vm1, $0xC0000000, v4  }
0x54d: {  	(xrf0) =	vmin.scan.msk.u32 $0xffff, v4;
	v4 =	vnsel vm12, s30, v46;
	s30 =	sld [smem:$0x7D3];
	_ =	sdelay $0x1  }
0x54e: {  	vm13 =	vnez.u8 v50  }
0x54f: {  	v12 =	vnsel vm13, s30, v12;
	s30 =	sld [smem:$0x7D4];
	_ =	sdelay $0x2  }
0x550: {  	v13 =	vnsel vm13, s30, v48;
	s30 =	sld [smem:$0x7D5];
	_ =	sdelay $0x2  }
0x551: {  	v14 =	vnsel vm13, s30, v49;
	s30 =	sld [smem:$0x7D6];
	_ =	sdelay $0x2  }
0x552: {  	v2 =	vnsel vm13, s30, v2;
	s30 =	sld [smem:$0x7D7];
	_ =	sdelay $0x2  }
0x553: {  	v0 =	vnsel vm13, s30, v0;
	s30 =	sld [smem:$0x7D8];
	_ =	sdelay $0x2  }
0x554: {  	v5 =	vnsel vm13, s30, v5;
	s30 =	sld [smem:$0x7D9];
	_ =	sdelay $0x2  }
0x555: {  	v51 =	vld [tilespmem:$0x1FFE0];
	v7 =	vnsel vm13, s30, v7;
	s30 =	sld [smem:$0x7DA];
	_ =	sdelay $0x2  }
0x556: {  	v4 =	vnsel vm13, s30, v4;
	s30 =	sld [smem:$0x7DB];
	_ =	sdelay $0x1  }
0x557: {  	vm14 =	vnez.u8 v51  }
0x558: {  	v12 =	vnsel vm14, s30, v12;
	s30 =	sld [smem:$0x7DC];
	_ =	sdelay $0x2  }
0x559: {  	v13 =	vnsel vm14, s30, v13;
	s30 =	sld [smem:$0x7DD];
	_ =	sdelay $0x2  }
0x55a: {  	v14 =	vnsel vm14, s30, v14;
	s30 =	sld [smem:$0x7DE];
	_ =	sdelay $0x2  }
0x55b: {  	v2 =	vnsel vm14, s30, v2;
	s30 =	sld [smem:$0x7DF];
	_ =	sdelay $0x2  }
0x55c: {  	v0 =	vnsel vm14, s30, v0;
	s30 =	sld [smem:$0x7E0];
	_ =	sdelay $0x2  }
0x55d: {  	v5 =	vnsel vm14, s30, v5;
	s30 =	sld [smem:$0x7E1];
	_ =	sdelay $0x2  }
0x55e: {  	v54 =	vld [tilespmem:$0x1FFF0];
	v7 =	vnsel vm14, s30, v7;
	s30 =	sld [smem:$0x7E2];
	_ =	sdelay $0x2  }
0x55f: {  	v4 =	vnsel vm14, s30, v4;
	s30 =	sld [smem:$0x7E3];
	_ =	sdelay $0x1  }
0x560: {  	vm15 =	vnez.u8 v54  }
0x561: {  	v12 =	vnsel vm15, s30, v12;
	s30 =	sld [smem:$0x7E4];
	_ =	sdelay $0x2  }
0x562: {  	v13 =	vnsel vm15, s30, v13;
	s30 =	sld [smem:$0x7E5];
	_ =	sdelay $0x2  }
0x563: {  	v14 =	vnsel vm15, s30, v14;
	s30 =	sld [smem:$0x7E6];
	_ =	sdelay $0x1  }
0x564: {  	vm0 =	vmand vm8, vm11  }
0x565: {  	v45 =	vsel vm0, $0x7F800000, v55;
	v2 =	vnsel vm15, s30, v2;
	s30 =	sld [smem:$0x7E7]  }
0x566: {  	(xrf0) =	vmin.scan.msk.f32 $0xffff, v45;
	_ =	sdelay $0x1  }
0x567: {  	v0 =	vnsel vm15, s30, v0;
	s30 =	sld [smem:$0x7E8];
	_ =	sdelay $0x2  }
0x568: {  	v52, _, _ =	vpop (xrf0);
	v5 =	vnsel vm15, s30, v5;
	s30 =	sld [smem:$0x7E9]  }
0x569: {  	v53, _, _ =	vpop (xrf0)  }
0x56a: {  	v16 =	vbroadcast v53, $0xF  }
0x56b: {  	v7 =	vnsel vm15, s30, v7;
	s30 =	sld [smem:$0x7EA]  }
0x56c: {  	vm9 =	veq.f32 v45, v16  }
0x56d: {  	v1 =	vnsel vm9, $0xC0000000, v1  }
0x56e: {  	(xrf0) =	vmin.scan.msk.u32 $0xffff, v1;
	v1 =	vnsel vm15, s30, v4;
	s30 =	sld [smem:$0x7EB];
	_ =	sdelay $0x2  }
0x56f: {  	v55 =	vnsel vm7, s30, v12;
	s30 =	sld [smem:$0x7EC];
	_ =	sdelay $0x2  }
0x570: {  	v56 =	vnsel vm7, s30, v13;
	s30 =	sld [smem:$0x7ED];
	_ =	sdelay $0x2  }
0x571: {  	v57 =	vnsel vm7, s30, v14;
	s30 =	sld [smem:$0x7EE];
	_ =	sdelay $0x2  }
0x572: {  	v2 =	vnsel vm7, s30, v2;
	s30 =	sld [smem:$0x7EF];
	_ =	sdelay $0x2  }
0x573: {  	v0 =	vnsel vm7, s30, v0;
	s30 =	sld [smem:$0x7F0];
	_ =	sdelay $0x2  }
0x574: {  	v5 =	vnsel vm7, s30, v5;
	s30 =	sld [smem:$0x7F1];
	_ =	sdelay $0x2  }
0x575: {  	v58 =	vnsel vm7, s30, v7;
	s30 =	sld [smem:$0x7F2];
	_ =	sdelay $0x1  }
0x576: {  	(v2sf) =	vpush v10, $0xF  }
0x577: {  	(v2sf) =	vpush v11, $0xF;
	v1 =	vnsel vm7, s30, v1;
	s30 =	sld [smem:$0x7F3]  }
0x578: {  	(v2sf) =	vpush v6, $0xF  }
0x579: {  	(v2sf) =	vpush v9, $0xF;
	vm10 =	vmmov $0x3ff  }
0x57a: {  	(v2sf) =	vpush v3, $0xF;
	v3 =	vnsel vm10, s30, v55;
	s30 =	sld [smem:$0x7F4];
	_ =	sdelay $0x2  }
0x57b: {  	v59 =	vnsel vm10, s30, v56;
	s30 =	sld [smem:$0x7F5];
	_ =	sdelay $0x2  }
0x57c: {  	v61 =	vnsel vm10, s30, v57;
	s30 =	sld [smem:$0x7F6];
	_ =	sdelay $0x2  }
0x57d: {  	v2 =	vnsel vm10, s30, v2;
	s30 =	sld [smem:$0x7F7];
	_ =	sdelay $0x2  }
0x57e: {  	v0 =	vnsel vm10, s30, v0;
	s30 =	sld [smem:$0x7F8];
	_ =	sdelay $0x2  }
0x57f: {  	v5 =	vnsel vm10, s30, v5;
	s30 =	sld [smem:$0x7F9];
	_ =	sdelay $0x2  }
0x580: {  	v6 =	vnsel vm10, s30, v58;
	s30 =	sld [smem:$0x7FA];
	_ =	sdelay $0x1  }
0x581: {  	(v2sf) =	vpush v40, $0xF  }
0x582: {  	(v2sf) =	vpush v52, $0xF;
	v60, _, _ =	vpop (xrf0);
	v1 =	vnsel vm10, s30, v1;
	s30 =	sld [smem:$0x7FB]  }
0x583: {  	(v2sf) =	vpush v60, $0xF  }
0x584: {  	vm11 =	vmmov $0x7ff  }
0x585: {  	vm12 =	vmmov $0xfff;
	v2 =	vnsel vm11, s29, v2;
	v3 =	vnsel vm11, s30, v3;
	s30 =	sld [smem:$0x7FC]  }
0x586: {  	vm13 =	vmmov $0x1fff;
	vm14 =	vmmov $0x3fff;
	v2 =	vnsel vm12, s19, v2  }
0x587: {  	vm15 =	veq.s32 v32, $0xF;
	v2 =	vnsel vm13, s11, v2;
	v0 =	vnsel vm11, s28, v0  }
0x588: {  	v2 =	vnsel vm14, s3, v2;
	v5 =	vnsel vm11, s26, v5;
	v4 =	vnsel vm11, s30, v59;
	s30 =	sld [smem:$0x7FD]  }
0x589: {  	v0 =	vnsel vm12, s18, v0;
	v5 =	vnsel vm12, s17, v5;
	v1 =	vnsel vm11, s24, v1  }
0x58a: {  	s18 =	rddreg [dreg:$0x12];
	v6 =	vnsel vm11, s25, v6;
	v1 =	vnsel vm12, s15, v1;
	v3 =	vnsel vm12, s23, v3  }
0x58b: {  	s28 =	spop (v2sf);
	s25 =	rddreg [dreg:$0x10];
	v3 =	vnsel vm13, s14, v3;
	v4 =	vnsel vm12, s22, v4;
	v62 =	vnsel vm11, s30, v61  }
0x58c: {  	s29 =	spop (v2sf);
	s15 =	rddreg [dreg:$0x13];
	v3 =	vnsel vm14, s6, v3;
	v4 =	vnsel vm13, s13, v4;
	s30 =	sxor.u32 $0x80000000, s28;
	v7 =	vnsel vm12, s21, v62  }
0x58d: {  	s6 =	sxor.u32 $0x80000000, s29;
	s29 =	rddreg [dreg:$0xc];
	v4 =	vnsel vm14, s5, v4;
	v3 =	vsel vm15, s30, v3;
	v7 =	vnsel vm13, s12, v7;
	s12 =	spop (v2sf)  }
0x58e: {  	v63 =	vnsel vm13, s9, v5;
	s22 =	rddreg [dreg:$0x11];
	v4 =	vsel vm15, s6, v4;
	[tilespmem:s31+$0x7800] =	vst v3;
	v7 =	vnsel vm14, s4, v7;
	s13 =	spop (v2sf);
	s5 =	sxor.u32 $0x80000000, s12  }
0x58f: {  	v0 =	vnsel vm13, s10, v0;
	[tilespmem:s15+$0x7800] =	vst v4;
	v4 =	vnsel vm14, s1, v63;
	s1 =	sadd.s32 $0x1, s29;
	s14 =	spop (v2sf);
	v3 =	vsel vm15, s5, v7;
	s4 =	sxor.u32 $0x80000000, s13  }
0x590: {  	v0 =	vnsel vm14, s2, v0;
	v6 =	vnsel vm12, s16, v6;
	p0 =	sne.s32 s1, $0x10;
	s16 =	spop (v2sf);
	v2 =	vsel vm15, s4, v2;
	s17 =	sxor.u32 $0x80000000, s14;
	[tilespmem:s18+$0x7800] =	vst v3  }
.Ltmp1:
0x591: {  	v3 =	vnsel vm13, s8, v6;
	s19 =	spop (v2sf);
	v0 =	vsel vm15, s17, v0;
	s21 =	sxor.u32 $0x80000000, s16;
	[tilespmem:s22+$0x7800] =	vst v2;
	(pc) =	sbr.rel @p0 .LBB2_2-.Ltmp1, $4  }
0x592: {  	v1 =	vnsel vm13, s7, v1;
	s28 =	rddreg [dreg:$0xd];
	v2 =	vnsel vm14, s0, v3;
	v3 =	vsel vm15, s21, v4;
	s23 =	sxor.u32 $0x80000000, s19;
	s24 =	spop (v2sf);
	[tilespmem:s25+$0x7800] =	vst v0  }
0x593: {  	s30 =	rddreg [dreg:$0xf];
	v0 =	vnsel vm14, s20, v1;
	v1 =	vsel vm15, s23, v2;
	s26 =	sxor.u32 $0x80000000, s24;
	[tilespmem:s28+$0x7800] =	vst v3  }
0x594: {  	s31 =	rddreg [dreg:$0xe];
	v0 =	vsel vm15, s26, v0;
	[tilespmem:s30+$0x7800] =	vst v1  }
0x595: {  	[tilespmem:s31+$0x7800] =	vst v0;
	v0 =	vlaneseq.u32  }
0x596: {  	s6 =	simm.s32 $0x0;
	s0 =	rddreg [dreg:$0x9];
	s1 =	simm.s32 $0x7800  }
0x597: {  	[hbm4b:s0+s6] =	stream.linear.scatter [tilespmem:s1], [sflag:$0x1], $0x800, $0x38;
	[tilespmem:$0x8000] =	vst v63  }
0x598: {  	s1 =	simm.s32 $0x1  }
0x599: {  	_ =	swait.ge [sflag:s1], $0x800  }
0x59a: {  	s2 =	rddreg [dreg:$0xb]  }
0x59b: {  	s31 =	rddreg [dreg:$0xa];
	s2 =	sadd.s32 $0x1, s2  }
0x59c: {  	p0 =	sne.s32 s2, s31  }
.Ltmp2:
0x59d: {  	_ = 	snop;
	(pc) =	sbr.rel @p0 .LBB2_1-.Ltmp2, $3  }
0x59e: {  	_ =	sdelay $0x1  }
0x59f: {  	[sflag:s1] =	ssyncset.done $0x0  }
0x5a0: {  	[sflag:s1] =	ssyncadd.s32 $0xFFFFF800  }
0x5a1: {  	_ =	sfence.sel $0x180000  }
0x5a2: {  	[bflag:$0x0] =	sbarrier.arrive $0xFFFF  }
0x5a3: {  	_ =	strace $0x90000047  }
0x5a4: {  	s0 =	stileid.u32;
	[bflag:$0x2] =	sbarrier.arrive $0xFFFF  }
0x5a5: {  	p0 =	sne.s32 s0, $0x0;
	s0 =	rddreg [dreg:$0x2]  }
0x5a6: {  	s0 =	sadd.s32 @!p0 $0x100000, s0  }
0x5a7: {  	[sflag:s0] =	ssyncadd.tile.s32 @!p0 $0x1;
	_ =	shalt  }
.Lfunc_end2:
_tile_overlayer_lowered:
.L_overlay_start_2:
0x5a8: {  	(tag) =	ssettag $0x2  }
0x5a9: {  	s0 =	rddreg [dreg:$0x0];
	s2 =	stileid.u32  }
0x5aa: {  	s1 =	rddreg [dreg:$0x1];
	p0 =	sne.s32 s2, $0x0  }
0x5ab: {  	s3 =	rddreg [dreg:$0x2];
	[bflag:$0x3] =	sbarrier.arrive $0xFFFF;
	s2 =	simm.s32 @!p0 $0x1C01  }
0x5ac: {  	[timem:s3], [sflag:s2] =	dma.local @!p0 [hbm:s0], s1  }
0x5ad: {  	s0 =	simm.s32 @!p0 $0x1  }
0x5ae: {  	_ =	swait.ge @!p0 [sflag:s0], s1  }
0x5af: {  	s1 =	ssub.s32 @!p0 $0x0, s1;
	[sflag:s0] =	ssyncset.done @!p0 $0x0  }
0x5b0: {  	[sflag:s0] =	ssyncadd.s32 @!p0 s1  }
0x5b1: {  	[bflag:$0x3] =	sbarrier.arrive $0xFFFF  }
0x5b2: {  	_ =	shalt  }

</sc_bundles>
